<compile_context>
chip_gen: v7x
topology: tpu7x:2x2x1
jax: 0.10.2.dev20260603
libtpu: 0.0.44.dev20260713+nightly
codegen_flags: <defaults>
</compile_context>

<pallas_src>
import functools

import jax
import jax.numpy as jnp
from jax import lax
from jax.experimental import pallas as pl
from jax.experimental.pallas import tpu as pltpu
from jax.experimental.pallas import tpu_sc as plsc

B = 16
AB = 20000
PAD = 20096
V = 12000
NW = 32
NPW = 384
VP = NW * NPW
NTAIL = V - (NW - 1) * NPW
CH = 128
IDX_ROWS = NPW // CH
ROWS = B * NPW
NCHUNK = NPW // 16
WIN = 1024
ABW = PAD - WIN


def _body(scores_hbm, deltas_hbm, anchors_hbm, idx_hbm, out_hbm,
          idxv, dwin, swin, awin, ob, sem):
    nc = 2
    w = lax.axis_index("s") * nc + lax.axis_index("c")
    vbase = w * NPW

    for k in range(IDX_ROWS):
        pltpu.sync_copy(idx_hbm.at[pl.ds(vbase + k * CH, CH)], idxv.at[k])

    lo = jnp.min(idxv[0, pl.ds(0, 16)])
    hi = jnp.max(idxv[IDX_ROWS - 1, pl.ds(CH - 16, 16)])
    lo128 = jnp.bitwise_and(lo, -128)
    npass = (hi - lo128) // WIN + 1

    iota = lax.iota(jnp.int32, 16)
    zz = jnp.zeros((16,), jnp.int32)

    def do_pass(p, _):
        base = pl.multiple_of(jnp.minimum(lo128 + p * WIN, ABW), CH)
        wsl = pl.ds(base, WIN)
        pltpu.async_copy(scores_hbm.at[:, wsl], swin, sem)
        pltpu.async_copy(anchors_hbm.at[:, wsl], awin, sem)
        pltpu.async_copy(deltas_hbm.at[:, wsl], dwin, sem)
        zsl = pl.ds(0, WIN)
        pltpu.make_async_copy(scores_hbm.at[:, zsl], swin, sem).wait()
        pltpu.make_async_copy(anchors_hbm.at[:, zsl], awin, sem).wait()
        pltpu.make_async_copy(deltas_hbm.at[:, zsl], dwin, sem).wait()

        def compute(c, _c):
            r = c // 8
            co = (c % 8) * 16
            lc = idxv[r, pl.ds(co, 16)] - base
            m = (lc >= 0) & (lc < WIN)
            x = plsc.load_gather(awin, [zz, lc], mask=m)
            y = plsc.load_gather(awin, [zz + 1, lc], mask=m)
            ww = plsc.load_gather(awin, [zz + 2, lc], mask=m)
            hh = plsc.load_gather(awin, [zz + 3, lc], mask=m)
            for b in range(B):
                s = plsc.load_gather(swin, [zz + b, lc], mask=m)
                d0 = plsc.load_gather(dwin, [zz + 4 * b, lc], mask=m)
                d1 = plsc.load_gather(dwin, [zz + (4 * b + 1), lc], mask=m)
                d2 = plsc.load_gather(dwin, [zz + (4 * b + 2), lc], mask=m)
                d3 = plsc.load_gather(dwin, [zz + (4 * b + 3), lc], mask=m)
                rowi = (b * NPW + c * 16) + iota
                plsc.store_scatter(ob, [rowi], s, mask=m)
                plsc.store_scatter(ob, [rowi + ROWS], x + d0 * ww, mask=m)
                plsc.store_scatter(ob, [rowi + 2 * ROWS], y + d1 * hh, mask=m)
                plsc.store_scatter(ob, [rowi + 3 * ROWS],
                                   ww * jnp.exp(d2), mask=m)
                plsc.store_scatter(ob, [rowi + 4 * ROWS],
                                   hh * jnp.exp(d3), mask=m)
            return _c
        lax.fori_loop(0, NCHUNK, compute, None)
        return _
    lax.fori_loop(0, npass, do_pass, None)

    @pl.when(w < NW - 1)
    def _full():
        def wb(j, _):
            pltpu.async_copy(ob.at[pl.ds(j * NPW, NPW)],
                             out_hbm.at[pl.ds(j * V + vbase, NPW)], sem)
            return _
        lax.fori_loop(0, 5 * B, wb, None)
        pltpu.make_async_copy(out_hbm.at[pl.ds(0, 5 * ROWS)], ob, sem).wait()

    @pl.when(w == NW - 1)
    def _tail():
        def wb(j, _):
            pltpu.async_copy(ob.at[pl.ds(j * NPW, NTAIL)],
                             out_hbm.at[pl.ds(j * V + vbase, NTAIL)], sem)
            return _
        lax.fori_loop(0, 5 * B, wb, None)
        for j in range(5 * B):
            pltpu.make_async_copy(out_hbm.at[pl.ds(0, NTAIL)],
                                  ob.at[pl.ds(j * NPW, NTAIL)], sem).wait()


@jax.jit
def _run(scores2d, deltas2d, anchors2d, idx_pad):
    mesh = plsc.VectorSubcoreMesh(core_axis_name="c", subcore_axis_name="s")
    f = functools.partial(
        pl.kernel,
        out_type=jax.ShapeDtypeStruct((5 * B * V,), jnp.float32),
        mesh=mesh,
        compiler_params=pltpu.CompilerParams(needs_layout_passes=False),
        scratch_types=[
            pltpu.VMEM((IDX_ROWS, CH), jnp.int32),
            pltpu.VMEM((4 * B, WIN), jnp.float32),
            pltpu.VMEM((B, WIN), jnp.float32),
            pltpu.VMEM((4, WIN), jnp.float32),
            pltpu.VMEM((5 * ROWS,), jnp.float32),
            pltpu.SemaphoreType.DMA,
        ],
    )(_body)
    return f(scores2d, deltas2d, anchors2d, idx_pad)


def kernel(scores, deltas, anchor_boxes, valid_indices):
    vi = valid_indices.astype(jnp.int32)
    idx_pad = jnp.pad(vi, (0, VP - V), mode="edge")
    pad_n = PAD - AB
    out = _run(jnp.pad(scores, ((0, 0), (0, pad_n))),
               jnp.pad(deltas.transpose(0, 2, 1).reshape(4 * B, AB),
                       ((0, 0), (0, pad_n))),
               jnp.pad(anchor_boxes.T, ((0, 0), (0, pad_n))),
               idx_pad)
    return out.reshape(5, B, V).transpose(1, 2, 0)

# --- scband reference (transcript-rebuilt; emitter-appended) ---
"""Pipeline reference for scband-apply-deltas-16484084482951 (READ-ONLY COPY).

The authoritative reference and input builder live on the scoring server;
editing this copy changes nothing except your own understanding.
"""

import jax, jax.numpy as jnp
import numpy as np

AB_NUMBER = 20000
VALID_COUNT = 12000
BATCH = 16

def setup_inputs(seed: int = 0) -> dict:
    key = jax.random.key(seed)
    k1, k2, k3, k4, k5 = jax.random.split(key, 5)
    scores = jax.random.normal(k1, (BATCH, AB_NUMBER), dtype=jnp.float32)
    deltas = jax.random.normal(k2, (BATCH, AB_NUMBER, 4), dtype=jnp.float32) * 0.1
    xy = jax.random.uniform(k3, (AB_NUMBER, 2), dtype=jnp.float32) * 1024.0
    wh = jax.random.uniform(k4, (AB_NUMBER, 2), dtype=jnp.float32, minval=8.0, maxval=256.0)
    anchor_boxes = jnp.concatenate([xy, wh], axis=1)
    valid_indices = jnp.sort(jax.random.randint(k5, (VALID_COUNT,), 0, AB_NUMBER, dtype=jnp.int32)).astype(jnp.int64)
    return {"scores": scores, "deltas": deltas, "anchor_boxes": anchor_boxes, "valid_indices": valid_indices}

def reference(scores, deltas, anchor_boxes, valid_indices):
    # scores: (B, ab_number); deltas: (B, ab_number, 4)
    # gather valid anchors and the corresponding scores/deltas
    vab = jnp.take(anchor_boxes, valid_indices, axis=0)        # (V, 4)
    s = jnp.take(scores, valid_indices, axis=1)                # (B, V)
    d = jnp.take(deltas, valid_indices, axis=1)                # (B, V, 4)
    x, y, w, h = vab[:, 0], vab[:, 1], vab[:, 2], vab[:, 3]    # (V,) each, broadcast over batch
    dx, dy, dw, dh = d[..., 0], d[..., 1], d[..., 2], d[..., 3]
    regions = jnp.stack([
        x + dx * w,
        y + dy * h,
        w * jnp.exp(dw),
        h * jnp.exp(dh),
    ], axis=2)                                                 # (B, V, 4)
    return jnp.concatenate([s[:, :, None], regions], axis=2)  # (B, V, 5)

if __name__ == "__main__":
    import jax
    _d = setup_inputs()
    print(jax.jit(kernel)(*tuple(_d.values())))

</pallas_src>

<mosaic_0001>
#map = affine_map<(d0, d1) -> (0, 0)>
#map1 = affine_map<(d0, d1) -> (0)>
module attributes {stable_mosaic.version = 14 : i64} {
  func.func @_body(%arg0: i32, %arg1: i32, %arg2: memref<16x20096xf32, #tpu.memory_space<hbm>>, %arg3: memref<64x20096xf32, #tpu.memory_space<hbm>>, %arg4: memref<4x20096xf32, #tpu.memory_space<hbm>>, %arg5: memref<12288xi32, #tpu.memory_space<hbm>>, %arg6: memref<960000xf32, #tpu.memory_space<hbm>>, %arg7: memref<3x128xi32, #tpu.memory_space<vmem>>, %arg8: memref<64x1024xf32, #tpu.memory_space<vmem>>, %arg9: memref<16x1024xf32, #tpu.memory_space<vmem>>, %arg10: memref<4x1024xf32, #tpu.memory_space<vmem>>, %arg11: memref<30720xf32, #tpu.memory_space<vmem>>, %arg12: memref<!tpu.dma_semaphore, #tpu.memory_space<semaphore_mem>>) attributes {dimension_semantics = [#tpu.dimension_semantics<core_parallel>, #tpu.dimension_semantics<subcore_parallel>], iteration_bounds = array<i64: 2, 16>, scalar_prefetch = 0 : i64, scratch_operands = 6 : i64, tpu.core_type = #tpu.core_type<sc_vector_subcore>, window_params = [{transform_indices = #map}, {transform_indices = #map}, {transform_indices = #map}, {transform_indices = #map1}, {transform_indices = #map1}]} {
    %mul3A = arith.constant 2 : i32
    %mul3A_0 = arith.muli %arg1, %mul3A : i32
    %add3A = arith.addi %mul3A_0, %arg0 : i32
    %mul3A_1 = arith.constant 384 : i32
    %mul3A_2 = arith.muli %add3A, %mul3A_1 : i32
    %add3A_3 = arith.constant 0 : i32
    %add3A_4 = arith.addi %mul3A_2, %add3A_3 : i32
    %run_scoped3A = arith.constant 0 : i32
    "tpu.region"() ({
      %run_scoped3A_68 = tpu.sem_alloc : memref<!tpu.dma_semaphore, #tpu.memory_space<semaphore_mem>>
      %dma_start3A = arith.constant 0 : i32
      %dma_start3A_69 = tpu.memref_slice %arg7[%run_scoped3A, %dma_start3A] : memref<3x128xi32, #tpu.memory_space<vmem>> -> memref<1x128xi32, #tpu.memory_space<vmem>>
      %dma_start3A_70 = tpu.memref_squeeze %dma_start3A_69 : memref<1x128xi32, #tpu.memory_space<vmem>> -> memref<128xi32, #tpu.memory_space<vmem>>
      %dma_start3A_71 = tpu.memref_slice %arg5[%add3A_4] : memref<12288xi32, #tpu.memory_space<hbm>> -> memref<128xi32, #tpu.memory_space<hbm>>
      %dma_start3A_72 = arith.constant 0 : i32
      %dma_start3A_73 = tpu.memref_slice %arg7[%run_scoped3A, %dma_start3A_72] : memref<3x128xi32, #tpu.memory_space<vmem>> -> memref<1x128xi32, #tpu.memory_space<vmem>>
      %dma_start3A_74 = tpu.memref_squeeze %dma_start3A_73 : memref<1x128xi32, #tpu.memory_space<vmem>> -> memref<128xi32, #tpu.memory_space<vmem>>
      %dma_start3A_75 = tpu.memref_slice %arg5[%add3A_4] : memref<12288xi32, #tpu.memory_space<hbm>> -> memref<128xi32, #tpu.memory_space<hbm>>
      tpu.enqueue_dma source(%dma_start3A_75 : memref<128xi32, #tpu.memory_space<hbm>>) target(%dma_start3A_74 : memref<128xi32, #tpu.memory_space<vmem>>) target_semaphore(%run_scoped3A_68 : memref<!tpu.dma_semaphore, #tpu.memory_space<semaphore_mem>>)
      %dma_wait3A = arith.constant 0 : i32
      %dma_wait3A_76 = tpu.memref_slice %arg7[%run_scoped3A, %dma_wait3A] : memref<3x128xi32, #tpu.memory_space<vmem>> -> memref<1x128xi32, #tpu.memory_space<vmem>>
      %dma_wait3A_77 = tpu.memref_squeeze %dma_wait3A_76 : memref<1x128xi32, #tpu.memory_space<vmem>> -> memref<128xi32, #tpu.memory_space<vmem>>
      %dma_wait3A_78 = tpu.memref_slice %arg5[%add3A_4] : memref<12288xi32, #tpu.memory_space<hbm>> -> memref<128xi32, #tpu.memory_space<hbm>>
      %dma_wait3A_79 = arith.constant 0 : i32
      %dma_wait3A_80 = tpu.memref_slice %arg7[%run_scoped3A, %dma_wait3A_79] : memref<3x128xi32, #tpu.memory_space<vmem>> -> memref<1x128xi32, #tpu.memory_space<vmem>>
      %dma_wait3A_81 = tpu.memref_squeeze %dma_wait3A_80 : memref<1x128xi32, #tpu.memory_space<vmem>> -> memref<128xi32, #tpu.memory_space<vmem>>
      %dma_wait3A_82 = tpu.memref_slice %arg5[%add3A_4] : memref<12288xi32, #tpu.memory_space<hbm>> -> memref<128xi32, #tpu.memory_space<hbm>>
      tpu.wait_dma2 semaphore(%run_scoped3A_68 : memref<!tpu.dma_semaphore, #tpu.memory_space<semaphore_mem>>) src(%dma_wait3A_82 : memref<128xi32, #tpu.memory_space<hbm>>) dst(%dma_wait3A_81 : memref<128xi32, #tpu.memory_space<vmem>>)
      tpu.yield
    }) : () -> ()
    %add3A_5 = arith.constant 128 : i32
    %add3A_6 = arith.addi %mul3A_2, %add3A_5 : i32
    %run_scoped3A_7 = arith.constant 1 : i32
    "tpu.region"() ({
      %run_scoped3A_68 = tpu.sem_alloc : memref<!tpu.dma_semaphore, #tpu.memory_space<semaphore_mem>>
      %dma_start3A = arith.constant 0 : i32
      %dma_start3A_69 = tpu.memref_slice %arg7[%run_scoped3A_7, %dma_start3A] : memref<3x128xi32, #tpu.memory_space<vmem>> -> memref<1x128xi32, #tpu.memory_space<vmem>>
      %dma_start3A_70 = tpu.memref_squeeze %dma_start3A_69 : memref<1x128xi32, #tpu.memory_space<vmem>> -> memref<128xi32, #tpu.memory_space<vmem>>
      %dma_start3A_71 = tpu.memref_slice %arg5[%add3A_6] : memref<12288xi32, #tpu.memory_space<hbm>> -> memref<128xi32, #tpu.memory_space<hbm>>
      %dma_start3A_72 = arith.constant 0 : i32
      %dma_start3A_73 = tpu.memref_slice %arg7[%run_scoped3A_7, %dma_start3A_72] : memref<3x128xi32, #tpu.memory_space<vmem>> -> memref<1x128xi32, #tpu.memory_space<vmem>>
      %dma_start3A_74 = tpu.memref_squeeze %dma_start3A_73 : memref<1x128xi32, #tpu.memory_space<vmem>> -> memref<128xi32, #tpu.memory_space<vmem>>
      %dma_start3A_75 = tpu.memref_slice %arg5[%add3A_6] : memref<12288xi32, #tpu.memory_space<hbm>> -> memref<128xi32, #tpu.memory_space<hbm>>
      tpu.enqueue_dma source(%dma_start3A_75 : memref<128xi32, #tpu.memory_space<hbm>>) target(%dma_start3A_74 : memref<128xi32, #tpu.memory_space<vmem>>) target_semaphore(%run_scoped3A_68 : memref<!tpu.dma_semaphore, #tpu.memory_space<semaphore_mem>>)
      %dma_wait3A = arith.constant 0 : i32
      %dma_wait3A_76 = tpu.memref_slice %arg7[%run_scoped3A_7, %dma_wait3A] : memref<3x128xi32, #tpu.memory_space<vmem>> -> memref<1x128xi32, #tpu.memory_space<vmem>>
      %dma_wait3A_77 = tpu.memref_squeeze %dma_wait3A_76 : memref<1x128xi32, #tpu.memory_space<vmem>> -> memref<128xi32, #tpu.memory_space<vmem>>
      %dma_wait3A_78 = tpu.memref_slice %arg5[%add3A_6] : memref<12288xi32, #tpu.memory_space<hbm>> -> memref<128xi32, #tpu.memory_space<hbm>>
      %dma_wait3A_79 = arith.constant 0 : i32
      %dma_wait3A_80 = tpu.memref_slice %arg7[%run_scoped3A_7, %dma_wait3A_79] : memref<3x128xi32, #tpu.memory_space<vmem>> -> memref<1x128xi32, #tpu.memory_space<vmem>>
      %dma_wait3A_81 = tpu.memref_squeeze %dma_wait3A_80 : memref<1x128xi32, #tpu.memory_space<vmem>> -> memref<128xi32, #tpu.memory_space<vmem>>
      %dma_wait3A_82 = tpu.memref_slice %arg5[%add3A_6] : memref<12288xi32, #tpu.memory_space<hbm>> -> memref<128xi32, #tpu.memory_space<hbm>>
      tpu.wait_dma2 semaphore(%run_scoped3A_68 : memref<!tpu.dma_semaphore, #tpu.memory_space<semaphore_mem>>) src(%dma_wait3A_82 : memref<128xi32, #tpu.memory_space<hbm>>) dst(%dma_wait3A_81 : memref<128xi32, #tpu.memory_space<vmem>>)
      tpu.yield
    }) : () -> ()
    %add3A_8 = arith.constant 256 : i32
    %add3A_9 = arith.addi %mul3A_2, %add3A_8 : i32
    %run_scoped3A_10 = arith.constant 2 : i32
    "tpu.region"() ({
      %run_scoped3A_68 = tpu.sem_alloc : memref<!tpu.dma_semaphore, #tpu.memory_space<semaphore_mem>>
      %dma_start3A = arith.constant 0 : i32
      %dma_start3A_69 = tpu.memref_slice %arg7[%run_scoped3A_10, %dma_start3A] : memref<3x128xi32, #tpu.memory_space<vmem>> -> memref<1x128xi32, #tpu.memory_space<vmem>>
      %dma_start3A_70 = tpu.memref_squeeze %dma_start3A_69 : memref<1x128xi32, #tpu.memory_space<vmem>> -> memref<128xi32, #tpu.memory_space<vmem>>
      %dma_start3A_71 = tpu.memref_slice %arg5[%add3A_9] : memref<12288xi32, #tpu.memory_space<hbm>> -> memref<128xi32, #tpu.memory_space<hbm>>
      %dma_start3A_72 = arith.constant 0 : i32
      %dma_start3A_73 = tpu.memref_slice %arg7[%run_scoped3A_10, %dma_start3A_72] : memref<3x128xi32, #tpu.memory_space<vmem>> -> memref<1x128xi32, #tpu.memory_space<vmem>>
      %dma_start3A_74 = tpu.memref_squeeze %dma_start3A_73 : memref<1x128xi32, #tpu.memory_space<vmem>> -> memref<128xi32, #tpu.memory_space<vmem>>
      %dma_start3A_75 = tpu.memref_slice %arg5[%add3A_9] : memref<12288xi32, #tpu.memory_space<hbm>> -> memref<128xi32, #tpu.memory_space<hbm>>
      tpu.enqueue_dma source(%dma_start3A_75 : memref<128xi32, #tpu.memory_space<hbm>>) target(%dma_start3A_74 : memref<128xi32, #tpu.memory_space<vmem>>) target_semaphore(%run_scoped3A_68 : memref<!tpu.dma_semaphore, #tpu.memory_space<semaphore_mem>>)
      %dma_wait3A = arith.constant 0 : i32
      %dma_wait3A_76 = tpu.memref_slice %arg7[%run_scoped3A_10, %dma_wait3A] : memref<3x128xi32, #tpu.memory_space<vmem>> -> memref<1x128xi32, #tpu.memory_space<vmem>>
      %dma_wait3A_77 = tpu.memref_squeeze %dma_wait3A_76 : memref<1x128xi32, #tpu.memory_space<vmem>> -> memref<128xi32, #tpu.memory_space<vmem>>
      %dma_wait3A_78 = tpu.memref_slice %arg5[%add3A_9] : memref<12288xi32, #tpu.memory_space<hbm>> -> memref<128xi32, #tpu.memory_space<hbm>>
      %dma_wait3A_79 = arith.constant 0 : i32
      %dma_wait3A_80 = tpu.memref_slice %arg7[%run_scoped3A_10, %dma_wait3A_79] : memref<3x128xi32, #tpu.memory_space<vmem>> -> memref<1x128xi32, #tpu.memory_space<vmem>>
      %dma_wait3A_81 = tpu.memref_squeeze %dma_wait3A_80 : memref<1x128xi32, #tpu.memory_space<vmem>> -> memref<128xi32, #tpu.memory_space<vmem>>
      %dma_wait3A_82 = tpu.memref_slice %arg5[%add3A_9] : memref<12288xi32, #tpu.memory_space<hbm>> -> memref<128xi32, #tpu.memory_space<hbm>>
      tpu.wait_dma2 semaphore(%run_scoped3A_68 : memref<!tpu.dma_semaphore, #tpu.memory_space<semaphore_mem>>) src(%dma_wait3A_82 : memref<128xi32, #tpu.memory_space<hbm>>) dst(%dma_wait3A_81 : memref<128xi32, #tpu.memory_space<vmem>>)
      tpu.yield
    }) : () -> ()
    %get3A = arith.constant 0 : i32
    %get3A_11 = arith.index_cast %get3A : i32 to index
    %get3A_12 = arith.constant 0 : index
    %get3A_13 = tpu.vector_load %arg7[%get3A_11, %get3A_12] {strides = array<i32>} : memref<3x128xi32, #tpu.memory_space<vmem>>, vector<16xi32>,
    %reduce_min3A = arith.constant true
    %reduce_min3A_14 = vector.broadcast %reduce_min3A : i1 to vector<16xi1>
    %reduce_min3A_15 = arith.constant -2147483648 : i32
    %reduce_min3A_16 = vector.broadcast %reduce_min3A_15 : i32 to vector<16xi32>
    %reduce_min3A_17 = arith.xori %get3A_13, %reduce_min3A_16 : vector<16xi32>
    %reduce_min3A_18 = tpu.scan <min>, %reduce_min3A_17 masked %reduce_min3A_14 : vector<16xi32>, vector<16xi1> -> vector<16xi32>
    %reduce_min3A_19 = arith.xori %reduce_min3A_18, %reduce_min3A_16 : vector<16xi32>
    %reduce_min3A_20 = vector.extract %reduce_min3A_19[15] : i32 from vector<16xi32>
    %get3A_21 = arith.constant 2 : i32
    %get3A_22 = arith.index_cast %get3A_21 : i32 to index
    %get3A_23 = arith.constant 112 : index
    %get3A_24 = tpu.vector_load %arg7[%get3A_22, %get3A_23] {strides = array<i32>} : memref<3x128xi32, #tpu.memory_space<vmem>>, vector<16xi32>,
    %reduce_max3A = arith.constant true
    %reduce_max3A_25 = vector.broadcast %reduce_max3A : i1 to vector<16xi1>
    %reduce_max3A_26 = arith.constant -2147483648 : i32
    %reduce_max3A_27 = vector.broadcast %reduce_max3A_26 : i32 to vector<16xi32>
    %reduce_max3A_28 = arith.xori %get3A_24, %reduce_max3A_27 : vector<16xi32>
    %reduce_max3A_29 = tpu.scan <max>, %reduce_max3A_28 masked %reduce_max3A_25 : vector<16xi32>, vector<16xi1> -> vector<16xi32>
    %reduce_max3A_30 = arith.xori %reduce_max3A_29, %reduce_max3A_27 : vector<16xi32>
    %reduce_max3A_31 = vector.extract %reduce_max3A_30[15] : i32 from vector<16xi32>
    %and3A = arith.constant -128 : i32
    %and3A_32 = arith.andi %reduce_min3A_20, %and3A : i32
    %sub3A = arith.subi %reduce_max3A_31, %and3A_32 : i32
    %jit3A = arith.constant 1024 : i32
    %div3A = arith.divsi %sub3A, %jit3A : i32
    %sign3A = arith.constant 0 : i32
    %sign3A_33 = arith.cmpi sgt, %sub3A, %sign3A : i32
    %sign3A_34 = arith.extui %sign3A_33 : i1 to i32
    %sign3A_35 = arith.constant 0 : i32
    %sign3A_36 = arith.cmpi slt, %sub3A, %sign3A_35 : i32
    %sign3A_37 = arith.extui %sign3A_36 : i1 to i32
    %sign3A_38 = arith.subi %sign3A_34, %sign3A_37 : i32
    %sign3A_39 = arith.constant 0 : i32
    %sign3A_40 = arith.cmpi sgt, %jit3A, %sign3A_39 : i32
    %sign3A_41 = arith.extui %sign3A_40 : i1 to i32
    %sign3A_42 = arith.constant 0 : i32
    %sign3A_43 = arith.cmpi slt, %jit3A, %sign3A_42 : i32
    %sign3A_44 = arith.extui %sign3A_43 : i1 to i32
    %sign3A_45 = arith.subi %sign3A_41, %sign3A_44 : i32
    %ne3A = arith.cmpi ne, %sign3A_38, %sign3A_45 : i32
    %rem3A = arith.remsi %sub3A, %jit3A : i32
    %ne3A_46 = arith.constant 0 : i32
    %ne3A_47 = arith.cmpi ne, %rem3A, %ne3A_46 : i32
    %and3A_48 = arith.andi %ne3A, %ne3A_47 : i1
    %sub3A_49 = arith.constant 1 : i32
    %sub3A_50 = arith.subi %div3A, %sub3A_49 : i32
    %select_n3A = arith.select %and3A_48, %sub3A_50, %div3A : i32
    %add3A_51 = arith.constant 1 : i32
    %add3A_52 = arith.addi %select_n3A, %add3A_51 : i32
    %iota3A = tpu.iota {dimensions = array<i32: 0>} : vector<16xi32>
    %broadcast_in_dim3A = arith.constant 0 : i32
    %broadcast_in_dim3A_53 = vector.broadcast %broadcast_in_dim3A : i32 to vector<16xi32>
    %while3A = arith.constant 0 : i32
    %while3A_54 = arith.subi %add3A_52, %while3A : i32
    %while3A_55 = arith.addi %while3A, %while3A_54 : i32
    %while3A_56 = arith.constant 1 : i32
    %while3A_57 = arith.divsi %while3A_54, %while3A_56 : i32
    %while3A_58 = arith.muli %while3A_57, %while3A_56 : i32
    %while3A_59 = arith.addi %while3A, %while3A_58 : i32
    %while3A_60 = arith.constant 1 : i32
    scf.for %while3A_68 = %while3A to %while3A_59 step %while3A_60  : i32 {
      %mul3A_69 = arith.constant 1024 : i32
      %mul3A_70 = arith.muli %while3A_68, %mul3A_69 : i32
      %add3A_71 = arith.addi %and3A_32, %mul3A_70 : i32
      %min3A = arith.constant 19072 : i32
      %min3A_72 = arith.minsi %add3A_71, %min3A : i32
      %multiple_of3A = tpu.assume_multiple %min3A_72, 128 : i32
      %dma_start3A = arith.constant 0 : i32
      %dma_start3A_73 = tpu.memref_slice %arg2[%dma_start3A, %multiple_of3A] : memref<16x20096xf32, #tpu.memory_space<hbm>> -> memref<16x1024xf32, #tpu.memory_space<hbm>>
      %dma_start3A_74 = arith.constant 0 : i32
      %dma_start3A_75 = tpu.memref_slice %arg2[%dma_start3A_74, %multiple_of3A] : memref<16x20096xf32, #tpu.memory_space<hbm>> -> memref<16x1024xf32, #tpu.memory_space<hbm>>
      tpu.enqueue_dma source(%dma_start3A_75 : memref<16x1024xf32, #tpu.memory_space<hbm>>) target(%arg9 : memref<16x1024xf32, #tpu.memory_space<vmem>>) target_semaphore(%arg12 : memref<!tpu.dma_semaphore, #tpu.memory_space<semaphore_mem>>)
      %dma_start3A_76 = arith.constant 0 : i32
      %dma_start3A_77 = tpu.memref_slice %arg4[%dma_start3A_76, %multiple_of3A] : memref<4x20096xf32, #tpu.memory_space<hbm>> -> memref<4x1024xf32, #tpu.memory_space<hbm>>
      %dma_start3A_78 = arith.constant 0 : i32
      %dma_start3A_79 = tpu.memref_slice %arg4[%dma_start3A_78, %multiple_of3A] : memref<4x20096xf32, #tpu.memory_space<hbm>> -> memref<4x1024xf32, #tpu.memory_space<hbm>>
      tpu.enqueue_dma source(%dma_start3A_79 : memref<4x1024xf32, #tpu.memory_space<hbm>>) target(%arg10 : memref<4x1024xf32, #tpu.memory_space<vmem>>) target_semaphore(%arg12 : memref<!tpu.dma_semaphore, #tpu.memory_space<semaphore_mem>>)
      %dma_start3A_80 = arith.constant 0 : i32
      %dma_start3A_81 = tpu.memref_slice %arg3[%dma_start3A_80, %multiple_of3A] : memref<64x20096xf32, #tpu.memory_space<hbm>> -> memref<64x1024xf32, #tpu.memory_space<hbm>>
      %dma_start3A_82 = arith.constant 0 : i32
      %dma_start3A_83 = tpu.memref_slice %arg3[%dma_start3A_82, %multiple_of3A] : memref<64x20096xf32, #tpu.memory_space<hbm>> -> memref<64x1024xf32, #tpu.memory_space<hbm>>
      tpu.enqueue_dma source(%dma_start3A_83 : memref<64x1024xf32, #tpu.memory_space<hbm>>) target(%arg8 : memref<64x1024xf32, #tpu.memory_space<vmem>>) target_semaphore(%arg12 : memref<!tpu.dma_semaphore, #tpu.memory_space<semaphore_mem>>)
      %dma_wait3A = arith.constant 0 : i32
      %dma_wait3A_84 = arith.constant 0 : i32
      %dma_wait3A_85 = tpu.memref_slice %arg2[%dma_wait3A, %dma_wait3A_84] : memref<16x20096xf32, #tpu.memory_space<hbm>> -> memref<16x1024xf32, #tpu.memory_space<hbm>>
      %dma_wait3A_86 = arith.constant 0 : i32
      %dma_wait3A_87 = arith.constant 0 : i32
      %dma_wait3A_88 = tpu.memref_slice %arg2[%dma_wait3A_86, %dma_wait3A_87] : memref<16x20096xf32, #tpu.memory_space<hbm>> -> memref<16x1024xf32, #tpu.memory_space<hbm>>
      tpu.wait_dma2 semaphore(%arg12 : memref<!tpu.dma_semaphore, #tpu.memory_space<semaphore_mem>>) src(%dma_wait3A_88 : memref<16x1024xf32, #tpu.memory_space<hbm>>) dst(%arg9 : memref<16x1024xf32, #tpu.memory_space<vmem>>)
      %dma_wait3A_89 = arith.constant 0 : i32
      %dma_wait3A_90 = arith.constant 0 : i32
      %dma_wait3A_91 = tpu.memref_slice %arg4[%dma_wait3A_89, %dma_wait3A_90] : memref<4x20096xf32, #tpu.memory_space<hbm>> -> memref<4x1024xf32, #tpu.memory_space<hbm>>
      %dma_wait3A_92 = arith.constant 0 : i32
      %dma_wait3A_93 = arith.constant 0 : i32
      %dma_wait3A_94 = tpu.memref_slice %arg4[%dma_wait3A_92, %dma_wait3A_93] : memref<4x20096xf32, #tpu.memory_space<hbm>> -> memref<4x1024xf32, #tpu.memory_space<hbm>>
      tpu.wait_dma2 semaphore(%arg12 : memref<!tpu.dma_semaphore, #tpu.memory_space<semaphore_mem>>) src(%dma_wait3A_94 : memref<4x1024xf32, #tpu.memory_space<hbm>>) dst(%arg10 : memref<4x1024xf32, #tpu.memory_space<vmem>>)
      %dma_wait3A_95 = arith.constant 0 : i32
      %dma_wait3A_96 = arith.constant 0 : i32
      %dma_wait3A_97 = tpu.memref_slice %arg3[%dma_wait3A_95, %dma_wait3A_96] : memref<64x20096xf32, #tpu.memory_space<hbm>> -> memref<64x1024xf32, #tpu.memory_space<hbm>>
      %dma_wait3A_98 = arith.constant 0 : i32
      %dma_wait3A_99 = arith.constant 0 : i32
      %dma_wait3A_100 = tpu.memref_slice %arg3[%dma_wait3A_98, %dma_wait3A_99] : memref<64x20096xf32, #tpu.memory_space<hbm>> -> memref<64x1024xf32, #tpu.memory_space<hbm>>
      tpu.wait_dma2 semaphore(%arg12 : memref<!tpu.dma_semaphore, #tpu.memory_space<semaphore_mem>>) src(%dma_wait3A_100 : memref<64x1024xf32, #tpu.memory_space<hbm>>) dst(%arg8 : memref<64x1024xf32, #tpu.memory_space<vmem>>)
      %scan3A = arith.constant 0 : i32
      %scan3A_101 = arith.constant 24 : i32
      %scan3A_102 = arith.addi %scan3A, %scan3A_101 : i32
      %scan3A_103 = arith.constant 1 : i32
      scf.for %scan3A_105 = %scan3A to %scan3A_102 step %scan3A_103  : i32 {
        %jit3A_106 = arith.constant 8 : i32
        %div3A_107 = arith.divsi %scan3A_105, %jit3A_106 : i32
        %sign3A_108 = arith.constant 0 : i32
        %sign3A_109 = arith.cmpi sgt, %scan3A_105, %sign3A_108 : i32
        %sign3A_110 = arith.extui %sign3A_109 : i1 to i32
        %sign3A_111 = arith.constant 0 : i32
        %sign3A_112 = arith.cmpi slt, %scan3A_105, %sign3A_111 : i32
        %sign3A_113 = arith.extui %sign3A_112 : i1 to i32
        %sign3A_114 = arith.subi %sign3A_110, %sign3A_113 : i32
        %sign3A_115 = arith.constant 0 : i32
        %sign3A_116 = arith.cmpi sgt, %jit3A_106, %sign3A_115 : i32
        %sign3A_117 = arith.extui %sign3A_116 : i1 to i32
        %sign3A_118 = arith.constant 0 : i32
        %sign3A_119 = arith.cmpi slt, %jit3A_106, %sign3A_118 : i32
        %sign3A_120 = arith.extui %sign3A_119 : i1 to i32
        %sign3A_121 = arith.subi %sign3A_117, %sign3A_120 : i32
        %ne3A_122 = arith.cmpi ne, %sign3A_114, %sign3A_121 : i32
        %rem3A_123 = arith.remsi %scan3A_105, %jit3A_106 : i32
        %ne3A_124 = arith.constant 0 : i32
        %ne3A_125 = arith.cmpi ne, %rem3A_123, %ne3A_124 : i32
        %and3A_126 = arith.andi %ne3A_122, %ne3A_125 : i1
        %sub3A_127 = arith.constant 1 : i32
        %sub3A_128 = arith.subi %div3A_107, %sub3A_127 : i32
        %select_n3A_129 = arith.select %and3A_126, %sub3A_128, %div3A_107 : i32
        %jit3A_130 = arith.constant 8 : i32
        %eq3A_131 = arith.constant 0 : i32
        %eq3A_132 = arith.cmpi eq, %jit3A_130, %eq3A_131 : i32
        %jit3A_133 = arith.constant 1 : i32
        %select_n3A_134 = arith.select %eq3A_132, %jit3A_133, %jit3A_130 : i32
        %rem3A_135 = arith.remsi %scan3A_105, %select_n3A_134 : i32
        %ne3A_136 = arith.constant 0 : i32
        %ne3A_137 = arith.cmpi ne, %rem3A_135, %ne3A_136 : i32
        %lt3A_138 = arith.constant 0 : i32
        %lt3A_139 = arith.cmpi slt, %rem3A_135, %lt3A_138 : i32
        %lt3A_140 = arith.constant 0 : i32
        %lt3A_141 = arith.cmpi slt, %select_n3A_134, %lt3A_140 : i32
        %ne3A_142 = arith.xori %lt3A_139, %lt3A_141 : i1
        %and3A_143 = arith.andi %ne3A_142, %ne3A_137 : i1
        %add3A_144 = arith.addi %rem3A_135, %select_n3A_134 : i32
        %select_n3A_145 = arith.select %and3A_143, %add3A_144, %rem3A_135 : i32
        %mul3A_146 = arith.constant 16 : i32
        %mul3A_147 = arith.muli %select_n3A_145, %mul3A_146 : i32
        %get3A_148 = arith.index_cast %select_n3A_129 : i32 to index
        %get3A_149 = arith.index_cast %mul3A_147 : i32 to index
        %get3A_150 = tpu.vector_load %arg7[%get3A_148, %get3A_149] {strides = array<i32>} : memref<3x128xi32, #tpu.memory_space<vmem>>, vector<16xi32>,
        %sub3A_151 = vector.broadcast %multiple_of3A : i32 to vector<16xi32>
        %sub3A_152 = arith.subi %get3A_150, %sub3A_151 : vector<16xi32>
        %ge3A = arith.constant 0 : i32
        %ge3A_153 = vector.broadcast %ge3A : i32 to vector<16xi32>
        %ge3A_154 = arith.cmpi sge, %sub3A_152, %ge3A_153 : vector<16xi32>
        %lt3A_155 = arith.constant 1024 : i32
        %lt3A_156 = vector.broadcast %lt3A_155 : i32 to vector<16xi32>
        %lt3A_157 = arith.cmpi slt, %sub3A_152, %lt3A_156 : vector<16xi32>
        %and3A_158 = arith.andi %ge3A_154, %lt3A_157 : vector<16xi1>
        %gather3A = tpu.vector_load_idx %arg10[%broadcast_in_dim3A_53, %sub3A_152] masked %and3A_158 : memref<4x1024xf32, #tpu.memory_space<vmem>>[vector<16xi32>, vector<16xi32>], vector<16xf32>, vector<16xi1>
        %add3A_159 = arith.constant 1 : i32
        %add3A_160 = vector.broadcast %add3A_159 : i32 to vector<16xi32>
        %add3A_161 = arith.addi %broadcast_in_dim3A_53, %add3A_160 : vector<16xi32>
        %gather3A_162 = tpu.vector_load_idx %arg10[%add3A_161, %sub3A_152] masked %and3A_158 : memref<4x1024xf32, #tpu.memory_space<vmem>>[vector<16xi32>, vector<16xi32>], vector<16xf32>, vector<16xi1>
        %add3A_163 = arith.constant 2 : i32
        %add3A_164 = vector.broadcast %add3A_163 : i32 to vector<16xi32>
        %add3A_165 = arith.addi %broadcast_in_dim3A_53, %add3A_164 : vector<16xi32>
        %gather3A_166 = tpu.vector_load_idx %arg10[%add3A_165, %sub3A_152] masked %and3A_158 : memref<4x1024xf32, #tpu.memory_space<vmem>>[vector<16xi32>, vector<16xi32>], vector<16xf32>, vector<16xi1>
        %add3A_167 = arith.constant 3 : i32
        %add3A_168 = vector.broadcast %add3A_167 : i32 to vector<16xi32>
        %add3A_169 = arith.addi %broadcast_in_dim3A_53, %add3A_168 : vector<16xi32>
        %gather3A_170 = tpu.vector_load_idx %arg10[%add3A_169, %sub3A_152] masked %and3A_158 : memref<4x1024xf32, #tpu.memory_space<vmem>>[vector<16xi32>, vector<16xi32>], vector<16xf32>, vector<16xi1>
        %add3A_171 = arith.constant 0 : i32
        %add3A_172 = vector.broadcast %add3A_171 : i32 to vector<16xi32>
        %add3A_173 = arith.addi %broadcast_in_dim3A_53, %add3A_172 : vector<16xi32>
        %gather3A_174 = tpu.vector_load_idx %arg9[%add3A_173, %sub3A_152] masked %and3A_158 : memref<16x1024xf32, #tpu.memory_space<vmem>>[vector<16xi32>, vector<16xi32>], vector<16xf32>, vector<16xi1>
        %add3A_175 = arith.constant 0 : i32
        %add3A_176 = vector.broadcast %add3A_175 : i32 to vector<16xi32>
        %add3A_177 = arith.addi %broadcast_in_dim3A_53, %add3A_176 : vector<16xi32>
        %gather3A_178 = tpu.vector_load_idx %arg8[%add3A_177, %sub3A_152] masked %and3A_158 : memref<64x1024xf32, #tpu.memory_space<vmem>>[vector<16xi32>, vector<16xi32>], vector<16xf32>, vector<16xi1>
        %add3A_179 = arith.constant 1 : i32
        %add3A_180 = vector.broadcast %add3A_179 : i32 to vector<16xi32>
        %add3A_181 = arith.addi %broadcast_in_dim3A_53, %add3A_180 : vector<16xi32>
        %gather3A_182 = tpu.vector_load_idx %arg8[%add3A_181, %sub3A_152] masked %and3A_158 : memref<64x1024xf32, #tpu.memory_space<vmem>>[vector<16xi32>, vector<16xi32>], vector<16xf32>, vector<16xi1>
        %add3A_183 = arith.constant 2 : i32
        %add3A_184 = vector.broadcast %add3A_183 : i32 to vector<16xi32>
        %add3A_185 = arith.addi %broadcast_in_dim3A_53, %add3A_184 : vector<16xi32>
        %gather3A_186 = tpu.vector_load_idx %arg8[%add3A_185, %sub3A_152] masked %and3A_158 : memref<64x1024xf32, #tpu.memory_space<vmem>>[vector<16xi32>, vector<16xi32>], vector<16xf32>, vector<16xi1>
        %add3A_187 = arith.constant 3 : i32
        %add3A_188 = vector.broadcast %add3A_187 : i32 to vector<16xi32>
        %add3A_189 = arith.addi %broadcast_in_dim3A_53, %add3A_188 : vector<16xi32>
        %gather3A_190 = tpu.vector_load_idx %arg8[%add3A_189, %sub3A_152] masked %and3A_158 : memref<64x1024xf32, #tpu.memory_space<vmem>>[vector<16xi32>, vector<16xi32>], vector<16xf32>, vector<16xi1>
        %mul3A_191 = arith.constant 16 : i32
        %mul3A_192 = arith.muli %scan3A_105, %mul3A_191 : i32
        %add3A_193 = arith.constant 0 : i32
        %add3A_194 = arith.addi %add3A_193, %mul3A_192 : i32
        %add3A_195 = vector.broadcast %add3A_194 : i32 to vector<16xi32>
        %add3A_196 = arith.addi %add3A_195, %iota3A : vector<16xi32>
        tpu.vector_store_idx %arg11[%add3A_196], %gather3A_174 masked %and3A_158 : memref<30720xf32, #tpu.memory_space<vmem>>[vector<16xi32>], vector<16xf32>, vector<16xi1>
        %add3A_197 = arith.constant 6144 : i32
        %add3A_198 = vector.broadcast %add3A_197 : i32 to vector<16xi32>
        %add3A_199 = arith.addi %add3A_196, %add3A_198 : vector<16xi32>
        %mul3A_200 = arith.mulf %gather3A_178, %gather3A_166 : vector<16xf32>
        %add3A_201 = arith.addf %gather3A, %mul3A_200 : vector<16xf32>
        tpu.vector_store_idx %arg11[%add3A_199], %add3A_201 masked %and3A_158 : memref<30720xf32, #tpu.memory_space<vmem>>[vector<16xi32>], vector<16xf32>, vector<16xi1>
        %add3A_202 = arith.constant 12288 : i32
        %add3A_203 = vector.broadcast %add3A_202 : i32 to vector<16xi32>
        %add3A_204 = arith.addi %add3A_196, %add3A_203 : vector<16xi32>
        %mul3A_205 = arith.mulf %gather3A_182, %gather3A_170 : vector<16xf32>
        %add3A_206 = arith.addf %gather3A_162, %mul3A_205 : vector<16xf32>
        tpu.vector_store_idx %arg11[%add3A_204], %add3A_206 masked %and3A_158 : memref<30720xf32, #tpu.memory_space<vmem>>[vector<16xi32>], vector<16xf32>, vector<16xi1>
        %add3A_207 = arith.constant 18432 : i32
        %add3A_208 = vector.broadcast %add3A_207 : i32 to vector<16xi32>
        %add3A_209 = arith.addi %add3A_196, %add3A_208 : vector<16xi32>
        %exp3A = math.exp %gather3A_186 : vector<16xf32>
        %mul3A_210 = arith.mulf %gather3A_166, %exp3A : vector<16xf32>
        tpu.vector_store_idx %arg11[%add3A_209], %mul3A_210 masked %and3A_158 : memref<30720xf32, #tpu.memory_space<vmem>>[vector<16xi32>], vector<16xf32>, vector<16xi1>
        %add3A_211 = arith.constant 24576 : i32
        %add3A_212 = vector.broadcast %add3A_211 : i32 to vector<16xi32>
        %add3A_213 = arith.addi %add3A_196, %add3A_212 : vector<16xi32>
        %exp3A_214 = math.exp %gather3A_190 : vector<16xf32>
        %mul3A_215 = arith.mulf %gather3A_170, %exp3A_214 : vector<16xf32>
        tpu.vector_store_idx %arg11[%add3A_213], %mul3A_215 masked %and3A_158 : memref<30720xf32, #tpu.memory_space<vmem>>[vector<16xi32>], vector<16xf32>, vector<16xi1>
        %add3A_216 = arith.constant 1 : i32
        %add3A_217 = vector.broadcast %add3A_216 : i32 to vector<16xi32>
        %add3A_218 = arith.addi %broadcast_in_dim3A_53, %add3A_217 : vector<16xi32>
        %gather3A_219 = tpu.vector_load_idx %arg9[%add3A_218, %sub3A_152] masked %and3A_158 : memref<16x1024xf32, #tpu.memory_space<vmem>>[vector<16xi32>, vector<16xi32>], vector<16xf32>, vector<16xi1>
        %add3A_220 = arith.constant 4 : i32
        %add3A_221 = vector.broadcast %add3A_220 : i32 to vector<16xi32>
        %add3A_222 = arith.addi %broadcast_in_dim3A_53, %add3A_221 : vector<16xi32>
        %gather3A_223 = tpu.vector_load_idx %arg8[%add3A_222, %sub3A_152] masked %and3A_158 : memref<64x1024xf32, #tpu.memory_space<vmem>>[vector<16xi32>, vector<16xi32>], vector<16xf32>, vector<16xi1>
        %add3A_224 = arith.constant 5 : i32
        %add3A_225 = vector.broadcast %add3A_224 : i32 to vector<16xi32>
        %add3A_226 = arith.addi %broadcast_in_dim3A_53, %add3A_225 : vector<16xi32>
        %gather3A_227 = tpu.vector_load_idx %arg8[%add3A_226, %sub3A_152] masked %and3A_158 : memref<64x1024xf32, #tpu.memory_space<vmem>>[vector<16xi32>, vector<16xi32>], vector<16xf32>, vector<16xi1>
        %add3A_228 = arith.constant 6 : i32
        %add3A_229 = vector.broadcast %add3A_228 : i32 to vector<16xi32>
        %add3A_230 = arith.addi %broadcast_in_dim3A_53, %add3A_229 : vector<16xi32>
        %gather3A_231 = tpu.vector_load_idx %arg8[%add3A_230, %sub3A_152] masked %and3A_158 : memref<64x1024xf32, #tpu.memory_space<vmem>>[vector<16xi32>, vector<16xi32>], vector<16xf32>, vector<16xi1>
        %add3A_232 = arith.constant 7 : i32
        %add3A_233 = vector.broadcast %add3A_232 : i32 to vector<16xi32>
        %add3A_234 = arith.addi %broadcast_in_dim3A_53, %add3A_233 : vector<16xi32>
        %gather3A_235 = tpu.vector_load_idx %arg8[%add3A_234, %sub3A_152] masked %and3A_158 : memref<64x1024xf32, #tpu.memory_space<vmem>>[vector<16xi32>, vector<16xi32>], vector<16xf32>, vector<16xi1>
        %mul3A_236 = arith.constant 16 : i32
        %mul3A_237 = arith.muli %scan3A_105, %mul3A_236 : i32
        %add3A_238 = arith.constant 384 : i32
        %add3A_239 = arith.addi %add3A_238, %mul3A_237 : i32
        %add3A_240 = vector.broadcast %add3A_239 : i32 to vector<16xi32>
        %add3A_241 = arith.addi %add3A_240, %iota3A : vector<16xi32>
        tpu.vector_store_idx %arg11[%add3A_241], %gather3A_219 masked %and3A_158 : memref<30720xf32, #tpu.memory_space<vmem>>[vector<16xi32>], vector<16xf32>, vector<16xi1>
        %add3A_242 = arith.constant 6144 : i32
        %add3A_243 = vector.broadcast %add3A_242 : i32 to vector<16xi32>
        %add3A_244 = arith.addi %add3A_241, %add3A_243 : vector<16xi32>
        %mul3A_245 = arith.mulf %gather3A_223, %gather3A_166 : vector<16xf32>
        %add3A_246 = arith.addf %gather3A, %mul3A_245 : vector<16xf32>
        tpu.vector_store_idx %arg11[%add3A_244], %add3A_246 masked %and3A_158 : memref<30720xf32, #tpu.memory_space<vmem>>[vector<16xi32>], vector<16xf32>, vector<16xi1>
        %add3A_247 = arith.constant 12288 : i32
        %add3A_248 = vector.broadcast %add3A_247 : i32 to vector<16xi32>
        %add3A_249 = arith.addi %add3A_241, %add3A_248 : vector<16xi32>
        %mul3A_250 = arith.mulf %gather3A_227, %gather3A_170 : vector<16xf32>
        %add3A_251 = arith.addf %gather3A_162, %mul3A_250 : vector<16xf32>
        tpu.vector_store_idx %arg11[%add3A_249], %add3A_251 masked %and3A_158 : memref<30720xf32, #tpu.memory_space<vmem>>[vector<16xi32>], vector<16xf32>, vector<16xi1>
        %add3A_252 = arith.constant 18432 : i32
        %add3A_253 = vector.broadcast %add3A_252 : i32 to vector<16xi32>
        %add3A_254 = arith.addi %add3A_241, %add3A_253 : vector<16xi32>
        %exp3A_255 = math.exp %gather3A_231 : vector<16xf32>
        %mul3A_256 = arith.mulf %gather3A_166, %exp3A_255 : vector<16xf32>
        tpu.vector_store_idx %arg11[%add3A_254], %mul3A_256 masked %and3A_158 : memref<30720xf32, #tpu.memory_space<vmem>>[vector<16xi32>], vector<16xf32>, vector<16xi1>
        %add3A_257 = arith.constant 24576 : i32
        %add3A_258 = vector.broadcast %add3A_257 : i32 to vector<16xi32>
        %add3A_259 = arith.addi %add3A_241, %add3A_258 : vector<16xi32>
        %exp3A_260 = math.exp %gather3A_235 : vector<16xf32>
        %mul3A_261 = arith.mulf %gather3A_170, %exp3A_260 : vector<16xf32>
        tpu.vector_store_idx %arg11[%add3A_259], %mul3A_261 masked %and3A_158 : memref<30720xf32, #tpu.memory_space<vmem>>[vector<16xi32>], vector<16xf32>, vector<16xi1>
        %add3A_262 = arith.constant 2 : i32
        %add3A_263 = vector.broadcast %add3A_262 : i32 to vector<16xi32>
        %add3A_264 = arith.addi %broadcast_in_dim3A_53, %add3A_263 : vector<16xi32>
        %gather3A_265 = tpu.vector_load_idx %arg9[%add3A_264, %sub3A_152] masked %and3A_158 : memref<16x1024xf32, #tpu.memory_space<vmem>>[vector<16xi32>, vector<16xi32>], vector<16xf32>, vector<16xi1>
        %add3A_266 = arith.constant 8 : i32
        %add3A_267 = vector.broadcast %add3A_266 : i32 to vector<16xi32>
        %add3A_268 = arith.addi %broadcast_in_dim3A_53, %add3A_267 : vector<16xi32>
        %gather3A_269 = tpu.vector_load_idx %arg8[%add3A_268, %sub3A_152] masked %and3A_158 : memref<64x1024xf32, #tpu.memory_space<vmem>>[vector<16xi32>, vector<16xi32>], vector<16xf32>, vector<16xi1>
        %add3A_270 = arith.constant 9 : i32
        %add3A_271 = vector.broadcast %add3A_270 : i32 to vector<16xi32>
        %add3A_272 = arith.addi %broadcast_in_dim3A_53, %add3A_271 : vector<16xi32>
        %gather3A_273 = tpu.vector_load_idx %arg8[%add3A_272, %sub3A_152] masked %and3A_158 : memref<64x1024xf32, #tpu.memory_space<vmem>>[vector<16xi32>, vector<16xi32>], vector<16xf32>, vector<16xi1>
        %add3A_274 = arith.constant 10 : i32
        %add3A_275 = vector.broadcast %add3A_274 : i32 to vector<16xi32>
        %add3A_276 = arith.addi %broadcast_in_dim3A_53, %add3A_275 : vector<16xi32>
        %gather3A_277 = tpu.vector_load_idx %arg8[%add3A_276, %sub3A_152] masked %and3A_158 : memref<64x1024xf32, #tpu.memory_space<vmem>>[vector<16xi32>, vector<16xi32>], vector<16xf32>, vector<16xi1>
        %add3A_278 = arith.constant 11 : i32
        %add3A_279 = vector.broadcast %add3A_278 : i32 to vector<16xi32>
        %add3A_280 = arith.addi %broadcast_in_dim3A_53, %add3A_279 : vector<16xi32>
        %gather3A_281 = tpu.vector_load_idx %arg8[%add3A_280, %sub3A_152] masked %and3A_158 : memref<64x1024xf32, #tpu.memory_space<vmem>>[vector<16xi32>, vector<16xi32>], vector<16xf32>, vector<16xi1>
        %mul3A_282 = arith.constant 16 : i32
        %mul3A_283 = arith.muli %scan3A_105, %mul3A_282 : i32
        %add3A_284 = arith.constant 768 : i32
        %add3A_285 = arith.addi %add3A_284, %mul3A_283 : i32
        %add3A_286 = vector.broadcast %add3A_285 : i32 to vector<16xi32>
        %add3A_287 = arith.addi %add3A_286, %iota3A : vector<16xi32>
        tpu.vector_store_idx %arg11[%add3A_287], %gather3A_265 masked %and3A_158 : memref<30720xf32, #tpu.memory_space<vmem>>[vector<16xi32>], vector<16xf32>, vector<16xi1>
        %add3A_288 = arith.constant 6144 : i32
        %add3A_289 = vector.broadcast %add3A_288 : i32 to vector<16xi32>
        %add3A_290 = arith.addi %add3A_287, %add3A_289 : vector<16xi32>
        %mul3A_291 = arith.mulf %gather3A_269, %gather3A_166 : vector<16xf32>
        %add3A_292 = arith.addf %gather3A, %mul3A_291 : vector<16xf32>
        tpu.vector_store_idx %arg11[%add3A_290], %add3A_292 masked %and3A_158 : memref<30720xf32, #tpu.memory_space<vmem>>[vector<16xi32>], vector<16xf32>, vector<16xi1>
        %add3A_293 = arith.constant 12288 : i32
        %add3A_294 = vector.broadcast %add3A_293 : i32 to vector<16xi32>
        %add3A_295 = arith.addi %add3A_287, %add3A_294 : vector<16xi32>
        %mul3A_296 = arith.mulf %gather3A_273, %gather3A_170 : vector<16xf32>
        %add3A_297 = arith.addf %gather3A_162, %mul3A_296 : vector<16xf32>
        tpu.vector_store_idx %arg11[%add3A_295], %add3A_297 masked %and3A_158 : memref<30720xf32, #tpu.memory_space<vmem>>[vector<16xi32>], vector<16xf32>, vector<16xi1>
        %add3A_298 = arith.constant 18432 : i32
        %add3A_299 = vector.broadcast %add3A_298 : i32 to vector<16xi32>
        %add3A_300 = arith.addi %add3A_287, %add3A_299 : vector<16xi32>
        %exp3A_301 = math.exp %gather3A_277 : vector<16xf32>
        %mul3A_302 = arith.mulf %gather3A_166, %exp3A_301 : vector<16xf32>
        tpu.vector_store_idx %arg11[%add3A_300], %mul3A_302 masked %and3A_158 : memref<30720xf32, #tpu.memory_space<vmem>>[vector<16xi32>], vector<16xf32>, vector<16xi1>
        %add3A_303 = arith.constant 24576 : i32
        %add3A_304 = vector.broadcast %add3A_303 : i32 to vector<16xi32>
        %add3A_305 = arith.addi %add3A_287, %add3A_304 : vector<16xi32>
        %exp3A_306 = math.exp %gather3A_281 : vector<16xf32>
        %mul3A_307 = arith.mulf %gather3A_170, %exp3A_306 : vector<16xf32>
        tpu.vector_store_idx %arg11[%add3A_305], %mul3A_307 masked %and3A_158 : memref<30720xf32, #tpu.memory_space<vmem>>[vector<16xi32>], vector<16xf32>, vector<16xi1>
        %add3A_308 = arith.constant 3 : i32
        %add3A_309 = vector.broadcast %add3A_308 : i32 to vector<16xi32>
        %add3A_310 = arith.addi %broadcast_in_dim3A_53, %add3A_309 : vector<16xi32>
        %gather3A_311 = tpu.vector_load_idx %arg9[%add3A_310, %sub3A_152] masked %and3A_158 : memref<16x1024xf32, #tpu.memory_space<vmem>>[vector<16xi32>, vector<16xi32>], vector<16xf32>, vector<16xi1>
        %add3A_312 = arith.constant 12 : i32
        %add3A_313 = vector.broadcast %add3A_312 : i32 to vector<16xi32>
        %add3A_314 = arith.addi %broadcast_in_dim3A_53, %add3A_313 : vector<16xi32>
        %gather3A_315 = tpu.vector_load_idx %arg8[%add3A_314, %sub3A_152] masked %and3A_158 : memref<64x1024xf32, #tpu.memory_space<vmem>>[vector<16xi32>, vector<16xi32>], vector<16xf32>, vector<16xi1>
        %add3A_316 = arith.constant 13 : i32
        %add3A_317 = vector.broadcast %add3A_316 : i32 to vector<16xi32>
        %add3A_318 = arith.addi %broadcast_in_dim3A_53, %add3A_317 : vector<16xi32>
        %gather3A_319 = tpu.vector_load_idx %arg8[%add3A_318, %sub3A_152] masked %and3A_158 : memref<64x1024xf32, #tpu.memory_space<vmem>>[vector<16xi32>, vector<16xi32>], vector<16xf32>, vector<16xi1>
        %add3A_320 = arith.constant 14 : i32
        %add3A_321 = vector.broadcast %add3A_320 : i32 to vector<16xi32>
        %add3A_322 = arith.addi %broadcast_in_dim3A_53, %add3A_321 : vector<16xi32>
        %gather3A_323 = tpu.vector_load_idx %arg8[%add3A_322, %sub3A_152] masked %and3A_158 : memref<64x1024xf32, #tpu.memory_space<vmem>>[vector<16xi32>, vector<16xi32>], vector<16xf32>, vector<16xi1>
        %add3A_324 = arith.constant 15 : i32
        %add3A_325 = vector.broadcast %add3A_324 : i32 to vector<16xi32>
        %add3A_326 = arith.addi %broadcast_in_dim3A_53, %add3A_325 : vector<16xi32>
        %gather3A_327 = tpu.vector_load_idx %arg8[%add3A_326, %sub3A_152] masked %and3A_158 : memref<64x1024xf32, #tpu.memory_space<vmem>>[vector<16xi32>, vector<16xi32>], vector<16xf32>, vector<16xi1>
        %mul3A_328 = arith.constant 16 : i32
        %mul3A_329 = arith.muli %scan3A_105, %mul3A_328 : i32
        %add3A_330 = arith.constant 1152 : i32
        %add3A_331 = arith.addi %add3A_330, %mul3A_329 : i32
        %add3A_332 = vector.broadcast %add3A_331 : i32 to vector<16xi32>
        %add3A_333 = arith.addi %add3A_332, %iota3A : vector<16xi32>
        tpu.vector_store_idx %arg11[%add3A_333], %gather3A_311 masked %and3A_158 : memref<30720xf32, #tpu.memory_space<vmem>>[vector<16xi32>], vector<16xf32>, vector<16xi1>
        %add3A_334 = arith.constant 6144 : i32
        %add3A_335 = vector.broadcast %add3A_334 : i32 to vector<16xi32>
        %add3A_336 = arith.addi %add3A_333, %add3A_335 : vector<16xi32>
        %mul3A_337 = arith.mulf %gather3A_315, %gather3A_166 : vector<16xf32>
        %add3A_338 = arith.addf %gather3A, %mul3A_337 : vector<16xf32>
        tpu.vector_store_idx %arg11[%add3A_336], %add3A_338 masked %and3A_158 : memref<30720xf32, #tpu.memory_space<vmem>>[vector<16xi32>], vector<16xf32>, vector<16xi1>
        %add3A_339 = arith.constant 12288 : i32
        %add3A_340 = vector.broadcast %add3A_339 : i32 to vector<16xi32>
        %add3A_341 = arith.addi %add3A_333, %add3A_340 : vector<16xi32>
        %mul3A_342 = arith.mulf %gather3A_319, %gather3A_170 : vector<16xf32>
        %add3A_343 = arith.addf %gather3A_162, %mul3A_342 : vector<16xf32>
        tpu.vector_store_idx %arg11[%add3A_341], %add3A_343 masked %and3A_158 : memref<30720xf32, #tpu.memory_space<vmem>>[vector<16xi32>], vector<16xf32>, vector<16xi1>
        %add3A_344 = arith.constant 18432 : i32
        %add3A_345 = vector.broadcast %add3A_344 : i32 to vector<16xi32>
        %add3A_346 = arith.addi %add3A_333, %add3A_345 : vector<16xi32>
        %exp3A_347 = math.exp %gather3A_323 : vector<16xf32>
        %mul3A_348 = arith.mulf %gather3A_166, %exp3A_347 : vector<16xf32>
        tpu.vector_store_idx %arg11[%add3A_346], %mul3A_348 masked %and3A_158 : memref<30720xf32, #tpu.memory_space<vmem>>[vector<16xi32>], vector<16xf32>, vector<16xi1>
        %add3A_349 = arith.constant 24576 : i32
        %add3A_350 = vector.broadcast %add3A_349 : i32 to vector<16xi32>
        %add3A_351 = arith.addi %add3A_333, %add3A_350 : vector<16xi32>
        %exp3A_352 = math.exp %gather3A_327 : vector<16xf32>
        %mul3A_353 = arith.mulf %gather3A_170, %exp3A_352 : vector<16xf32>
        tpu.vector_store_idx %arg11[%add3A_351], %mul3A_353 masked %and3A_158 : memref<30720xf32, #tpu.memory_space<vmem>>[vector<16xi32>], vector<16xf32>, vector<16xi1>
        %add3A_354 = arith.constant 4 : i32
        %add3A_355 = vector.broadcast %add3A_354 : i32 to vector<16xi32>
        %add3A_356 = arith.addi %broadcast_in_dim3A_53, %add3A_355 : vector<16xi32>
        %gather3A_357 = tpu.vector_load_idx %arg9[%add3A_356, %sub3A_152] masked %and3A_158 : memref<16x1024xf32, #tpu.memory_space<vmem>>[vector<16xi32>, vector<16xi32>], vector<16xf32>, vector<16xi1>
        %add3A_358 = arith.constant 16 : i32
        %add3A_359 = vector.broadcast %add3A_358 : i32 to vector<16xi32>
        %add3A_360 = arith.addi %broadcast_in_dim3A_53, %add3A_359 : vector<16xi32>
        %gather3A_361 = tpu.vector_load_idx %arg8[%add3A_360, %sub3A_152] masked %and3A_158 : memref<64x1024xf32, #tpu.memory_space<vmem>>[vector<16xi32>, vector<16xi32>], vector<16xf32>, vector<16xi1>
        %add3A_362 = arith.constant 17 : i32
        %add3A_363 = vector.broadcast %add3A_362 : i32 to vector<16xi32>
        %add3A_364 = arith.addi %broadcast_in_dim3A_53, %add3A_363 : vector<16xi32>
        %gather3A_365 = tpu.vector_load_idx %arg8[%add3A_364, %sub3A_152] masked %and3A_158 : memref<64x1024xf32, #tpu.memory_space<vmem>>[vector<16xi32>, vector<16xi32>], vector<16xf32>, vector<16xi1>
        %add3A_366 = arith.constant 18 : i32
        %add3A_367 = vector.broadcast %add3A_366 : i32 to vector<16xi32>
        %add3A_368 = arith.addi %broadcast_in_dim3A_53, %add3A_367 : vector<16xi32>
        %gather3A_369 = tpu.vector_load_idx %arg8[%add3A_368, %sub3A_152] masked %and3A_158 : memref<64x1024xf32, #tpu.memory_space<vmem>>[vector<16xi32>, vector<16xi32>], vector<16xf32>, vector<16xi1>
        %add3A_370 = arith.constant 19 : i32
        %add3A_371 = vector.broadcast %add3A_370 : i32 to vector<16xi32>
        %add3A_372 = arith.addi %broadcast_in_dim3A_53, %add3A_371 : vector<16xi32>
        %gather3A_373 = tpu.vector_load_idx %arg8[%add3A_372, %sub3A_152] masked %and3A_158 : memref<64x1024xf32, #tpu.memory_space<vmem>>[vector<16xi32>, vector<16xi32>], vector<16xf32>, vector<16xi1>
        %mul3A_374 = arith.constant 16 : i32
        %mul3A_375 = arith.muli %scan3A_105, %mul3A_374 : i32
        %add3A_376 = arith.constant 1536 : i32
        %add3A_377 = arith.addi %add3A_376, %mul3A_375 : i32
        %add3A_378 = vector.broadcast %add3A_377 : i32 to vector<16xi32>
        %add3A_379 = arith.addi %add3A_378, %iota3A : vector<16xi32>
        tpu.vector_store_idx %arg11[%add3A_379], %gather3A_357 masked %and3A_158 : memref<30720xf32, #tpu.memory_space<vmem>>[vector<16xi32>], vector<16xf32>, vector<16xi1>
        %add3A_380 = arith.constant 6144 : i32
        %add3A_381 = vector.broadcast %add3A_380 : i32 to vector<16xi32>
        %add3A_382 = arith.addi %add3A_379, %add3A_381 : vector<16xi32>
        %mul3A_383 = arith.mulf %gather3A_361, %gather3A_166 : vector<16xf32>
        %add3A_384 = arith.addf %gather3A, %mul3A_383 : vector<16xf32>
        tpu.vector_store_idx %arg11[%add3A_382], %add3A_384 masked %and3A_158 : memref<30720xf32, #tpu.memory_space<vmem>>[vector<16xi32>], vector<16xf32>, vector<16xi1>
        %add3A_385 = arith.constant 12288 : i32
        %add3A_386 = vector.broadcast %add3A_385 : i32 to vector<16xi32>
        %add3A_387 = arith.addi %add3A_379, %add3A_386 : vector<16xi32>
        %mul3A_388 = arith.mulf %gather3A_365, %gather3A_170 : vector<16xf32>
        %add3A_389 = arith.addf %gather3A_162, %mul3A_388 : vector<16xf32>
        tpu.vector_store_idx %arg11[%add3A_387], %add3A_389 masked %and3A_158 : memref<30720xf32, #tpu.memory_space<vmem>>[vector<16xi32>], vector<16xf32>, vector<16xi1>
        %add3A_390 = arith.constant 18432 : i32
        %add3A_391 = vector.broadcast %add3A_390 : i32 to vector<16xi32>
        %add3A_392 = arith.addi %add3A_379, %add3A_391 : vector<16xi32>
        %exp3A_393 = math.exp %gather3A_369 : vector<16xf32>
        %mul3A_394 = arith.mulf %gather3A_166, %exp3A_393 : vector<16xf32>
        tpu.vector_store_idx %arg11[%add3A_392], %mul3A_394 masked %and3A_158 : memref<30720xf32, #tpu.memory_space<vmem>>[vector<16xi32>], vector<16xf32>, vector<16xi1>
        %add3A_395 = arith.constant 24576 : i32
        %add3A_396 = vector.broadcast %add3A_395 : i32 to vector<16xi32>
        %add3A_397 = arith.addi %add3A_379, %add3A_396 : vector<16xi32>
        %exp3A_398 = math.exp %gather3A_373 : vector<16xf32>
        %mul3A_399 = arith.mulf %gather3A_170, %exp3A_398 : vector<16xf32>
        tpu.vector_store_idx %arg11[%add3A_397], %mul3A_399 masked %and3A_158 : memref<30720xf32, #tpu.memory_space<vmem>>[vector<16xi32>], vector<16xf32>, vector<16xi1>
        %add3A_400 = arith.constant 5 : i32
        %add3A_401 = vector.broadcast %add3A_400 : i32 to vector<16xi32>
        %add3A_402 = arith.addi %broadcast_in_dim3A_53, %add3A_401 : vector<16xi32>
        %gather3A_403 = tpu.vector_load_idx %arg9[%add3A_402, %sub3A_152] masked %and3A_158 : memref<16x1024xf32, #tpu.memory_space<vmem>>[vector<16xi32>, vector<16xi32>], vector<16xf32>, vector<16xi1>
        %add3A_404 = arith.constant 20 : i32
        %add3A_405 = vector.broadcast %add3A_404 : i32 to vector<16xi32>
        %add3A_406 = arith.addi %broadcast_in_dim3A_53, %add3A_405 : vector<16xi32>
        %gather3A_407 = tpu.vector_load_idx %arg8[%add3A_406, %sub3A_152] masked %and3A_158 : memref<64x1024xf32, #tpu.memory_space<vmem>>[vector<16xi32>, vector<16xi32>], vector<16xf32>, vector<16xi1>
        %add3A_408 = arith.constant 21 : i32
        %add3A_409 = vector.broadcast %add3A_408 : i32 to vector<16xi32>
        %add3A_410 = arith.addi %broadcast_in_dim3A_53, %add3A_409 : vector<16xi32>
        %gather3A_411 = tpu.vector_load_idx %arg8[%add3A_410, %sub3A_152] masked %and3A_158 : memref<64x1024xf32, #tpu.memory_space<vmem>>[vector<16xi32>, vector<16xi32>], vector<16xf32>, vector<16xi1>
        %add3A_412 = arith.constant 22 : i32
        %add3A_413 = vector.broadcast %add3A_412 : i32 to vector<16xi32>
        %add3A_414 = arith.addi %broadcast_in_dim3A_53, %add3A_413 : vector<16xi32>
        %gather3A_415 = tpu.vector_load_idx %arg8[%add3A_414, %sub3A_152] masked %and3A_158 : memref<64x1024xf32, #tpu.memory_space<vmem>>[vector<16xi32>, vector<16xi32>], vector<16xf32>, vector<16xi1>
        %add3A_416 = arith.constant 23 : i32
        %add3A_417 = vector.broadcast %add3A_416 : i32 to vector<16xi32>
        %add3A_418 = arith.addi %broadcast_in_dim3A_53, %add3A_417 : vector<16xi32>
        %gather3A_419 = tpu.vector_load_idx %arg8[%add3A_418, %sub3A_152] masked %and3A_158 : memref<64x1024xf32, #tpu.memory_space<vmem>>[vector<16xi32>, vector<16xi32>], vector<16xf32>, vector<16xi1>
        %mul3A_420 = arith.constant 16 : i32
        %mul3A_421 = arith.muli %scan3A_105, %mul3A_420 : i32
        %add3A_422 = arith.constant 1920 : i32
        %add3A_423 = arith.addi %add3A_422, %mul3A_421 : i32
        %add3A_424 = vector.broadcast %add3A_423 : i32 to vector<16xi32>
        %add3A_425 = arith.addi %add3A_424, %iota3A : vector<16xi32>
        tpu.vector_store_idx %arg11[%add3A_425], %gather3A_403 masked %and3A_158 : memref<30720xf32, #tpu.memory_space<vmem>>[vector<16xi32>], vector<16xf32>, vector<16xi1>
        %add3A_426 = arith.constant 6144 : i32
        %add3A_427 = vector.broadcast %add3A_426 : i32 to vector<16xi32>
        %add3A_428 = arith.addi %add3A_425, %add3A_427 : vector<16xi32>
        %mul3A_429 = arith.mulf %gather3A_407, %gather3A_166 : vector<16xf32>
        %add3A_430 = arith.addf %gather3A, %mul3A_429 : vector<16xf32>
        tpu.vector_store_idx %arg11[%add3A_428], %add3A_430 masked %and3A_158 : memref<30720xf32, #tpu.memory_space<vmem>>[vector<16xi32>], vector<16xf32>, vector<16xi1>
        %add3A_431 = arith.constant 12288 : i32
        %add3A_432 = vector.broadcast %add3A_431 : i32 to vector<16xi32>
        %add3A_433 = arith.addi %add3A_425, %add3A_432 : vector<16xi32>
        %mul3A_434 = arith.mulf %gather3A_411, %gather3A_170 : vector<16xf32>
        %add3A_435 = arith.addf %gather3A_162, %mul3A_434 : vector<16xf32>
        tpu.vector_store_idx %arg11[%add3A_433], %add3A_435 masked %and3A_158 : memref<30720xf32, #tpu.memory_space<vmem>>[vector<16xi32>], vector<16xf32>, vector<16xi1>
        %add3A_436 = arith.constant 18432 : i32
        %add3A_437 = vector.broadcast %add3A_436 : i32 to vector<16xi32>
        %add3A_438 = arith.addi %add3A_425, %add3A_437 : vector<16xi32>
        %exp3A_439 = math.exp %gather3A_415 : vector<16xf32>
        %mul3A_440 = arith.mulf %gather3A_166, %exp3A_439 : vector<16xf32>
        tpu.vector_store_idx %arg11[%add3A_438], %mul3A_440 masked %and3A_158 : memref<30720xf32, #tpu.memory_space<vmem>>[vector<16xi32>], vector<16xf32>, vector<16xi1>
        %add3A_441 = arith.constant 24576 : i32
        %add3A_442 = vector.broadcast %add3A_441 : i32 to vector<16xi32>
        %add3A_443 = arith.addi %add3A_425, %add3A_442 : vector<16xi32>
        %exp3A_444 = math.exp %gather3A_419 : vector<16xf32>
        %mul3A_445 = arith.mulf %gather3A_170, %exp3A_444 : vector<16xf32>
        tpu.vector_store_idx %arg11[%add3A_443], %mul3A_445 masked %and3A_158 : memref<30720xf32, #tpu.memory_space<vmem>>[vector<16xi32>], vector<16xf32>, vector<16xi1>
        %add3A_446 = arith.constant 6 : i32
        %add3A_447 = vector.broadcast %add3A_446 : i32 to vector<16xi32>
        %add3A_448 = arith.addi %broadcast_in_dim3A_53, %add3A_447 : vector<16xi32>
        %gather3A_449 = tpu.vector_load_idx %arg9[%add3A_448, %sub3A_152] masked %and3A_158 : memref<16x1024xf32, #tpu.memory_space<vmem>>[vector<16xi32>, vector<16xi32>], vector<16xf32>, vector<16xi1>
        %add3A_450 = arith.constant 24 : i32
        %add3A_451 = vector.broadcast %add3A_450 : i32 to vector<16xi32>
        %add3A_452 = arith.addi %broadcast_in_dim3A_53, %add3A_451 : vector<16xi32>
        %gather3A_453 = tpu.vector_load_idx %arg8[%add3A_452, %sub3A_152] masked %and3A_158 : memref<64x1024xf32, #tpu.memory_space<vmem>>[vector<16xi32>, vector<16xi32>], vector<16xf32>, vector<16xi1>
        %add3A_454 = arith.constant 25 : i32
        %add3A_455 = vector.broadcast %add3A_454 : i32 to vector<16xi32>
        %add3A_456 = arith.addi %broadcast_in_dim3A_53, %add3A_455 : vector<16xi32>
        %gather3A_457 = tpu.vector_load_idx %arg8[%add3A_456, %sub3A_152] masked %and3A_158 : memref<64x1024xf32, #tpu.memory_space<vmem>>[vector<16xi32>, vector<16xi32>], vector<16xf32>, vector<16xi1>
        %add3A_458 = arith.constant 26 : i32
        %add3A_459 = vector.broadcast %add3A_458 : i32 to vector<16xi32>
        %add3A_460 = arith.addi %broadcast_in_dim3A_53, %add3A_459 : vector<16xi32>
        %gather3A_461 = tpu.vector_load_idx %arg8[%add3A_460, %sub3A_152] masked %and3A_158 : memref<64x1024xf32, #tpu.memory_space<vmem>>[vector<16xi32>, vector<16xi32>], vector<16xf32>, vector<16xi1>
        %add3A_462 = arith.constant 27 : i32
        %add3A_463 = vector.broadcast %add3A_462 : i32 to vector<16xi32>
        %add3A_464 = arith.addi %broadcast_in_dim3A_53, %add3A_463 : vector<16xi32>
        %gather3A_465 = tpu.vector_load_idx %arg8[%add3A_464, %sub3A_152] masked %and3A_158 : memref<64x1024xf32, #tpu.memory_space<vmem>>[vector<16xi32>, vector<16xi32>], vector<16xf32>, vector<16xi1>
        %mul3A_466 = arith.constant 16 : i32
        %mul3A_467 = arith.muli %scan3A_105, %mul3A_466 : i32
        %add3A_468 = arith.constant 2304 : i32
        %add3A_469 = arith.addi %add3A_468, %mul3A_467 : i32
        %add3A_470 = vector.broadcast %add3A_469 : i32 to vector<16xi32>
        %add3A_471 = arith.addi %add3A_470, %iota3A : vector<16xi32>
        tpu.vector_store_idx %arg11[%add3A_471], %gather3A_449 masked %and3A_158 : memref<30720xf32, #tpu.memory_space<vmem>>[vector<16xi32>], vector<16xf32>, vector<16xi1>
        %add3A_472 = arith.constant 6144 : i32
        %add3A_473 = vector.broadcast %add3A_472 : i32 to vector<16xi32>
        %add3A_474 = arith.addi %add3A_471, %add3A_473 : vector<16xi32>
        %mul3A_475 = arith.mulf %gather3A_453, %gather3A_166 : vector<16xf32>
        %add3A_476 = arith.addf %gather3A, %mul3A_475 : vector<16xf32>
        tpu.vector_store_idx %arg11[%add3A_474], %add3A_476 masked %and3A_158 : memref<30720xf32, #tpu.memory_space<vmem>>[vector<16xi32>], vector<16xf32>, vector<16xi1>
        %add3A_477 = arith.constant 12288 : i32
        %add3A_478 = vector.broadcast %add3A_477 : i32 to vector<16xi32>
        %add3A_479 = arith.addi %add3A_471, %add3A_478 : vector<16xi32>
        %mul3A_480 = arith.mulf %gather3A_457, %gather3A_170 : vector<16xf32>
        %add3A_481 = arith.addf %gather3A_162, %mul3A_480 : vector<16xf32>
        tpu.vector_store_idx %arg11[%add3A_479], %add3A_481 masked %and3A_158 : memref<30720xf32, #tpu.memory_space<vmem>>[vector<16xi32>], vector<16xf32>, vector<16xi1>
        %add3A_482 = arith.constant 18432 : i32
        %add3A_483 = vector.broadcast %add3A_482 : i32 to vector<16xi32>
        %add3A_484 = arith.addi %add3A_471, %add3A_483 : vector<16xi32>
        %exp3A_485 = math.exp %gather3A_461 : vector<16xf32>
        %mul3A_486 = arith.mulf %gather3A_166, %exp3A_485 : vector<16xf32>
        tpu.vector_store_idx %arg11[%add3A_484], %mul3A_486 masked %and3A_158 : memref<30720xf32, #tpu.memory_space<vmem>>[vector<16xi32>], vector<16xf32>, vector<16xi1>
        %add3A_487 = arith.constant 24576 : i32
        %add3A_488 = vector.broadcast %add3A_487 : i32 to vector<16xi32>
        %add3A_489 = arith.addi %add3A_471, %add3A_488 : vector<16xi32>
        %exp3A_490 = math.exp %gather3A_465 : vector<16xf32>
        %mul3A_491 = arith.mulf %gather3A_170, %exp3A_490 : vector<16xf32>
        tpu.vector_store_idx %arg11[%add3A_489], %mul3A_491 masked %and3A_158 : memref<30720xf32, #tpu.memory_space<vmem>>[vector<16xi32>], vector<16xf32>, vector<16xi1>
        %add3A_492 = arith.constant 7 : i32
        %add3A_493 = vector.broadcast %add3A_492 : i32 to vector<16xi32>
        %add3A_494 = arith.addi %broadcast_in_dim3A_53, %add3A_493 : vector<16xi32>
        %gather3A_495 = tpu.vector_load_idx %arg9[%add3A_494, %sub3A_152] masked %and3A_158 : memref<16x1024xf32, #tpu.memory_space<vmem>>[vector<16xi32>, vector<16xi32>], vector<16xf32>, vector<16xi1>
        %add3A_496 = arith.constant 28 : i32
        %add3A_497 = vector.broadcast %add3A_496 : i32 to vector<16xi32>
        %add3A_498 = arith.addi %broadcast_in_dim3A_53, %add3A_497 : vector<16xi32>
        %gather3A_499 = tpu.vector_load_idx %arg8[%add3A_498, %sub3A_152] masked %and3A_158 : memref<64x1024xf32, #tpu.memory_space<vmem>>[vector<16xi32>, vector<16xi32>], vector<16xf32>, vector<16xi1>
        %add3A_500 = arith.constant 29 : i32
        %add3A_501 = vector.broadcast %add3A_500 : i32 to vector<16xi32>
        %add3A_502 = arith.addi %broadcast_in_dim3A_53, %add3A_501 : vector<16xi32>
        %gather3A_503 = tpu.vector_load_idx %arg8[%add3A_502, %sub3A_152] masked %and3A_158 : memref<64x1024xf32, #tpu.memory_space<vmem>>[vector<16xi32>, vector<16xi32>], vector<16xf32>, vector<16xi1>
        %add3A_504 = arith.constant 30 : i32
        %add3A_505 = vector.broadcast %add3A_504 : i32 to vector<16xi32>
        %add3A_506 = arith.addi %broadcast_in_dim3A_53, %add3A_505 : vector<16xi32>
        %gather3A_507 = tpu.vector_load_idx %arg8[%add3A_506, %sub3A_152] masked %and3A_158 : memref<64x1024xf32, #tpu.memory_space<vmem>>[vector<16xi32>, vector<16xi32>], vector<16xf32>, vector<16xi1>
        %add3A_508 = arith.constant 31 : i32
        %add3A_509 = vector.broadcast %add3A_508 : i32 to vector<16xi32>
        %add3A_510 = arith.addi %broadcast_in_dim3A_53, %add3A_509 : vector<16xi32>
        %gather3A_511 = tpu.vector_load_idx %arg8[%add3A_510, %sub3A_152] masked %and3A_158 : memref<64x1024xf32, #tpu.memory_space<vmem>>[vector<16xi32>, vector<16xi32>], vector<16xf32>, vector<16xi1>
        %mul3A_512 = arith.constant 16 : i32
        %mul3A_513 = arith.muli %scan3A_105, %mul3A_512 : i32
        %add3A_514 = arith.constant 2688 : i32
        %add3A_515 = arith.addi %add3A_514, %mul3A_513 : i32
        %add3A_516 = vector.broadcast %add3A_515 : i32 to vector<16xi32>
        %add3A_517 = arith.addi %add3A_516, %iota3A : vector<16xi32>
        tpu.vector_store_idx %arg11[%add3A_517], %gather3A_495 masked %and3A_158 : memref<30720xf32, #tpu.memory_space<vmem>>[vector<16xi32>], vector<16xf32>, vector<16xi1>
        %add3A_518 = arith.constant 6144 : i32
        %add3A_519 = vector.broadcast %add3A_518 : i32 to vector<16xi32>
        %add3A_520 = arith.addi %add3A_517, %add3A_519 : vector<16xi32>
        %mul3A_521 = arith.mulf %gather3A_499, %gather3A_166 : vector<16xf32>
        %add3A_522 = arith.addf %gather3A, %mul3A_521 : vector<16xf32>
        tpu.vector_store_idx %arg11[%add3A_520], %add3A_522 masked %and3A_158 : memref<30720xf32, #tpu.memory_space<vmem>>[vector<16xi32>], vector<16xf32>, vector<16xi1>
        %add3A_523 = arith.constant 12288 : i32
        %add3A_524 = vector.broadcast %add3A_523 : i32 to vector<16xi32>
        %add3A_525 = arith.addi %add3A_517, %add3A_524 : vector<16xi32>
        %mul3A_526 = arith.mulf %gather3A_503, %gather3A_170 : vector<16xf32>
        %add3A_527 = arith.addf %gather3A_162, %mul3A_526 : vector<16xf32>
        tpu.vector_store_idx %arg11[%add3A_525], %add3A_527 masked %and3A_158 : memref<30720xf32, #tpu.memory_space<vmem>>[vector<16xi32>], vector<16xf32>, vector<16xi1>
        %add3A_528 = arith.constant 18432 : i32
        %add3A_529 = vector.broadcast %add3A_528 : i32 to vector<16xi32>
        %add3A_530 = arith.addi %add3A_517, %add3A_529 : vector<16xi32>
        %exp3A_531 = math.exp %gather3A_507 : vector<16xf32>
        %mul3A_532 = arith.mulf %gather3A_166, %exp3A_531 : vector<16xf32>
        tpu.vector_store_idx %arg11[%add3A_530], %mul3A_532 masked %and3A_158 : memref<30720xf32, #tpu.memory_space<vmem>>[vector<16xi32>], vector<16xf32>, vector<16xi1>
        %add3A_533 = arith.constant 24576 : i32
        %add3A_534 = vector.broadcast %add3A_533 : i32 to vector<16xi32>
        %add3A_535 = arith.addi %add3A_517, %add3A_534 : vector<16xi32>
        %exp3A_536 = math.exp %gather3A_511 : vector<16xf32>
        %mul3A_537 = arith.mulf %gather3A_170, %exp3A_536 : vector<16xf32>
        tpu.vector_store_idx %arg11[%add3A_535], %mul3A_537 masked %and3A_158 : memref<30720xf32, #tpu.memory_space<vmem>>[vector<16xi32>], vector<16xf32>, vector<16xi1>
        %add3A_538 = arith.constant 8 : i32
        %add3A_539 = vector.broadcast %add3A_538 : i32 to vector<16xi32>
        %add3A_540 = arith.addi %broadcast_in_dim3A_53, %add3A_539 : vector<16xi32>
        %gather3A_541 = tpu.vector_load_idx %arg9[%add3A_540, %sub3A_152] masked %and3A_158 : memref<16x1024xf32, #tpu.memory_space<vmem>>[vector<16xi32>, vector<16xi32>], vector<16xf32>, vector<16xi1>
        %add3A_542 = arith.constant 32 : i32
        %add3A_543 = vector.broadcast %add3A_542 : i32 to vector<16xi32>
        %add3A_544 = arith.addi %broadcast_in_dim3A_53, %add3A_543 : vector<16xi32>
        %gather3A_545 = tpu.vector_load_idx %arg8[%add3A_544, %sub3A_152] masked %and3A_158 : memref<64x1024xf32, #tpu.memory_space<vmem>>[vector<16xi32>, vector<16xi32>], vector<16xf32>, vector<16xi1>
        %add3A_546 = arith.constant 33 : i32
        %add3A_547 = vector.broadcast %add3A_546 : i32 to vector<16xi32>
        %add3A_548 = arith.addi %broadcast_in_dim3A_53, %add3A_547 : vector<16xi32>
        %gather3A_549 = tpu.vector_load_idx %arg8[%add3A_548, %sub3A_152] masked %and3A_158 : memref<64x1024xf32, #tpu.memory_space<vmem>>[vector<16xi32>, vector<16xi32>], vector<16xf32>, vector<16xi1>
        %add3A_550 = arith.constant 34 : i32
        %add3A_551 = vector.broadcast %add3A_550 : i32 to vector<16xi32>
        %add3A_552 = arith.addi %broadcast_in_dim3A_53, %add3A_551 : vector<16xi32>
        %gather3A_553 = tpu.vector_load_idx %arg8[%add3A_552, %sub3A_152] masked %and3A_158 : memref<64x1024xf32, #tpu.memory_space<vmem>>[vector<16xi32>, vector<16xi32>], vector<16xf32>, vector<16xi1>
        %add3A_554 = arith.constant 35 : i32
        %add3A_555 = vector.broadcast %add3A_554 : i32 to vector<16xi32>
        %add3A_556 = arith.addi %broadcast_in_dim3A_53, %add3A_555 : vector<16xi32>
        %gather3A_557 = tpu.vector_load_idx %arg8[%add3A_556, %sub3A_152] masked %and3A_158 : memref<64x1024xf32, #tpu.memory_space<vmem>>[vector<16xi32>, vector<16xi32>], vector<16xf32>, vector<16xi1>
        %mul3A_558 = arith.constant 16 : i32
        %mul3A_559 = arith.muli %scan3A_105, %mul3A_558 : i32
        %add3A_560 = arith.constant 3072 : i32
        %add3A_561 = arith.addi %add3A_560, %mul3A_559 : i32
        %add3A_562 = vector.broadcast %add3A_561 : i32 to vector<16xi32>
        %add3A_563 = arith.addi %add3A_562, %iota3A : vector<16xi32>
        tpu.vector_store_idx %arg11[%add3A_563], %gather3A_541 masked %and3A_158 : memref<30720xf32, #tpu.memory_space<vmem>>[vector<16xi32>], vector<16xf32>, vector<16xi1>
        %add3A_564 = arith.constant 6144 : i32
        %add3A_565 = vector.broadcast %add3A_564 : i32 to vector<16xi32>
        %add3A_566 = arith.addi %add3A_563, %add3A_565 : vector<16xi32>
        %mul3A_567 = arith.mulf %gather3A_545, %gather3A_166 : vector<16xf32>
        %add3A_568 = arith.addf %gather3A, %mul3A_567 : vector<16xf32>
        tpu.vector_store_idx %arg11[%add3A_566], %add3A_568 masked %and3A_158 : memref<30720xf32, #tpu.memory_space<vmem>>[vector<16xi32>], vector<16xf32>, vector<16xi1>
        %add3A_569 = arith.constant 12288 : i32
        %add3A_570 = vector.broadcast %add3A_569 : i32 to vector<16xi32>
        %add3A_571 = arith.addi %add3A_563, %add3A_570 : vector<16xi32>
        %mul3A_572 = arith.mulf %gather3A_549, %gather3A_170 : vector<16xf32>
        %add3A_573 = arith.addf %gather3A_162, %mul3A_572 : vector<16xf32>
        tpu.vector_store_idx %arg11[%add3A_571], %add3A_573 masked %and3A_158 : memref<30720xf32, #tpu.memory_space<vmem>>[vector<16xi32>], vector<16xf32>, vector<16xi1>
        %add3A_574 = arith.constant 18432 : i32
        %add3A_575 = vector.broadcast %add3A_574 : i32 to vector<16xi32>
        %add3A_576 = arith.addi %add3A_563, %add3A_575 : vector<16xi32>
        %exp3A_577 = math.exp %gather3A_553 : vector<16xf32>
        %mul3A_578 = arith.mulf %gather3A_166, %exp3A_577 : vector<16xf32>
        tpu.vector_store_idx %arg11[%add3A_576], %mul3A_578 masked %and3A_158 : memref<30720xf32, #tpu.memory_space<vmem>>[vector<16xi32>], vector<16xf32>, vector<16xi1>
        %add3A_579 = arith.constant 24576 : i32
        %add3A_580 = vector.broadcast %add3A_579 : i32 to vector<16xi32>
        %add3A_581 = arith.addi %add3A_563, %add3A_580 : vector<16xi32>
        %exp3A_582 = math.exp %gather3A_557 : vector<16xf32>
        %mul3A_583 = arith.mulf %gather3A_170, %exp3A_582 : vector<16xf32>
        tpu.vector_store_idx %arg11[%add3A_581], %mul3A_583 masked %and3A_158 : memref<30720xf32, #tpu.memory_space<vmem>>[vector<16xi32>], vector<16xf32>, vector<16xi1>
        %add3A_584 = arith.constant 9 : i32
        %add3A_585 = vector.broadcast %add3A_584 : i32 to vector<16xi32>
        %add3A_586 = arith.addi %broadcast_in_dim3A_53, %add3A_585 : vector<16xi32>
        %gather3A_587 = tpu.vector_load_idx %arg9[%add3A_586, %sub3A_152] masked %and3A_158 : memref<16x1024xf32, #tpu.memory_space<vmem>>[vector<16xi32>, vector<16xi32>], vector<16xf32>, vector<16xi1>
        %add3A_588 = arith.constant 36 : i32
        %add3A_589 = vector.broadcast %add3A_588 : i32 to vector<16xi32>
        %add3A_590 = arith.addi %broadcast_in_dim3A_53, %add3A_589 : vector<16xi32>
        %gather3A_591 = tpu.vector_load_idx %arg8[%add3A_590, %sub3A_152] masked %and3A_158 : memref<64x1024xf32, #tpu.memory_space<vmem>>[vector<16xi32>, vector<16xi32>], vector<16xf32>, vector<16xi1>
        %add3A_592 = arith.constant 37 : i32
        %add3A_593 = vector.broadcast %add3A_592 : i32 to vector<16xi32>
        %add3A_594 = arith.addi %broadcast_in_dim3A_53, %add3A_593 : vector<16xi32>
        %gather3A_595 = tpu.vector_load_idx %arg8[%add3A_594, %sub3A_152] masked %and3A_158 : memref<64x1024xf32, #tpu.memory_space<vmem>>[vector<16xi32>, vector<16xi32>], vector<16xf32>, vector<16xi1>
        %add3A_596 = arith.constant 38 : i32
        %add3A_597 = vector.broadcast %add3A_596 : i32 to vector<16xi32>
        %add3A_598 = arith.addi %broadcast_in_dim3A_53, %add3A_597 : vector<16xi32>
        %gather3A_599 = tpu.vector_load_idx %arg8[%add3A_598, %sub3A_152] masked %and3A_158 : memref<64x1024xf32, #tpu.memory_space<vmem>>[vector<16xi32>, vector<16xi32>], vector<16xf32>, vector<16xi1>
        %add3A_600 = arith.constant 39 : i32
        %add3A_601 = vector.broadcast %add3A_600 : i32 to vector<16xi32>
        %add3A_602 = arith.addi %broadcast_in_dim3A_53, %add3A_601 : vector<16xi32>
        %gather3A_603 = tpu.vector_load_idx %arg8[%add3A_602, %sub3A_152] masked %and3A_158 : memref<64x1024xf32, #tpu.memory_space<vmem>>[vector<16xi32>, vector<16xi32>], vector<16xf32>, vector<16xi1>
        %mul3A_604 = arith.constant 16 : i32
        %mul3A_605 = arith.muli %scan3A_105, %mul3A_604 : i32
        %add3A_606 = arith.constant 3456 : i32
        %add3A_607 = arith.addi %add3A_606, %mul3A_605 : i32
        %add3A_608 = vector.broadcast %add3A_607 : i32 to vector<16xi32>
        %add3A_609 = arith.addi %add3A_608, %iota3A : vector<16xi32>
        tpu.vector_store_idx %arg11[%add3A_609], %gather3A_587 masked %and3A_158 : memref<30720xf32, #tpu.memory_space<vmem>>[vector<16xi32>], vector<16xf32>, vector<16xi1>
        %add3A_610 = arith.constant 6144 : i32
        %add3A_611 = vector.broadcast %add3A_610 : i32 to vector<16xi32>
        %add3A_612 = arith.addi %add3A_609, %add3A_611 : vector<16xi32>
        %mul3A_613 = arith.mulf %gather3A_591, %gather3A_166 : vector<16xf32>
        %add3A_614 = arith.addf %gather3A, %mul3A_613 : vector<16xf32>
        tpu.vector_store_idx %arg11[%add3A_612], %add3A_614 masked %and3A_158 : memref<30720xf32, #tpu.memory_space<vmem>>[vector<16xi32>], vector<16xf32>, vector<16xi1>
        %add3A_615 = arith.constant 12288 : i32
        %add3A_616 = vector.broadcast %add3A_615 : i32 to vector<16xi32>
        %add3A_617 = arith.addi %add3A_609, %add3A_616 : vector<16xi32>
        %mul3A_618 = arith.mulf %gather3A_595, %gather3A_170 : vector<16xf32>
        %add3A_619 = arith.addf %gather3A_162, %mul3A_618 : vector<16xf32>
        tpu.vector_store_idx %arg11[%add3A_617], %add3A_619 masked %and3A_158 : memref<30720xf32, #tpu.memory_space<vmem>>[vector<16xi32>], vector<16xf32>, vector<16xi1>
        %add3A_620 = arith.constant 18432 : i32
        %add3A_621 = vector.broadcast %add3A_620 : i32 to vector<16xi32>
        %add3A_622 = arith.addi %add3A_609, %add3A_621 : vector<16xi32>
        %exp3A_623 = math.exp %gather3A_599 : vector<16xf32>
        %mul3A_624 = arith.mulf %gather3A_166, %exp3A_623 : vector<16xf32>
        tpu.vector_store_idx %arg11[%add3A_622], %mul3A_624 masked %and3A_158 : memref<30720xf32, #tpu.memory_space<vmem>>[vector<16xi32>], vector<16xf32>, vector<16xi1>
        %add3A_625 = arith.constant 24576 : i32
        %add3A_626 = vector.broadcast %add3A_625 : i32 to vector<16xi32>
        %add3A_627 = arith.addi %add3A_609, %add3A_626 : vector<16xi32>
        %exp3A_628 = math.exp %gather3A_603 : vector<16xf32>
        %mul3A_629 = arith.mulf %gather3A_170, %exp3A_628 : vector<16xf32>
        tpu.vector_store_idx %arg11[%add3A_627], %mul3A_629 masked %and3A_158 : memref<30720xf32, #tpu.memory_space<vmem>>[vector<16xi32>], vector<16xf32>, vector<16xi1>
        %add3A_630 = arith.constant 10 : i32
        %add3A_631 = vector.broadcast %add3A_630 : i32 to vector<16xi32>
        %add3A_632 = arith.addi %broadcast_in_dim3A_53, %add3A_631 : vector<16xi32>
        %gather3A_633 = tpu.vector_load_idx %arg9[%add3A_632, %sub3A_152] masked %and3A_158 : memref<16x1024xf32, #tpu.memory_space<vmem>>[vector<16xi32>, vector<16xi32>], vector<16xf32>, vector<16xi1>
        %add3A_634 = arith.constant 40 : i32
        %add3A_635 = vector.broadcast %add3A_634 : i32 to vector<16xi32>
        %add3A_636 = arith.addi %broadcast_in_dim3A_53, %add3A_635 : vector<16xi32>
        %gather3A_637 = tpu.vector_load_idx %arg8[%add3A_636, %sub3A_152] masked %and3A_158 : memref<64x1024xf32, #tpu.memory_space<vmem>>[vector<16xi32>, vector<16xi32>], vector<16xf32>, vector<16xi1>
        %add3A_638 = arith.constant 41 : i32
        %add3A_639 = vector.broadcast %add3A_638 : i32 to vector<16xi32>
        %add3A_640 = arith.addi %broadcast_in_dim3A_53, %add3A_639 : vector<16xi32>
        %gather3A_641 = tpu.vector_load_idx %arg8[%add3A_640, %sub3A_152] masked %and3A_158 : memref<64x1024xf32, #tpu.memory_space<vmem>>[vector<16xi32>, vector<16xi32>], vector<16xf32>, vector<16xi1>
        %add3A_642 = arith.constant 42 : i32
        %add3A_643 = vector.broadcast %add3A_642 : i32 to vector<16xi32>
        %add3A_644 = arith.addi %broadcast_in_dim3A_53, %add3A_643 : vector<16xi32>
        %gather3A_645 = tpu.vector_load_idx %arg8[%add3A_644, %sub3A_152] masked %and3A_158 : memref<64x1024xf32, #tpu.memory_space<vmem>>[vector<16xi32>, vector<16xi32>], vector<16xf32>, vector<16xi1>
        %add3A_646 = arith.constant 43 : i32
        %add3A_647 = vector.broadcast %add3A_646 : i32 to vector<16xi32>
        %add3A_648 = arith.addi %broadcast_in_dim3A_53, %add3A_647 : vector<16xi32>
        %gather3A_649 = tpu.vector_load_idx %arg8[%add3A_648, %sub3A_152] masked %and3A_158 : memref<64x1024xf32, #tpu.memory_space<vmem>>[vector<16xi32>, vector<16xi32>], vector<16xf32>, vector<16xi1>
        %mul3A_650 = arith.constant 16 : i32
        %mul3A_651 = arith.muli %scan3A_105, %mul3A_650 : i32
        %add3A_652 = arith.constant 3840 : i32
        %add3A_653 = arith.addi %add3A_652, %mul3A_651 : i32
        %add3A_654 = vector.broadcast %add3A_653 : i32 to vector<16xi32>
        %add3A_655 = arith.addi %add3A_654, %iota3A : vector<16xi32>
        tpu.vector_store_idx %arg11[%add3A_655], %gather3A_633 masked %and3A_158 : memref<30720xf32, #tpu.memory_space<vmem>>[vector<16xi32>], vector<16xf32>, vector<16xi1>
        %add3A_656 = arith.constant 6144 : i32
        %add3A_657 = vector.broadcast %add3A_656 : i32 to vector<16xi32>
        %add3A_658 = arith.addi %add3A_655, %add3A_657 : vector<16xi32>
        %mul3A_659 = arith.mulf %gather3A_637, %gather3A_166 : vector<16xf32>
        %add3A_660 = arith.addf %gather3A, %mul3A_659 : vector<16xf32>
        tpu.vector_store_idx %arg11[%add3A_658], %add3A_660 masked %and3A_158 : memref<30720xf32, #tpu.memory_space<vmem>>[vector<16xi32>], vector<16xf32>, vector<16xi1>
        %add3A_661 = arith.constant 12288 : i32
        %add3A_662 = vector.broadcast %add3A_661 : i32 to vector<16xi32>
        %add3A_663 = arith.addi %add3A_655, %add3A_662 : vector<16xi32>
        %mul3A_664 = arith.mulf %gather3A_641, %gather3A_170 : vector<16xf32>
        %add3A_665 = arith.addf %gather3A_162, %mul3A_664 : vector<16xf32>
        tpu.vector_store_idx %arg11[%add3A_663], %add3A_665 masked %and3A_158 : memref<30720xf32, #tpu.memory_space<vmem>>[vector<16xi32>], vector<16xf32>, vector<16xi1>
        %add3A_666 = arith.constant 18432 : i32
        %add3A_667 = vector.broadcast %add3A_666 : i32 to vector<16xi32>
        %add3A_668 = arith.addi %add3A_655, %add3A_667 : vector<16xi32>
        %exp3A_669 = math.exp %gather3A_645 : vector<16xf32>
        %mul3A_670 = arith.mulf %gather3A_166, %exp3A_669 : vector<16xf32>
        tpu.vector_store_idx %arg11[%add3A_668], %mul3A_670 masked %and3A_158 : memref<30720xf32, #tpu.memory_space<vmem>>[vector<16xi32>], vector<16xf32>, vector<16xi1>
        %add3A_671 = arith.constant 24576 : i32
        %add3A_672 = vector.broadcast %add3A_671 : i32 to vector<16xi32>
        %add3A_673 = arith.addi %add3A_655, %add3A_672 : vector<16xi32>
        %exp3A_674 = math.exp %gather3A_649 : vector<16xf32>
        %mul3A_675 = arith.mulf %gather3A_170, %exp3A_674 : vector<16xf32>
        tpu.vector_store_idx %arg11[%add3A_673], %mul3A_675 masked %and3A_158 : memref<30720xf32, #tpu.memory_space<vmem>>[vector<16xi32>], vector<16xf32>, vector<16xi1>
        %add3A_676 = arith.constant 11 : i32
        %add3A_677 = vector.broadcast %add3A_676 : i32 to vector<16xi32>
        %add3A_678 = arith.addi %broadcast_in_dim3A_53, %add3A_677 : vector<16xi32>
        %gather3A_679 = tpu.vector_load_idx %arg9[%add3A_678, %sub3A_152] masked %and3A_158 : memref<16x1024xf32, #tpu.memory_space<vmem>>[vector<16xi32>, vector<16xi32>], vector<16xf32>, vector<16xi1>
        %add3A_680 = arith.constant 44 : i32
        %add3A_681 = vector.broadcast %add3A_680 : i32 to vector<16xi32>
        %add3A_682 = arith.addi %broadcast_in_dim3A_53, %add3A_681 : vector<16xi32>
        %gather3A_683 = tpu.vector_load_idx %arg8[%add3A_682, %sub3A_152] masked %and3A_158 : memref<64x1024xf32, #tpu.memory_space<vmem>>[vector<16xi32>, vector<16xi32>], vector<16xf32>, vector<16xi1>
        %add3A_684 = arith.constant 45 : i32
        %add3A_685 = vector.broadcast %add3A_684 : i32 to vector<16xi32>
        %add3A_686 = arith.addi %broadcast_in_dim3A_53, %add3A_685 : vector<16xi32>
        %gather3A_687 = tpu.vector_load_idx %arg8[%add3A_686, %sub3A_152] masked %and3A_158 : memref<64x1024xf32, #tpu.memory_space<vmem>>[vector<16xi32>, vector<16xi32>], vector<16xf32>, vector<16xi1>
        %add3A_688 = arith.constant 46 : i32
        %add3A_689 = vector.broadcast %add3A_688 : i32 to vector<16xi32>
        %add3A_690 = arith.addi %broadcast_in_dim3A_53, %add3A_689 : vector<16xi32>
        %gather3A_691 = tpu.vector_load_idx %arg8[%add3A_690, %sub3A_152] masked %and3A_158 : memref<64x1024xf32, #tpu.memory_space<vmem>>[vector<16xi32>, vector<16xi32>], vector<16xf32>, vector<16xi1>
        %add3A_692 = arith.constant 47 : i32
        %add3A_693 = vector.broadcast %add3A_692 : i32 to vector<16xi32>
        %add3A_694 = arith.addi %broadcast_in_dim3A_53, %add3A_693 : vector<16xi32>
        %gather3A_695 = tpu.vector_load_idx %arg8[%add3A_694, %sub3A_152] masked %and3A_158 : memref<64x1024xf32, #tpu.memory_space<vmem>>[vector<16xi32>, vector<16xi32>], vector<16xf32>, vector<16xi1>
        %mul3A_696 = arith.constant 16 : i32
        %mul3A_697 = arith.muli %scan3A_105, %mul3A_696 : i32
        %add3A_698 = arith.constant 4224 : i32
        %add3A_699 = arith.addi %add3A_698, %mul3A_697 : i32
        %add3A_700 = vector.broadcast %add3A_699 : i32 to vector<16xi32>
        %add3A_701 = arith.addi %add3A_700, %iota3A : vector<16xi32>
        tpu.vector_store_idx %arg11[%add3A_701], %gather3A_679 masked %and3A_158 : memref<30720xf32, #tpu.memory_space<vmem>>[vector<16xi32>], vector<16xf32>, vector<16xi1>
        %add3A_702 = arith.constant 6144 : i32
        %add3A_703 = vector.broadcast %add3A_702 : i32 to vector<16xi32>
        %add3A_704 = arith.addi %add3A_701, %add3A_703 : vector<16xi32>
        %mul3A_705 = arith.mulf %gather3A_683, %gather3A_166 : vector<16xf32>
        %add3A_706 = arith.addf %gather3A, %mul3A_705 : vector<16xf32>
        tpu.vector_store_idx %arg11[%add3A_704], %add3A_706 masked %and3A_158 : memref<30720xf32, #tpu.memory_space<vmem>>[vector<16xi32>], vector<16xf32>, vector<16xi1>
        %add3A_707 = arith.constant 12288 : i32
        %add3A_708 = vector.broadcast %add3A_707 : i32 to vector<16xi32>
        %add3A_709 = arith.addi %add3A_701, %add3A_708 : vector<16xi32>
        %mul3A_710 = arith.mulf %gather3A_687, %gather3A_170 : vector<16xf32>
        %add3A_711 = arith.addf %gather3A_162, %mul3A_710 : vector<16xf32>
        tpu.vector_store_idx %arg11[%add3A_709], %add3A_711 masked %and3A_158 : memref<30720xf32, #tpu.memory_space<vmem>>[vector<16xi32>], vector<16xf32>, vector<16xi1>
        %add3A_712 = arith.constant 18432 : i32
        %add3A_713 = vector.broadcast %add3A_712 : i32 to vector<16xi32>
        %add3A_714 = arith.addi %add3A_701, %add3A_713 : vector<16xi32>
        %exp3A_715 = math.exp %gather3A_691 : vector<16xf32>
        %mul3A_716 = arith.mulf %gather3A_166, %exp3A_715 : vector<16xf32>
        tpu.vector_store_idx %arg11[%add3A_714], %mul3A_716 masked %and3A_158 : memref<30720xf32, #tpu.memory_space<vmem>>[vector<16xi32>], vector<16xf32>, vector<16xi1>
        %add3A_717 = arith.constant 24576 : i32
        %add3A_718 = vector.broadcast %add3A_717 : i32 to vector<16xi32>
        %add3A_719 = arith.addi %add3A_701, %add3A_718 : vector<16xi32>
        %exp3A_720 = math.exp %gather3A_695 : vector<16xf32>
        %mul3A_721 = arith.mulf %gather3A_170, %exp3A_720 : vector<16xf32>
        tpu.vector_store_idx %arg11[%add3A_719], %mul3A_721 masked %and3A_158 : memref<30720xf32, #tpu.memory_space<vmem>>[vector<16xi32>], vector<16xf32>, vector<16xi1>
        %add3A_722 = arith.constant 12 : i32
        %add3A_723 = vector.broadcast %add3A_722 : i32 to vector<16xi32>
        %add3A_724 = arith.addi %broadcast_in_dim3A_53, %add3A_723 : vector<16xi32>
        %gather3A_725 = tpu.vector_load_idx %arg9[%add3A_724, %sub3A_152] masked %and3A_158 : memref<16x1024xf32, #tpu.memory_space<vmem>>[vector<16xi32>, vector<16xi32>], vector<16xf32>, vector<16xi1>
        %add3A_726 = arith.constant 48 : i32
        %add3A_727 = vector.broadcast %add3A_726 : i32 to vector<16xi32>
        %add3A_728 = arith.addi %broadcast_in_dim3A_53, %add3A_727 : vector<16xi32>
        %gather3A_729 = tpu.vector_load_idx %arg8[%add3A_728, %sub3A_152] masked %and3A_158 : memref<64x1024xf32, #tpu.memory_space<vmem>>[vector<16xi32>, vector<16xi32>], vector<16xf32>, vector<16xi1>
        %add3A_730 = arith.constant 49 : i32
        %add3A_731 = vector.broadcast %add3A_730 : i32 to vector<16xi32>
        %add3A_732 = arith.addi %broadcast_in_dim3A_53, %add3A_731 : vector<16xi32>
        %gather3A_733 = tpu.vector_load_idx %arg8[%add3A_732, %sub3A_152] masked %and3A_158 : memref<64x1024xf32, #tpu.memory_space<vmem>>[vector<16xi32>, vector<16xi32>], vector<16xf32>, vector<16xi1>
        %add3A_734 = arith.constant 50 : i32
        %add3A_735 = vector.broadcast %add3A_734 : i32 to vector<16xi32>
        %add3A_736 = arith.addi %broadcast_in_dim3A_53, %add3A_735 : vector<16xi32>
        %gather3A_737 = tpu.vector_load_idx %arg8[%add3A_736, %sub3A_152] masked %and3A_158 : memref<64x1024xf32, #tpu.memory_space<vmem>>[vector<16xi32>, vector<16xi32>], vector<16xf32>, vector<16xi1>
        %add3A_738 = arith.constant 51 : i32
        %add3A_739 = vector.broadcast %add3A_738 : i32 to vector<16xi32>
        %add3A_740 = arith.addi %broadcast_in_dim3A_53, %add3A_739 : vector<16xi32>
        %gather3A_741 = tpu.vector_load_idx %arg8[%add3A_740, %sub3A_152] masked %and3A_158 : memref<64x1024xf32, #tpu.memory_space<vmem>>[vector<16xi32>, vector<16xi32>], vector<16xf32>, vector<16xi1>
        %mul3A_742 = arith.constant 16 : i32
        %mul3A_743 = arith.muli %scan3A_105, %mul3A_742 : i32
        %add3A_744 = arith.constant 4608 : i32
        %add3A_745 = arith.addi %add3A_744, %mul3A_743 : i32
        %add3A_746 = vector.broadcast %add3A_745 : i32 to vector<16xi32>
        %add3A_747 = arith.addi %add3A_746, %iota3A : vector<16xi32>
        tpu.vector_store_idx %arg11[%add3A_747], %gather3A_725 masked %and3A_158 : memref<30720xf32, #tpu.memory_space<vmem>>[vector<16xi32>], vector<16xf32>, vector<16xi1>
        %add3A_748 = arith.constant 6144 : i32
        %add3A_749 = vector.broadcast %add3A_748 : i32 to vector<16xi32>
        %add3A_750 = arith.addi %add3A_747, %add3A_749 : vector<16xi32>
        %mul3A_751 = arith.mulf %gather3A_729, %gather3A_166 : vector<16xf32>
        %add3A_752 = arith.addf %gather3A, %mul3A_751 : vector<16xf32>
        tpu.vector_store_idx %arg11[%add3A_750], %add3A_752 masked %and3A_158 : memref<30720xf32, #tpu.memory_space<vmem>>[vector<16xi32>], vector<16xf32>, vector<16xi1>
        %add3A_753 = arith.constant 12288 : i32
        %add3A_754 = vector.broadcast %add3A_753 : i32 to vector<16xi32>
        %add3A_755 = arith.addi %add3A_747, %add3A_754 : vector<16xi32>
        %mul3A_756 = arith.mulf %gather3A_733, %gather3A_170 : vector<16xf32>
        %add3A_757 = arith.addf %gather3A_162, %mul3A_756 : vector<16xf32>
        tpu.vector_store_idx %arg11[%add3A_755], %add3A_757 masked %and3A_158 : memref<30720xf32, #tpu.memory_space<vmem>>[vector<16xi32>], vector<16xf32>, vector<16xi1>
        %add3A_758 = arith.constant 18432 : i32
        %add3A_759 = vector.broadcast %add3A_758 : i32 to vector<16xi32>
        %add3A_760 = arith.addi %add3A_747, %add3A_759 : vector<16xi32>
        %exp3A_761 = math.exp %gather3A_737 : vector<16xf32>
        %mul3A_762 = arith.mulf %gather3A_166, %exp3A_761 : vector<16xf32>
        tpu.vector_store_idx %arg11[%add3A_760], %mul3A_762 masked %and3A_158 : memref<30720xf32, #tpu.memory_space<vmem>>[vector<16xi32>], vector<16xf32>, vector<16xi1>
        %add3A_763 = arith.constant 24576 : i32
        %add3A_764 = vector.broadcast %add3A_763 : i32 to vector<16xi32>
        %add3A_765 = arith.addi %add3A_747, %add3A_764 : vector<16xi32>
        %exp3A_766 = math.exp %gather3A_741 : vector<16xf32>
        %mul3A_767 = arith.mulf %gather3A_170, %exp3A_766 : vector<16xf32>
        tpu.vector_store_idx %arg11[%add3A_765], %mul3A_767 masked %and3A_158 : memref<30720xf32, #tpu.memory_space<vmem>>[vector<16xi32>], vector<16xf32>, vector<16xi1>
        %add3A_768 = arith.constant 13 : i32
        %add3A_769 = vector.broadcast %add3A_768 : i32 to vector<16xi32>
        %add3A_770 = arith.addi %broadcast_in_dim3A_53, %add3A_769 : vector<16xi32>
        %gather3A_771 = tpu.vector_load_idx %arg9[%add3A_770, %sub3A_152] masked %and3A_158 : memref<16x1024xf32, #tpu.memory_space<vmem>>[vector<16xi32>, vector<16xi32>], vector<16xf32>, vector<16xi1>
        %add3A_772 = arith.constant 52 : i32
        %add3A_773 = vector.broadcast %add3A_772 : i32 to vector<16xi32>
        %add3A_774 = arith.addi %broadcast_in_dim3A_53, %add3A_773 : vector<16xi32>
        %gather3A_775 = tpu.vector_load_idx %arg8[%add3A_774, %sub3A_152] masked %and3A_158 : memref<64x1024xf32, #tpu.memory_space<vmem>>[vector<16xi32>, vector<16xi32>], vector<16xf32>, vector<16xi1>
        %add3A_776 = arith.constant 53 : i32
        %add3A_777 = vector.broadcast %add3A_776 : i32 to vector<16xi32>
        %add3A_778 = arith.addi %broadcast_in_dim3A_53, %add3A_777 : vector<16xi32>
        %gather3A_779 = tpu.vector_load_idx %arg8[%add3A_778, %sub3A_152] masked %and3A_158 : memref<64x1024xf32, #tpu.memory_space<vmem>>[vector<16xi32>, vector<16xi32>], vector<16xf32>, vector<16xi1>
        %add3A_780 = arith.constant 54 : i32
        %add3A_781 = vector.broadcast %add3A_780 : i32 to vector<16xi32>
        %add3A_782 = arith.addi %broadcast_in_dim3A_53, %add3A_781 : vector<16xi32>
        %gather3A_783 = tpu.vector_load_idx %arg8[%add3A_782, %sub3A_152] masked %and3A_158 : memref<64x1024xf32, #tpu.memory_space<vmem>>[vector<16xi32>, vector<16xi32>], vector<16xf32>, vector<16xi1>
        %add3A_784 = arith.constant 55 : i32
        %add3A_785 = vector.broadcast %add3A_784 : i32 to vector<16xi32>
        %add3A_786 = arith.addi %broadcast_in_dim3A_53, %add3A_785 : vector<16xi32>
        %gather3A_787 = tpu.vector_load_idx %arg8[%add3A_786, %sub3A_152] masked %and3A_158 : memref<64x1024xf32, #tpu.memory_space<vmem>>[vector<16xi32>, vector<16xi32>], vector<16xf32>, vector<16xi1>
        %mul3A_788 = arith.constant 16 : i32
        %mul3A_789 = arith.muli %scan3A_105, %mul3A_788 : i32
        %add3A_790 = arith.constant 4992 : i32
        %add3A_791 = arith.addi %add3A_790, %mul3A_789 : i32
        %add3A_792 = vector.broadcast %add3A_791 : i32 to vector<16xi32>
        %add3A_793 = arith.addi %add3A_792, %iota3A : vector<16xi32>
        tpu.vector_store_idx %arg11[%add3A_793], %gather3A_771 masked %and3A_158 : memref<30720xf32, #tpu.memory_space<vmem>>[vector<16xi32>], vector<16xf32>, vector<16xi1>
        %add3A_794 = arith.constant 6144 : i32
        %add3A_795 = vector.broadcast %add3A_794 : i32 to vector<16xi32>
        %add3A_796 = arith.addi %add3A_793, %add3A_795 : vector<16xi32>
        %mul3A_797 = arith.mulf %gather3A_775, %gather3A_166 : vector<16xf32>
        %add3A_798 = arith.addf %gather3A, %mul3A_797 : vector<16xf32>
        tpu.vector_store_idx %arg11[%add3A_796], %add3A_798 masked %and3A_158 : memref<30720xf32, #tpu.memory_space<vmem>>[vector<16xi32>], vector<16xf32>, vector<16xi1>
        %add3A_799 = arith.constant 12288 : i32
        %add3A_800 = vector.broadcast %add3A_799 : i32 to vector<16xi32>
        %add3A_801 = arith.addi %add3A_793, %add3A_800 : vector<16xi32>
        %mul3A_802 = arith.mulf %gather3A_779, %gather3A_170 : vector<16xf32>
        %add3A_803 = arith.addf %gather3A_162, %mul3A_802 : vector<16xf32>
        tpu.vector_store_idx %arg11[%add3A_801], %add3A_803 masked %and3A_158 : memref<30720xf32, #tpu.memory_space<vmem>>[vector<16xi32>], vector<16xf32>, vector<16xi1>
        %add3A_804 = arith.constant 18432 : i32
        %add3A_805 = vector.broadcast %add3A_804 : i32 to vector<16xi32>
        %add3A_806 = arith.addi %add3A_793, %add3A_805 : vector<16xi32>
        %exp3A_807 = math.exp %gather3A_783 : vector<16xf32>
        %mul3A_808 = arith.mulf %gather3A_166, %exp3A_807 : vector<16xf32>
        tpu.vector_store_idx %arg11[%add3A_806], %mul3A_808 masked %and3A_158 : memref<30720xf32, #tpu.memory_space<vmem>>[vector<16xi32>], vector<16xf32>, vector<16xi1>
        %add3A_809 = arith.constant 24576 : i32
        %add3A_810 = vector.broadcast %add3A_809 : i32 to vector<16xi32>
        %add3A_811 = arith.addi %add3A_793, %add3A_810 : vector<16xi32>
        %exp3A_812 = math.exp %gather3A_787 : vector<16xf32>
        %mul3A_813 = arith.mulf %gather3A_170, %exp3A_812 : vector<16xf32>
        tpu.vector_store_idx %arg11[%add3A_811], %mul3A_813 masked %and3A_158 : memref<30720xf32, #tpu.memory_space<vmem>>[vector<16xi32>], vector<16xf32>, vector<16xi1>
        %add3A_814 = arith.constant 14 : i32
        %add3A_815 = vector.broadcast %add3A_814 : i32 to vector<16xi32>
        %add3A_816 = arith.addi %broadcast_in_dim3A_53, %add3A_815 : vector<16xi32>
        %gather3A_817 = tpu.vector_load_idx %arg9[%add3A_816, %sub3A_152] masked %and3A_158 : memref<16x1024xf32, #tpu.memory_space<vmem>>[vector<16xi32>, vector<16xi32>], vector<16xf32>, vector<16xi1>
        %add3A_818 = arith.constant 56 : i32
        %add3A_819 = vector.broadcast %add3A_818 : i32 to vector<16xi32>
        %add3A_820 = arith.addi %broadcast_in_dim3A_53, %add3A_819 : vector<16xi32>
        %gather3A_821 = tpu.vector_load_idx %arg8[%add3A_820, %sub3A_152] masked %and3A_158 : memref<64x1024xf32, #tpu.memory_space<vmem>>[vector<16xi32>, vector<16xi32>], vector<16xf32>, vector<16xi1>
        %add3A_822 = arith.constant 57 : i32
        %add3A_823 = vector.broadcast %add3A_822 : i32 to vector<16xi32>
        %add3A_824 = arith.addi %broadcast_in_dim3A_53, %add3A_823 : vector<16xi32>
        %gather3A_825 = tpu.vector_load_idx %arg8[%add3A_824, %sub3A_152] masked %and3A_158 : memref<64x1024xf32, #tpu.memory_space<vmem>>[vector<16xi32>, vector<16xi32>], vector<16xf32>, vector<16xi1>
        %add3A_826 = arith.constant 58 : i32
        %add3A_827 = vector.broadcast %add3A_826 : i32 to vector<16xi32>
        %add3A_828 = arith.addi %broadcast_in_dim3A_53, %add3A_827 : vector<16xi32>
        %gather3A_829 = tpu.vector_load_idx %arg8[%add3A_828, %sub3A_152] masked %and3A_158 : memref<64x1024xf32, #tpu.memory_space<vmem>>[vector<16xi32>, vector<16xi32>], vector<16xf32>, vector<16xi1>
        %add3A_830 = arith.constant 59 : i32
        %add3A_831 = vector.broadcast %add3A_830 : i32 to vector<16xi32>
        %add3A_832 = arith.addi %broadcast_in_dim3A_53, %add3A_831 : vector<16xi32>
        %gather3A_833 = tpu.vector_load_idx %arg8[%add3A_832, %sub3A_152] masked %and3A_158 : memref<64x1024xf32, #tpu.memory_space<vmem>>[vector<16xi32>, vector<16xi32>], vector<16xf32>, vector<16xi1>
        %mul3A_834 = arith.constant 16 : i32
        %mul3A_835 = arith.muli %scan3A_105, %mul3A_834 : i32
        %add3A_836 = arith.constant 5376 : i32
        %add3A_837 = arith.addi %add3A_836, %mul3A_835 : i32
        %add3A_838 = vector.broadcast %add3A_837 : i32 to vector<16xi32>
        %add3A_839 = arith.addi %add3A_838, %iota3A : vector<16xi32>
        tpu.vector_store_idx %arg11[%add3A_839], %gather3A_817 masked %and3A_158 : memref<30720xf32, #tpu.memory_space<vmem>>[vector<16xi32>], vector<16xf32>, vector<16xi1>
        %add3A_840 = arith.constant 6144 : i32
        %add3A_841 = vector.broadcast %add3A_840 : i32 to vector<16xi32>
        %add3A_842 = arith.addi %add3A_839, %add3A_841 : vector<16xi32>
        %mul3A_843 = arith.mulf %gather3A_821, %gather3A_166 : vector<16xf32>
        %add3A_844 = arith.addf %gather3A, %mul3A_843 : vector<16xf32>
        tpu.vector_store_idx %arg11[%add3A_842], %add3A_844 masked %and3A_158 : memref<30720xf32, #tpu.memory_space<vmem>>[vector<16xi32>], vector<16xf32>, vector<16xi1>
        %add3A_845 = arith.constant 12288 : i32
        %add3A_846 = vector.broadcast %add3A_845 : i32 to vector<16xi32>
        %add3A_847 = arith.addi %add3A_839, %add3A_846 : vector<16xi32>
        %mul3A_848 = arith.mulf %gather3A_825, %gather3A_170 : vector<16xf32>
        %add3A_849 = arith.addf %gather3A_162, %mul3A_848 : vector<16xf32>
        tpu.vector_store_idx %arg11[%add3A_847], %add3A_849 masked %and3A_158 : memref<30720xf32, #tpu.memory_space<vmem>>[vector<16xi32>], vector<16xf32>, vector<16xi1>
        %add3A_850 = arith.constant 18432 : i32
        %add3A_851 = vector.broadcast %add3A_850 : i32 to vector<16xi32>
        %add3A_852 = arith.addi %add3A_839, %add3A_851 : vector<16xi32>
        %exp3A_853 = math.exp %gather3A_829 : vector<16xf32>
        %mul3A_854 = arith.mulf %gather3A_166, %exp3A_853 : vector<16xf32>
        tpu.vector_store_idx %arg11[%add3A_852], %mul3A_854 masked %and3A_158 : memref<30720xf32, #tpu.memory_space<vmem>>[vector<16xi32>], vector<16xf32>, vector<16xi1>
        %add3A_855 = arith.constant 24576 : i32
        %add3A_856 = vector.broadcast %add3A_855 : i32 to vector<16xi32>
        %add3A_857 = arith.addi %add3A_839, %add3A_856 : vector<16xi32>
        %exp3A_858 = math.exp %gather3A_833 : vector<16xf32>
        %mul3A_859 = arith.mulf %gather3A_170, %exp3A_858 : vector<16xf32>
        tpu.vector_store_idx %arg11[%add3A_857], %mul3A_859 masked %and3A_158 : memref<30720xf32, #tpu.memory_space<vmem>>[vector<16xi32>], vector<16xf32>, vector<16xi1>
        %add3A_860 = arith.constant 15 : i32
        %add3A_861 = vector.broadcast %add3A_860 : i32 to vector<16xi32>
        %add3A_862 = arith.addi %broadcast_in_dim3A_53, %add3A_861 : vector<16xi32>
        %gather3A_863 = tpu.vector_load_idx %arg9[%add3A_862, %sub3A_152] masked %and3A_158 : memref<16x1024xf32, #tpu.memory_space<vmem>>[vector<16xi32>, vector<16xi32>], vector<16xf32>, vector<16xi1>
        %add3A_864 = arith.constant 60 : i32
        %add3A_865 = vector.broadcast %add3A_864 : i32 to vector<16xi32>
        %add3A_866 = arith.addi %broadcast_in_dim3A_53, %add3A_865 : vector<16xi32>
        %gather3A_867 = tpu.vector_load_idx %arg8[%add3A_866, %sub3A_152] masked %and3A_158 : memref<64x1024xf32, #tpu.memory_space<vmem>>[vector<16xi32>, vector<16xi32>], vector<16xf32>, vector<16xi1>
        %add3A_868 = arith.constant 61 : i32
        %add3A_869 = vector.broadcast %add3A_868 : i32 to vector<16xi32>
        %add3A_870 = arith.addi %broadcast_in_dim3A_53, %add3A_869 : vector<16xi32>
        %gather3A_871 = tpu.vector_load_idx %arg8[%add3A_870, %sub3A_152] masked %and3A_158 : memref<64x1024xf32, #tpu.memory_space<vmem>>[vector<16xi32>, vector<16xi32>], vector<16xf32>, vector<16xi1>
        %add3A_872 = arith.constant 62 : i32
        %add3A_873 = vector.broadcast %add3A_872 : i32 to vector<16xi32>
        %add3A_874 = arith.addi %broadcast_in_dim3A_53, %add3A_873 : vector<16xi32>
        %gather3A_875 = tpu.vector_load_idx %arg8[%add3A_874, %sub3A_152] masked %and3A_158 : memref<64x1024xf32, #tpu.memory_space<vmem>>[vector<16xi32>, vector<16xi32>], vector<16xf32>, vector<16xi1>
        %add3A_876 = arith.constant 63 : i32
        %add3A_877 = vector.broadcast %add3A_876 : i32 to vector<16xi32>
        %add3A_878 = arith.addi %broadcast_in_dim3A_53, %add3A_877 : vector<16xi32>
        %gather3A_879 = tpu.vector_load_idx %arg8[%add3A_878, %sub3A_152] masked %and3A_158 : memref<64x1024xf32, #tpu.memory_space<vmem>>[vector<16xi32>, vector<16xi32>], vector<16xf32>, vector<16xi1>
        %mul3A_880 = arith.constant 16 : i32
        %mul3A_881 = arith.muli %scan3A_105, %mul3A_880 : i32
        %add3A_882 = arith.constant 5760 : i32
        %add3A_883 = arith.addi %add3A_882, %mul3A_881 : i32
        %add3A_884 = vector.broadcast %add3A_883 : i32 to vector<16xi32>
        %add3A_885 = arith.addi %add3A_884, %iota3A : vector<16xi32>
        tpu.vector_store_idx %arg11[%add3A_885], %gather3A_863 masked %and3A_158 : memref<30720xf32, #tpu.memory_space<vmem>>[vector<16xi32>], vector<16xf32>, vector<16xi1>
        %add3A_886 = arith.constant 6144 : i32
        %add3A_887 = vector.broadcast %add3A_886 : i32 to vector<16xi32>
        %add3A_888 = arith.addi %add3A_885, %add3A_887 : vector<16xi32>
        %mul3A_889 = arith.mulf %gather3A_867, %gather3A_166 : vector<16xf32>
        %add3A_890 = arith.addf %gather3A, %mul3A_889 : vector<16xf32>
        tpu.vector_store_idx %arg11[%add3A_888], %add3A_890 masked %and3A_158 : memref<30720xf32, #tpu.memory_space<vmem>>[vector<16xi32>], vector<16xf32>, vector<16xi1>
        %add3A_891 = arith.constant 12288 : i32
        %add3A_892 = vector.broadcast %add3A_891 : i32 to vector<16xi32>
        %add3A_893 = arith.addi %add3A_885, %add3A_892 : vector<16xi32>
        %mul3A_894 = arith.mulf %gather3A_871, %gather3A_170 : vector<16xf32>
        %add3A_895 = arith.addf %gather3A_162, %mul3A_894 : vector<16xf32>
        tpu.vector_store_idx %arg11[%add3A_893], %add3A_895 masked %and3A_158 : memref<30720xf32, #tpu.memory_space<vmem>>[vector<16xi32>], vector<16xf32>, vector<16xi1>
        %add3A_896 = arith.constant 18432 : i32
        %add3A_897 = vector.broadcast %add3A_896 : i32 to vector<16xi32>
        %add3A_898 = arith.addi %add3A_885, %add3A_897 : vector<16xi32>
        %exp3A_899 = math.exp %gather3A_875 : vector<16xf32>
        %mul3A_900 = arith.mulf %gather3A_166, %exp3A_899 : vector<16xf32>
        tpu.vector_store_idx %arg11[%add3A_898], %mul3A_900 masked %and3A_158 : memref<30720xf32, #tpu.memory_space<vmem>>[vector<16xi32>], vector<16xf32>, vector<16xi1>
        %add3A_901 = arith.constant 24576 : i32
        %add3A_902 = vector.broadcast %add3A_901 : i32 to vector<16xi32>
        %add3A_903 = arith.addi %add3A_885, %add3A_902 : vector<16xi32>
        %exp3A_904 = math.exp %gather3A_879 : vector<16xf32>
        %mul3A_905 = arith.mulf %gather3A_170, %exp3A_904 : vector<16xf32>
        tpu.vector_store_idx %arg11[%add3A_903], %mul3A_905 masked %and3A_158 : memref<30720xf32, #tpu.memory_space<vmem>>[vector<16xi32>], vector<16xf32>, vector<16xi1>
      }
      %scan3A_104 = arith.constant 24 : i32
    }
    %while3A_61 = arith.constant 1 : i32
    scf.for %while3A_68 = %while3A_59 to %while3A_55 step %while3A_61  : i32 {
      %mul3A_69 = arith.constant 1024 : i32
      %mul3A_70 = arith.muli %while3A_68, %mul3A_69 : i32
      %add3A_71 = arith.addi %and3A_32, %mul3A_70 : i32
      %min3A = arith.constant 19072 : i32
      %min3A_72 = arith.minsi %add3A_71, %min3A : i32
      %multiple_of3A = tpu.assume_multiple %min3A_72, 128 : i32
      %dma_start3A = arith.constant 0 : i32
      %dma_start3A_73 = tpu.memref_slice %arg2[%dma_start3A, %multiple_of3A] : memref<16x20096xf32, #tpu.memory_space<hbm>> -> memref<16x1024xf32, #tpu.memory_space<hbm>>
      %dma_start3A_74 = arith.constant 0 : i32
      %dma_start3A_75 = tpu.memref_slice %arg2[%dma_start3A_74, %multiple_of3A] : memref<16x20096xf32, #tpu.memory_space<hbm>> -> memref<16x1024xf32, #tpu.memory_space<hbm>>
      tpu.enqueue_dma source(%dma_start3A_75 : memref<16x1024xf32, #tpu.memory_space<hbm>>) target(%arg9 : memref<16x1024xf32, #tpu.memory_space<vmem>>) target_semaphore(%arg12 : memref<!tpu.dma_semaphore, #tpu.memory_space<semaphore_mem>>)
      %dma_start3A_76 = arith.constant 0 : i32
      %dma_start3A_77 = tpu.memref_slice %arg4[%dma_start3A_76, %multiple_of3A] : memref<4x20096xf32, #tpu.memory_space<hbm>> -> memref<4x1024xf32, #tpu.memory_space<hbm>>
      %dma_start3A_78 = arith.constant 0 : i32
      %dma_start3A_79 = tpu.memref_slice %arg4[%dma_start3A_78, %multiple_of3A] : memref<4x20096xf32, #tpu.memory_space<hbm>> -> memref<4x1024xf32, #tpu.memory_space<hbm>>
      tpu.enqueue_dma source(%dma_start3A_79 : memref<4x1024xf32, #tpu.memory_space<hbm>>) target(%arg10 : memref<4x1024xf32, #tpu.memory_space<vmem>>) target_semaphore(%arg12 : memref<!tpu.dma_semaphore, #tpu.memory_space<semaphore_mem>>)
      %dma_start3A_80 = arith.constant 0 : i32
      %dma_start3A_81 = tpu.memref_slice %arg3[%dma_start3A_80, %multiple_of3A] : memref<64x20096xf32, #tpu.memory_space<hbm>> -> memref<64x1024xf32, #tpu.memory_space<hbm>>
      %dma_start3A_82 = arith.constant 0 : i32
      %dma_start3A_83 = tpu.memref_slice %arg3[%dma_start3A_82, %multiple_of3A] : memref<64x20096xf32, #tpu.memory_space<hbm>> -> memref<64x1024xf32, #tpu.memory_space<hbm>>
      tpu.enqueue_dma source(%dma_start3A_83 : memref<64x1024xf32, #tpu.memory_space<hbm>>) target(%arg8 : memref<64x1024xf32, #tpu.memory_space<vmem>>) target_semaphore(%arg12 : memref<!tpu.dma_semaphore, #tpu.memory_space<semaphore_mem>>)
      %dma_wait3A = arith.constant 0 : i32
      %dma_wait3A_84 = arith.constant 0 : i32
      %dma_wait3A_85 = tpu.memref_slice %arg2[%dma_wait3A, %dma_wait3A_84] : memref<16x20096xf32, #tpu.memory_space<hbm>> -> memref<16x1024xf32, #tpu.memory_space<hbm>>
      %dma_wait3A_86 = arith.constant 0 : i32
      %dma_wait3A_87 = arith.constant 0 : i32
      %dma_wait3A_88 = tpu.memref_slice %arg2[%dma_wait3A_86, %dma_wait3A_87] : memref<16x20096xf32, #tpu.memory_space<hbm>> -> memref<16x1024xf32, #tpu.memory_space<hbm>>
      tpu.wait_dma2 semaphore(%arg12 : memref<!tpu.dma_semaphore, #tpu.memory_space<semaphore_mem>>) src(%dma_wait3A_88 : memref<16x1024xf32, #tpu.memory_space<hbm>>) dst(%arg9 : memref<16x1024xf32, #tpu.memory_space<vmem>>)
      %dma_wait3A_89 = arith.constant 0 : i32
      %dma_wait3A_90 = arith.constant 0 : i32
      %dma_wait3A_91 = tpu.memref_slice %arg4[%dma_wait3A_89, %dma_wait3A_90] : memref<4x20096xf32, #tpu.memory_space<hbm>> -> memref<4x1024xf32, #tpu.memory_space<hbm>>
      %dma_wait3A_92 = arith.constant 0 : i32
      %dma_wait3A_93 = arith.constant 0 : i32
      %dma_wait3A_94 = tpu.memref_slice %arg4[%dma_wait3A_92, %dma_wait3A_93] : memref<4x20096xf32, #tpu.memory_space<hbm>> -> memref<4x1024xf32, #tpu.memory_space<hbm>>
      tpu.wait_dma2 semaphore(%arg12 : memref<!tpu.dma_semaphore, #tpu.memory_space<semaphore_mem>>) src(%dma_wait3A_94 : memref<4x1024xf32, #tpu.memory_space<hbm>>) dst(%arg10 : memref<4x1024xf32, #tpu.memory_space<vmem>>)
      %dma_wait3A_95 = arith.constant 0 : i32
      %dma_wait3A_96 = arith.constant 0 : i32
      %dma_wait3A_97 = tpu.memref_slice %arg3[%dma_wait3A_95, %dma_wait3A_96] : memref<64x20096xf32, #tpu.memory_space<hbm>> -> memref<64x1024xf32, #tpu.memory_space<hbm>>
      %dma_wait3A_98 = arith.constant 0 : i32
      %dma_wait3A_99 = arith.constant 0 : i32
      %dma_wait3A_100 = tpu.memref_slice %arg3[%dma_wait3A_98, %dma_wait3A_99] : memref<64x20096xf32, #tpu.memory_space<hbm>> -> memref<64x1024xf32, #tpu.memory_space<hbm>>
      tpu.wait_dma2 semaphore(%arg12 : memref<!tpu.dma_semaphore, #tpu.memory_space<semaphore_mem>>) src(%dma_wait3A_100 : memref<64x1024xf32, #tpu.memory_space<hbm>>) dst(%arg8 : memref<64x1024xf32, #tpu.memory_space<vmem>>)
      %scan3A = arith.constant 0 : i32
      %scan3A_101 = arith.constant 24 : i32
      %scan3A_102 = arith.addi %scan3A, %scan3A_101 : i32
      %scan3A_103 = arith.constant 1 : i32
      scf.for %scan3A_105 = %scan3A to %scan3A_102 step %scan3A_103  : i32 {
        %jit3A_106 = arith.constant 8 : i32
        %div3A_107 = arith.divsi %scan3A_105, %jit3A_106 : i32
        %sign3A_108 = arith.constant 0 : i32
        %sign3A_109 = arith.cmpi sgt, %scan3A_105, %sign3A_108 : i32
        %sign3A_110 = arith.extui %sign3A_109 : i1 to i32
        %sign3A_111 = arith.constant 0 : i32
        %sign3A_112 = arith.cmpi slt, %scan3A_105, %sign3A_111 : i32
        %sign3A_113 = arith.extui %sign3A_112 : i1 to i32
        %sign3A_114 = arith.subi %sign3A_110, %sign3A_113 : i32
        %sign3A_115 = arith.constant 0 : i32
        %sign3A_116 = arith.cmpi sgt, %jit3A_106, %sign3A_115 : i32
        %sign3A_117 = arith.extui %sign3A_116 : i1 to i32
        %sign3A_118 = arith.constant 0 : i32
        %sign3A_119 = arith.cmpi slt, %jit3A_106, %sign3A_118 : i32
        %sign3A_120 = arith.extui %sign3A_119 : i1 to i32
        %sign3A_121 = arith.subi %sign3A_117, %sign3A_120 : i32
        %ne3A_122 = arith.cmpi ne, %sign3A_114, %sign3A_121 : i32
        %rem3A_123 = arith.remsi %scan3A_105, %jit3A_106 : i32
        %ne3A_124 = arith.constant 0 : i32
        %ne3A_125 = arith.cmpi ne, %rem3A_123, %ne3A_124 : i32
        %and3A_126 = arith.andi %ne3A_122, %ne3A_125 : i1
        %sub3A_127 = arith.constant 1 : i32
        %sub3A_128 = arith.subi %div3A_107, %sub3A_127 : i32
        %select_n3A_129 = arith.select %and3A_126, %sub3A_128, %div3A_107 : i32
        %jit3A_130 = arith.constant 8 : i32
        %eq3A_131 = arith.constant 0 : i32
        %eq3A_132 = arith.cmpi eq, %jit3A_130, %eq3A_131 : i32
        %jit3A_133 = arith.constant 1 : i32
        %select_n3A_134 = arith.select %eq3A_132, %jit3A_133, %jit3A_130 : i32
        %rem3A_135 = arith.remsi %scan3A_105, %select_n3A_134 : i32
        %ne3A_136 = arith.constant 0 : i32
        %ne3A_137 = arith.cmpi ne, %rem3A_135, %ne3A_136 : i32
        %lt3A_138 = arith.constant 0 : i32
        %lt3A_139 = arith.cmpi slt, %rem3A_135, %lt3A_138 : i32
        %lt3A_140 = arith.constant 0 : i32
        %lt3A_141 = arith.cmpi slt, %select_n3A_134, %lt3A_140 : i32
        %ne3A_142 = arith.xori %lt3A_139, %lt3A_141 : i1
        %and3A_143 = arith.andi %ne3A_142, %ne3A_137 : i1
        %add3A_144 = arith.addi %rem3A_135, %select_n3A_134 : i32
        %select_n3A_145 = arith.select %and3A_143, %add3A_144, %rem3A_135 : i32
        %mul3A_146 = arith.constant 16 : i32
        %mul3A_147 = arith.muli %select_n3A_145, %mul3A_146 : i32
        %get3A_148 = arith.index_cast %select_n3A_129 : i32 to index
        %get3A_149 = arith.index_cast %mul3A_147 : i32 to index
        %get3A_150 = tpu.vector_load %arg7[%get3A_148, %get3A_149] {strides = array<i32>} : memref<3x128xi32, #tpu.memory_space<vmem>>, vector<16xi32>,
        %sub3A_151 = vector.broadcast %multiple_of3A : i32 to vector<16xi32>
        %sub3A_152 = arith.subi %get3A_150, %sub3A_151 : vector<16xi32>
        %ge3A = arith.constant 0 : i32
        %ge3A_153 = vector.broadcast %ge3A : i32 to vector<16xi32>
        %ge3A_154 = arith.cmpi sge, %sub3A_152, %ge3A_153 : vector<16xi32>
        %lt3A_155 = arith.constant 1024 : i32
        %lt3A_156 = vector.broadcast %lt3A_155 : i32 to vector<16xi32>
        %lt3A_157 = arith.cmpi slt, %sub3A_152, %lt3A_156 : vector<16xi32>
        %and3A_158 = arith.andi %ge3A_154, %lt3A_157 : vector<16xi1>
        %gather3A = tpu.vector_load_idx %arg10[%broadcast_in_dim3A_53, %sub3A_152] masked %and3A_158 : memref<4x1024xf32, #tpu.memory_space<vmem>>[vector<16xi32>, vector<16xi32>], vector<16xf32>, vector<16xi1>
        %add3A_159 = arith.constant 1 : i32
        %add3A_160 = vector.broadcast %add3A_159 : i32 to vector<16xi32>
        %add3A_161 = arith.addi %broadcast_in_dim3A_53, %add3A_160 : vector<16xi32>
        %gather3A_162 = tpu.vector_load_idx %arg10[%add3A_161, %sub3A_152] masked %and3A_158 : memref<4x1024xf32, #tpu.memory_space<vmem>>[vector<16xi32>, vector<16xi32>], vector<16xf32>, vector<16xi1>
        %add3A_163 = arith.constant 2 : i32
        %add3A_164 = vector.broadcast %add3A_163 : i32 to vector<16xi32>
        %add3A_165 = arith.addi %broadcast_in_dim3A_53, %add3A_164 : vector<16xi32>
        %gather3A_166 = tpu.vector_load_idx %arg10[%add3A_165, %sub3A_152] masked %and3A_158 : memref<4x1024xf32, #tpu.memory_space<vmem>>[vector<16xi32>, vector<16xi32>], vector<16xf32>, vector<16xi1>
        %add3A_167 = arith.constant 3 : i32
        %add3A_168 = vector.broadcast %add3A_167 : i32 to vector<16xi32>
        %add3A_169 = arith.addi %broadcast_in_dim3A_53, %add3A_168 : vector<16xi32>
        %gather3A_170 = tpu.vector_load_idx %arg10[%add3A_169, %sub3A_152] masked %and3A_158 : memref<4x1024xf32, #tpu.memory_space<vmem>>[vector<16xi32>, vector<16xi32>], vector<16xf32>, vector<16xi1>
        %add3A_171 = arith.constant 0 : i32
        %add3A_172 = vector.broadcast %add3A_171 : i32 to vector<16xi32>
        %add3A_173 = arith.addi %broadcast_in_dim3A_53, %add3A_172 : vector<16xi32>
        %gather3A_174 = tpu.vector_load_idx %arg9[%add3A_173, %sub3A_152] masked %and3A_158 : memref<16x1024xf32, #tpu.memory_space<vmem>>[vector<16xi32>, vector<16xi32>], vector<16xf32>, vector<16xi1>
        %add3A_175 = arith.constant 0 : i32
        %add3A_176 = vector.broadcast %add3A_175 : i32 to vector<16xi32>
        %add3A_177 = arith.addi %broadcast_in_dim3A_53, %add3A_176 : vector<16xi32>
        %gather3A_178 = tpu.vector_load_idx %arg8[%add3A_177, %sub3A_152] masked %and3A_158 : memref<64x1024xf32, #tpu.memory_space<vmem>>[vector<16xi32>, vector<16xi32>], vector<16xf32>, vector<16xi1>
        %add3A_179 = arith.constant 1 : i32
        %add3A_180 = vector.broadcast %add3A_179 : i32 to vector<16xi32>
        %add3A_181 = arith.addi %broadcast_in_dim3A_53, %add3A_180 : vector<16xi32>
        %gather3A_182 = tpu.vector_load_idx %arg8[%add3A_181, %sub3A_152] masked %and3A_158 : memref<64x1024xf32, #tpu.memory_space<vmem>>[vector<16xi32>, vector<16xi32>], vector<16xf32>, vector<16xi1>
        %add3A_183 = arith.constant 2 : i32
        %add3A_184 = vector.broadcast %add3A_183 : i32 to vector<16xi32>
        %add3A_185 = arith.addi %broadcast_in_dim3A_53, %add3A_184 : vector<16xi32>
        %gather3A_186 = tpu.vector_load_idx %arg8[%add3A_185, %sub3A_152] masked %and3A_158 : memref<64x1024xf32, #tpu.memory_space<vmem>>[vector<16xi32>, vector<16xi32>], vector<16xf32>, vector<16xi1>
        %add3A_187 = arith.constant 3 : i32
        %add3A_188 = vector.broadcast %add3A_187 : i32 to vector<16xi32>
        %add3A_189 = arith.addi %broadcast_in_dim3A_53, %add3A_188 : vector<16xi32>
        %gather3A_190 = tpu.vector_load_idx %arg8[%add3A_189, %sub3A_152] masked %and3A_158 : memref<64x1024xf32, #tpu.memory_space<vmem>>[vector<16xi32>, vector<16xi32>], vector<16xf32>, vector<16xi1>
        %mul3A_191 = arith.constant 16 : i32
        %mul3A_192 = arith.muli %scan3A_105, %mul3A_191 : i32
        %add3A_193 = arith.constant 0 : i32
        %add3A_194 = arith.addi %add3A_193, %mul3A_192 : i32
        %add3A_195 = vector.broadcast %add3A_194 : i32 to vector<16xi32>
        %add3A_196 = arith.addi %add3A_195, %iota3A : vector<16xi32>
        tpu.vector_store_idx %arg11[%add3A_196], %gather3A_174 masked %and3A_158 : memref<30720xf32, #tpu.memory_space<vmem>>[vector<16xi32>], vector<16xf32>, vector<16xi1>
        %add3A_197 = arith.constant 6144 : i32
        %add3A_198 = vector.broadcast %add3A_197 : i32 to vector<16xi32>
        %add3A_199 = arith.addi %add3A_196, %add3A_198 : vector<16xi32>
        %mul3A_200 = arith.mulf %gather3A_178, %gather3A_166 : vector<16xf32>
        %add3A_201 = arith.addf %gather3A, %mul3A_200 : vector<16xf32>
        tpu.vector_store_idx %arg11[%add3A_199], %add3A_201 masked %and3A_158 : memref<30720xf32, #tpu.memory_space<vmem>>[vector<16xi32>], vector<16xf32>, vector<16xi1>
        %add3A_202 = arith.constant 12288 : i32
        %add3A_203 = vector.broadcast %add3A_202 : i32 to vector<16xi32>
        %add3A_204 = arith.addi %add3A_196, %add3A_203 : vector<16xi32>
        %mul3A_205 = arith.mulf %gather3A_182, %gather3A_170 : vector<16xf32>
        %add3A_206 = arith.addf %gather3A_162, %mul3A_205 : vector<16xf32>
        tpu.vector_store_idx %arg11[%add3A_204], %add3A_206 masked %and3A_158 : memref<30720xf32, #tpu.memory_space<vmem>>[vector<16xi32>], vector<16xf32>, vector<16xi1>
        %add3A_207 = arith.constant 18432 : i32
        %add3A_208 = vector.broadcast %add3A_207 : i32 to vector<16xi32>
        %add3A_209 = arith.addi %add3A_196, %add3A_208 : vector<16xi32>
        %exp3A = math.exp %gather3A_186 : vector<16xf32>
        %mul3A_210 = arith.mulf %gather3A_166, %exp3A : vector<16xf32>
        tpu.vector_store_idx %arg11[%add3A_209], %mul3A_210 masked %and3A_158 : memref<30720xf32, #tpu.memory_space<vmem>>[vector<16xi32>], vector<16xf32>, vector<16xi1>
        %add3A_211 = arith.constant 24576 : i32
        %add3A_212 = vector.broadcast %add3A_211 : i32 to vector<16xi32>
        %add3A_213 = arith.addi %add3A_196, %add3A_212 : vector<16xi32>
        %exp3A_214 = math.exp %gather3A_190 : vector<16xf32>
        %mul3A_215 = arith.mulf %gather3A_170, %exp3A_214 : vector<16xf32>
        tpu.vector_store_idx %arg11[%add3A_213], %mul3A_215 masked %and3A_158 : memref<30720xf32, #tpu.memory_space<vmem>>[vector<16xi32>], vector<16xf32>, vector<16xi1>
        %add3A_216 = arith.constant 1 : i32
        %add3A_217 = vector.broadcast %add3A_216 : i32 to vector<16xi32>
        %add3A_218 = arith.addi %broadcast_in_dim3A_53, %add3A_217 : vector<16xi32>
        %gather3A_219 = tpu.vector_load_idx %arg9[%add3A_218, %sub3A_152] masked %and3A_158 : memref<16x1024xf32, #tpu.memory_space<vmem>>[vector<16xi32>, vector<16xi32>], vector<16xf32>, vector<16xi1>
        %add3A_220 = arith.constant 4 : i32
        %add3A_221 = vector.broadcast %add3A_220 : i32 to vector<16xi32>
        %add3A_222 = arith.addi %broadcast_in_dim3A_53, %add3A_221 : vector<16xi32>
        %gather3A_223 = tpu.vector_load_idx %arg8[%add3A_222, %sub3A_152] masked %and3A_158 : memref<64x1024xf32, #tpu.memory_space<vmem>>[vector<16xi32>, vector<16xi32>], vector<16xf32>, vector<16xi1>
        %add3A_224 = arith.constant 5 : i32
        %add3A_225 = vector.broadcast %add3A_224 : i32 to vector<16xi32>
        %add3A_226 = arith.addi %broadcast_in_dim3A_53, %add3A_225 : vector<16xi32>
        %gather3A_227 = tpu.vector_load_idx %arg8[%add3A_226, %sub3A_152] masked %and3A_158 : memref<64x1024xf32, #tpu.memory_space<vmem>>[vector<16xi32>, vector<16xi32>], vector<16xf32>, vector<16xi1>
        %add3A_228 = arith.constant 6 : i32
        %add3A_229 = vector.broadcast %add3A_228 : i32 to vector<16xi32>
        %add3A_230 = arith.addi %broadcast_in_dim3A_53, %add3A_229 : vector<16xi32>
        %gather3A_231 = tpu.vector_load_idx %arg8[%add3A_230, %sub3A_152] masked %and3A_158 : memref<64x1024xf32, #tpu.memory_space<vmem>>[vector<16xi32>, vector<16xi32>], vector<16xf32>, vector<16xi1>
        %add3A_232 = arith.constant 7 : i32
        %add3A_233 = vector.broadcast %add3A_232 : i32 to vector<16xi32>
        %add3A_234 = arith.addi %broadcast_in_dim3A_53, %add3A_233 : vector<16xi32>
        %gather3A_235 = tpu.vector_load_idx %arg8[%add3A_234, %sub3A_152] masked %and3A_158 : memref<64x1024xf32, #tpu.memory_space<vmem>>[vector<16xi32>, vector<16xi32>], vector<16xf32>, vector<16xi1>
        %mul3A_236 = arith.constant 16 : i32
        %mul3A_237 = arith.muli %scan3A_105, %mul3A_236 : i32
        %add3A_238 = arith.constant 384 : i32
        %add3A_239 = arith.addi %add3A_238, %mul3A_237 : i32
        %add3A_240 = vector.broadcast %add3A_239 : i32 to vector<16xi32>
        %add3A_241 = arith.addi %add3A_240, %iota3A : vector<16xi32>
        tpu.vector_store_idx %arg11[%add3A_241], %gather3A_219 masked %and3A_158 : memref<30720xf32, #tpu.memory_space<vmem>>[vector<16xi32>], vector<16xf32>, vector<16xi1>
        %add3A_242 = arith.constant 6144 : i32
        %add3A_243 = vector.broadcast %add3A_242 : i32 to vector<16xi32>
        %add3A_244 = arith.addi %add3A_241, %add3A_243 : vector<16xi32>
        %mul3A_245 = arith.mulf %gather3A_223, %gather3A_166 : vector<16xf32>
        %add3A_246 = arith.addf %gather3A, %mul3A_245 : vector<16xf32>
        tpu.vector_store_idx %arg11[%add3A_244], %add3A_246 masked %and3A_158 : memref<30720xf32, #tpu.memory_space<vmem>>[vector<16xi32>], vector<16xf32>, vector<16xi1>
        %add3A_247 = arith.constant 12288 : i32
        %add3A_248 = vector.broadcast %add3A_247 : i32 to vector<16xi32>
        %add3A_249 = arith.addi %add3A_241, %add3A_248 : vector<16xi32>
        %mul3A_250 = arith.mulf %gather3A_227, %gather3A_170 : vector<16xf32>
        %add3A_251 = arith.addf %gather3A_162, %mul3A_250 : vector<16xf32>
        tpu.vector_store_idx %arg11[%add3A_249], %add3A_251 masked %and3A_158 : memref<30720xf32, #tpu.memory_space<vmem>>[vector<16xi32>], vector<16xf32>, vector<16xi1>
        %add3A_252 = arith.constant 18432 : i32
        %add3A_253 = vector.broadcast %add3A_252 : i32 to vector<16xi32>
        %add3A_254 = arith.addi %add3A_241, %add3A_253 : vector<16xi32>
        %exp3A_255 = math.exp %gather3A_231 : vector<16xf32>
        %mul3A_256 = arith.mulf %gather3A_166, %exp3A_255 : vector<16xf32>
        tpu.vector_store_idx %arg11[%add3A_254], %mul3A_256 masked %and3A_158 : memref<30720xf32, #tpu.memory_space<vmem>>[vector<16xi32>], vector<16xf32>, vector<16xi1>
        %add3A_257 = arith.constant 24576 : i32
        %add3A_258 = vector.broadcast %add3A_257 : i32 to vector<16xi32>
        %add3A_259 = arith.addi %add3A_241, %add3A_258 : vector<16xi32>
        %exp3A_260 = math.exp %gather3A_235 : vector<16xf32>
        %mul3A_261 = arith.mulf %gather3A_170, %exp3A_260 : vector<16xf32>
        tpu.vector_store_idx %arg11[%add3A_259], %mul3A_261 masked %and3A_158 : memref<30720xf32, #tpu.memory_space<vmem>>[vector<16xi32>], vector<16xf32>, vector<16xi1>
        %add3A_262 = arith.constant 2 : i32
        %add3A_263 = vector.broadcast %add3A_262 : i32 to vector<16xi32>
        %add3A_264 = arith.addi %broadcast_in_dim3A_53, %add3A_263 : vector<16xi32>
        %gather3A_265 = tpu.vector_load_idx %arg9[%add3A_264, %sub3A_152] masked %and3A_158 : memref<16x1024xf32, #tpu.memory_space<vmem>>[vector<16xi32>, vector<16xi32>], vector<16xf32>, vector<16xi1>
        %add3A_266 = arith.constant 8 : i32
        %add3A_267 = vector.broadcast %add3A_266 : i32 to vector<16xi32>
        %add3A_268 = arith.addi %broadcast_in_dim3A_53, %add3A_267 : vector<16xi32>
        %gather3A_269 = tpu.vector_load_idx %arg8[%add3A_268, %sub3A_152] masked %and3A_158 : memref<64x1024xf32, #tpu.memory_space<vmem>>[vector<16xi32>, vector<16xi32>], vector<16xf32>, vector<16xi1>
        %add3A_270 = arith.constant 9 : i32
        %add3A_271 = vector.broadcast %add3A_270 : i32 to vector<16xi32>
        %add3A_272 = arith.addi %broadcast_in_dim3A_53, %add3A_271 : vector<16xi32>
        %gather3A_273 = tpu.vector_load_idx %arg8[%add3A_272, %sub3A_152] masked %and3A_158 : memref<64x1024xf32, #tpu.memory_space<vmem>>[vector<16xi32>, vector<16xi32>], vector<16xf32>, vector<16xi1>
        %add3A_274 = arith.constant 10 : i32
        %add3A_275 = vector.broadcast %add3A_274 : i32 to vector<16xi32>
        %add3A_276 = arith.addi %broadcast_in_dim3A_53, %add3A_275 : vector<16xi32>
        %gather3A_277 = tpu.vector_load_idx %arg8[%add3A_276, %sub3A_152] masked %and3A_158 : memref<64x1024xf32, #tpu.memory_space<vmem>>[vector<16xi32>, vector<16xi32>], vector<16xf32>, vector<16xi1>
        %add3A_278 = arith.constant 11 : i32
        %add3A_279 = vector.broadcast %add3A_278 : i32 to vector<16xi32>
        %add3A_280 = arith.addi %broadcast_in_dim3A_53, %add3A_279 : vector<16xi32>
        %gather3A_281 = tpu.vector_load_idx %arg8[%add3A_280, %sub3A_152] masked %and3A_158 : memref<64x1024xf32, #tpu.memory_space<vmem>>[vector<16xi32>, vector<16xi32>], vector<16xf32>, vector<16xi1>
        %mul3A_282 = arith.constant 16 : i32
        %mul3A_283 = arith.muli %scan3A_105, %mul3A_282 : i32
        %add3A_284 = arith.constant 768 : i32
        %add3A_285 = arith.addi %add3A_284, %mul3A_283 : i32
        %add3A_286 = vector.broadcast %add3A_285 : i32 to vector<16xi32>
        %add3A_287 = arith.addi %add3A_286, %iota3A : vector<16xi32>
        tpu.vector_store_idx %arg11[%add3A_287], %gather3A_265 masked %and3A_158 : memref<30720xf32, #tpu.memory_space<vmem>>[vector<16xi32>], vector<16xf32>, vector<16xi1>
        %add3A_288 = arith.constant 6144 : i32
        %add3A_289 = vector.broadcast %add3A_288 : i32 to vector<16xi32>
        %add3A_290 = arith.addi %add3A_287, %add3A_289 : vector<16xi32>
        %mul3A_291 = arith.mulf %gather3A_269, %gather3A_166 : vector<16xf32>
        %add3A_292 = arith.addf %gather3A, %mul3A_291 : vector<16xf32>
        tpu.vector_store_idx %arg11[%add3A_290], %add3A_292 masked %and3A_158 : memref<30720xf32, #tpu.memory_space<vmem>>[vector<16xi32>], vector<16xf32>, vector<16xi1>
        %add3A_293 = arith.constant 12288 : i32
        %add3A_294 = vector.broadcast %add3A_293 : i32 to vector<16xi32>
        %add3A_295 = arith.addi %add3A_287, %add3A_294 : vector<16xi32>
        %mul3A_296 = arith.mulf %gather3A_273, %gather3A_170 : vector<16xf32>
        %add3A_297 = arith.addf %gather3A_162, %mul3A_296 : vector<16xf32>
        tpu.vector_store_idx %arg11[%add3A_295], %add3A_297 masked %and3A_158 : memref<30720xf32, #tpu.memory_space<vmem>>[vector<16xi32>], vector<16xf32>, vector<16xi1>
        %add3A_298 = arith.constant 18432 : i32
        %add3A_299 = vector.broadcast %add3A_298 : i32 to vector<16xi32>
        %add3A_300 = arith.addi %add3A_287, %add3A_299 : vector<16xi32>
        %exp3A_301 = math.exp %gather3A_277 : vector<16xf32>
        %mul3A_302 = arith.mulf %gather3A_166, %exp3A_301 : vector<16xf32>
        tpu.vector_store_idx %arg11[%add3A_300], %mul3A_302 masked %and3A_158 : memref<30720xf32, #tpu.memory_space<vmem>>[vector<16xi32>], vector<16xf32>, vector<16xi1>
        %add3A_303 = arith.constant 24576 : i32
        %add3A_304 = vector.broadcast %add3A_303 : i32 to vector<16xi32>
        %add3A_305 = arith.addi %add3A_287, %add3A_304 : vector<16xi32>
        %exp3A_306 = math.exp %gather3A_281 : vector<16xf32>
        %mul3A_307 = arith.mulf %gather3A_170, %exp3A_306 : vector<16xf32>
        tpu.vector_store_idx %arg11[%add3A_305], %mul3A_307 masked %and3A_158 : memref<30720xf32, #tpu.memory_space<vmem>>[vector<16xi32>], vector<16xf32>, vector<16xi1>
        %add3A_308 = arith.constant 3 : i32
        %add3A_309 = vector.broadcast %add3A_308 : i32 to vector<16xi32>
        %add3A_310 = arith.addi %broadcast_in_dim3A_53, %add3A_309 : vector<16xi32>
        %gather3A_311 = tpu.vector_load_idx %arg9[%add3A_310, %sub3A_152] masked %and3A_158 : memref<16x1024xf32, #tpu.memory_space<vmem>>[vector<16xi32>, vector<16xi32>], vector<16xf32>, vector<16xi1>
        %add3A_312 = arith.constant 12 : i32
        %add3A_313 = vector.broadcast %add3A_312 : i32 to vector<16xi32>
        %add3A_314 = arith.addi %broadcast_in_dim3A_53, %add3A_313 : vector<16xi32>
        %gather3A_315 = tpu.vector_load_idx %arg8[%add3A_314, %sub3A_152] masked %and3A_158 : memref<64x1024xf32, #tpu.memory_space<vmem>>[vector<16xi32>, vector<16xi32>], vector<16xf32>, vector<16xi1>
        %add3A_316 = arith.constant 13 : i32
        %add3A_317 = vector.broadcast %add3A_316 : i32 to vector<16xi32>
        %add3A_318 = arith.addi %broadcast_in_dim3A_53, %add3A_317 : vector<16xi32>
        %gather3A_319 = tpu.vector_load_idx %arg8[%add3A_318, %sub3A_152] masked %and3A_158 : memref<64x1024xf32, #tpu.memory_space<vmem>>[vector<16xi32>, vector<16xi32>], vector<16xf32>, vector<16xi1>
        %add3A_320 = arith.constant 14 : i32
        %add3A_321 = vector.broadcast %add3A_320 : i32 to vector<16xi32>
        %add3A_322 = arith.addi %broadcast_in_dim3A_53, %add3A_321 : vector<16xi32>
        %gather3A_323 = tpu.vector_load_idx %arg8[%add3A_322, %sub3A_152] masked %and3A_158 : memref<64x1024xf32, #tpu.memory_space<vmem>>[vector<16xi32>, vector<16xi32>], vector<16xf32>, vector<16xi1>
        %add3A_324 = arith.constant 15 : i32
        %add3A_325 = vector.broadcast %add3A_324 : i32 to vector<16xi32>
        %add3A_326 = arith.addi %broadcast_in_dim3A_53, %add3A_325 : vector<16xi32>
        %gather3A_327 = tpu.vector_load_idx %arg8[%add3A_326, %sub3A_152] masked %and3A_158 : memref<64x1024xf32, #tpu.memory_space<vmem>>[vector<16xi32>, vector<16xi32>], vector<16xf32>, vector<16xi1>
        %mul3A_328 = arith.constant 16 : i32
        %mul3A_329 = arith.muli %scan3A_105, %mul3A_328 : i32
        %add3A_330 = arith.constant 1152 : i32
        %add3A_331 = arith.addi %add3A_330, %mul3A_329 : i32
        %add3A_332 = vector.broadcast %add3A_331 : i32 to vector<16xi32>
        %add3A_333 = arith.addi %add3A_332, %iota3A : vector<16xi32>
        tpu.vector_store_idx %arg11[%add3A_333], %gather3A_311 masked %and3A_158 : memref<30720xf32, #tpu.memory_space<vmem>>[vector<16xi32>], vector<16xf32>, vector<16xi1>
        %add3A_334 = arith.constant 6144 : i32
        %add3A_335 = vector.broadcast %add3A_334 : i32 to vector<16xi32>
        %add3A_336 = arith.addi %add3A_333, %add3A_335 : vector<16xi32>
        %mul3A_337 = arith.mulf %gather3A_315, %gather3A_166 : vector<16xf32>
        %add3A_338 = arith.addf %gather3A, %mul3A_337 : vector<16xf32>
        tpu.vector_store_idx %arg11[%add3A_336], %add3A_338 masked %and3A_158 : memref<30720xf32, #tpu.memory_space<vmem>>[vector<16xi32>], vector<16xf32>, vector<16xi1>
        %add3A_339 = arith.constant 12288 : i32
        %add3A_340 = vector.broadcast %add3A_339 : i32 to vector<16xi32>
        %add3A_341 = arith.addi %add3A_333, %add3A_340 : vector<16xi32>
        %mul3A_342 = arith.mulf %gather3A_319, %gather3A_170 : vector<16xf32>
        %add3A_343 = arith.addf %gather3A_162, %mul3A_342 : vector<16xf32>
        tpu.vector_store_idx %arg11[%add3A_341], %add3A_343 masked %and3A_158 : memref<30720xf32, #tpu.memory_space<vmem>>[vector<16xi32>], vector<16xf32>, vector<16xi1>
        %add3A_344 = arith.constant 18432 : i32
        %add3A_345 = vector.broadcast %add3A_344 : i32 to vector<16xi32>
        %add3A_346 = arith.addi %add3A_333, %add3A_345 : vector<16xi32>
        %exp3A_347 = math.exp %gather3A_323 : vector<16xf32>
        %mul3A_348 = arith.mulf %gather3A_166, %exp3A_347 : vector<16xf32>
        tpu.vector_store_idx %arg11[%add3A_346], %mul3A_348 masked %and3A_158 : memref<30720xf32, #tpu.memory_space<vmem>>[vector<16xi32>], vector<16xf32>, vector<16xi1>
        %add3A_349 = arith.constant 24576 : i32
        %add3A_350 = vector.broadcast %add3A_349 : i32 to vector<16xi32>
        %add3A_351 = arith.addi %add3A_333, %add3A_350 : vector<16xi32>
        %exp3A_352 = math.exp %gather3A_327 : vector<16xf32>
        %mul3A_353 = arith.mulf %gather3A_170, %exp3A_352 : vector<16xf32>
        tpu.vector_store_idx %arg11[%add3A_351], %mul3A_353 masked %and3A_158 : memref<30720xf32, #tpu.memory_space<vmem>>[vector<16xi32>], vector<16xf32>, vector<16xi1>
        %add3A_354 = arith.constant 4 : i32
        %add3A_355 = vector.broadcast %add3A_354 : i32 to vector<16xi32>
        %add3A_356 = arith.addi %broadcast_in_dim3A_53, %add3A_355 : vector<16xi32>
        %gather3A_357 = tpu.vector_load_idx %arg9[%add3A_356, %sub3A_152] masked %and3A_158 : memref<16x1024xf32, #tpu.memory_space<vmem>>[vector<16xi32>, vector<16xi32>], vector<16xf32>, vector<16xi1>
        %add3A_358 = arith.constant 16 : i32
        %add3A_359 = vector.broadcast %add3A_358 : i32 to vector<16xi32>
        %add3A_360 = arith.addi %broadcast_in_dim3A_53, %add3A_359 : vector<16xi32>
        %gather3A_361 = tpu.vector_load_idx %arg8[%add3A_360, %sub3A_152] masked %and3A_158 : memref<64x1024xf32, #tpu.memory_space<vmem>>[vector<16xi32>, vector<16xi32>], vector<16xf32>, vector<16xi1>
        %add3A_362 = arith.constant 17 : i32
        %add3A_363 = vector.broadcast %add3A_362 : i32 to vector<16xi32>
        %add3A_364 = arith.addi %broadcast_in_dim3A_53, %add3A_363 : vector<16xi32>
        %gather3A_365 = tpu.vector_load_idx %arg8[%add3A_364, %sub3A_152] masked %and3A_158 : memref<64x1024xf32, #tpu.memory_space<vmem>>[vector<16xi32>, vector<16xi32>], vector<16xf32>, vector<16xi1>
        %add3A_366 = arith.constant 18 : i32
        %add3A_367 = vector.broadcast %add3A_366 : i32 to vector<16xi32>
        %add3A_368 = arith.addi %broadcast_in_dim3A_53, %add3A_367 : vector<16xi32>
        %gather3A_369 = tpu.vector_load_idx %arg8[%add3A_368, %sub3A_152] masked %and3A_158 : memref<64x1024xf32, #tpu.memory_space<vmem>>[vector<16xi32>, vector<16xi32>], vector<16xf32>, vector<16xi1>
        %add3A_370 = arith.constant 19 : i32
        %add3A_371 = vector.broadcast %add3A_370 : i32 to vector<16xi32>
        %add3A_372 = arith.addi %broadcast_in_dim3A_53, %add3A_371 : vector<16xi32>
        %gather3A_373 = tpu.vector_load_idx %arg8[%add3A_372, %sub3A_152] masked %and3A_158 : memref<64x1024xf32, #tpu.memory_space<vmem>>[vector<16xi32>, vector<16xi32>], vector<16xf32>, vector<16xi1>
        %mul3A_374 = arith.constant 16 : i32
        %mul3A_375 = arith.muli %scan3A_105, %mul3A_374 : i32
        %add3A_376 = arith.constant 1536 : i32
        %add3A_377 = arith.addi %add3A_376, %mul3A_375 : i32
        %add3A_378 = vector.broadcast %add3A_377 : i32 to vector<16xi32>
        %add3A_379 = arith.addi %add3A_378, %iota3A : vector<16xi32>
        tpu.vector_store_idx %arg11[%add3A_379], %gather3A_357 masked %and3A_158 : memref<30720xf32, #tpu.memory_space<vmem>>[vector<16xi32>], vector<16xf32>, vector<16xi1>
        %add3A_380 = arith.constant 6144 : i32
        %add3A_381 = vector.broadcast %add3A_380 : i32 to vector<16xi32>
        %add3A_382 = arith.addi %add3A_379, %add3A_381 : vector<16xi32>
        %mul3A_383 = arith.mulf %gather3A_361, %gather3A_166 : vector<16xf32>
        %add3A_384 = arith.addf %gather3A, %mul3A_383 : vector<16xf32>
        tpu.vector_store_idx %arg11[%add3A_382], %add3A_384 masked %and3A_158 : memref<30720xf32, #tpu.memory_space<vmem>>[vector<16xi32>], vector<16xf32>, vector<16xi1>
        %add3A_385 = arith.constant 12288 : i32
        %add3A_386 = vector.broadcast %add3A_385 : i32 to vector<16xi32>
        %add3A_387 = arith.addi %add3A_379, %add3A_386 : vector<16xi32>
        %mul3A_388 = arith.mulf %gather3A_365, %gather3A_170 : vector<16xf32>
        %add3A_389 = arith.addf %gather3A_162, %mul3A_388 : vector<16xf32>
        tpu.vector_store_idx %arg11[%add3A_387], %add3A_389 masked %and3A_158 : memref<30720xf32, #tpu.memory_space<vmem>>[vector<16xi32>], vector<16xf32>, vector<16xi1>
        %add3A_390 = arith.constant 18432 : i32
        %add3A_391 = vector.broadcast %add3A_390 : i32 to vector<16xi32>
        %add3A_392 = arith.addi %add3A_379, %add3A_391 : vector<16xi32>
        %exp3A_393 = math.exp %gather3A_369 : vector<16xf32>
        %mul3A_394 = arith.mulf %gather3A_166, %exp3A_393 : vector<16xf32>
        tpu.vector_store_idx %arg11[%add3A_392], %mul3A_394 masked %and3A_158 : memref<30720xf32, #tpu.memory_space<vmem>>[vector<16xi32>], vector<16xf32>, vector<16xi1>
        %add3A_395 = arith.constant 24576 : i32
        %add3A_396 = vector.broadcast %add3A_395 : i32 to vector<16xi32>
        %add3A_397 = arith.addi %add3A_379, %add3A_396 : vector<16xi32>
        %exp3A_398 = math.exp %gather3A_373 : vector<16xf32>
        %mul3A_399 = arith.mulf %gather3A_170, %exp3A_398 : vector<16xf32>
        tpu.vector_store_idx %arg11[%add3A_397], %mul3A_399 masked %and3A_158 : memref<30720xf32, #tpu.memory_space<vmem>>[vector<16xi32>], vector<16xf32>, vector<16xi1>
        %add3A_400 = arith.constant 5 : i32
        %add3A_401 = vector.broadcast %add3A_400 : i32 to vector<16xi32>
        %add3A_402 = arith.addi %broadcast_in_dim3A_53, %add3A_401 : vector<16xi32>
        %gather3A_403 = tpu.vector_load_idx %arg9[%add3A_402, %sub3A_152] masked %and3A_158 : memref<16x1024xf32, #tpu.memory_space<vmem>>[vector<16xi32>, vector<16xi32>], vector<16xf32>, vector<16xi1>
        %add3A_404 = arith.constant 20 : i32
        %add3A_405 = vector.broadcast %add3A_404 : i32 to vector<16xi32>
        %add3A_406 = arith.addi %broadcast_in_dim3A_53, %add3A_405 : vector<16xi32>
        %gather3A_407 = tpu.vector_load_idx %arg8[%add3A_406, %sub3A_152] masked %and3A_158 : memref<64x1024xf32, #tpu.memory_space<vmem>>[vector<16xi32>, vector<16xi32>], vector<16xf32>, vector<16xi1>
        %add3A_408 = arith.constant 21 : i32
        %add3A_409 = vector.broadcast %add3A_408 : i32 to vector<16xi32>
        %add3A_410 = arith.addi %broadcast_in_dim3A_53, %add3A_409 : vector<16xi32>
        %gather3A_411 = tpu.vector_load_idx %arg8[%add3A_410, %sub3A_152] masked %and3A_158 : memref<64x1024xf32, #tpu.memory_space<vmem>>[vector<16xi32>, vector<16xi32>], vector<16xf32>, vector<16xi1>
        %add3A_412 = arith.constant 22 : i32
        %add3A_413 = vector.broadcast %add3A_412 : i32 to vector<16xi32>
        %add3A_414 = arith.addi %broadcast_in_dim3A_53, %add3A_413 : vector<16xi32>
        %gather3A_415 = tpu.vector_load_idx %arg8[%add3A_414, %sub3A_152] masked %and3A_158 : memref<64x1024xf32, #tpu.memory_space<vmem>>[vector<16xi32>, vector<16xi32>], vector<16xf32>, vector<16xi1>
        %add3A_416 = arith.constant 23 : i32
        %add3A_417 = vector.broadcast %add3A_416 : i32 to vector<16xi32>
        %add3A_418 = arith.addi %broadcast_in_dim3A_53, %add3A_417 : vector<16xi32>
        %gather3A_419 = tpu.vector_load_idx %arg8[%add3A_418, %sub3A_152] masked %and3A_158 : memref<64x1024xf32, #tpu.memory_space<vmem>>[vector<16xi32>, vector<16xi32>], vector<16xf32>, vector<16xi1>
        %mul3A_420 = arith.constant 16 : i32
        %mul3A_421 = arith.muli %scan3A_105, %mul3A_420 : i32
        %add3A_422 = arith.constant 1920 : i32
        %add3A_423 = arith.addi %add3A_422, %mul3A_421 : i32
        %add3A_424 = vector.broadcast %add3A_423 : i32 to vector<16xi32>
        %add3A_425 = arith.addi %add3A_424, %iota3A : vector<16xi32>
        tpu.vector_store_idx %arg11[%add3A_425], %gather3A_403 masked %and3A_158 : memref<30720xf32, #tpu.memory_space<vmem>>[vector<16xi32>], vector<16xf32>, vector<16xi1>
        %add3A_426 = arith.constant 6144 : i32
        %add3A_427 = vector.broadcast %add3A_426 : i32 to vector<16xi32>
        %add3A_428 = arith.addi %add3A_425, %add3A_427 : vector<16xi32>
        %mul3A_429 = arith.mulf %gather3A_407, %gather3A_166 : vector<16xf32>
        %add3A_430 = arith.addf %gather3A, %mul3A_429 : vector<16xf32>
        tpu.vector_store_idx %arg11[%add3A_428], %add3A_430 masked %and3A_158 : memref<30720xf32, #tpu.memory_space<vmem>>[vector<16xi32>], vector<16xf32>, vector<16xi1>
        %add3A_431 = arith.constant 12288 : i32
        %add3A_432 = vector.broadcast %add3A_431 : i32 to vector<16xi32>
        %add3A_433 = arith.addi %add3A_425, %add3A_432 : vector<16xi32>
        %mul3A_434 = arith.mulf %gather3A_411, %gather3A_170 : vector<16xf32>
        %add3A_435 = arith.addf %gather3A_162, %mul3A_434 : vector<16xf32>
        tpu.vector_store_idx %arg11[%add3A_433], %add3A_435 masked %and3A_158 : memref<30720xf32, #tpu.memory_space<vmem>>[vector<16xi32>], vector<16xf32>, vector<16xi1>
        %add3A_436 = arith.constant 18432 : i32
        %add3A_437 = vector.broadcast %add3A_436 : i32 to vector<16xi32>
        %add3A_438 = arith.addi %add3A_425, %add3A_437 : vector<16xi32>
        %exp3A_439 = math.exp %gather3A_415 : vector<16xf32>
        %mul3A_440 = arith.mulf %gather3A_166, %exp3A_439 : vector<16xf32>
        tpu.vector_store_idx %arg11[%add3A_438], %mul3A_440 masked %and3A_158 : memref<30720xf32, #tpu.memory_space<vmem>>[vector<16xi32>], vector<16xf32>, vector<16xi1>
        %add3A_441 = arith.constant 24576 : i32
        %add3A_442 = vector.broadcast %add3A_441 : i32 to vector<16xi32>
        %add3A_443 = arith.addi %add3A_425, %add3A_442 : vector<16xi32>
        %exp3A_444 = math.exp %gather3A_419 : vector<16xf32>
        %mul3A_445 = arith.mulf %gather3A_170, %exp3A_444 : vector<16xf32>
        tpu.vector_store_idx %arg11[%add3A_443], %mul3A_445 masked %and3A_158 : memref<30720xf32, #tpu.memory_space<vmem>>[vector<16xi32>], vector<16xf32>, vector<16xi1>
        %add3A_446 = arith.constant 6 : i32
        %add3A_447 = vector.broadcast %add3A_446 : i32 to vector<16xi32>
        %add3A_448 = arith.addi %broadcast_in_dim3A_53, %add3A_447 : vector<16xi32>
        %gather3A_449 = tpu.vector_load_idx %arg9[%add3A_448, %sub3A_152] masked %and3A_158 : memref<16x1024xf32, #tpu.memory_space<vmem>>[vector<16xi32>, vector<16xi32>], vector<16xf32>, vector<16xi1>
        %add3A_450 = arith.constant 24 : i32
        %add3A_451 = vector.broadcast %add3A_450 : i32 to vector<16xi32>
        %add3A_452 = arith.addi %broadcast_in_dim3A_53, %add3A_451 : vector<16xi32>
        %gather3A_453 = tpu.vector_load_idx %arg8[%add3A_452, %sub3A_152] masked %and3A_158 : memref<64x1024xf32, #tpu.memory_space<vmem>>[vector<16xi32>, vector<16xi32>], vector<16xf32>, vector<16xi1>
        %add3A_454 = arith.constant 25 : i32
        %add3A_455 = vector.broadcast %add3A_454 : i32 to vector<16xi32>
        %add3A_456 = arith.addi %broadcast_in_dim3A_53, %add3A_455 : vector<16xi32>
        %gather3A_457 = tpu.vector_load_idx %arg8[%add3A_456, %sub3A_152] masked %and3A_158 : memref<64x1024xf32, #tpu.memory_space<vmem>>[vector<16xi32>, vector<16xi32>], vector<16xf32>, vector<16xi1>
        %add3A_458 = arith.constant 26 : i32
        %add3A_459 = vector.broadcast %add3A_458 : i32 to vector<16xi32>
        %add3A_460 = arith.addi %broadcast_in_dim3A_53, %add3A_459 : vector<16xi32>
        %gather3A_461 = tpu.vector_load_idx %arg8[%add3A_460, %sub3A_152] masked %and3A_158 : memref<64x1024xf32, #tpu.memory_space<vmem>>[vector<16xi32>, vector<16xi32>], vector<16xf32>, vector<16xi1>
        %add3A_462 = arith.constant 27 : i32
        %add3A_463 = vector.broadcast %add3A_462 : i32 to vector<16xi32>
        %add3A_464 = arith.addi %broadcast_in_dim3A_53, %add3A_463 : vector<16xi32>
        %gather3A_465 = tpu.vector_load_idx %arg8[%add3A_464, %sub3A_152] masked %and3A_158 : memref<64x1024xf32, #tpu.memory_space<vmem>>[vector<16xi32>, vector<16xi32>], vector<16xf32>, vector<16xi1>
        %mul3A_466 = arith.constant 16 : i32
        %mul3A_467 = arith.muli %scan3A_105, %mul3A_466 : i32
        %add3A_468 = arith.constant 2304 : i32
        %add3A_469 = arith.addi %add3A_468, %mul3A_467 : i32
        %add3A_470 = vector.broadcast %add3A_469 : i32 to vector<16xi32>
        %add3A_471 = arith.addi %add3A_470, %iota3A : vector<16xi32>
        tpu.vector_store_idx %arg11[%add3A_471], %gather3A_449 masked %and3A_158 : memref<30720xf32, #tpu.memory_space<vmem>>[vector<16xi32>], vector<16xf32>, vector<16xi1>
        %add3A_472 = arith.constant 6144 : i32
        %add3A_473 = vector.broadcast %add3A_472 : i32 to vector<16xi32>
        %add3A_474 = arith.addi %add3A_471, %add3A_473 : vector<16xi32>
        %mul3A_475 = arith.mulf %gather3A_453, %gather3A_166 : vector<16xf32>
        %add3A_476 = arith.addf %gather3A, %mul3A_475 : vector<16xf32>
        tpu.vector_store_idx %arg11[%add3A_474], %add3A_476 masked %and3A_158 : memref<30720xf32, #tpu.memory_space<vmem>>[vector<16xi32>], vector<16xf32>, vector<16xi1>
        %add3A_477 = arith.constant 12288 : i32
        %add3A_478 = vector.broadcast %add3A_477 : i32 to vector<16xi32>
        %add3A_479 = arith.addi %add3A_471, %add3A_478 : vector<16xi32>
        %mul3A_480 = arith.mulf %gather3A_457, %gather3A_170 : vector<16xf32>
        %add3A_481 = arith.addf %gather3A_162, %mul3A_480 : vector<16xf32>
        tpu.vector_store_idx %arg11[%add3A_479], %add3A_481 masked %and3A_158 : memref<30720xf32, #tpu.memory_space<vmem>>[vector<16xi32>], vector<16xf32>, vector<16xi1>
        %add3A_482 = arith.constant 18432 : i32
        %add3A_483 = vector.broadcast %add3A_482 : i32 to vector<16xi32>
        %add3A_484 = arith.addi %add3A_471, %add3A_483 : vector<16xi32>
        %exp3A_485 = math.exp %gather3A_461 : vector<16xf32>
        %mul3A_486 = arith.mulf %gather3A_166, %exp3A_485 : vector<16xf32>
        tpu.vector_store_idx %arg11[%add3A_484], %mul3A_486 masked %and3A_158 : memref<30720xf32, #tpu.memory_space<vmem>>[vector<16xi32>], vector<16xf32>, vector<16xi1>
        %add3A_487 = arith.constant 24576 : i32
        %add3A_488 = vector.broadcast %add3A_487 : i32 to vector<16xi32>
        %add3A_489 = arith.addi %add3A_471, %add3A_488 : vector<16xi32>
        %exp3A_490 = math.exp %gather3A_465 : vector<16xf32>
        %mul3A_491 = arith.mulf %gather3A_170, %exp3A_490 : vector<16xf32>
        tpu.vector_store_idx %arg11[%add3A_489], %mul3A_491 masked %and3A_158 : memref<30720xf32, #tpu.memory_space<vmem>>[vector<16xi32>], vector<16xf32>, vector<16xi1>
        %add3A_492 = arith.constant 7 : i32
        %add3A_493 = vector.broadcast %add3A_492 : i32 to vector<16xi32>
        %add3A_494 = arith.addi %broadcast_in_dim3A_53, %add3A_493 : vector<16xi32>
        %gather3A_495 = tpu.vector_load_idx %arg9[%add3A_494, %sub3A_152] masked %and3A_158 : memref<16x1024xf32, #tpu.memory_space<vmem>>[vector<16xi32>, vector<16xi32>], vector<16xf32>, vector<16xi1>
        %add3A_496 = arith.constant 28 : i32
        %add3A_497 = vector.broadcast %add3A_496 : i32 to vector<16xi32>
        %add3A_498 = arith.addi %broadcast_in_dim3A_53, %add3A_497 : vector<16xi32>
        %gather3A_499 = tpu.vector_load_idx %arg8[%add3A_498, %sub3A_152] masked %and3A_158 : memref<64x1024xf32, #tpu.memory_space<vmem>>[vector<16xi32>, vector<16xi32>], vector<16xf32>, vector<16xi1>
        %add3A_500 = arith.constant 29 : i32
        %add3A_501 = vector.broadcast %add3A_500 : i32 to vector<16xi32>
        %add3A_502 = arith.addi %broadcast_in_dim3A_53, %add3A_501 : vector<16xi32>
        %gather3A_503 = tpu.vector_load_idx %arg8[%add3A_502, %sub3A_152] masked %and3A_158 : memref<64x1024xf32, #tpu.memory_space<vmem>>[vector<16xi32>, vector<16xi32>], vector<16xf32>, vector<16xi1>
        %add3A_504 = arith.constant 30 : i32
        %add3A_505 = vector.broadcast %add3A_504 : i32 to vector<16xi32>
        %add3A_506 = arith.addi %broadcast_in_dim3A_53, %add3A_505 : vector<16xi32>
        %gather3A_507 = tpu.vector_load_idx %arg8[%add3A_506, %sub3A_152] masked %and3A_158 : memref<64x1024xf32, #tpu.memory_space<vmem>>[vector<16xi32>, vector<16xi32>], vector<16xf32>, vector<16xi1>
        %add3A_508 = arith.constant 31 : i32
        %add3A_509 = vector.broadcast %add3A_508 : i32 to vector<16xi32>
        %add3A_510 = arith.addi %broadcast_in_dim3A_53, %add3A_509 : vector<16xi32>
        %gather3A_511 = tpu.vector_load_idx %arg8[%add3A_510, %sub3A_152] masked %and3A_158 : memref<64x1024xf32, #tpu.memory_space<vmem>>[vector<16xi32>, vector<16xi32>], vector<16xf32>, vector<16xi1>
        %mul3A_512 = arith.constant 16 : i32
        %mul3A_513 = arith.muli %scan3A_105, %mul3A_512 : i32
        %add3A_514 = arith.constant 2688 : i32
        %add3A_515 = arith.addi %add3A_514, %mul3A_513 : i32
        %add3A_516 = vector.broadcast %add3A_515 : i32 to vector<16xi32>
        %add3A_517 = arith.addi %add3A_516, %iota3A : vector<16xi32>
        tpu.vector_store_idx %arg11[%add3A_517], %gather3A_495 masked %and3A_158 : memref<30720xf32, #tpu.memory_space<vmem>>[vector<16xi32>], vector<16xf32>, vector<16xi1>
        %add3A_518 = arith.constant 6144 : i32
        %add3A_519 = vector.broadcast %add3A_518 : i32 to vector<16xi32>
        %add3A_520 = arith.addi %add3A_517, %add3A_519 : vector<16xi32>
        %mul3A_521 = arith.mulf %gather3A_499, %gather3A_166 : vector<16xf32>
        %add3A_522 = arith.addf %gather3A, %mul3A_521 : vector<16xf32>
        tpu.vector_store_idx %arg11[%add3A_520], %add3A_522 masked %and3A_158 : memref<30720xf32, #tpu.memory_space<vmem>>[vector<16xi32>], vector<16xf32>, vector<16xi1>
        %add3A_523 = arith.constant 12288 : i32
        %add3A_524 = vector.broadcast %add3A_523 : i32 to vector<16xi32>
        %add3A_525 = arith.addi %add3A_517, %add3A_524 : vector<16xi32>
        %mul3A_526 = arith.mulf %gather3A_503, %gather3A_170 : vector<16xf32>
        %add3A_527 = arith.addf %gather3A_162, %mul3A_526 : vector<16xf32>
        tpu.vector_store_idx %arg11[%add3A_525], %add3A_527 masked %and3A_158 : memref<30720xf32, #tpu.memory_space<vmem>>[vector<16xi32>], vector<16xf32>, vector<16xi1>
        %add3A_528 = arith.constant 18432 : i32
        %add3A_529 = vector.broadcast %add3A_528 : i32 to vector<16xi32>
        %add3A_530 = arith.addi %add3A_517, %add3A_529 : vector<16xi32>
        %exp3A_531 = math.exp %gather3A_507 : vector<16xf32>
        %mul3A_532 = arith.mulf %gather3A_166, %exp3A_531 : vector<16xf32>
        tpu.vector_store_idx %arg11[%add3A_530], %mul3A_532 masked %and3A_158 : memref<30720xf32, #tpu.memory_space<vmem>>[vector<16xi32>], vector<16xf32>, vector<16xi1>
        %add3A_533 = arith.constant 24576 : i32
        %add3A_534 = vector.broadcast %add3A_533 : i32 to vector<16xi32>
        %add3A_535 = arith.addi %add3A_517, %add3A_534 : vector<16xi32>
        %exp3A_536 = math.exp %gather3A_511 : vector<16xf32>
        %mul3A_537 = arith.mulf %gather3A_170, %exp3A_536 : vector<16xf32>
        tpu.vector_store_idx %arg11[%add3A_535], %mul3A_537 masked %and3A_158 : memref<30720xf32, #tpu.memory_space<vmem>>[vector<16xi32>], vector<16xf32>, vector<16xi1>
        %add3A_538 = arith.constant 8 : i32
        %add3A_539 = vector.broadcast %add3A_538 : i32 to vector<16xi32>
        %add3A_540 = arith.addi %broadcast_in_dim3A_53, %add3A_539 : vector<16xi32>
        %gather3A_541 = tpu.vector_load_idx %arg9[%add3A_540, %sub3A_152] masked %and3A_158 : memref<16x1024xf32, #tpu.memory_space<vmem>>[vector<16xi32>, vector<16xi32>], vector<16xf32>, vector<16xi1>
        %add3A_542 = arith.constant 32 : i32
        %add3A_543 = vector.broadcast %add3A_542 : i32 to vector<16xi32>
        %add3A_544 = arith.addi %broadcast_in_dim3A_53, %add3A_543 : vector<16xi32>
        %gather3A_545 = tpu.vector_load_idx %arg8[%add3A_544, %sub3A_152] masked %and3A_158 : memref<64x1024xf32, #tpu.memory_space<vmem>>[vector<16xi32>, vector<16xi32>], vector<16xf32>, vector<16xi1>
        %add3A_546 = arith.constant 33 : i32
        %add3A_547 = vector.broadcast %add3A_546 : i32 to vector<16xi32>
        %add3A_548 = arith.addi %broadcast_in_dim3A_53, %add3A_547 : vector<16xi32>
        %gather3A_549 = tpu.vector_load_idx %arg8[%add3A_548, %sub3A_152] masked %and3A_158 : memref<64x1024xf32, #tpu.memory_space<vmem>>[vector<16xi32>, vector<16xi32>], vector<16xf32>, vector<16xi1>
        %add3A_550 = arith.constant 34 : i32
        %add3A_551 = vector.broadcast %add3A_550 : i32 to vector<16xi32>
        %add3A_552 = arith.addi %broadcast_in_dim3A_53, %add3A_551 : vector<16xi32>
        %gather3A_553 = tpu.vector_load_idx %arg8[%add3A_552, %sub3A_152] masked %and3A_158 : memref<64x1024xf32, #tpu.memory_space<vmem>>[vector<16xi32>, vector<16xi32>], vector<16xf32>, vector<16xi1>
        %add3A_554 = arith.constant 35 : i32
        %add3A_555 = vector.broadcast %add3A_554 : i32 to vector<16xi32>
        %add3A_556 = arith.addi %broadcast_in_dim3A_53, %add3A_555 : vector<16xi32>
        %gather3A_557 = tpu.vector_load_idx %arg8[%add3A_556, %sub3A_152] masked %and3A_158 : memref<64x1024xf32, #tpu.memory_space<vmem>>[vector<16xi32>, vector<16xi32>], vector<16xf32>, vector<16xi1>
        %mul3A_558 = arith.constant 16 : i32
        %mul3A_559 = arith.muli %scan3A_105, %mul3A_558 : i32
        %add3A_560 = arith.constant 3072 : i32
        %add3A_561 = arith.addi %add3A_560, %mul3A_559 : i32
        %add3A_562 = vector.broadcast %add3A_561 : i32 to vector<16xi32>
        %add3A_563 = arith.addi %add3A_562, %iota3A : vector<16xi32>
        tpu.vector_store_idx %arg11[%add3A_563], %gather3A_541 masked %and3A_158 : memref<30720xf32, #tpu.memory_space<vmem>>[vector<16xi32>], vector<16xf32>, vector<16xi1>
        %add3A_564 = arith.constant 6144 : i32
        %add3A_565 = vector.broadcast %add3A_564 : i32 to vector<16xi32>
        %add3A_566 = arith.addi %add3A_563, %add3A_565 : vector<16xi32>
        %mul3A_567 = arith.mulf %gather3A_545, %gather3A_166 : vector<16xf32>
        %add3A_568 = arith.addf %gather3A, %mul3A_567 : vector<16xf32>
        tpu.vector_store_idx %arg11[%add3A_566], %add3A_568 masked %and3A_158 : memref<30720xf32, #tpu.memory_space<vmem>>[vector<16xi32>], vector<16xf32>, vector<16xi1>
        %add3A_569 = arith.constant 12288 : i32
        %add3A_570 = vector.broadcast %add3A_569 : i32 to vector<16xi32>
        %add3A_571 = arith.addi %add3A_563, %add3A_570 : vector<16xi32>
        %mul3A_572 = arith.mulf %gather3A_549, %gather3A_170 : vector<16xf32>
        %add3A_573 = arith.addf %gather3A_162, %mul3A_572 : vector<16xf32>
        tpu.vector_store_idx %arg11[%add3A_571], %add3A_573 masked %and3A_158 : memref<30720xf32, #tpu.memory_space<vmem>>[vector<16xi32>], vector<16xf32>, vector<16xi1>
        %add3A_574 = arith.constant 18432 : i32
        %add3A_575 = vector.broadcast %add3A_574 : i32 to vector<16xi32>
        %add3A_576 = arith.addi %add3A_563, %add3A_575 : vector<16xi32>
        %exp3A_577 = math.exp %gather3A_553 : vector<16xf32>
        %mul3A_578 = arith.mulf %gather3A_166, %exp3A_577 : vector<16xf32>
        tpu.vector_store_idx %arg11[%add3A_576], %mul3A_578 masked %and3A_158 : memref<30720xf32, #tpu.memory_space<vmem>>[vector<16xi32>], vector<16xf32>, vector<16xi1>
        %add3A_579 = arith.constant 24576 : i32
        %add3A_580 = vector.broadcast %add3A_579 : i32 to vector<16xi32>
        %add3A_581 = arith.addi %add3A_563, %add3A_580 : vector<16xi32>
        %exp3A_582 = math.exp %gather3A_557 : vector<16xf32>
        %mul3A_583 = arith.mulf %gather3A_170, %exp3A_582 : vector<16xf32>
        tpu.vector_store_idx %arg11[%add3A_581], %mul3A_583 masked %and3A_158 : memref<30720xf32, #tpu.memory_space<vmem>>[vector<16xi32>], vector<16xf32>, vector<16xi1>
        %add3A_584 = arith.constant 9 : i32
        %add3A_585 = vector.broadcast %add3A_584 : i32 to vector<16xi32>
        %add3A_586 = arith.addi %broadcast_in_dim3A_53, %add3A_585 : vector<16xi32>
        %gather3A_587 = tpu.vector_load_idx %arg9[%add3A_586, %sub3A_152] masked %and3A_158 : memref<16x1024xf32, #tpu.memory_space<vmem>>[vector<16xi32>, vector<16xi32>], vector<16xf32>, vector<16xi1>
        %add3A_588 = arith.constant 36 : i32
        %add3A_589 = vector.broadcast %add3A_588 : i32 to vector<16xi32>
        %add3A_590 = arith.addi %broadcast_in_dim3A_53, %add3A_589 : vector<16xi32>
        %gather3A_591 = tpu.vector_load_idx %arg8[%add3A_590, %sub3A_152] masked %and3A_158 : memref<64x1024xf32, #tpu.memory_space<vmem>>[vector<16xi32>, vector<16xi32>], vector<16xf32>, vector<16xi1>
        %add3A_592 = arith.constant 37 : i32
        %add3A_593 = vector.broadcast %add3A_592 : i32 to vector<16xi32>
        %add3A_594 = arith.addi %broadcast_in_dim3A_53, %add3A_593 : vector<16xi32>
        %gather3A_595 = tpu.vector_load_idx %arg8[%add3A_594, %sub3A_152] masked %and3A_158 : memref<64x1024xf32, #tpu.memory_space<vmem>>[vector<16xi32>, vector<16xi32>], vector<16xf32>, vector<16xi1>
        %add3A_596 = arith.constant 38 : i32
        %add3A_597 = vector.broadcast %add3A_596 : i32 to vector<16xi32>
        %add3A_598 = arith.addi %broadcast_in_dim3A_53, %add3A_597 : vector<16xi32>
        %gather3A_599 = tpu.vector_load_idx %arg8[%add3A_598, %sub3A_152] masked %and3A_158 : memref<64x1024xf32, #tpu.memory_space<vmem>>[vector<16xi32>, vector<16xi32>], vector<16xf32>, vector<16xi1>
        %add3A_600 = arith.constant 39 : i32
        %add3A_601 = vector.broadcast %add3A_600 : i32 to vector<16xi32>
        %add3A_602 = arith.addi %broadcast_in_dim3A_53, %add3A_601 : vector<16xi32>
        %gather3A_603 = tpu.vector_load_idx %arg8[%add3A_602, %sub3A_152] masked %and3A_158 : memref<64x1024xf32, #tpu.memory_space<vmem>>[vector<16xi32>, vector<16xi32>], vector<16xf32>, vector<16xi1>
        %mul3A_604 = arith.constant 16 : i32
        %mul3A_605 = arith.muli %scan3A_105, %mul3A_604 : i32
        %add3A_606 = arith.constant 3456 : i32
        %add3A_607 = arith.addi %add3A_606, %mul3A_605 : i32
        %add3A_608 = vector.broadcast %add3A_607 : i32 to vector<16xi32>
        %add3A_609 = arith.addi %add3A_608, %iota3A : vector<16xi32>
        tpu.vector_store_idx %arg11[%add3A_609], %gather3A_587 masked %and3A_158 : memref<30720xf32, #tpu.memory_space<vmem>>[vector<16xi32>], vector<16xf32>, vector<16xi1>
        %add3A_610 = arith.constant 6144 : i32
        %add3A_611 = vector.broadcast %add3A_610 : i32 to vector<16xi32>
        %add3A_612 = arith.addi %add3A_609, %add3A_611 : vector<16xi32>
        %mul3A_613 = arith.mulf %gather3A_591, %gather3A_166 : vector<16xf32>
        %add3A_614 = arith.addf %gather3A, %mul3A_613 : vector<16xf32>
        tpu.vector_store_idx %arg11[%add3A_612], %add3A_614 masked %and3A_158 : memref<30720xf32, #tpu.memory_space<vmem>>[vector<16xi32>], vector<16xf32>, vector<16xi1>
        %add3A_615 = arith.constant 12288 : i32
        %add3A_616 = vector.broadcast %add3A_615 : i32 to vector<16xi32>
        %add3A_617 = arith.addi %add3A_609, %add3A_616 : vector<16xi32>
        %mul3A_618 = arith.mulf %gather3A_595, %gather3A_170 : vector<16xf32>
        %add3A_619 = arith.addf %gather3A_162, %mul3A_618 : vector<16xf32>
        tpu.vector_store_idx %arg11[%add3A_617], %add3A_619 masked %and3A_158 : memref<30720xf32, #tpu.memory_space<vmem>>[vector<16xi32>], vector<16xf32>, vector<16xi1>
        %add3A_620 = arith.constant 18432 : i32
        %add3A_621 = vector.broadcast %add3A_620 : i32 to vector<16xi32>
        %add3A_622 = arith.addi %add3A_609, %add3A_621 : vector<16xi32>
        %exp3A_623 = math.exp %gather3A_599 : vector<16xf32>
        %mul3A_624 = arith.mulf %gather3A_166, %exp3A_623 : vector<16xf32>
        tpu.vector_store_idx %arg11[%add3A_622], %mul3A_624 masked %and3A_158 : memref<30720xf32, #tpu.memory_space<vmem>>[vector<16xi32>], vector<16xf32>, vector<16xi1>
        %add3A_625 = arith.constant 24576 : i32
        %add3A_626 = vector.broadcast %add3A_625 : i32 to vector<16xi32>
        %add3A_627 = arith.addi %add3A_609, %add3A_626 : vector<16xi32>
        %exp3A_628 = math.exp %gather3A_603 : vector<16xf32>
        %mul3A_629 = arith.mulf %gather3A_170, %exp3A_628 : vector<16xf32>
        tpu.vector_store_idx %arg11[%add3A_627], %mul3A_629 masked %and3A_158 : memref<30720xf32, #tpu.memory_space<vmem>>[vector<16xi32>], vector<16xf32>, vector<16xi1>
        %add3A_630 = arith.constant 10 : i32
        %add3A_631 = vector.broadcast %add3A_630 : i32 to vector<16xi32>
        %add3A_632 = arith.addi %broadcast_in_dim3A_53, %add3A_631 : vector<16xi32>
        %gather3A_633 = tpu.vector_load_idx %arg9[%add3A_632, %sub3A_152] masked %and3A_158 : memref<16x1024xf32, #tpu.memory_space<vmem>>[vector<16xi32>, vector<16xi32>], vector<16xf32>, vector<16xi1>
        %add3A_634 = arith.constant 40 : i32
        %add3A_635 = vector.broadcast %add3A_634 : i32 to vector<16xi32>
        %add3A_636 = arith.addi %broadcast_in_dim3A_53, %add3A_635 : vector<16xi32>
        %gather3A_637 = tpu.vector_load_idx %arg8[%add3A_636, %sub3A_152] masked %and3A_158 : memref<64x1024xf32, #tpu.memory_space<vmem>>[vector<16xi32>, vector<16xi32>], vector<16xf32>, vector<16xi1>
        %add3A_638 = arith.constant 41 : i32
        %add3A_639 = vector.broadcast %add3A_638 : i32 to vector<16xi32>
        %add3A_640 = arith.addi %broadcast_in_dim3A_53, %add3A_639 : vector<16xi32>
        %gather3A_641 = tpu.vector_load_idx %arg8[%add3A_640, %sub3A_152] masked %and3A_158 : memref<64x1024xf32, #tpu.memory_space<vmem>>[vector<16xi32>, vector<16xi32>], vector<16xf32>, vector<16xi1>
        %add3A_642 = arith.constant 42 : i32
        %add3A_643 = vector.broadcast %add3A_642 : i32 to vector<16xi32>
        %add3A_644 = arith.addi %broadcast_in_dim3A_53, %add3A_643 : vector<16xi32>
        %gather3A_645 = tpu.vector_load_idx %arg8[%add3A_644, %sub3A_152] masked %and3A_158 : memref<64x1024xf32, #tpu.memory_space<vmem>>[vector<16xi32>, vector<16xi32>], vector<16xf32>, vector<16xi1>
        %add3A_646 = arith.constant 43 : i32
        %add3A_647 = vector.broadcast %add3A_646 : i32 to vector<16xi32>
        %add3A_648 = arith.addi %broadcast_in_dim3A_53, %add3A_647 : vector<16xi32>
        %gather3A_649 = tpu.vector_load_idx %arg8[%add3A_648, %sub3A_152] masked %and3A_158 : memref<64x1024xf32, #tpu.memory_space<vmem>>[vector<16xi32>, vector<16xi32>], vector<16xf32>, vector<16xi1>
        %mul3A_650 = arith.constant 16 : i32
        %mul3A_651 = arith.muli %scan3A_105, %mul3A_650 : i32
        %add3A_652 = arith.constant 3840 : i32
        %add3A_653 = arith.addi %add3A_652, %mul3A_651 : i32
        %add3A_654 = vector.broadcast %add3A_653 : i32 to vector<16xi32>
        %add3A_655 = arith.addi %add3A_654, %iota3A : vector<16xi32>
        tpu.vector_store_idx %arg11[%add3A_655], %gather3A_633 masked %and3A_158 : memref<30720xf32, #tpu.memory_space<vmem>>[vector<16xi32>], vector<16xf32>, vector<16xi1>
        %add3A_656 = arith.constant 6144 : i32
        %add3A_657 = vector.broadcast %add3A_656 : i32 to vector<16xi32>
        %add3A_658 = arith.addi %add3A_655, %add3A_657 : vector<16xi32>
        %mul3A_659 = arith.mulf %gather3A_637, %gather3A_166 : vector<16xf32>
        %add3A_660 = arith.addf %gather3A, %mul3A_659 : vector<16xf32>
        tpu.vector_store_idx %arg11[%add3A_658], %add3A_660 masked %and3A_158 : memref<30720xf32, #tpu.memory_space<vmem>>[vector<16xi32>], vector<16xf32>, vector<16xi1>
        %add3A_661 = arith.constant 12288 : i32
        %add3A_662 = vector.broadcast %add3A_661 : i32 to vector<16xi32>
        %add3A_663 = arith.addi %add3A_655, %add3A_662 : vector<16xi32>
        %mul3A_664 = arith.mulf %gather3A_641, %gather3A_170 : vector<16xf32>
        %add3A_665 = arith.addf %gather3A_162, %mul3A_664 : vector<16xf32>
        tpu.vector_store_idx %arg11[%add3A_663], %add3A_665 masked %and3A_158 : memref<30720xf32, #tpu.memory_space<vmem>>[vector<16xi32>], vector<16xf32>, vector<16xi1>
        %add3A_666 = arith.constant 18432 : i32
        %add3A_667 = vector.broadcast %add3A_666 : i32 to vector<16xi32>
        %add3A_668 = arith.addi %add3A_655, %add3A_667 : vector<16xi32>
        %exp3A_669 = math.exp %gather3A_645 : vector<16xf32>
        %mul3A_670 = arith.mulf %gather3A_166, %exp3A_669 : vector<16xf32>
        tpu.vector_store_idx %arg11[%add3A_668], %mul3A_670 masked %and3A_158 : memref<30720xf32, #tpu.memory_space<vmem>>[vector<16xi32>], vector<16xf32>, vector<16xi1>
        %add3A_671 = arith.constant 24576 : i32
        %add3A_672 = vector.broadcast %add3A_671 : i32 to vector<16xi32>
        %add3A_673 = arith.addi %add3A_655, %add3A_672 : vector<16xi32>
        %exp3A_674 = math.exp %gather3A_649 : vector<16xf32>
        %mul3A_675 = arith.mulf %gather3A_170, %exp3A_674 : vector<16xf32>
        tpu.vector_store_idx %arg11[%add3A_673], %mul3A_675 masked %and3A_158 : memref<30720xf32, #tpu.memory_space<vmem>>[vector<16xi32>], vector<16xf32>, vector<16xi1>
        %add3A_676 = arith.constant 11 : i32
        %add3A_677 = vector.broadcast %add3A_676 : i32 to vector<16xi32>
        %add3A_678 = arith.addi %broadcast_in_dim3A_53, %add3A_677 : vector<16xi32>
        %gather3A_679 = tpu.vector_load_idx %arg9[%add3A_678, %sub3A_152] masked %and3A_158 : memref<16x1024xf32, #tpu.memory_space<vmem>>[vector<16xi32>, vector<16xi32>], vector<16xf32>, vector<16xi1>
        %add3A_680 = arith.constant 44 : i32
        %add3A_681 = vector.broadcast %add3A_680 : i32 to vector<16xi32>
        %add3A_682 = arith.addi %broadcast_in_dim3A_53, %add3A_681 : vector<16xi32>
        %gather3A_683 = tpu.vector_load_idx %arg8[%add3A_682, %sub3A_152] masked %and3A_158 : memref<64x1024xf32, #tpu.memory_space<vmem>>[vector<16xi32>, vector<16xi32>], vector<16xf32>, vector<16xi1>
        %add3A_684 = arith.constant 45 : i32
        %add3A_685 = vector.broadcast %add3A_684 : i32 to vector<16xi32>
        %add3A_686 = arith.addi %broadcast_in_dim3A_53, %add3A_685 : vector<16xi32>
        %gather3A_687 = tpu.vector_load_idx %arg8[%add3A_686, %sub3A_152] masked %and3A_158 : memref<64x1024xf32, #tpu.memory_space<vmem>>[vector<16xi32>, vector<16xi32>], vector<16xf32>, vector<16xi1>
        %add3A_688 = arith.constant 46 : i32
        %add3A_689 = vector.broadcast %add3A_688 : i32 to vector<16xi32>
        %add3A_690 = arith.addi %broadcast_in_dim3A_53, %add3A_689 : vector<16xi32>
        %gather3A_691 = tpu.vector_load_idx %arg8[%add3A_690, %sub3A_152] masked %and3A_158 : memref<64x1024xf32, #tpu.memory_space<vmem>>[vector<16xi32>, vector<16xi32>], vector<16xf32>, vector<16xi1>
        %add3A_692 = arith.constant 47 : i32
        %add3A_693 = vector.broadcast %add3A_692 : i32 to vector<16xi32>
        %add3A_694 = arith.addi %broadcast_in_dim3A_53, %add3A_693 : vector<16xi32>
        %gather3A_695 = tpu.vector_load_idx %arg8[%add3A_694, %sub3A_152] masked %and3A_158 : memref<64x1024xf32, #tpu.memory_space<vmem>>[vector<16xi32>, vector<16xi32>], vector<16xf32>, vector<16xi1>
        %mul3A_696 = arith.constant 16 : i32
        %mul3A_697 = arith.muli %scan3A_105, %mul3A_696 : i32
        %add3A_698 = arith.constant 4224 : i32
        %add3A_699 = arith.addi %add3A_698, %mul3A_697 : i32
        %add3A_700 = vector.broadcast %add3A_699 : i32 to vector<16xi32>
        %add3A_701 = arith.addi %add3A_700, %iota3A : vector<16xi32>
        tpu.vector_store_idx %arg11[%add3A_701], %gather3A_679 masked %and3A_158 : memref<30720xf32, #tpu.memory_space<vmem>>[vector<16xi32>], vector<16xf32>, vector<16xi1>
        %add3A_702 = arith.constant 6144 : i32
        %add3A_703 = vector.broadcast %add3A_702 : i32 to vector<16xi32>
        %add3A_704 = arith.addi %add3A_701, %add3A_703 : vector<16xi32>
        %mul3A_705 = arith.mulf %gather3A_683, %gather3A_166 : vector<16xf32>
        %add3A_706 = arith.addf %gather3A, %mul3A_705 : vector<16xf32>
        tpu.vector_store_idx %arg11[%add3A_704], %add3A_706 masked %and3A_158 : memref<30720xf32, #tpu.memory_space<vmem>>[vector<16xi32>], vector<16xf32>, vector<16xi1>
        %add3A_707 = arith.constant 12288 : i32
        %add3A_708 = vector.broadcast %add3A_707 : i32 to vector<16xi32>
        %add3A_709 = arith.addi %add3A_701, %add3A_708 : vector<16xi32>
        %mul3A_710 = arith.mulf %gather3A_687, %gather3A_170 : vector<16xf32>
        %add3A_711 = arith.addf %gather3A_162, %mul3A_710 : vector<16xf32>
        tpu.vector_store_idx %arg11[%add3A_709], %add3A_711 masked %and3A_158 : memref<30720xf32, #tpu.memory_space<vmem>>[vector<16xi32>], vector<16xf32>, vector<16xi1>
        %add3A_712 = arith.constant 18432 : i32
        %add3A_713 = vector.broadcast %add3A_712 : i32 to vector<16xi32>
        %add3A_714 = arith.addi %add3A_701, %add3A_713 : vector<16xi32>
        %exp3A_715 = math.exp %gather3A_691 : vector<16xf32>
        %mul3A_716 = arith.mulf %gather3A_166, %exp3A_715 : vector<16xf32>
        tpu.vector_store_idx %arg11[%add3A_714], %mul3A_716 masked %and3A_158 : memref<30720xf32, #tpu.memory_space<vmem>>[vector<16xi32>], vector<16xf32>, vector<16xi1>
        %add3A_717 = arith.constant 24576 : i32
        %add3A_718 = vector.broadcast %add3A_717 : i32 to vector<16xi32>
        %add3A_719 = arith.addi %add3A_701, %add3A_718 : vector<16xi32>
        %exp3A_720 = math.exp %gather3A_695 : vector<16xf32>
        %mul3A_721 = arith.mulf %gather3A_170, %exp3A_720 : vector<16xf32>
        tpu.vector_store_idx %arg11[%add3A_719], %mul3A_721 masked %and3A_158 : memref<30720xf32, #tpu.memory_space<vmem>>[vector<16xi32>], vector<16xf32>, vector<16xi1>
        %add3A_722 = arith.constant 12 : i32
        %add3A_723 = vector.broadcast %add3A_722 : i32 to vector<16xi32>
        %add3A_724 = arith.addi %broadcast_in_dim3A_53, %add3A_723 : vector<16xi32>
        %gather3A_725 = tpu.vector_load_idx %arg9[%add3A_724, %sub3A_152] masked %and3A_158 : memref<16x1024xf32, #tpu.memory_space<vmem>>[vector<16xi32>, vector<16xi32>], vector<16xf32>, vector<16xi1>
        %add3A_726 = arith.constant 48 : i32
        %add3A_727 = vector.broadcast %add3A_726 : i32 to vector<16xi32>
        %add3A_728 = arith.addi %broadcast_in_dim3A_53, %add3A_727 : vector<16xi32>
        %gather3A_729 = tpu.vector_load_idx %arg8[%add3A_728, %sub3A_152] masked %and3A_158 : memref<64x1024xf32, #tpu.memory_space<vmem>>[vector<16xi32>, vector<16xi32>], vector<16xf32>, vector<16xi1>
        %add3A_730 = arith.constant 49 : i32
        %add3A_731 = vector.broadcast %add3A_730 : i32 to vector<16xi32>
        %add3A_732 = arith.addi %broadcast_in_dim3A_53, %add3A_731 : vector<16xi32>
        %gather3A_733 = tpu.vector_load_idx %arg8[%add3A_732, %sub3A_152] masked %and3A_158 : memref<64x1024xf32, #tpu.memory_space<vmem>>[vector<16xi32>, vector<16xi32>], vector<16xf32>, vector<16xi1>
        %add3A_734 = arith.constant 50 : i32
        %add3A_735 = vector.broadcast %add3A_734 : i32 to vector<16xi32>
        %add3A_736 = arith.addi %broadcast_in_dim3A_53, %add3A_735 : vector<16xi32>
        %gather3A_737 = tpu.vector_load_idx %arg8[%add3A_736, %sub3A_152] masked %and3A_158 : memref<64x1024xf32, #tpu.memory_space<vmem>>[vector<16xi32>, vector<16xi32>], vector<16xf32>, vector<16xi1>
        %add3A_738 = arith.constant 51 : i32
        %add3A_739 = vector.broadcast %add3A_738 : i32 to vector<16xi32>
        %add3A_740 = arith.addi %broadcast_in_dim3A_53, %add3A_739 : vector<16xi32>
        %gather3A_741 = tpu.vector_load_idx %arg8[%add3A_740, %sub3A_152] masked %and3A_158 : memref<64x1024xf32, #tpu.memory_space<vmem>>[vector<16xi32>, vector<16xi32>], vector<16xf32>, vector<16xi1>
        %mul3A_742 = arith.constant 16 : i32
        %mul3A_743 = arith.muli %scan3A_105, %mul3A_742 : i32
        %add3A_744 = arith.constant 4608 : i32
        %add3A_745 = arith.addi %add3A_744, %mul3A_743 : i32
        %add3A_746 = vector.broadcast %add3A_745 : i32 to vector<16xi32>
        %add3A_747 = arith.addi %add3A_746, %iota3A : vector<16xi32>
        tpu.vector_store_idx %arg11[%add3A_747], %gather3A_725 masked %and3A_158 : memref<30720xf32, #tpu.memory_space<vmem>>[vector<16xi32>], vector<16xf32>, vector<16xi1>
        %add3A_748 = arith.constant 6144 : i32
        %add3A_749 = vector.broadcast %add3A_748 : i32 to vector<16xi32>
        %add3A_750 = arith.addi %add3A_747, %add3A_749 : vector<16xi32>
        %mul3A_751 = arith.mulf %gather3A_729, %gather3A_166 : vector<16xf32>
        %add3A_752 = arith.addf %gather3A, %mul3A_751 : vector<16xf32>
        tpu.vector_store_idx %arg11[%add3A_750], %add3A_752 masked %and3A_158 : memref<30720xf32, #tpu.memory_space<vmem>>[vector<16xi32>], vector<16xf32>, vector<16xi1>
        %add3A_753 = arith.constant 12288 : i32
        %add3A_754 = vector.broadcast %add3A_753 : i32 to vector<16xi32>
        %add3A_755 = arith.addi %add3A_747, %add3A_754 : vector<16xi32>
        %mul3A_756 = arith.mulf %gather3A_733, %gather3A_170 : vector<16xf32>
        %add3A_757 = arith.addf %gather3A_162, %mul3A_756 : vector<16xf32>
        tpu.vector_store_idx %arg11[%add3A_755], %add3A_757 masked %and3A_158 : memref<30720xf32, #tpu.memory_space<vmem>>[vector<16xi32>], vector<16xf32>, vector<16xi1>
        %add3A_758 = arith.constant 18432 : i32
        %add3A_759 = vector.broadcast %add3A_758 : i32 to vector<16xi32>
        %add3A_760 = arith.addi %add3A_747, %add3A_759 : vector<16xi32>
        %exp3A_761 = math.exp %gather3A_737 : vector<16xf32>
        %mul3A_762 = arith.mulf %gather3A_166, %exp3A_761 : vector<16xf32>
        tpu.vector_store_idx %arg11[%add3A_760], %mul3A_762 masked %and3A_158 : memref<30720xf32, #tpu.memory_space<vmem>>[vector<16xi32>], vector<16xf32>, vector<16xi1>
        %add3A_763 = arith.constant 24576 : i32
        %add3A_764 = vector.broadcast %add3A_763 : i32 to vector<16xi32>
        %add3A_765 = arith.addi %add3A_747, %add3A_764 : vector<16xi32>
        %exp3A_766 = math.exp %gather3A_741 : vector<16xf32>
        %mul3A_767 = arith.mulf %gather3A_170, %exp3A_766 : vector<16xf32>
        tpu.vector_store_idx %arg11[%add3A_765], %mul3A_767 masked %and3A_158 : memref<30720xf32, #tpu.memory_space<vmem>>[vector<16xi32>], vector<16xf32>, vector<16xi1>
        %add3A_768 = arith.constant 13 : i32
        %add3A_769 = vector.broadcast %add3A_768 : i32 to vector<16xi32>
        %add3A_770 = arith.addi %broadcast_in_dim3A_53, %add3A_769 : vector<16xi32>
        %gather3A_771 = tpu.vector_load_idx %arg9[%add3A_770, %sub3A_152] masked %and3A_158 : memref<16x1024xf32, #tpu.memory_space<vmem>>[vector<16xi32>, vector<16xi32>], vector<16xf32>, vector<16xi1>
        %add3A_772 = arith.constant 52 : i32
        %add3A_773 = vector.broadcast %add3A_772 : i32 to vector<16xi32>
        %add3A_774 = arith.addi %broadcast_in_dim3A_53, %add3A_773 : vector<16xi32>
        %gather3A_775 = tpu.vector_load_idx %arg8[%add3A_774, %sub3A_152] masked %and3A_158 : memref<64x1024xf32, #tpu.memory_space<vmem>>[vector<16xi32>, vector<16xi32>], vector<16xf32>, vector<16xi1>
        %add3A_776 = arith.constant 53 : i32
        %add3A_777 = vector.broadcast %add3A_776 : i32 to vector<16xi32>
        %add3A_778 = arith.addi %broadcast_in_dim3A_53, %add3A_777 : vector<16xi32>
        %gather3A_779 = tpu.vector_load_idx %arg8[%add3A_778, %sub3A_152] masked %and3A_158 : memref<64x1024xf32, #tpu.memory_space<vmem>>[vector<16xi32>, vector<16xi32>], vector<16xf32>, vector<16xi1>
        %add3A_780 = arith.constant 54 : i32
        %add3A_781 = vector.broadcast %add3A_780 : i32 to vector<16xi32>
        %add3A_782 = arith.addi %broadcast_in_dim3A_53, %add3A_781 : vector<16xi32>
        %gather3A_783 = tpu.vector_load_idx %arg8[%add3A_782, %sub3A_152] masked %and3A_158 : memref<64x1024xf32, #tpu.memory_space<vmem>>[vector<16xi32>, vector<16xi32>], vector<16xf32>, vector<16xi1>
        %add3A_784 = arith.constant 55 : i32
        %add3A_785 = vector.broadcast %add3A_784 : i32 to vector<16xi32>
        %add3A_786 = arith.addi %broadcast_in_dim3A_53, %add3A_785 : vector<16xi32>
        %gather3A_787 = tpu.vector_load_idx %arg8[%add3A_786, %sub3A_152] masked %and3A_158 : memref<64x1024xf32, #tpu.memory_space<vmem>>[vector<16xi32>, vector<16xi32>], vector<16xf32>, vector<16xi1>
        %mul3A_788 = arith.constant 16 : i32
        %mul3A_789 = arith.muli %scan3A_105, %mul3A_788 : i32
        %add3A_790 = arith.constant 4992 : i32
        %add3A_791 = arith.addi %add3A_790, %mul3A_789 : i32
        %add3A_792 = vector.broadcast %add3A_791 : i32 to vector<16xi32>
        %add3A_793 = arith.addi %add3A_792, %iota3A : vector<16xi32>
        tpu.vector_store_idx %arg11[%add3A_793], %gather3A_771 masked %and3A_158 : memref<30720xf32, #tpu.memory_space<vmem>>[vector<16xi32>], vector<16xf32>, vector<16xi1>
        %add3A_794 = arith.constant 6144 : i32
        %add3A_795 = vector.broadcast %add3A_794 : i32 to vector<16xi32>
        %add3A_796 = arith.addi %add3A_793, %add3A_795 : vector<16xi32>
        %mul3A_797 = arith.mulf %gather3A_775, %gather3A_166 : vector<16xf32>
        %add3A_798 = arith.addf %gather3A, %mul3A_797 : vector<16xf32>
        tpu.vector_store_idx %arg11[%add3A_796], %add3A_798 masked %and3A_158 : memref<30720xf32, #tpu.memory_space<vmem>>[vector<16xi32>], vector<16xf32>, vector<16xi1>
        %add3A_799 = arith.constant 12288 : i32
        %add3A_800 = vector.broadcast %add3A_799 : i32 to vector<16xi32>
        %add3A_801 = arith.addi %add3A_793, %add3A_800 : vector<16xi32>
        %mul3A_802 = arith.mulf %gather3A_779, %gather3A_170 : vector<16xf32>
        %add3A_803 = arith.addf %gather3A_162, %mul3A_802 : vector<16xf32>
        tpu.vector_store_idx %arg11[%add3A_801], %add3A_803 masked %and3A_158 : memref<30720xf32, #tpu.memory_space<vmem>>[vector<16xi32>], vector<16xf32>, vector<16xi1>
        %add3A_804 = arith.constant 18432 : i32
        %add3A_805 = vector.broadcast %add3A_804 : i32 to vector<16xi32>
        %add3A_806 = arith.addi %add3A_793, %add3A_805 : vector<16xi32>
        %exp3A_807 = math.exp %gather3A_783 : vector<16xf32>
        %mul3A_808 = arith.mulf %gather3A_166, %exp3A_807 : vector<16xf32>
        tpu.vector_store_idx %arg11[%add3A_806], %mul3A_808 masked %and3A_158 : memref<30720xf32, #tpu.memory_space<vmem>>[vector<16xi32>], vector<16xf32>, vector<16xi1>
        %add3A_809 = arith.constant 24576 : i32
        %add3A_810 = vector.broadcast %add3A_809 : i32 to vector<16xi32>
        %add3A_811 = arith.addi %add3A_793, %add3A_810 : vector<16xi32>
        %exp3A_812 = math.exp %gather3A_787 : vector<16xf32>
        %mul3A_813 = arith.mulf %gather3A_170, %exp3A_812 : vector<16xf32>
        tpu.vector_store_idx %arg11[%add3A_811], %mul3A_813 masked %and3A_158 : memref<30720xf32, #tpu.memory_space<vmem>>[vector<16xi32>], vector<16xf32>, vector<16xi1>
        %add3A_814 = arith.constant 14 : i32
        %add3A_815 = vector.broadcast %add3A_814 : i32 to vector<16xi32>
        %add3A_816 = arith.addi %broadcast_in_dim3A_53, %add3A_815 : vector<16xi32>
        %gather3A_817 = tpu.vector_load_idx %arg9[%add3A_816, %sub3A_152] masked %and3A_158 : memref<16x1024xf32, #tpu.memory_space<vmem>>[vector<16xi32>, vector<16xi32>], vector<16xf32>, vector<16xi1>
        %add3A_818 = arith.constant 56 : i32
        %add3A_819 = vector.broadcast %add3A_818 : i32 to vector<16xi32>
        %add3A_820 = arith.addi %broadcast_in_dim3A_53, %add3A_819 : vector<16xi32>
        %gather3A_821 = tpu.vector_load_idx %arg8[%add3A_820, %sub3A_152] masked %and3A_158 : memref<64x1024xf32, #tpu.memory_space<vmem>>[vector<16xi32>, vector<16xi32>], vector<16xf32>, vector<16xi1>
        %add3A_822 = arith.constant 57 : i32
        %add3A_823 = vector.broadcast %add3A_822 : i32 to vector<16xi32>
        %add3A_824 = arith.addi %broadcast_in_dim3A_53, %add3A_823 : vector<16xi32>
        %gather3A_825 = tpu.vector_load_idx %arg8[%add3A_824, %sub3A_152] masked %and3A_158 : memref<64x1024xf32, #tpu.memory_space<vmem>>[vector<16xi32>, vector<16xi32>], vector<16xf32>, vector<16xi1>
        %add3A_826 = arith.constant 58 : i32
        %add3A_827 = vector.broadcast %add3A_826 : i32 to vector<16xi32>
        %add3A_828 = arith.addi %broadcast_in_dim3A_53, %add3A_827 : vector<16xi32>
        %gather3A_829 = tpu.vector_load_idx %arg8[%add3A_828, %sub3A_152] masked %and3A_158 : memref<64x1024xf32, #tpu.memory_space<vmem>>[vector<16xi32>, vector<16xi32>], vector<16xf32>, vector<16xi1>
        %add3A_830 = arith.constant 59 : i32
        %add3A_831 = vector.broadcast %add3A_830 : i32 to vector<16xi32>
        %add3A_832 = arith.addi %broadcast_in_dim3A_53, %add3A_831 : vector<16xi32>
        %gather3A_833 = tpu.vector_load_idx %arg8[%add3A_832, %sub3A_152] masked %and3A_158 : memref<64x1024xf32, #tpu.memory_space<vmem>>[vector<16xi32>, vector<16xi32>], vector<16xf32>, vector<16xi1>
        %mul3A_834 = arith.constant 16 : i32
        %mul3A_835 = arith.muli %scan3A_105, %mul3A_834 : i32
        %add3A_836 = arith.constant 5376 : i32
        %add3A_837 = arith.addi %add3A_836, %mul3A_835 : i32
        %add3A_838 = vector.broadcast %add3A_837 : i32 to vector<16xi32>
        %add3A_839 = arith.addi %add3A_838, %iota3A : vector<16xi32>
        tpu.vector_store_idx %arg11[%add3A_839], %gather3A_817 masked %and3A_158 : memref<30720xf32, #tpu.memory_space<vmem>>[vector<16xi32>], vector<16xf32>, vector<16xi1>
        %add3A_840 = arith.constant 6144 : i32
        %add3A_841 = vector.broadcast %add3A_840 : i32 to vector<16xi32>
        %add3A_842 = arith.addi %add3A_839, %add3A_841 : vector<16xi32>
        %mul3A_843 = arith.mulf %gather3A_821, %gather3A_166 : vector<16xf32>
        %add3A_844 = arith.addf %gather3A, %mul3A_843 : vector<16xf32>
        tpu.vector_store_idx %arg11[%add3A_842], %add3A_844 masked %and3A_158 : memref<30720xf32, #tpu.memory_space<vmem>>[vector<16xi32>], vector<16xf32>, vector<16xi1>
        %add3A_845 = arith.constant 12288 : i32
        %add3A_846 = vector.broadcast %add3A_845 : i32 to vector<16xi32>
        %add3A_847 = arith.addi %add3A_839, %add3A_846 : vector<16xi32>
        %mul3A_848 = arith.mulf %gather3A_825, %gather3A_170 : vector<16xf32>
        %add3A_849 = arith.addf %gather3A_162, %mul3A_848 : vector<16xf32>
        tpu.vector_store_idx %arg11[%add3A_847], %add3A_849 masked %and3A_158 : memref<30720xf32, #tpu.memory_space<vmem>>[vector<16xi32>], vector<16xf32>, vector<16xi1>
        %add3A_850 = arith.constant 18432 : i32
        %add3A_851 = vector.broadcast %add3A_850 : i32 to vector<16xi32>
        %add3A_852 = arith.addi %add3A_839, %add3A_851 : vector<16xi32>
        %exp3A_853 = math.exp %gather3A_829 : vector<16xf32>
        %mul3A_854 = arith.mulf %gather3A_166, %exp3A_853 : vector<16xf32>
        tpu.vector_store_idx %arg11[%add3A_852], %mul3A_854 masked %and3A_158 : memref<30720xf32, #tpu.memory_space<vmem>>[vector<16xi32>], vector<16xf32>, vector<16xi1>
        %add3A_855 = arith.constant 24576 : i32
        %add3A_856 = vector.broadcast %add3A_855 : i32 to vector<16xi32>
        %add3A_857 = arith.addi %add3A_839, %add3A_856 : vector<16xi32>
        %exp3A_858 = math.exp %gather3A_833 : vector<16xf32>
        %mul3A_859 = arith.mulf %gather3A_170, %exp3A_858 : vector<16xf32>
        tpu.vector_store_idx %arg11[%add3A_857], %mul3A_859 masked %and3A_158 : memref<30720xf32, #tpu.memory_space<vmem>>[vector<16xi32>], vector<16xf32>, vector<16xi1>
        %add3A_860 = arith.constant 15 : i32
        %add3A_861 = vector.broadcast %add3A_860 : i32 to vector<16xi32>
        %add3A_862 = arith.addi %broadcast_in_dim3A_53, %add3A_861 : vector<16xi32>
        %gather3A_863 = tpu.vector_load_idx %arg9[%add3A_862, %sub3A_152] masked %and3A_158 : memref<16x1024xf32, #tpu.memory_space<vmem>>[vector<16xi32>, vector<16xi32>], vector<16xf32>, vector<16xi1>
        %add3A_864 = arith.constant 60 : i32
        %add3A_865 = vector.broadcast %add3A_864 : i32 to vector<16xi32>
        %add3A_866 = arith.addi %broadcast_in_dim3A_53, %add3A_865 : vector<16xi32>
        %gather3A_867 = tpu.vector_load_idx %arg8[%add3A_866, %sub3A_152] masked %and3A_158 : memref<64x1024xf32, #tpu.memory_space<vmem>>[vector<16xi32>, vector<16xi32>], vector<16xf32>, vector<16xi1>
        %add3A_868 = arith.constant 61 : i32
        %add3A_869 = vector.broadcast %add3A_868 : i32 to vector<16xi32>
        %add3A_870 = arith.addi %broadcast_in_dim3A_53, %add3A_869 : vector<16xi32>
        %gather3A_871 = tpu.vector_load_idx %arg8[%add3A_870, %sub3A_152] masked %and3A_158 : memref<64x1024xf32, #tpu.memory_space<vmem>>[vector<16xi32>, vector<16xi32>], vector<16xf32>, vector<16xi1>
        %add3A_872 = arith.constant 62 : i32
        %add3A_873 = vector.broadcast %add3A_872 : i32 to vector<16xi32>
        %add3A_874 = arith.addi %broadcast_in_dim3A_53, %add3A_873 : vector<16xi32>
        %gather3A_875 = tpu.vector_load_idx %arg8[%add3A_874, %sub3A_152] masked %and3A_158 : memref<64x1024xf32, #tpu.memory_space<vmem>>[vector<16xi32>, vector<16xi32>], vector<16xf32>, vector<16xi1>
        %add3A_876 = arith.constant 63 : i32
        %add3A_877 = vector.broadcast %add3A_876 : i32 to vector<16xi32>
        %add3A_878 = arith.addi %broadcast_in_dim3A_53, %add3A_877 : vector<16xi32>
        %gather3A_879 = tpu.vector_load_idx %arg8[%add3A_878, %sub3A_152] masked %and3A_158 : memref<64x1024xf32, #tpu.memory_space<vmem>>[vector<16xi32>, vector<16xi32>], vector<16xf32>, vector<16xi1>
        %mul3A_880 = arith.constant 16 : i32
        %mul3A_881 = arith.muli %scan3A_105, %mul3A_880 : i32
        %add3A_882 = arith.constant 5760 : i32
        %add3A_883 = arith.addi %add3A_882, %mul3A_881 : i32
        %add3A_884 = vector.broadcast %add3A_883 : i32 to vector<16xi32>
        %add3A_885 = arith.addi %add3A_884, %iota3A : vector<16xi32>
        tpu.vector_store_idx %arg11[%add3A_885], %gather3A_863 masked %and3A_158 : memref<30720xf32, #tpu.memory_space<vmem>>[vector<16xi32>], vector<16xf32>, vector<16xi1>
        %add3A_886 = arith.constant 6144 : i32
        %add3A_887 = vector.broadcast %add3A_886 : i32 to vector<16xi32>
        %add3A_888 = arith.addi %add3A_885, %add3A_887 : vector<16xi32>
        %mul3A_889 = arith.mulf %gather3A_867, %gather3A_166 : vector<16xf32>
        %add3A_890 = arith.addf %gather3A, %mul3A_889 : vector<16xf32>
        tpu.vector_store_idx %arg11[%add3A_888], %add3A_890 masked %and3A_158 : memref<30720xf32, #tpu.memory_space<vmem>>[vector<16xi32>], vector<16xf32>, vector<16xi1>
        %add3A_891 = arith.constant 12288 : i32
        %add3A_892 = vector.broadcast %add3A_891 : i32 to vector<16xi32>
        %add3A_893 = arith.addi %add3A_885, %add3A_892 : vector<16xi32>
        %mul3A_894 = arith.mulf %gather3A_871, %gather3A_170 : vector<16xf32>
        %add3A_895 = arith.addf %gather3A_162, %mul3A_894 : vector<16xf32>
        tpu.vector_store_idx %arg11[%add3A_893], %add3A_895 masked %and3A_158 : memref<30720xf32, #tpu.memory_space<vmem>>[vector<16xi32>], vector<16xf32>, vector<16xi1>
        %add3A_896 = arith.constant 18432 : i32
        %add3A_897 = vector.broadcast %add3A_896 : i32 to vector<16xi32>
        %add3A_898 = arith.addi %add3A_885, %add3A_897 : vector<16xi32>
        %exp3A_899 = math.exp %gather3A_875 : vector<16xf32>
        %mul3A_900 = arith.mulf %gather3A_166, %exp3A_899 : vector<16xf32>
        tpu.vector_store_idx %arg11[%add3A_898], %mul3A_900 masked %and3A_158 : memref<30720xf32, #tpu.memory_space<vmem>>[vector<16xi32>], vector<16xf32>, vector<16xi1>
        %add3A_901 = arith.constant 24576 : i32
        %add3A_902 = vector.broadcast %add3A_901 : i32 to vector<16xi32>
        %add3A_903 = arith.addi %add3A_885, %add3A_902 : vector<16xi32>
        %exp3A_904 = math.exp %gather3A_879 : vector<16xf32>
        %mul3A_905 = arith.mulf %gather3A_170, %exp3A_904 : vector<16xf32>
        tpu.vector_store_idx %arg11[%add3A_903], %mul3A_905 masked %and3A_158 : memref<30720xf32, #tpu.memory_space<vmem>>[vector<16xi32>], vector<16xf32>, vector<16xi1>
      }
      %scan3A_104 = arith.constant 24 : i32
    }
    %lt3A = arith.constant 31 : i32
    %lt3A_62 = arith.cmpi slt, %add3A, %lt3A : i32
    %convert_element_type3A = arith.extui %lt3A_62 : i1 to i32
    %cond3A = arith.constant 0 : i32
    %cond3A_63 = arith.cmpi ne, %convert_element_type3A, %cond3A : i32
    scf.if %cond3A_63 {
      %scan3A = arith.constant 0 : i32
      %scan3A_68 = arith.constant 80 : i32
      %scan3A_69 = arith.addi %scan3A, %scan3A_68 : i32
      %scan3A_70 = arith.constant 1 : i32
      scf.for %scan3A_75 = %scan3A to %scan3A_69 step %scan3A_70  : i32 {
        %mul3A_76 = arith.constant 384 : i32
        %mul3A_77 = arith.muli %scan3A_75, %mul3A_76 : i32
        %mul3A_78 = arith.constant 12000 : i32
        %mul3A_79 = arith.muli %scan3A_75, %mul3A_78 : i32
        %add3A_80 = arith.addi %mul3A_79, %mul3A_2 : i32
        %dma_start3A = tpu.memref_slice %arg11[%mul3A_77] : memref<30720xf32, #tpu.memory_space<vmem>> -> memref<384xf32, #tpu.memory_space<vmem>>
        %dma_start3A_81 = tpu.memref_slice %arg6[%add3A_80] : memref<960000xf32, #tpu.memory_space<hbm>> -> memref<384xf32, #tpu.memory_space<hbm>>
        %dma_start3A_82 = tpu.memref_slice %arg6[%add3A_80] : memref<960000xf32, #tpu.memory_space<hbm>> -> memref<384xf32, #tpu.memory_space<hbm>>
        %dma_start3A_83 = tpu.memref_slice %arg11[%mul3A_77] : memref<30720xf32, #tpu.memory_space<vmem>> -> memref<384xf32, #tpu.memory_space<vmem>>
        tpu.enqueue_dma source(%dma_start3A_83 : memref<384xf32, #tpu.memory_space<vmem>>) target(%dma_start3A_82 : memref<384xf32, #tpu.memory_space<hbm>>) target_semaphore(%arg12 : memref<!tpu.dma_semaphore, #tpu.memory_space<semaphore_mem>>)
      }
      %scan3A_71 = arith.constant 80 : i32
      %dma_wait3A = arith.constant 0 : i32
      %dma_wait3A_72 = tpu.memref_slice %arg6[%dma_wait3A] : memref<960000xf32, #tpu.memory_space<hbm>> -> memref<30720xf32, #tpu.memory_space<hbm>>
      %dma_wait3A_73 = arith.constant 0 : i32
      %dma_wait3A_74 = tpu.memref_slice %arg6[%dma_wait3A_73] : memref<960000xf32, #tpu.memory_space<hbm>> -> memref<30720xf32, #tpu.memory_space<hbm>>
      tpu.wait_dma2 semaphore(%arg12 : memref<!tpu.dma_semaphore, #tpu.memory_space<semaphore_mem>>) src(%dma_wait3A_74 : memref<30720xf32, #tpu.memory_space<hbm>>) dst(%arg11 : memref<30720xf32, #tpu.memory_space<vmem>>)
    } else {
    }
    %eq3A = arith.constant 31 : i32
    %eq3A_64 = arith.cmpi eq, %add3A, %eq3A : i32
    %convert_element_type3A_65 = arith.extui %eq3A_64 : i1 to i32
    %cond3A_66 = arith.constant 0 : i32
    %cond3A_67 = arith.cmpi ne, %convert_element_type3A_65, %cond3A_66 : i32
    scf.if %cond3A_67 {
      %scan3A = arith.constant 0 : i32
      %scan3A_68 = arith.constant 80 : i32
      %scan3A_69 = arith.addi %scan3A, %scan3A_68 : i32
      %scan3A_70 = arith.constant 1 : i32
      scf.for %scan3A_711 = %scan3A to %scan3A_69 step %scan3A_70  : i32 {
        %mul3A_712 = arith.constant 384 : i32
        %mul3A_713 = arith.muli %scan3A_711, %mul3A_712 : i32
        %mul3A_714 = arith.constant 12000 : i32
        %mul3A_715 = arith.muli %scan3A_711, %mul3A_714 : i32
        %add3A_716 = arith.addi %mul3A_715, %mul3A_2 : i32
        %dma_start3A = tpu.memref_slice %arg11[%mul3A_713] : memref<30720xf32, #tpu.memory_space<vmem>> -> memref<96xf32, #tpu.memory_space<vmem>>
        %dma_start3A_717 = tpu.memref_slice %arg6[%add3A_716] : memref<960000xf32, #tpu.memory_space<hbm>> -> memref<96xf32, #tpu.memory_space<hbm>>
        %dma_start3A_718 = tpu.memref_slice %arg6[%add3A_716] : memref<960000xf32, #tpu.memory_space<hbm>> -> memref<96xf32, #tpu.memory_space<hbm>>
        %dma_start3A_719 = tpu.memref_slice %arg11[%mul3A_713] : memref<30720xf32, #tpu.memory_space<vmem>> -> memref<96xf32, #tpu.memory_space<vmem>>
        tpu.enqueue_dma source(%dma_start3A_719 : memref<96xf32, #tpu.memory_space<vmem>>) target(%dma_start3A_718 : memref<96xf32, #tpu.memory_space<hbm>>) target_semaphore(%arg12 : memref<!tpu.dma_semaphore, #tpu.memory_space<semaphore_mem>>)
      }
      %scan3A_71 = arith.constant 80 : i32
      %dma_wait3A = arith.constant 0 : i32
      %dma_wait3A_72 = tpu.memref_slice %arg11[%dma_wait3A] : memref<30720xf32, #tpu.memory_space<vmem>> -> memref<96xf32, #tpu.memory_space<vmem>>
      %dma_wait3A_73 = arith.constant 0 : i32
      %dma_wait3A_74 = tpu.memref_slice %arg6[%dma_wait3A_73] : memref<960000xf32, #tpu.memory_space<hbm>> -> memref<96xf32, #tpu.memory_space<hbm>>
      %dma_wait3A_75 = arith.constant 0 : i32
      %dma_wait3A_76 = tpu.memref_slice %arg11[%dma_wait3A_75] : memref<30720xf32, #tpu.memory_space<vmem>> -> memref<96xf32, #tpu.memory_space<vmem>>
      %dma_wait3A_77 = arith.constant 0 : i32
      %dma_wait3A_78 = tpu.memref_slice %arg6[%dma_wait3A_77] : memref<960000xf32, #tpu.memory_space<hbm>> -> memref<96xf32, #tpu.memory_space<hbm>>
      tpu.wait_dma2 semaphore(%arg12 : memref<!tpu.dma_semaphore, #tpu.memory_space<semaphore_mem>>) src(%dma_wait3A_78 : memref<96xf32, #tpu.memory_space<hbm>>) dst(%dma_wait3A_76 : memref<96xf32, #tpu.memory_space<vmem>>)
      %dma_wait3A_79 = arith.constant 384 : i32
      %dma_wait3A_80 = tpu.memref_slice %arg11[%dma_wait3A_79] : memref<30720xf32, #tpu.memory_space<vmem>> -> memref<96xf32, #tpu.memory_space<vmem>>
      %dma_wait3A_81 = arith.constant 0 : i32
      %dma_wait3A_82 = tpu.memref_slice %arg6[%dma_wait3A_81] : memref<960000xf32, #tpu.memory_space<hbm>> -> memref<96xf32, #tpu.memory_space<hbm>>
      %dma_wait3A_83 = arith.constant 384 : i32
      %dma_wait3A_84 = tpu.memref_slice %arg11[%dma_wait3A_83] : memref<30720xf32, #tpu.memory_space<vmem>> -> memref<96xf32, #tpu.memory_space<vmem>>
      %dma_wait3A_85 = arith.constant 0 : i32
      %dma_wait3A_86 = tpu.memref_slice %arg6[%dma_wait3A_85] : memref<960000xf32, #tpu.memory_space<hbm>> -> memref<96xf32, #tpu.memory_space<hbm>>
      tpu.wait_dma2 semaphore(%arg12 : memref<!tpu.dma_semaphore, #tpu.memory_space<semaphore_mem>>) src(%dma_wait3A_86 : memref<96xf32, #tpu.memory_space<hbm>>) dst(%dma_wait3A_84 : memref<96xf32, #tpu.memory_space<vmem>>)
      %dma_wait3A_87 = arith.constant 768 : i32
      %dma_wait3A_88 = tpu.memref_slice %arg11[%dma_wait3A_87] : memref<30720xf32, #tpu.memory_space<vmem>> -> memref<96xf32, #tpu.memory_space<vmem>>
      %dma_wait3A_89 = arith.constant 0 : i32
      %dma_wait3A_90 = tpu.memref_slice %arg6[%dma_wait3A_89] : memref<960000xf32, #tpu.memory_space<hbm>> -> memref<96xf32, #tpu.memory_space<hbm>>
      %dma_wait3A_91 = arith.constant 768 : i32
      %dma_wait3A_92 = tpu.memref_slice %arg11[%dma_wait3A_91] : memref<30720xf32, #tpu.memory_space<vmem>> -> memref<96xf32, #tpu.memory_space<vmem>>
      %dma_wait3A_93 = arith.constant 0 : i32
      %dma_wait3A_94 = tpu.memref_slice %arg6[%dma_wait3A_93] : memref<960000xf32, #tpu.memory_space<hbm>> -> memref<96xf32, #tpu.memory_space<hbm>>
      tpu.wait_dma2 semaphore(%arg12 : memref<!tpu.dma_semaphore, #tpu.memory_space<semaphore_mem>>) src(%dma_wait3A_94 : memref<96xf32, #tpu.memory_space<hbm>>) dst(%dma_wait3A_92 : memref<96xf32, #tpu.memory_space<vmem>>)
      %dma_wait3A_95 = arith.constant 1152 : i32
      %dma_wait3A_96 = tpu.memref_slice %arg11[%dma_wait3A_95] : memref<30720xf32, #tpu.memory_space<vmem>> -> memref<96xf32, #tpu.memory_space<vmem>>
      %dma_wait3A_97 = arith.constant 0 : i32
      %dma_wait3A_98 = tpu.memref_slice %arg6[%dma_wait3A_97] : memref<960000xf32, #tpu.memory_space<hbm>> -> memref<96xf32, #tpu.memory_space<hbm>>
      %dma_wait3A_99 = arith.constant 1152 : i32
      %dma_wait3A_100 = tpu.memref_slice %arg11[%dma_wait3A_99] : memref<30720xf32, #tpu.memory_space<vmem>> -> memref<96xf32, #tpu.memory_space<vmem>>
      %dma_wait3A_101 = arith.constant 0 : i32
      %dma_wait3A_102 = tpu.memref_slice %arg6[%dma_wait3A_101] : memref<960000xf32, #tpu.memory_space<hbm>> -> memref<96xf32, #tpu.memory_space<hbm>>
      tpu.wait_dma2 semaphore(%arg12 : memref<!tpu.dma_semaphore, #tpu.memory_space<semaphore_mem>>) src(%dma_wait3A_102 : memref<96xf32, #tpu.memory_space<hbm>>) dst(%dma_wait3A_100 : memref<96xf32, #tpu.memory_space<vmem>>)
      %dma_wait3A_103 = arith.constant 1536 : i32
      %dma_wait3A_104 = tpu.memref_slice %arg11[%dma_wait3A_103] : memref<30720xf32, #tpu.memory_space<vmem>> -> memref<96xf32, #tpu.memory_space<vmem>>
      %dma_wait3A_105 = arith.constant 0 : i32
      %dma_wait3A_106 = tpu.memref_slice %arg6[%dma_wait3A_105] : memref<960000xf32, #tpu.memory_space<hbm>> -> memref<96xf32, #tpu.memory_space<hbm>>
      %dma_wait3A_107 = arith.constant 1536 : i32
      %dma_wait3A_108 = tpu.memref_slice %arg11[%dma_wait3A_107] : memref<30720xf32, #tpu.memory_space<vmem>> -> memref<96xf32, #tpu.memory_space<vmem>>
      %dma_wait3A_109 = arith.constant 0 : i32
      %dma_wait3A_110 = tpu.memref_slice %arg6[%dma_wait3A_109] : memref<960000xf32, #tpu.memory_space<hbm>> -> memref<96xf32, #tpu.memory_space<hbm>>
      tpu.wait_dma2 semaphore(%arg12 : memref<!tpu.dma_semaphore, #tpu.memory_space<semaphore_mem>>) src(%dma_wait3A_110 : memref<96xf32, #tpu.memory_space<hbm>>) dst(%dma_wait3A_108 : memref<96xf32, #tpu.memory_space<vmem>>)
      %dma_wait3A_111 = arith.constant 1920 : i32
      %dma_wait3A_112 = tpu.memref_slice %arg11[%dma_wait3A_111] : memref<30720xf32, #tpu.memory_space<vmem>> -> memref<96xf32, #tpu.memory_space<vmem>>
      %dma_wait3A_113 = arith.constant 0 : i32
      %dma_wait3A_114 = tpu.memref_slice %arg6[%dma_wait3A_113] : memref<960000xf32, #tpu.memory_space<hbm>> -> memref<96xf32, #tpu.memory_space<hbm>>
      %dma_wait3A_115 = arith.constant 1920 : i32
      %dma_wait3A_116 = tpu.memref_slice %arg11[%dma_wait3A_115] : memref<30720xf32, #tpu.memory_space<vmem>> -> memref<96xf32, #tpu.memory_space<vmem>>
      %dma_wait3A_117 = arith.constant 0 : i32
      %dma_wait3A_118 = tpu.memref_slice %arg6[%dma_wait3A_117] : memref<960000xf32, #tpu.memory_space<hbm>> -> memref<96xf32, #tpu.memory_space<hbm>>
      tpu.wait_dma2 semaphore(%arg12 : memref<!tpu.dma_semaphore, #tpu.memory_space<semaphore_mem>>) src(%dma_wait3A_118 : memref<96xf32, #tpu.memory_space<hbm>>) dst(%dma_wait3A_116 : memref<96xf32, #tpu.memory_space<vmem>>)
      %dma_wait3A_119 = arith.constant 2304 : i32
      %dma_wait3A_120 = tpu.memref_slice %arg11[%dma_wait3A_119] : memref<30720xf32, #tpu.memory_space<vmem>> -> memref<96xf32, #tpu.memory_space<vmem>>
      %dma_wait3A_121 = arith.constant 0 : i32
      %dma_wait3A_122 = tpu.memref_slice %arg6[%dma_wait3A_121] : memref<960000xf32, #tpu.memory_space<hbm>> -> memref<96xf32, #tpu.memory_space<hbm>>
      %dma_wait3A_123 = arith.constant 2304 : i32
      %dma_wait3A_124 = tpu.memref_slice %arg11[%dma_wait3A_123] : memref<30720xf32, #tpu.memory_space<vmem>> -> memref<96xf32, #tpu.memory_space<vmem>>
      %dma_wait3A_125 = arith.constant 0 : i32
      %dma_wait3A_126 = tpu.memref_slice %arg6[%dma_wait3A_125] : memref<960000xf32, #tpu.memory_space<hbm>> -> memref<96xf32, #tpu.memory_space<hbm>>
      tpu.wait_dma2 semaphore(%arg12 : memref<!tpu.dma_semaphore, #tpu.memory_space<semaphore_mem>>) src(%dma_wait3A_126 : memref<96xf32, #tpu.memory_space<hbm>>) dst(%dma_wait3A_124 : memref<96xf32, #tpu.memory_space<vmem>>)
      %dma_wait3A_127 = arith.constant 2688 : i32
      %dma_wait3A_128 = tpu.memref_slice %arg11[%dma_wait3A_127] : memref<30720xf32, #tpu.memory_space<vmem>> -> memref<96xf32, #tpu.memory_space<vmem>>
      %dma_wait3A_129 = arith.constant 0 : i32
      %dma_wait3A_130 = tpu.memref_slice %arg6[%dma_wait3A_129] : memref<960000xf32, #tpu.memory_space<hbm>> -> memref<96xf32, #tpu.memory_space<hbm>>
      %dma_wait3A_131 = arith.constant 2688 : i32
      %dma_wait3A_132 = tpu.memref_slice %arg11[%dma_wait3A_131] : memref<30720xf32, #tpu.memory_space<vmem>> -> memref<96xf32, #tpu.memory_space<vmem>>
      %dma_wait3A_133 = arith.constant 0 : i32
      %dma_wait3A_134 = tpu.memref_slice %arg6[%dma_wait3A_133] : memref<960000xf32, #tpu.memory_space<hbm>> -> memref<96xf32, #tpu.memory_space<hbm>>
      tpu.wait_dma2 semaphore(%arg12 : memref<!tpu.dma_semaphore, #tpu.memory_space<semaphore_mem>>) src(%dma_wait3A_134 : memref<96xf32, #tpu.memory_space<hbm>>) dst(%dma_wait3A_132 : memref<96xf32, #tpu.memory_space<vmem>>)
      %dma_wait3A_135 = arith.constant 3072 : i32
      %dma_wait3A_136 = tpu.memref_slice %arg11[%dma_wait3A_135] : memref<30720xf32, #tpu.memory_space<vmem>> -> memref<96xf32, #tpu.memory_space<vmem>>
      %dma_wait3A_137 = arith.constant 0 : i32
      %dma_wait3A_138 = tpu.memref_slice %arg6[%dma_wait3A_137] : memref<960000xf32, #tpu.memory_space<hbm>> -> memref<96xf32, #tpu.memory_space<hbm>>
      %dma_wait3A_139 = arith.constant 3072 : i32
      %dma_wait3A_140 = tpu.memref_slice %arg11[%dma_wait3A_139] : memref<30720xf32, #tpu.memory_space<vmem>> -> memref<96xf32, #tpu.memory_space<vmem>>
      %dma_wait3A_141 = arith.constant 0 : i32
      %dma_wait3A_142 = tpu.memref_slice %arg6[%dma_wait3A_141] : memref<960000xf32, #tpu.memory_space<hbm>> -> memref<96xf32, #tpu.memory_space<hbm>>
      tpu.wait_dma2 semaphore(%arg12 : memref<!tpu.dma_semaphore, #tpu.memory_space<semaphore_mem>>) src(%dma_wait3A_142 : memref<96xf32, #tpu.memory_space<hbm>>) dst(%dma_wait3A_140 : memref<96xf32, #tpu.memory_space<vmem>>)
      %dma_wait3A_143 = arith.constant 3456 : i32
      %dma_wait3A_144 = tpu.memref_slice %arg11[%dma_wait3A_143] : memref<30720xf32, #tpu.memory_space<vmem>> -> memref<96xf32, #tpu.memory_space<vmem>>
      %dma_wait3A_145 = arith.constant 0 : i32
      %dma_wait3A_146 = tpu.memref_slice %arg6[%dma_wait3A_145] : memref<960000xf32, #tpu.memory_space<hbm>> -> memref<96xf32, #tpu.memory_space<hbm>>
      %dma_wait3A_147 = arith.constant 3456 : i32
      %dma_wait3A_148 = tpu.memref_slice %arg11[%dma_wait3A_147] : memref<30720xf32, #tpu.memory_space<vmem>> -> memref<96xf32, #tpu.memory_space<vmem>>
      %dma_wait3A_149 = arith.constant 0 : i32
      %dma_wait3A_150 = tpu.memref_slice %arg6[%dma_wait3A_149] : memref<960000xf32, #tpu.memory_space<hbm>> -> memref<96xf32, #tpu.memory_space<hbm>>
      tpu.wait_dma2 semaphore(%arg12 : memref<!tpu.dma_semaphore, #tpu.memory_space<semaphore_mem>>) src(%dma_wait3A_150 : memref<96xf32, #tpu.memory_space<hbm>>) dst(%dma_wait3A_148 : memref<96xf32, #tpu.memory_space<vmem>>)
      %dma_wait3A_151 = arith.constant 3840 : i32
      %dma_wait3A_152 = tpu.memref_slice %arg11[%dma_wait3A_151] : memref<30720xf32, #tpu.memory_space<vmem>> -> memref<96xf32, #tpu.memory_space<vmem>>
      %dma_wait3A_153 = arith.constant 0 : i32
      %dma_wait3A_154 = tpu.memref_slice %arg6[%dma_wait3A_153] : memref<960000xf32, #tpu.memory_space<hbm>> -> memref<96xf32, #tpu.memory_space<hbm>>
      %dma_wait3A_155 = arith.constant 3840 : i32
      %dma_wait3A_156 = tpu.memref_slice %arg11[%dma_wait3A_155] : memref<30720xf32, #tpu.memory_space<vmem>> -> memref<96xf32, #tpu.memory_space<vmem>>
      %dma_wait3A_157 = arith.constant 0 : i32
      %dma_wait3A_158 = tpu.memref_slice %arg6[%dma_wait3A_157] : memref<960000xf32, #tpu.memory_space<hbm>> -> memref<96xf32, #tpu.memory_space<hbm>>
      tpu.wait_dma2 semaphore(%arg12 : memref<!tpu.dma_semaphore, #tpu.memory_space<semaphore_mem>>) src(%dma_wait3A_158 : memref<96xf32, #tpu.memory_space<hbm>>) dst(%dma_wait3A_156 : memref<96xf32, #tpu.memory_space<vmem>>)
      %dma_wait3A_159 = arith.constant 4224 : i32
      %dma_wait3A_160 = tpu.memref_slice %arg11[%dma_wait3A_159] : memref<30720xf32, #tpu.memory_space<vmem>> -> memref<96xf32, #tpu.memory_space<vmem>>
      %dma_wait3A_161 = arith.constant 0 : i32
      %dma_wait3A_162 = tpu.memref_slice %arg6[%dma_wait3A_161] : memref<960000xf32, #tpu.memory_space<hbm>> -> memref<96xf32, #tpu.memory_space<hbm>>
      %dma_wait3A_163 = arith.constant 4224 : i32
      %dma_wait3A_164 = tpu.memref_slice %arg11[%dma_wait3A_163] : memref<30720xf32, #tpu.memory_space<vmem>> -> memref<96xf32, #tpu.memory_space<vmem>>
      %dma_wait3A_165 = arith.constant 0 : i32
      %dma_wait3A_166 = tpu.memref_slice %arg6[%dma_wait3A_165] : memref<960000xf32, #tpu.memory_space<hbm>> -> memref<96xf32, #tpu.memory_space<hbm>>
      tpu.wait_dma2 semaphore(%arg12 : memref<!tpu.dma_semaphore, #tpu.memory_space<semaphore_mem>>) src(%dma_wait3A_166 : memref<96xf32, #tpu.memory_space<hbm>>) dst(%dma_wait3A_164 : memref<96xf32, #tpu.memory_space<vmem>>)
      %dma_wait3A_167 = arith.constant 4608 : i32
      %dma_wait3A_168 = tpu.memref_slice %arg11[%dma_wait3A_167] : memref<30720xf32, #tpu.memory_space<vmem>> -> memref<96xf32, #tpu.memory_space<vmem>>
      %dma_wait3A_169 = arith.constant 0 : i32
      %dma_wait3A_170 = tpu.memref_slice %arg6[%dma_wait3A_169] : memref<960000xf32, #tpu.memory_space<hbm>> -> memref<96xf32, #tpu.memory_space<hbm>>
      %dma_wait3A_171 = arith.constant 4608 : i32
      %dma_wait3A_172 = tpu.memref_slice %arg11[%dma_wait3A_171] : memref<30720xf32, #tpu.memory_space<vmem>> -> memref<96xf32, #tpu.memory_space<vmem>>
      %dma_wait3A_173 = arith.constant 0 : i32
      %dma_wait3A_174 = tpu.memref_slice %arg6[%dma_wait3A_173] : memref<960000xf32, #tpu.memory_space<hbm>> -> memref<96xf32, #tpu.memory_space<hbm>>
      tpu.wait_dma2 semaphore(%arg12 : memref<!tpu.dma_semaphore, #tpu.memory_space<semaphore_mem>>) src(%dma_wait3A_174 : memref<96xf32, #tpu.memory_space<hbm>>) dst(%dma_wait3A_172 : memref<96xf32, #tpu.memory_space<vmem>>)
      %dma_wait3A_175 = arith.constant 4992 : i32
      %dma_wait3A_176 = tpu.memref_slice %arg11[%dma_wait3A_175] : memref<30720xf32, #tpu.memory_space<vmem>> -> memref<96xf32, #tpu.memory_space<vmem>>
      %dma_wait3A_177 = arith.constant 0 : i32
      %dma_wait3A_178 = tpu.memref_slice %arg6[%dma_wait3A_177] : memref<960000xf32, #tpu.memory_space<hbm>> -> memref<96xf32, #tpu.memory_space<hbm>>
      %dma_wait3A_179 = arith.constant 4992 : i32
      %dma_wait3A_180 = tpu.memref_slice %arg11[%dma_wait3A_179] : memref<30720xf32, #tpu.memory_space<vmem>> -> memref<96xf32, #tpu.memory_space<vmem>>
      %dma_wait3A_181 = arith.constant 0 : i32
      %dma_wait3A_182 = tpu.memref_slice %arg6[%dma_wait3A_181] : memref<960000xf32, #tpu.memory_space<hbm>> -> memref<96xf32, #tpu.memory_space<hbm>>
      tpu.wait_dma2 semaphore(%arg12 : memref<!tpu.dma_semaphore, #tpu.memory_space<semaphore_mem>>) src(%dma_wait3A_182 : memref<96xf32, #tpu.memory_space<hbm>>) dst(%dma_wait3A_180 : memref<96xf32, #tpu.memory_space<vmem>>)
      %dma_wait3A_183 = arith.constant 5376 : i32
      %dma_wait3A_184 = tpu.memref_slice %arg11[%dma_wait3A_183] : memref<30720xf32, #tpu.memory_space<vmem>> -> memref<96xf32, #tpu.memory_space<vmem>>
      %dma_wait3A_185 = arith.constant 0 : i32
      %dma_wait3A_186 = tpu.memref_slice %arg6[%dma_wait3A_185] : memref<960000xf32, #tpu.memory_space<hbm>> -> memref<96xf32, #tpu.memory_space<hbm>>
      %dma_wait3A_187 = arith.constant 5376 : i32
      %dma_wait3A_188 = tpu.memref_slice %arg11[%dma_wait3A_187] : memref<30720xf32, #tpu.memory_space<vmem>> -> memref<96xf32, #tpu.memory_space<vmem>>
      %dma_wait3A_189 = arith.constant 0 : i32
      %dma_wait3A_190 = tpu.memref_slice %arg6[%dma_wait3A_189] : memref<960000xf32, #tpu.memory_space<hbm>> -> memref<96xf32, #tpu.memory_space<hbm>>
      tpu.wait_dma2 semaphore(%arg12 : memref<!tpu.dma_semaphore, #tpu.memory_space<semaphore_mem>>) src(%dma_wait3A_190 : memref<96xf32, #tpu.memory_space<hbm>>) dst(%dma_wait3A_188 : memref<96xf32, #tpu.memory_space<vmem>>)
      %dma_wait3A_191 = arith.constant 5760 : i32
      %dma_wait3A_192 = tpu.memref_slice %arg11[%dma_wait3A_191] : memref<30720xf32, #tpu.memory_space<vmem>> -> memref<96xf32, #tpu.memory_space<vmem>>
      %dma_wait3A_193 = arith.constant 0 : i32
      %dma_wait3A_194 = tpu.memref_slice %arg6[%dma_wait3A_193] : memref<960000xf32, #tpu.memory_space<hbm>> -> memref<96xf32, #tpu.memory_space<hbm>>
      %dma_wait3A_195 = arith.constant 5760 : i32
      %dma_wait3A_196 = tpu.memref_slice %arg11[%dma_wait3A_195] : memref<30720xf32, #tpu.memory_space<vmem>> -> memref<96xf32, #tpu.memory_space<vmem>>
      %dma_wait3A_197 = arith.constant 0 : i32
      %dma_wait3A_198 = tpu.memref_slice %arg6[%dma_wait3A_197] : memref<960000xf32, #tpu.memory_space<hbm>> -> memref<96xf32, #tpu.memory_space<hbm>>
      tpu.wait_dma2 semaphore(%arg12 : memref<!tpu.dma_semaphore, #tpu.memory_space<semaphore_mem>>) src(%dma_wait3A_198 : memref<96xf32, #tpu.memory_space<hbm>>) dst(%dma_wait3A_196 : memref<96xf32, #tpu.memory_space<vmem>>)
      %dma_wait3A_199 = arith.constant 6144 : i32
      %dma_wait3A_200 = tpu.memref_slice %arg11[%dma_wait3A_199] : memref<30720xf32, #tpu.memory_space<vmem>> -> memref<96xf32, #tpu.memory_space<vmem>>
      %dma_wait3A_201 = arith.constant 0 : i32
      %dma_wait3A_202 = tpu.memref_slice %arg6[%dma_wait3A_201] : memref<960000xf32, #tpu.memory_space<hbm>> -> memref<96xf32, #tpu.memory_space<hbm>>
      %dma_wait3A_203 = arith.constant 6144 : i32
      %dma_wait3A_204 = tpu.memref_slice %arg11[%dma_wait3A_203] : memref<30720xf32, #tpu.memory_space<vmem>> -> memref<96xf32, #tpu.memory_space<vmem>>
      %dma_wait3A_205 = arith.constant 0 : i32
      %dma_wait3A_206 = tpu.memref_slice %arg6[%dma_wait3A_205] : memref<960000xf32, #tpu.memory_space<hbm>> -> memref<96xf32, #tpu.memory_space<hbm>>
      tpu.wait_dma2 semaphore(%arg12 : memref<!tpu.dma_semaphore, #tpu.memory_space<semaphore_mem>>) src(%dma_wait3A_206 : memref<96xf32, #tpu.memory_space<hbm>>) dst(%dma_wait3A_204 : memref<96xf32, #tpu.memory_space<vmem>>)
      %dma_wait3A_207 = arith.constant 6528 : i32
      %dma_wait3A_208 = tpu.memref_slice %arg11[%dma_wait3A_207] : memref<30720xf32, #tpu.memory_space<vmem>> -> memref<96xf32, #tpu.memory_space<vmem>>
      %dma_wait3A_209 = arith.constant 0 : i32
      %dma_wait3A_210 = tpu.memref_slice %arg6[%dma_wait3A_209] : memref<960000xf32, #tpu.memory_space<hbm>> -> memref<96xf32, #tpu.memory_space<hbm>>
      %dma_wait3A_211 = arith.constant 6528 : i32
      %dma_wait3A_212 = tpu.memref_slice %arg11[%dma_wait3A_211] : memref<30720xf32, #tpu.memory_space<vmem>> -> memref<96xf32, #tpu.memory_space<vmem>>
      %dma_wait3A_213 = arith.constant 0 : i32
      %dma_wait3A_214 = tpu.memref_slice %arg6[%dma_wait3A_213] : memref<960000xf32, #tpu.memory_space<hbm>> -> memref<96xf32, #tpu.memory_space<hbm>>
      tpu.wait_dma2 semaphore(%arg12 : memref<!tpu.dma_semaphore, #tpu.memory_space<semaphore_mem>>) src(%dma_wait3A_214 : memref<96xf32, #tpu.memory_space<hbm>>) dst(%dma_wait3A_212 : memref<96xf32, #tpu.memory_space<vmem>>)
      %dma_wait3A_215 = arith.constant 6912 : i32
      %dma_wait3A_216 = tpu.memref_slice %arg11[%dma_wait3A_215] : memref<30720xf32, #tpu.memory_space<vmem>> -> memref<96xf32, #tpu.memory_space<vmem>>
      %dma_wait3A_217 = arith.constant 0 : i32
      %dma_wait3A_218 = tpu.memref_slice %arg6[%dma_wait3A_217] : memref<960000xf32, #tpu.memory_space<hbm>> -> memref<96xf32, #tpu.memory_space<hbm>>
      %dma_wait3A_219 = arith.constant 6912 : i32
      %dma_wait3A_220 = tpu.memref_slice %arg11[%dma_wait3A_219] : memref<30720xf32, #tpu.memory_space<vmem>> -> memref<96xf32, #tpu.memory_space<vmem>>
      %dma_wait3A_221 = arith.constant 0 : i32
      %dma_wait3A_222 = tpu.memref_slice %arg6[%dma_wait3A_221] : memref<960000xf32, #tpu.memory_space<hbm>> -> memref<96xf32, #tpu.memory_space<hbm>>
      tpu.wait_dma2 semaphore(%arg12 : memref<!tpu.dma_semaphore, #tpu.memory_space<semaphore_mem>>) src(%dma_wait3A_222 : memref<96xf32, #tpu.memory_space<hbm>>) dst(%dma_wait3A_220 : memref<96xf32, #tpu.memory_space<vmem>>)
      %dma_wait3A_223 = arith.constant 7296 : i32
      %dma_wait3A_224 = tpu.memref_slice %arg11[%dma_wait3A_223] : memref<30720xf32, #tpu.memory_space<vmem>> -> memref<96xf32, #tpu.memory_space<vmem>>
      %dma_wait3A_225 = arith.constant 0 : i32
      %dma_wait3A_226 = tpu.memref_slice %arg6[%dma_wait3A_225] : memref<960000xf32, #tpu.memory_space<hbm>> -> memref<96xf32, #tpu.memory_space<hbm>>
      %dma_wait3A_227 = arith.constant 7296 : i32
      %dma_wait3A_228 = tpu.memref_slice %arg11[%dma_wait3A_227] : memref<30720xf32, #tpu.memory_space<vmem>> -> memref<96xf32, #tpu.memory_space<vmem>>
      %dma_wait3A_229 = arith.constant 0 : i32
      %dma_wait3A_230 = tpu.memref_slice %arg6[%dma_wait3A_229] : memref<960000xf32, #tpu.memory_space<hbm>> -> memref<96xf32, #tpu.memory_space<hbm>>
      tpu.wait_dma2 semaphore(%arg12 : memref<!tpu.dma_semaphore, #tpu.memory_space<semaphore_mem>>) src(%dma_wait3A_230 : memref<96xf32, #tpu.memory_space<hbm>>) dst(%dma_wait3A_228 : memref<96xf32, #tpu.memory_space<vmem>>)
      %dma_wait3A_231 = arith.constant 7680 : i32
      %dma_wait3A_232 = tpu.memref_slice %arg11[%dma_wait3A_231] : memref<30720xf32, #tpu.memory_space<vmem>> -> memref<96xf32, #tpu.memory_space<vmem>>
      %dma_wait3A_233 = arith.constant 0 : i32
      %dma_wait3A_234 = tpu.memref_slice %arg6[%dma_wait3A_233] : memref<960000xf32, #tpu.memory_space<hbm>> -> memref<96xf32, #tpu.memory_space<hbm>>
      %dma_wait3A_235 = arith.constant 7680 : i32
      %dma_wait3A_236 = tpu.memref_slice %arg11[%dma_wait3A_235] : memref<30720xf32, #tpu.memory_space<vmem>> -> memref<96xf32, #tpu.memory_space<vmem>>
      %dma_wait3A_237 = arith.constant 0 : i32
      %dma_wait3A_238 = tpu.memref_slice %arg6[%dma_wait3A_237] : memref<960000xf32, #tpu.memory_space<hbm>> -> memref<96xf32, #tpu.memory_space<hbm>>
      tpu.wait_dma2 semaphore(%arg12 : memref<!tpu.dma_semaphore, #tpu.memory_space<semaphore_mem>>) src(%dma_wait3A_238 : memref<96xf32, #tpu.memory_space<hbm>>) dst(%dma_wait3A_236 : memref<96xf32, #tpu.memory_space<vmem>>)
      %dma_wait3A_239 = arith.constant 8064 : i32
      %dma_wait3A_240 = tpu.memref_slice %arg11[%dma_wait3A_239] : memref<30720xf32, #tpu.memory_space<vmem>> -> memref<96xf32, #tpu.memory_space<vmem>>
      %dma_wait3A_241 = arith.constant 0 : i32
      %dma_wait3A_242 = tpu.memref_slice %arg6[%dma_wait3A_241] : memref<960000xf32, #tpu.memory_space<hbm>> -> memref<96xf32, #tpu.memory_space<hbm>>
      %dma_wait3A_243 = arith.constant 8064 : i32
      %dma_wait3A_244 = tpu.memref_slice %arg11[%dma_wait3A_243] : memref<30720xf32, #tpu.memory_space<vmem>> -> memref<96xf32, #tpu.memory_space<vmem>>
      %dma_wait3A_245 = arith.constant 0 : i32
      %dma_wait3A_246 = tpu.memref_slice %arg6[%dma_wait3A_245] : memref<960000xf32, #tpu.memory_space<hbm>> -> memref<96xf32, #tpu.memory_space<hbm>>
      tpu.wait_dma2 semaphore(%arg12 : memref<!tpu.dma_semaphore, #tpu.memory_space<semaphore_mem>>) src(%dma_wait3A_246 : memref<96xf32, #tpu.memory_space<hbm>>) dst(%dma_wait3A_244 : memref<96xf32, #tpu.memory_space<vmem>>)
      %dma_wait3A_247 = arith.constant 8448 : i32
      %dma_wait3A_248 = tpu.memref_slice %arg11[%dma_wait3A_247] : memref<30720xf32, #tpu.memory_space<vmem>> -> memref<96xf32, #tpu.memory_space<vmem>>
      %dma_wait3A_249 = arith.constant 0 : i32
      %dma_wait3A_250 = tpu.memref_slice %arg6[%dma_wait3A_249] : memref<960000xf32, #tpu.memory_space<hbm>> -> memref<96xf32, #tpu.memory_space<hbm>>
      %dma_wait3A_251 = arith.constant 8448 : i32
      %dma_wait3A_252 = tpu.memref_slice %arg11[%dma_wait3A_251] : memref<30720xf32, #tpu.memory_space<vmem>> -> memref<96xf32, #tpu.memory_space<vmem>>
      %dma_wait3A_253 = arith.constant 0 : i32
      %dma_wait3A_254 = tpu.memref_slice %arg6[%dma_wait3A_253] : memref<960000xf32, #tpu.memory_space<hbm>> -> memref<96xf32, #tpu.memory_space<hbm>>
      tpu.wait_dma2 semaphore(%arg12 : memref<!tpu.dma_semaphore, #tpu.memory_space<semaphore_mem>>) src(%dma_wait3A_254 : memref<96xf32, #tpu.memory_space<hbm>>) dst(%dma_wait3A_252 : memref<96xf32, #tpu.memory_space<vmem>>)
      %dma_wait3A_255 = arith.constant 8832 : i32
      %dma_wait3A_256 = tpu.memref_slice %arg11[%dma_wait3A_255] : memref<30720xf32, #tpu.memory_space<vmem>> -> memref<96xf32, #tpu.memory_space<vmem>>
      %dma_wait3A_257 = arith.constant 0 : i32
      %dma_wait3A_258 = tpu.memref_slice %arg6[%dma_wait3A_257] : memref<960000xf32, #tpu.memory_space<hbm>> -> memref<96xf32, #tpu.memory_space<hbm>>
      %dma_wait3A_259 = arith.constant 8832 : i32
      %dma_wait3A_260 = tpu.memref_slice %arg11[%dma_wait3A_259] : memref<30720xf32, #tpu.memory_space<vmem>> -> memref<96xf32, #tpu.memory_space<vmem>>
      %dma_wait3A_261 = arith.constant 0 : i32
      %dma_wait3A_262 = tpu.memref_slice %arg6[%dma_wait3A_261] : memref<960000xf32, #tpu.memory_space<hbm>> -> memref<96xf32, #tpu.memory_space<hbm>>
      tpu.wait_dma2 semaphore(%arg12 : memref<!tpu.dma_semaphore, #tpu.memory_space<semaphore_mem>>) src(%dma_wait3A_262 : memref<96xf32, #tpu.memory_space<hbm>>) dst(%dma_wait3A_260 : memref<96xf32, #tpu.memory_space<vmem>>)
      %dma_wait3A_263 = arith.constant 9216 : i32
      %dma_wait3A_264 = tpu.memref_slice %arg11[%dma_wait3A_263] : memref<30720xf32, #tpu.memory_space<vmem>> -> memref<96xf32, #tpu.memory_space<vmem>>
      %dma_wait3A_265 = arith.constant 0 : i32
      %dma_wait3A_266 = tpu.memref_slice %arg6[%dma_wait3A_265] : memref<960000xf32, #tpu.memory_space<hbm>> -> memref<96xf32, #tpu.memory_space<hbm>>
      %dma_wait3A_267 = arith.constant 9216 : i32
      %dma_wait3A_268 = tpu.memref_slice %arg11[%dma_wait3A_267] : memref<30720xf32, #tpu.memory_space<vmem>> -> memref<96xf32, #tpu.memory_space<vmem>>
      %dma_wait3A_269 = arith.constant 0 : i32
      %dma_wait3A_270 = tpu.memref_slice %arg6[%dma_wait3A_269] : memref<960000xf32, #tpu.memory_space<hbm>> -> memref<96xf32, #tpu.memory_space<hbm>>
      tpu.wait_dma2 semaphore(%arg12 : memref<!tpu.dma_semaphore, #tpu.memory_space<semaphore_mem>>) src(%dma_wait3A_270 : memref<96xf32, #tpu.memory_space<hbm>>) dst(%dma_wait3A_268 : memref<96xf32, #tpu.memory_space<vmem>>)
      %dma_wait3A_271 = arith.constant 9600 : i32
      %dma_wait3A_272 = tpu.memref_slice %arg11[%dma_wait3A_271] : memref<30720xf32, #tpu.memory_space<vmem>> -> memref<96xf32, #tpu.memory_space<vmem>>
      %dma_wait3A_273 = arith.constant 0 : i32
      %dma_wait3A_274 = tpu.memref_slice %arg6[%dma_wait3A_273] : memref<960000xf32, #tpu.memory_space<hbm>> -> memref<96xf32, #tpu.memory_space<hbm>>
      %dma_wait3A_275 = arith.constant 9600 : i32
      %dma_wait3A_276 = tpu.memref_slice %arg11[%dma_wait3A_275] : memref<30720xf32, #tpu.memory_space<vmem>> -> memref<96xf32, #tpu.memory_space<vmem>>
      %dma_wait3A_277 = arith.constant 0 : i32
      %dma_wait3A_278 = tpu.memref_slice %arg6[%dma_wait3A_277] : memref<960000xf32, #tpu.memory_space<hbm>> -> memref<96xf32, #tpu.memory_space<hbm>>
      tpu.wait_dma2 semaphore(%arg12 : memref<!tpu.dma_semaphore, #tpu.memory_space<semaphore_mem>>) src(%dma_wait3A_278 : memref<96xf32, #tpu.memory_space<hbm>>) dst(%dma_wait3A_276 : memref<96xf32, #tpu.memory_space<vmem>>)
      %dma_wait3A_279 = arith.constant 9984 : i32
      %dma_wait3A_280 = tpu.memref_slice %arg11[%dma_wait3A_279] : memref<30720xf32, #tpu.memory_space<vmem>> -> memref<96xf32, #tpu.memory_space<vmem>>
      %dma_wait3A_281 = arith.constant 0 : i32
      %dma_wait3A_282 = tpu.memref_slice %arg6[%dma_wait3A_281] : memref<960000xf32, #tpu.memory_space<hbm>> -> memref<96xf32, #tpu.memory_space<hbm>>
      %dma_wait3A_283 = arith.constant 9984 : i32
      %dma_wait3A_284 = tpu.memref_slice %arg11[%dma_wait3A_283] : memref<30720xf32, #tpu.memory_space<vmem>> -> memref<96xf32, #tpu.memory_space<vmem>>
      %dma_wait3A_285 = arith.constant 0 : i32
      %dma_wait3A_286 = tpu.memref_slice %arg6[%dma_wait3A_285] : memref<960000xf32, #tpu.memory_space<hbm>> -> memref<96xf32, #tpu.memory_space<hbm>>
      tpu.wait_dma2 semaphore(%arg12 : memref<!tpu.dma_semaphore, #tpu.memory_space<semaphore_mem>>) src(%dma_wait3A_286 : memref<96xf32, #tpu.memory_space<hbm>>) dst(%dma_wait3A_284 : memref<96xf32, #tpu.memory_space<vmem>>)
      %dma_wait3A_287 = arith.constant 10368 : i32
      %dma_wait3A_288 = tpu.memref_slice %arg11[%dma_wait3A_287] : memref<30720xf32, #tpu.memory_space<vmem>> -> memref<96xf32, #tpu.memory_space<vmem>>
      %dma_wait3A_289 = arith.constant 0 : i32
      %dma_wait3A_290 = tpu.memref_slice %arg6[%dma_wait3A_289] : memref<960000xf32, #tpu.memory_space<hbm>> -> memref<96xf32, #tpu.memory_space<hbm>>
      %dma_wait3A_291 = arith.constant 10368 : i32
      %dma_wait3A_292 = tpu.memref_slice %arg11[%dma_wait3A_291] : memref<30720xf32, #tpu.memory_space<vmem>> -> memref<96xf32, #tpu.memory_space<vmem>>
      %dma_wait3A_293 = arith.constant 0 : i32
      %dma_wait3A_294 = tpu.memref_slice %arg6[%dma_wait3A_293] : memref<960000xf32, #tpu.memory_space<hbm>> -> memref<96xf32, #tpu.memory_space<hbm>>
      tpu.wait_dma2 semaphore(%arg12 : memref<!tpu.dma_semaphore, #tpu.memory_space<semaphore_mem>>) src(%dma_wait3A_294 : memref<96xf32, #tpu.memory_space<hbm>>) dst(%dma_wait3A_292 : memref<96xf32, #tpu.memory_space<vmem>>)
      %dma_wait3A_295 = arith.constant 10752 : i32
      %dma_wait3A_296 = tpu.memref_slice %arg11[%dma_wait3A_295] : memref<30720xf32, #tpu.memory_space<vmem>> -> memref<96xf32, #tpu.memory_space<vmem>>
      %dma_wait3A_297 = arith.constant 0 : i32
      %dma_wait3A_298 = tpu.memref_slice %arg6[%dma_wait3A_297] : memref<960000xf32, #tpu.memory_space<hbm>> -> memref<96xf32, #tpu.memory_space<hbm>>
      %dma_wait3A_299 = arith.constant 10752 : i32
      %dma_wait3A_300 = tpu.memref_slice %arg11[%dma_wait3A_299] : memref<30720xf32, #tpu.memory_space<vmem>> -> memref<96xf32, #tpu.memory_space<vmem>>
      %dma_wait3A_301 = arith.constant 0 : i32
      %dma_wait3A_302 = tpu.memref_slice %arg6[%dma_wait3A_301] : memref<960000xf32, #tpu.memory_space<hbm>> -> memref<96xf32, #tpu.memory_space<hbm>>
      tpu.wait_dma2 semaphore(%arg12 : memref<!tpu.dma_semaphore, #tpu.memory_space<semaphore_mem>>) src(%dma_wait3A_302 : memref<96xf32, #tpu.memory_space<hbm>>) dst(%dma_wait3A_300 : memref<96xf32, #tpu.memory_space<vmem>>)
      %dma_wait3A_303 = arith.constant 11136 : i32
      %dma_wait3A_304 = tpu.memref_slice %arg11[%dma_wait3A_303] : memref<30720xf32, #tpu.memory_space<vmem>> -> memref<96xf32, #tpu.memory_space<vmem>>
      %dma_wait3A_305 = arith.constant 0 : i32
      %dma_wait3A_306 = tpu.memref_slice %arg6[%dma_wait3A_305] : memref<960000xf32, #tpu.memory_space<hbm>> -> memref<96xf32, #tpu.memory_space<hbm>>
      %dma_wait3A_307 = arith.constant 11136 : i32
      %dma_wait3A_308 = tpu.memref_slice %arg11[%dma_wait3A_307] : memref<30720xf32, #tpu.memory_space<vmem>> -> memref<96xf32, #tpu.memory_space<vmem>>
      %dma_wait3A_309 = arith.constant 0 : i32
      %dma_wait3A_310 = tpu.memref_slice %arg6[%dma_wait3A_309] : memref<960000xf32, #tpu.memory_space<hbm>> -> memref<96xf32, #tpu.memory_space<hbm>>
      tpu.wait_dma2 semaphore(%arg12 : memref<!tpu.dma_semaphore, #tpu.memory_space<semaphore_mem>>) src(%dma_wait3A_310 : memref<96xf32, #tpu.memory_space<hbm>>) dst(%dma_wait3A_308 : memref<96xf32, #tpu.memory_space<vmem>>)
      %dma_wait3A_311 = arith.constant 11520 : i32
      %dma_wait3A_312 = tpu.memref_slice %arg11[%dma_wait3A_311] : memref<30720xf32, #tpu.memory_space<vmem>> -> memref<96xf32, #tpu.memory_space<vmem>>
      %dma_wait3A_313 = arith.constant 0 : i32
      %dma_wait3A_314 = tpu.memref_slice %arg6[%dma_wait3A_313] : memref<960000xf32, #tpu.memory_space<hbm>> -> memref<96xf32, #tpu.memory_space<hbm>>
      %dma_wait3A_315 = arith.constant 11520 : i32
      %dma_wait3A_316 = tpu.memref_slice %arg11[%dma_wait3A_315] : memref<30720xf32, #tpu.memory_space<vmem>> -> memref<96xf32, #tpu.memory_space<vmem>>
      %dma_wait3A_317 = arith.constant 0 : i32
      %dma_wait3A_318 = tpu.memref_slice %arg6[%dma_wait3A_317] : memref<960000xf32, #tpu.memory_space<hbm>> -> memref<96xf32, #tpu.memory_space<hbm>>
      tpu.wait_dma2 semaphore(%arg12 : memref<!tpu.dma_semaphore, #tpu.memory_space<semaphore_mem>>) src(%dma_wait3A_318 : memref<96xf32, #tpu.memory_space<hbm>>) dst(%dma_wait3A_316 : memref<96xf32, #tpu.memory_space<vmem>>)
      %dma_wait3A_319 = arith.constant 11904 : i32
      %dma_wait3A_320 = tpu.memref_slice %arg11[%dma_wait3A_319] : memref<30720xf32, #tpu.memory_space<vmem>> -> memref<96xf32, #tpu.memory_space<vmem>>
      %dma_wait3A_321 = arith.constant 0 : i32
      %dma_wait3A_322 = tpu.memref_slice %arg6[%dma_wait3A_321] : memref<960000xf32, #tpu.memory_space<hbm>> -> memref<96xf32, #tpu.memory_space<hbm>>
      %dma_wait3A_323 = arith.constant 11904 : i32
      %dma_wait3A_324 = tpu.memref_slice %arg11[%dma_wait3A_323] : memref<30720xf32, #tpu.memory_space<vmem>> -> memref<96xf32, #tpu.memory_space<vmem>>
      %dma_wait3A_325 = arith.constant 0 : i32
      %dma_wait3A_326 = tpu.memref_slice %arg6[%dma_wait3A_325] : memref<960000xf32, #tpu.memory_space<hbm>> -> memref<96xf32, #tpu.memory_space<hbm>>
      tpu.wait_dma2 semaphore(%arg12 : memref<!tpu.dma_semaphore, #tpu.memory_space<semaphore_mem>>) src(%dma_wait3A_326 : memref<96xf32, #tpu.memory_space<hbm>>) dst(%dma_wait3A_324 : memref<96xf32, #tpu.memory_space<vmem>>)
      %dma_wait3A_327 = arith.constant 12288 : i32
      %dma_wait3A_328 = tpu.memref_slice %arg11[%dma_wait3A_327] : memref<30720xf32, #tpu.memory_space<vmem>> -> memref<96xf32, #tpu.memory_space<vmem>>
      %dma_wait3A_329 = arith.constant 0 : i32
      %dma_wait3A_330 = tpu.memref_slice %arg6[%dma_wait3A_329] : memref<960000xf32, #tpu.memory_space<hbm>> -> memref<96xf32, #tpu.memory_space<hbm>>
      %dma_wait3A_331 = arith.constant 12288 : i32
      %dma_wait3A_332 = tpu.memref_slice %arg11[%dma_wait3A_331] : memref<30720xf32, #tpu.memory_space<vmem>> -> memref<96xf32, #tpu.memory_space<vmem>>
      %dma_wait3A_333 = arith.constant 0 : i32
      %dma_wait3A_334 = tpu.memref_slice %arg6[%dma_wait3A_333] : memref<960000xf32, #tpu.memory_space<hbm>> -> memref<96xf32, #tpu.memory_space<hbm>>
      tpu.wait_dma2 semaphore(%arg12 : memref<!tpu.dma_semaphore, #tpu.memory_space<semaphore_mem>>) src(%dma_wait3A_334 : memref<96xf32, #tpu.memory_space<hbm>>) dst(%dma_wait3A_332 : memref<96xf32, #tpu.memory_space<vmem>>)
      %dma_wait3A_335 = arith.constant 12672 : i32
      %dma_wait3A_336 = tpu.memref_slice %arg11[%dma_wait3A_335] : memref<30720xf32, #tpu.memory_space<vmem>> -> memref<96xf32, #tpu.memory_space<vmem>>
      %dma_wait3A_337 = arith.constant 0 : i32
      %dma_wait3A_338 = tpu.memref_slice %arg6[%dma_wait3A_337] : memref<960000xf32, #tpu.memory_space<hbm>> -> memref<96xf32, #tpu.memory_space<hbm>>
      %dma_wait3A_339 = arith.constant 12672 : i32
      %dma_wait3A_340 = tpu.memref_slice %arg11[%dma_wait3A_339] : memref<30720xf32, #tpu.memory_space<vmem>> -> memref<96xf32, #tpu.memory_space<vmem>>
      %dma_wait3A_341 = arith.constant 0 : i32
      %dma_wait3A_342 = tpu.memref_slice %arg6[%dma_wait3A_341] : memref<960000xf32, #tpu.memory_space<hbm>> -> memref<96xf32, #tpu.memory_space<hbm>>
      tpu.wait_dma2 semaphore(%arg12 : memref<!tpu.dma_semaphore, #tpu.memory_space<semaphore_mem>>) src(%dma_wait3A_342 : memref<96xf32, #tpu.memory_space<hbm>>) dst(%dma_wait3A_340 : memref<96xf32, #tpu.memory_space<vmem>>)
      %dma_wait3A_343 = arith.constant 13056 : i32
      %dma_wait3A_344 = tpu.memref_slice %arg11[%dma_wait3A_343] : memref<30720xf32, #tpu.memory_space<vmem>> -> memref<96xf32, #tpu.memory_space<vmem>>
      %dma_wait3A_345 = arith.constant 0 : i32
      %dma_wait3A_346 = tpu.memref_slice %arg6[%dma_wait3A_345] : memref<960000xf32, #tpu.memory_space<hbm>> -> memref<96xf32, #tpu.memory_space<hbm>>
      %dma_wait3A_347 = arith.constant 13056 : i32
      %dma_wait3A_348 = tpu.memref_slice %arg11[%dma_wait3A_347] : memref<30720xf32, #tpu.memory_space<vmem>> -> memref<96xf32, #tpu.memory_space<vmem>>
      %dma_wait3A_349 = arith.constant 0 : i32
      %dma_wait3A_350 = tpu.memref_slice %arg6[%dma_wait3A_349] : memref<960000xf32, #tpu.memory_space<hbm>> -> memref<96xf32, #tpu.memory_space<hbm>>
      tpu.wait_dma2 semaphore(%arg12 : memref<!tpu.dma_semaphore, #tpu.memory_space<semaphore_mem>>) src(%dma_wait3A_350 : memref<96xf32, #tpu.memory_space<hbm>>) dst(%dma_wait3A_348 : memref<96xf32, #tpu.memory_space<vmem>>)
      %dma_wait3A_351 = arith.constant 13440 : i32
      %dma_wait3A_352 = tpu.memref_slice %arg11[%dma_wait3A_351] : memref<30720xf32, #tpu.memory_space<vmem>> -> memref<96xf32, #tpu.memory_space<vmem>>
      %dma_wait3A_353 = arith.constant 0 : i32
      %dma_wait3A_354 = tpu.memref_slice %arg6[%dma_wait3A_353] : memref<960000xf32, #tpu.memory_space<hbm>> -> memref<96xf32, #tpu.memory_space<hbm>>
      %dma_wait3A_355 = arith.constant 13440 : i32
      %dma_wait3A_356 = tpu.memref_slice %arg11[%dma_wait3A_355] : memref<30720xf32, #tpu.memory_space<vmem>> -> memref<96xf32, #tpu.memory_space<vmem>>
      %dma_wait3A_357 = arith.constant 0 : i32
      %dma_wait3A_358 = tpu.memref_slice %arg6[%dma_wait3A_357] : memref<960000xf32, #tpu.memory_space<hbm>> -> memref<96xf32, #tpu.memory_space<hbm>>
      tpu.wait_dma2 semaphore(%arg12 : memref<!tpu.dma_semaphore, #tpu.memory_space<semaphore_mem>>) src(%dma_wait3A_358 : memref<96xf32, #tpu.memory_space<hbm>>) dst(%dma_wait3A_356 : memref<96xf32, #tpu.memory_space<vmem>>)
      %dma_wait3A_359 = arith.constant 13824 : i32
      %dma_wait3A_360 = tpu.memref_slice %arg11[%dma_wait3A_359] : memref<30720xf32, #tpu.memory_space<vmem>> -> memref<96xf32, #tpu.memory_space<vmem>>
      %dma_wait3A_361 = arith.constant 0 : i32
      %dma_wait3A_362 = tpu.memref_slice %arg6[%dma_wait3A_361] : memref<960000xf32, #tpu.memory_space<hbm>> -> memref<96xf32, #tpu.memory_space<hbm>>
      %dma_wait3A_363 = arith.constant 13824 : i32
      %dma_wait3A_364 = tpu.memref_slice %arg11[%dma_wait3A_363] : memref<30720xf32, #tpu.memory_space<vmem>> -> memref<96xf32, #tpu.memory_space<vmem>>
      %dma_wait3A_365 = arith.constant 0 : i32
      %dma_wait3A_366 = tpu.memref_slice %arg6[%dma_wait3A_365] : memref<960000xf32, #tpu.memory_space<hbm>> -> memref<96xf32, #tpu.memory_space<hbm>>
      tpu.wait_dma2 semaphore(%arg12 : memref<!tpu.dma_semaphore, #tpu.memory_space<semaphore_mem>>) src(%dma_wait3A_366 : memref<96xf32, #tpu.memory_space<hbm>>) dst(%dma_wait3A_364 : memref<96xf32, #tpu.memory_space<vmem>>)
      %dma_wait3A_367 = arith.constant 14208 : i32
      %dma_wait3A_368 = tpu.memref_slice %arg11[%dma_wait3A_367] : memref<30720xf32, #tpu.memory_space<vmem>> -> memref<96xf32, #tpu.memory_space<vmem>>
      %dma_wait3A_369 = arith.constant 0 : i32
      %dma_wait3A_370 = tpu.memref_slice %arg6[%dma_wait3A_369] : memref<960000xf32, #tpu.memory_space<hbm>> -> memref<96xf32, #tpu.memory_space<hbm>>
      %dma_wait3A_371 = arith.constant 14208 : i32
      %dma_wait3A_372 = tpu.memref_slice %arg11[%dma_wait3A_371] : memref<30720xf32, #tpu.memory_space<vmem>> -> memref<96xf32, #tpu.memory_space<vmem>>
      %dma_wait3A_373 = arith.constant 0 : i32
      %dma_wait3A_374 = tpu.memref_slice %arg6[%dma_wait3A_373] : memref<960000xf32, #tpu.memory_space<hbm>> -> memref<96xf32, #tpu.memory_space<hbm>>
      tpu.wait_dma2 semaphore(%arg12 : memref<!tpu.dma_semaphore, #tpu.memory_space<semaphore_mem>>) src(%dma_wait3A_374 : memref<96xf32, #tpu.memory_space<hbm>>) dst(%dma_wait3A_372 : memref<96xf32, #tpu.memory_space<vmem>>)
      %dma_wait3A_375 = arith.constant 14592 : i32
      %dma_wait3A_376 = tpu.memref_slice %arg11[%dma_wait3A_375] : memref<30720xf32, #tpu.memory_space<vmem>> -> memref<96xf32, #tpu.memory_space<vmem>>
      %dma_wait3A_377 = arith.constant 0 : i32
      %dma_wait3A_378 = tpu.memref_slice %arg6[%dma_wait3A_377] : memref<960000xf32, #tpu.memory_space<hbm>> -> memref<96xf32, #tpu.memory_space<hbm>>
      %dma_wait3A_379 = arith.constant 14592 : i32
      %dma_wait3A_380 = tpu.memref_slice %arg11[%dma_wait3A_379] : memref<30720xf32, #tpu.memory_space<vmem>> -> memref<96xf32, #tpu.memory_space<vmem>>
      %dma_wait3A_381 = arith.constant 0 : i32
      %dma_wait3A_382 = tpu.memref_slice %arg6[%dma_wait3A_381] : memref<960000xf32, #tpu.memory_space<hbm>> -> memref<96xf32, #tpu.memory_space<hbm>>
      tpu.wait_dma2 semaphore(%arg12 : memref<!tpu.dma_semaphore, #tpu.memory_space<semaphore_mem>>) src(%dma_wait3A_382 : memref<96xf32, #tpu.memory_space<hbm>>) dst(%dma_wait3A_380 : memref<96xf32, #tpu.memory_space<vmem>>)
      %dma_wait3A_383 = arith.constant 14976 : i32
      %dma_wait3A_384 = tpu.memref_slice %arg11[%dma_wait3A_383] : memref<30720xf32, #tpu.memory_space<vmem>> -> memref<96xf32, #tpu.memory_space<vmem>>
      %dma_wait3A_385 = arith.constant 0 : i32
      %dma_wait3A_386 = tpu.memref_slice %arg6[%dma_wait3A_385] : memref<960000xf32, #tpu.memory_space<hbm>> -> memref<96xf32, #tpu.memory_space<hbm>>
      %dma_wait3A_387 = arith.constant 14976 : i32
      %dma_wait3A_388 = tpu.memref_slice %arg11[%dma_wait3A_387] : memref<30720xf32, #tpu.memory_space<vmem>> -> memref<96xf32, #tpu.memory_space<vmem>>
      %dma_wait3A_389 = arith.constant 0 : i32
      %dma_wait3A_390 = tpu.memref_slice %arg6[%dma_wait3A_389] : memref<960000xf32, #tpu.memory_space<hbm>> -> memref<96xf32, #tpu.memory_space<hbm>>
      tpu.wait_dma2 semaphore(%arg12 : memref<!tpu.dma_semaphore, #tpu.memory_space<semaphore_mem>>) src(%dma_wait3A_390 : memref<96xf32, #tpu.memory_space<hbm>>) dst(%dma_wait3A_388 : memref<96xf32, #tpu.memory_space<vmem>>)
      %dma_wait3A_391 = arith.constant 15360 : i32
      %dma_wait3A_392 = tpu.memref_slice %arg11[%dma_wait3A_391] : memref<30720xf32, #tpu.memory_space<vmem>> -> memref<96xf32, #tpu.memory_space<vmem>>
      %dma_wait3A_393 = arith.constant 0 : i32
      %dma_wait3A_394 = tpu.memref_slice %arg6[%dma_wait3A_393] : memref<960000xf32, #tpu.memory_space<hbm>> -> memref<96xf32, #tpu.memory_space<hbm>>
      %dma_wait3A_395 = arith.constant 15360 : i32
      %dma_wait3A_396 = tpu.memref_slice %arg11[%dma_wait3A_395] : memref<30720xf32, #tpu.memory_space<vmem>> -> memref<96xf32, #tpu.memory_space<vmem>>
      %dma_wait3A_397 = arith.constant 0 : i32
      %dma_wait3A_398 = tpu.memref_slice %arg6[%dma_wait3A_397] : memref<960000xf32, #tpu.memory_space<hbm>> -> memref<96xf32, #tpu.memory_space<hbm>>
      tpu.wait_dma2 semaphore(%arg12 : memref<!tpu.dma_semaphore, #tpu.memory_space<semaphore_mem>>) src(%dma_wait3A_398 : memref<96xf32, #tpu.memory_space<hbm>>) dst(%dma_wait3A_396 : memref<96xf32, #tpu.memory_space<vmem>>)
      %dma_wait3A_399 = arith.constant 15744 : i32
      %dma_wait3A_400 = tpu.memref_slice %arg11[%dma_wait3A_399] : memref<30720xf32, #tpu.memory_space<vmem>> -> memref<96xf32, #tpu.memory_space<vmem>>
      %dma_wait3A_401 = arith.constant 0 : i32
      %dma_wait3A_402 = tpu.memref_slice %arg6[%dma_wait3A_401] : memref<960000xf32, #tpu.memory_space<hbm>> -> memref<96xf32, #tpu.memory_space<hbm>>
      %dma_wait3A_403 = arith.constant 15744 : i32
      %dma_wait3A_404 = tpu.memref_slice %arg11[%dma_wait3A_403] : memref<30720xf32, #tpu.memory_space<vmem>> -> memref<96xf32, #tpu.memory_space<vmem>>
      %dma_wait3A_405 = arith.constant 0 : i32
      %dma_wait3A_406 = tpu.memref_slice %arg6[%dma_wait3A_405] : memref<960000xf32, #tpu.memory_space<hbm>> -> memref<96xf32, #tpu.memory_space<hbm>>
      tpu.wait_dma2 semaphore(%arg12 : memref<!tpu.dma_semaphore, #tpu.memory_space<semaphore_mem>>) src(%dma_wait3A_406 : memref<96xf32, #tpu.memory_space<hbm>>) dst(%dma_wait3A_404 : memref<96xf32, #tpu.memory_space<vmem>>)
      %dma_wait3A_407 = arith.constant 16128 : i32
      %dma_wait3A_408 = tpu.memref_slice %arg11[%dma_wait3A_407] : memref<30720xf32, #tpu.memory_space<vmem>> -> memref<96xf32, #tpu.memory_space<vmem>>
      %dma_wait3A_409 = arith.constant 0 : i32
      %dma_wait3A_410 = tpu.memref_slice %arg6[%dma_wait3A_409] : memref<960000xf32, #tpu.memory_space<hbm>> -> memref<96xf32, #tpu.memory_space<hbm>>
      %dma_wait3A_411 = arith.constant 16128 : i32
      %dma_wait3A_412 = tpu.memref_slice %arg11[%dma_wait3A_411] : memref<30720xf32, #tpu.memory_space<vmem>> -> memref<96xf32, #tpu.memory_space<vmem>>
      %dma_wait3A_413 = arith.constant 0 : i32
      %dma_wait3A_414 = tpu.memref_slice %arg6[%dma_wait3A_413] : memref<960000xf32, #tpu.memory_space<hbm>> -> memref<96xf32, #tpu.memory_space<hbm>>
      tpu.wait_dma2 semaphore(%arg12 : memref<!tpu.dma_semaphore, #tpu.memory_space<semaphore_mem>>) src(%dma_wait3A_414 : memref<96xf32, #tpu.memory_space<hbm>>) dst(%dma_wait3A_412 : memref<96xf32, #tpu.memory_space<vmem>>)
      %dma_wait3A_415 = arith.constant 16512 : i32
      %dma_wait3A_416 = tpu.memref_slice %arg11[%dma_wait3A_415] : memref<30720xf32, #tpu.memory_space<vmem>> -> memref<96xf32, #tpu.memory_space<vmem>>
      %dma_wait3A_417 = arith.constant 0 : i32
      %dma_wait3A_418 = tpu.memref_slice %arg6[%dma_wait3A_417] : memref<960000xf32, #tpu.memory_space<hbm>> -> memref<96xf32, #tpu.memory_space<hbm>>
      %dma_wait3A_419 = arith.constant 16512 : i32
      %dma_wait3A_420 = tpu.memref_slice %arg11[%dma_wait3A_419] : memref<30720xf32, #tpu.memory_space<vmem>> -> memref<96xf32, #tpu.memory_space<vmem>>
      %dma_wait3A_421 = arith.constant 0 : i32
      %dma_wait3A_422 = tpu.memref_slice %arg6[%dma_wait3A_421] : memref<960000xf32, #tpu.memory_space<hbm>> -> memref<96xf32, #tpu.memory_space<hbm>>
      tpu.wait_dma2 semaphore(%arg12 : memref<!tpu.dma_semaphore, #tpu.memory_space<semaphore_mem>>) src(%dma_wait3A_422 : memref<96xf32, #tpu.memory_space<hbm>>) dst(%dma_wait3A_420 : memref<96xf32, #tpu.memory_space<vmem>>)
      %dma_wait3A_423 = arith.constant 16896 : i32
      %dma_wait3A_424 = tpu.memref_slice %arg11[%dma_wait3A_423] : memref<30720xf32, #tpu.memory_space<vmem>> -> memref<96xf32, #tpu.memory_space<vmem>>
      %dma_wait3A_425 = arith.constant 0 : i32
      %dma_wait3A_426 = tpu.memref_slice %arg6[%dma_wait3A_425] : memref<960000xf32, #tpu.memory_space<hbm>> -> memref<96xf32, #tpu.memory_space<hbm>>
      %dma_wait3A_427 = arith.constant 16896 : i32
      %dma_wait3A_428 = tpu.memref_slice %arg11[%dma_wait3A_427] : memref<30720xf32, #tpu.memory_space<vmem>> -> memref<96xf32, #tpu.memory_space<vmem>>
      %dma_wait3A_429 = arith.constant 0 : i32
      %dma_wait3A_430 = tpu.memref_slice %arg6[%dma_wait3A_429] : memref<960000xf32, #tpu.memory_space<hbm>> -> memref<96xf32, #tpu.memory_space<hbm>>
      tpu.wait_dma2 semaphore(%arg12 : memref<!tpu.dma_semaphore, #tpu.memory_space<semaphore_mem>>) src(%dma_wait3A_430 : memref<96xf32, #tpu.memory_space<hbm>>) dst(%dma_wait3A_428 : memref<96xf32, #tpu.memory_space<vmem>>)
      %dma_wait3A_431 = arith.constant 17280 : i32
      %dma_wait3A_432 = tpu.memref_slice %arg11[%dma_wait3A_431] : memref<30720xf32, #tpu.memory_space<vmem>> -> memref<96xf32, #tpu.memory_space<vmem>>
      %dma_wait3A_433 = arith.constant 0 : i32
      %dma_wait3A_434 = tpu.memref_slice %arg6[%dma_wait3A_433] : memref<960000xf32, #tpu.memory_space<hbm>> -> memref<96xf32, #tpu.memory_space<hbm>>
      %dma_wait3A_435 = arith.constant 17280 : i32
      %dma_wait3A_436 = tpu.memref_slice %arg11[%dma_wait3A_435] : memref<30720xf32, #tpu.memory_space<vmem>> -> memref<96xf32, #tpu.memory_space<vmem>>
      %dma_wait3A_437 = arith.constant 0 : i32
      %dma_wait3A_438 = tpu.memref_slice %arg6[%dma_wait3A_437] : memref<960000xf32, #tpu.memory_space<hbm>> -> memref<96xf32, #tpu.memory_space<hbm>>
      tpu.wait_dma2 semaphore(%arg12 : memref<!tpu.dma_semaphore, #tpu.memory_space<semaphore_mem>>) src(%dma_wait3A_438 : memref<96xf32, #tpu.memory_space<hbm>>) dst(%dma_wait3A_436 : memref<96xf32, #tpu.memory_space<vmem>>)
      %dma_wait3A_439 = arith.constant 17664 : i32
      %dma_wait3A_440 = tpu.memref_slice %arg11[%dma_wait3A_439] : memref<30720xf32, #tpu.memory_space<vmem>> -> memref<96xf32, #tpu.memory_space<vmem>>
      %dma_wait3A_441 = arith.constant 0 : i32
      %dma_wait3A_442 = tpu.memref_slice %arg6[%dma_wait3A_441] : memref<960000xf32, #tpu.memory_space<hbm>> -> memref<96xf32, #tpu.memory_space<hbm>>
      %dma_wait3A_443 = arith.constant 17664 : i32
      %dma_wait3A_444 = tpu.memref_slice %arg11[%dma_wait3A_443] : memref<30720xf32, #tpu.memory_space<vmem>> -> memref<96xf32, #tpu.memory_space<vmem>>
      %dma_wait3A_445 = arith.constant 0 : i32
      %dma_wait3A_446 = tpu.memref_slice %arg6[%dma_wait3A_445] : memref<960000xf32, #tpu.memory_space<hbm>> -> memref<96xf32, #tpu.memory_space<hbm>>
      tpu.wait_dma2 semaphore(%arg12 : memref<!tpu.dma_semaphore, #tpu.memory_space<semaphore_mem>>) src(%dma_wait3A_446 : memref<96xf32, #tpu.memory_space<hbm>>) dst(%dma_wait3A_444 : memref<96xf32, #tpu.memory_space<vmem>>)
      %dma_wait3A_447 = arith.constant 18048 : i32
      %dma_wait3A_448 = tpu.memref_slice %arg11[%dma_wait3A_447] : memref<30720xf32, #tpu.memory_space<vmem>> -> memref<96xf32, #tpu.memory_space<vmem>>
      %dma_wait3A_449 = arith.constant 0 : i32
      %dma_wait3A_450 = tpu.memref_slice %arg6[%dma_wait3A_449] : memref<960000xf32, #tpu.memory_space<hbm>> -> memref<96xf32, #tpu.memory_space<hbm>>
      %dma_wait3A_451 = arith.constant 18048 : i32
      %dma_wait3A_452 = tpu.memref_slice %arg11[%dma_wait3A_451] : memref<30720xf32, #tpu.memory_space<vmem>> -> memref<96xf32, #tpu.memory_space<vmem>>
      %dma_wait3A_453 = arith.constant 0 : i32
      %dma_wait3A_454 = tpu.memref_slice %arg6[%dma_wait3A_453] : memref<960000xf32, #tpu.memory_space<hbm>> -> memref<96xf32, #tpu.memory_space<hbm>>
      tpu.wait_dma2 semaphore(%arg12 : memref<!tpu.dma_semaphore, #tpu.memory_space<semaphore_mem>>) src(%dma_wait3A_454 : memref<96xf32, #tpu.memory_space<hbm>>) dst(%dma_wait3A_452 : memref<96xf32, #tpu.memory_space<vmem>>)
      %dma_wait3A_455 = arith.constant 18432 : i32
      %dma_wait3A_456 = tpu.memref_slice %arg11[%dma_wait3A_455] : memref<30720xf32, #tpu.memory_space<vmem>> -> memref<96xf32, #tpu.memory_space<vmem>>
      %dma_wait3A_457 = arith.constant 0 : i32
      %dma_wait3A_458 = tpu.memref_slice %arg6[%dma_wait3A_457] : memref<960000xf32, #tpu.memory_space<hbm>> -> memref<96xf32, #tpu.memory_space<hbm>>
      %dma_wait3A_459 = arith.constant 18432 : i32
      %dma_wait3A_460 = tpu.memref_slice %arg11[%dma_wait3A_459] : memref<30720xf32, #tpu.memory_space<vmem>> -> memref<96xf32, #tpu.memory_space<vmem>>
      %dma_wait3A_461 = arith.constant 0 : i32
      %dma_wait3A_462 = tpu.memref_slice %arg6[%dma_wait3A_461] : memref<960000xf32, #tpu.memory_space<hbm>> -> memref<96xf32, #tpu.memory_space<hbm>>
      tpu.wait_dma2 semaphore(%arg12 : memref<!tpu.dma_semaphore, #tpu.memory_space<semaphore_mem>>) src(%dma_wait3A_462 : memref<96xf32, #tpu.memory_space<hbm>>) dst(%dma_wait3A_460 : memref<96xf32, #tpu.memory_space<vmem>>)
      %dma_wait3A_463 = arith.constant 18816 : i32
      %dma_wait3A_464 = tpu.memref_slice %arg11[%dma_wait3A_463] : memref<30720xf32, #tpu.memory_space<vmem>> -> memref<96xf32, #tpu.memory_space<vmem>>
      %dma_wait3A_465 = arith.constant 0 : i32
      %dma_wait3A_466 = tpu.memref_slice %arg6[%dma_wait3A_465] : memref<960000xf32, #tpu.memory_space<hbm>> -> memref<96xf32, #tpu.memory_space<hbm>>
      %dma_wait3A_467 = arith.constant 18816 : i32
      %dma_wait3A_468 = tpu.memref_slice %arg11[%dma_wait3A_467] : memref<30720xf32, #tpu.memory_space<vmem>> -> memref<96xf32, #tpu.memory_space<vmem>>
      %dma_wait3A_469 = arith.constant 0 : i32
      %dma_wait3A_470 = tpu.memref_slice %arg6[%dma_wait3A_469] : memref<960000xf32, #tpu.memory_space<hbm>> -> memref<96xf32, #tpu.memory_space<hbm>>
      tpu.wait_dma2 semaphore(%arg12 : memref<!tpu.dma_semaphore, #tpu.memory_space<semaphore_mem>>) src(%dma_wait3A_470 : memref<96xf32, #tpu.memory_space<hbm>>) dst(%dma_wait3A_468 : memref<96xf32, #tpu.memory_space<vmem>>)
      %dma_wait3A_471 = arith.constant 19200 : i32
      %dma_wait3A_472 = tpu.memref_slice %arg11[%dma_wait3A_471] : memref<30720xf32, #tpu.memory_space<vmem>> -> memref<96xf32, #tpu.memory_space<vmem>>
      %dma_wait3A_473 = arith.constant 0 : i32
      %dma_wait3A_474 = tpu.memref_slice %arg6[%dma_wait3A_473] : memref<960000xf32, #tpu.memory_space<hbm>> -> memref<96xf32, #tpu.memory_space<hbm>>
      %dma_wait3A_475 = arith.constant 19200 : i32
      %dma_wait3A_476 = tpu.memref_slice %arg11[%dma_wait3A_475] : memref<30720xf32, #tpu.memory_space<vmem>> -> memref<96xf32, #tpu.memory_space<vmem>>
      %dma_wait3A_477 = arith.constant 0 : i32
      %dma_wait3A_478 = tpu.memref_slice %arg6[%dma_wait3A_477] : memref<960000xf32, #tpu.memory_space<hbm>> -> memref<96xf32, #tpu.memory_space<hbm>>
      tpu.wait_dma2 semaphore(%arg12 : memref<!tpu.dma_semaphore, #tpu.memory_space<semaphore_mem>>) src(%dma_wait3A_478 : memref<96xf32, #tpu.memory_space<hbm>>) dst(%dma_wait3A_476 : memref<96xf32, #tpu.memory_space<vmem>>)
      %dma_wait3A_479 = arith.constant 19584 : i32
      %dma_wait3A_480 = tpu.memref_slice %arg11[%dma_wait3A_479] : memref<30720xf32, #tpu.memory_space<vmem>> -> memref<96xf32, #tpu.memory_space<vmem>>
      %dma_wait3A_481 = arith.constant 0 : i32
      %dma_wait3A_482 = tpu.memref_slice %arg6[%dma_wait3A_481] : memref<960000xf32, #tpu.memory_space<hbm>> -> memref<96xf32, #tpu.memory_space<hbm>>
      %dma_wait3A_483 = arith.constant 19584 : i32
      %dma_wait3A_484 = tpu.memref_slice %arg11[%dma_wait3A_483] : memref<30720xf32, #tpu.memory_space<vmem>> -> memref<96xf32, #tpu.memory_space<vmem>>
      %dma_wait3A_485 = arith.constant 0 : i32
      %dma_wait3A_486 = tpu.memref_slice %arg6[%dma_wait3A_485] : memref<960000xf32, #tpu.memory_space<hbm>> -> memref<96xf32, #tpu.memory_space<hbm>>
      tpu.wait_dma2 semaphore(%arg12 : memref<!tpu.dma_semaphore, #tpu.memory_space<semaphore_mem>>) src(%dma_wait3A_486 : memref<96xf32, #tpu.memory_space<hbm>>) dst(%dma_wait3A_484 : memref<96xf32, #tpu.memory_space<vmem>>)
      %dma_wait3A_487 = arith.constant 19968 : i32
      %dma_wait3A_488 = tpu.memref_slice %arg11[%dma_wait3A_487] : memref<30720xf32, #tpu.memory_space<vmem>> -> memref<96xf32, #tpu.memory_space<vmem>>
      %dma_wait3A_489 = arith.constant 0 : i32
      %dma_wait3A_490 = tpu.memref_slice %arg6[%dma_wait3A_489] : memref<960000xf32, #tpu.memory_space<hbm>> -> memref<96xf32, #tpu.memory_space<hbm>>
      %dma_wait3A_491 = arith.constant 19968 : i32
      %dma_wait3A_492 = tpu.memref_slice %arg11[%dma_wait3A_491] : memref<30720xf32, #tpu.memory_space<vmem>> -> memref<96xf32, #tpu.memory_space<vmem>>
      %dma_wait3A_493 = arith.constant 0 : i32
      %dma_wait3A_494 = tpu.memref_slice %arg6[%dma_wait3A_493] : memref<960000xf32, #tpu.memory_space<hbm>> -> memref<96xf32, #tpu.memory_space<hbm>>
      tpu.wait_dma2 semaphore(%arg12 : memref<!tpu.dma_semaphore, #tpu.memory_space<semaphore_mem>>) src(%dma_wait3A_494 : memref<96xf32, #tpu.memory_space<hbm>>) dst(%dma_wait3A_492 : memref<96xf32, #tpu.memory_space<vmem>>)
      %dma_wait3A_495 = arith.constant 20352 : i32
      %dma_wait3A_496 = tpu.memref_slice %arg11[%dma_wait3A_495] : memref<30720xf32, #tpu.memory_space<vmem>> -> memref<96xf32, #tpu.memory_space<vmem>>
      %dma_wait3A_497 = arith.constant 0 : i32
      %dma_wait3A_498 = tpu.memref_slice %arg6[%dma_wait3A_497] : memref<960000xf32, #tpu.memory_space<hbm>> -> memref<96xf32, #tpu.memory_space<hbm>>
      %dma_wait3A_499 = arith.constant 20352 : i32
      %dma_wait3A_500 = tpu.memref_slice %arg11[%dma_wait3A_499] : memref<30720xf32, #tpu.memory_space<vmem>> -> memref<96xf32, #tpu.memory_space<vmem>>
      %dma_wait3A_501 = arith.constant 0 : i32
      %dma_wait3A_502 = tpu.memref_slice %arg6[%dma_wait3A_501] : memref<960000xf32, #tpu.memory_space<hbm>> -> memref<96xf32, #tpu.memory_space<hbm>>
      tpu.wait_dma2 semaphore(%arg12 : memref<!tpu.dma_semaphore, #tpu.memory_space<semaphore_mem>>) src(%dma_wait3A_502 : memref<96xf32, #tpu.memory_space<hbm>>) dst(%dma_wait3A_500 : memref<96xf32, #tpu.memory_space<vmem>>)
      %dma_wait3A_503 = arith.constant 20736 : i32
      %dma_wait3A_504 = tpu.memref_slice %arg11[%dma_wait3A_503] : memref<30720xf32, #tpu.memory_space<vmem>> -> memref<96xf32, #tpu.memory_space<vmem>>
      %dma_wait3A_505 = arith.constant 0 : i32
      %dma_wait3A_506 = tpu.memref_slice %arg6[%dma_wait3A_505] : memref<960000xf32, #tpu.memory_space<hbm>> -> memref<96xf32, #tpu.memory_space<hbm>>
      %dma_wait3A_507 = arith.constant 20736 : i32
      %dma_wait3A_508 = tpu.memref_slice %arg11[%dma_wait3A_507] : memref<30720xf32, #tpu.memory_space<vmem>> -> memref<96xf32, #tpu.memory_space<vmem>>
      %dma_wait3A_509 = arith.constant 0 : i32
      %dma_wait3A_510 = tpu.memref_slice %arg6[%dma_wait3A_509] : memref<960000xf32, #tpu.memory_space<hbm>> -> memref<96xf32, #tpu.memory_space<hbm>>
      tpu.wait_dma2 semaphore(%arg12 : memref<!tpu.dma_semaphore, #tpu.memory_space<semaphore_mem>>) src(%dma_wait3A_510 : memref<96xf32, #tpu.memory_space<hbm>>) dst(%dma_wait3A_508 : memref<96xf32, #tpu.memory_space<vmem>>)
      %dma_wait3A_511 = arith.constant 21120 : i32
      %dma_wait3A_512 = tpu.memref_slice %arg11[%dma_wait3A_511] : memref<30720xf32, #tpu.memory_space<vmem>> -> memref<96xf32, #tpu.memory_space<vmem>>
      %dma_wait3A_513 = arith.constant 0 : i32
      %dma_wait3A_514 = tpu.memref_slice %arg6[%dma_wait3A_513] : memref<960000xf32, #tpu.memory_space<hbm>> -> memref<96xf32, #tpu.memory_space<hbm>>
      %dma_wait3A_515 = arith.constant 21120 : i32
      %dma_wait3A_516 = tpu.memref_slice %arg11[%dma_wait3A_515] : memref<30720xf32, #tpu.memory_space<vmem>> -> memref<96xf32, #tpu.memory_space<vmem>>
      %dma_wait3A_517 = arith.constant 0 : i32
      %dma_wait3A_518 = tpu.memref_slice %arg6[%dma_wait3A_517] : memref<960000xf32, #tpu.memory_space<hbm>> -> memref<96xf32, #tpu.memory_space<hbm>>
      tpu.wait_dma2 semaphore(%arg12 : memref<!tpu.dma_semaphore, #tpu.memory_space<semaphore_mem>>) src(%dma_wait3A_518 : memref<96xf32, #tpu.memory_space<hbm>>) dst(%dma_wait3A_516 : memref<96xf32, #tpu.memory_space<vmem>>)
      %dma_wait3A_519 = arith.constant 21504 : i32
      %dma_wait3A_520 = tpu.memref_slice %arg11[%dma_wait3A_519] : memref<30720xf32, #tpu.memory_space<vmem>> -> memref<96xf32, #tpu.memory_space<vmem>>
      %dma_wait3A_521 = arith.constant 0 : i32
      %dma_wait3A_522 = tpu.memref_slice %arg6[%dma_wait3A_521] : memref<960000xf32, #tpu.memory_space<hbm>> -> memref<96xf32, #tpu.memory_space<hbm>>
      %dma_wait3A_523 = arith.constant 21504 : i32
      %dma_wait3A_524 = tpu.memref_slice %arg11[%dma_wait3A_523] : memref<30720xf32, #tpu.memory_space<vmem>> -> memref<96xf32, #tpu.memory_space<vmem>>
      %dma_wait3A_525 = arith.constant 0 : i32
      %dma_wait3A_526 = tpu.memref_slice %arg6[%dma_wait3A_525] : memref<960000xf32, #tpu.memory_space<hbm>> -> memref<96xf32, #tpu.memory_space<hbm>>
      tpu.wait_dma2 semaphore(%arg12 : memref<!tpu.dma_semaphore, #tpu.memory_space<semaphore_mem>>) src(%dma_wait3A_526 : memref<96xf32, #tpu.memory_space<hbm>>) dst(%dma_wait3A_524 : memref<96xf32, #tpu.memory_space<vmem>>)
      %dma_wait3A_527 = arith.constant 21888 : i32
      %dma_wait3A_528 = tpu.memref_slice %arg11[%dma_wait3A_527] : memref<30720xf32, #tpu.memory_space<vmem>> -> memref<96xf32, #tpu.memory_space<vmem>>
      %dma_wait3A_529 = arith.constant 0 : i32
      %dma_wait3A_530 = tpu.memref_slice %arg6[%dma_wait3A_529] : memref<960000xf32, #tpu.memory_space<hbm>> -> memref<96xf32, #tpu.memory_space<hbm>>
      %dma_wait3A_531 = arith.constant 21888 : i32
      %dma_wait3A_532 = tpu.memref_slice %arg11[%dma_wait3A_531] : memref<30720xf32, #tpu.memory_space<vmem>> -> memref<96xf32, #tpu.memory_space<vmem>>
      %dma_wait3A_533 = arith.constant 0 : i32
      %dma_wait3A_534 = tpu.memref_slice %arg6[%dma_wait3A_533] : memref<960000xf32, #tpu.memory_space<hbm>> -> memref<96xf32, #tpu.memory_space<hbm>>
      tpu.wait_dma2 semaphore(%arg12 : memref<!tpu.dma_semaphore, #tpu.memory_space<semaphore_mem>>) src(%dma_wait3A_534 : memref<96xf32, #tpu.memory_space<hbm>>) dst(%dma_wait3A_532 : memref<96xf32, #tpu.memory_space<vmem>>)
      %dma_wait3A_535 = arith.constant 22272 : i32
      %dma_wait3A_536 = tpu.memref_slice %arg11[%dma_wait3A_535] : memref<30720xf32, #tpu.memory_space<vmem>> -> memref<96xf32, #tpu.memory_space<vmem>>
      %dma_wait3A_537 = arith.constant 0 : i32
      %dma_wait3A_538 = tpu.memref_slice %arg6[%dma_wait3A_537] : memref<960000xf32, #tpu.memory_space<hbm>> -> memref<96xf32, #tpu.memory_space<hbm>>
      %dma_wait3A_539 = arith.constant 22272 : i32
      %dma_wait3A_540 = tpu.memref_slice %arg11[%dma_wait3A_539] : memref<30720xf32, #tpu.memory_space<vmem>> -> memref<96xf32, #tpu.memory_space<vmem>>
      %dma_wait3A_541 = arith.constant 0 : i32
      %dma_wait3A_542 = tpu.memref_slice %arg6[%dma_wait3A_541] : memref<960000xf32, #tpu.memory_space<hbm>> -> memref<96xf32, #tpu.memory_space<hbm>>
      tpu.wait_dma2 semaphore(%arg12 : memref<!tpu.dma_semaphore, #tpu.memory_space<semaphore_mem>>) src(%dma_wait3A_542 : memref<96xf32, #tpu.memory_space<hbm>>) dst(%dma_wait3A_540 : memref<96xf32, #tpu.memory_space<vmem>>)
      %dma_wait3A_543 = arith.constant 22656 : i32
      %dma_wait3A_544 = tpu.memref_slice %arg11[%dma_wait3A_543] : memref<30720xf32, #tpu.memory_space<vmem>> -> memref<96xf32, #tpu.memory_space<vmem>>
      %dma_wait3A_545 = arith.constant 0 : i32
      %dma_wait3A_546 = tpu.memref_slice %arg6[%dma_wait3A_545] : memref<960000xf32, #tpu.memory_space<hbm>> -> memref<96xf32, #tpu.memory_space<hbm>>
      %dma_wait3A_547 = arith.constant 22656 : i32
      %dma_wait3A_548 = tpu.memref_slice %arg11[%dma_wait3A_547] : memref<30720xf32, #tpu.memory_space<vmem>> -> memref<96xf32, #tpu.memory_space<vmem>>
      %dma_wait3A_549 = arith.constant 0 : i32
      %dma_wait3A_550 = tpu.memref_slice %arg6[%dma_wait3A_549] : memref<960000xf32, #tpu.memory_space<hbm>> -> memref<96xf32, #tpu.memory_space<hbm>>
      tpu.wait_dma2 semaphore(%arg12 : memref<!tpu.dma_semaphore, #tpu.memory_space<semaphore_mem>>) src(%dma_wait3A_550 : memref<96xf32, #tpu.memory_space<hbm>>) dst(%dma_wait3A_548 : memref<96xf32, #tpu.memory_space<vmem>>)
      %dma_wait3A_551 = arith.constant 23040 : i32
      %dma_wait3A_552 = tpu.memref_slice %arg11[%dma_wait3A_551] : memref<30720xf32, #tpu.memory_space<vmem>> -> memref<96xf32, #tpu.memory_space<vmem>>
      %dma_wait3A_553 = arith.constant 0 : i32
      %dma_wait3A_554 = tpu.memref_slice %arg6[%dma_wait3A_553] : memref<960000xf32, #tpu.memory_space<hbm>> -> memref<96xf32, #tpu.memory_space<hbm>>
      %dma_wait3A_555 = arith.constant 23040 : i32
      %dma_wait3A_556 = tpu.memref_slice %arg11[%dma_wait3A_555] : memref<30720xf32, #tpu.memory_space<vmem>> -> memref<96xf32, #tpu.memory_space<vmem>>
      %dma_wait3A_557 = arith.constant 0 : i32
      %dma_wait3A_558 = tpu.memref_slice %arg6[%dma_wait3A_557] : memref<960000xf32, #tpu.memory_space<hbm>> -> memref<96xf32, #tpu.memory_space<hbm>>
      tpu.wait_dma2 semaphore(%arg12 : memref<!tpu.dma_semaphore, #tpu.memory_space<semaphore_mem>>) src(%dma_wait3A_558 : memref<96xf32, #tpu.memory_space<hbm>>) dst(%dma_wait3A_556 : memref<96xf32, #tpu.memory_space<vmem>>)
      %dma_wait3A_559 = arith.constant 23424 : i32
      %dma_wait3A_560 = tpu.memref_slice %arg11[%dma_wait3A_559] : memref<30720xf32, #tpu.memory_space<vmem>> -> memref<96xf32, #tpu.memory_space<vmem>>
      %dma_wait3A_561 = arith.constant 0 : i32
      %dma_wait3A_562 = tpu.memref_slice %arg6[%dma_wait3A_561] : memref<960000xf32, #tpu.memory_space<hbm>> -> memref<96xf32, #tpu.memory_space<hbm>>
      %dma_wait3A_563 = arith.constant 23424 : i32
      %dma_wait3A_564 = tpu.memref_slice %arg11[%dma_wait3A_563] : memref<30720xf32, #tpu.memory_space<vmem>> -> memref<96xf32, #tpu.memory_space<vmem>>
      %dma_wait3A_565 = arith.constant 0 : i32
      %dma_wait3A_566 = tpu.memref_slice %arg6[%dma_wait3A_565] : memref<960000xf32, #tpu.memory_space<hbm>> -> memref<96xf32, #tpu.memory_space<hbm>>
      tpu.wait_dma2 semaphore(%arg12 : memref<!tpu.dma_semaphore, #tpu.memory_space<semaphore_mem>>) src(%dma_wait3A_566 : memref<96xf32, #tpu.memory_space<hbm>>) dst(%dma_wait3A_564 : memref<96xf32, #tpu.memory_space<vmem>>)
      %dma_wait3A_567 = arith.constant 23808 : i32
      %dma_wait3A_568 = tpu.memref_slice %arg11[%dma_wait3A_567] : memref<30720xf32, #tpu.memory_space<vmem>> -> memref<96xf32, #tpu.memory_space<vmem>>
      %dma_wait3A_569 = arith.constant 0 : i32
      %dma_wait3A_570 = tpu.memref_slice %arg6[%dma_wait3A_569] : memref<960000xf32, #tpu.memory_space<hbm>> -> memref<96xf32, #tpu.memory_space<hbm>>
      %dma_wait3A_571 = arith.constant 23808 : i32
      %dma_wait3A_572 = tpu.memref_slice %arg11[%dma_wait3A_571] : memref<30720xf32, #tpu.memory_space<vmem>> -> memref<96xf32, #tpu.memory_space<vmem>>
      %dma_wait3A_573 = arith.constant 0 : i32
      %dma_wait3A_574 = tpu.memref_slice %arg6[%dma_wait3A_573] : memref<960000xf32, #tpu.memory_space<hbm>> -> memref<96xf32, #tpu.memory_space<hbm>>
      tpu.wait_dma2 semaphore(%arg12 : memref<!tpu.dma_semaphore, #tpu.memory_space<semaphore_mem>>) src(%dma_wait3A_574 : memref<96xf32, #tpu.memory_space<hbm>>) dst(%dma_wait3A_572 : memref<96xf32, #tpu.memory_space<vmem>>)
      %dma_wait3A_575 = arith.constant 24192 : i32
      %dma_wait3A_576 = tpu.memref_slice %arg11[%dma_wait3A_575] : memref<30720xf32, #tpu.memory_space<vmem>> -> memref<96xf32, #tpu.memory_space<vmem>>
      %dma_wait3A_577 = arith.constant 0 : i32
      %dma_wait3A_578 = tpu.memref_slice %arg6[%dma_wait3A_577] : memref<960000xf32, #tpu.memory_space<hbm>> -> memref<96xf32, #tpu.memory_space<hbm>>
      %dma_wait3A_579 = arith.constant 24192 : i32
      %dma_wait3A_580 = tpu.memref_slice %arg11[%dma_wait3A_579] : memref<30720xf32, #tpu.memory_space<vmem>> -> memref<96xf32, #tpu.memory_space<vmem>>
      %dma_wait3A_581 = arith.constant 0 : i32
      %dma_wait3A_582 = tpu.memref_slice %arg6[%dma_wait3A_581] : memref<960000xf32, #tpu.memory_space<hbm>> -> memref<96xf32, #tpu.memory_space<hbm>>
      tpu.wait_dma2 semaphore(%arg12 : memref<!tpu.dma_semaphore, #tpu.memory_space<semaphore_mem>>) src(%dma_wait3A_582 : memref<96xf32, #tpu.memory_space<hbm>>) dst(%dma_wait3A_580 : memref<96xf32, #tpu.memory_space<vmem>>)
      %dma_wait3A_583 = arith.constant 24576 : i32
      %dma_wait3A_584 = tpu.memref_slice %arg11[%dma_wait3A_583] : memref<30720xf32, #tpu.memory_space<vmem>> -> memref<96xf32, #tpu.memory_space<vmem>>
      %dma_wait3A_585 = arith.constant 0 : i32
      %dma_wait3A_586 = tpu.memref_slice %arg6[%dma_wait3A_585] : memref<960000xf32, #tpu.memory_space<hbm>> -> memref<96xf32, #tpu.memory_space<hbm>>
      %dma_wait3A_587 = arith.constant 24576 : i32
      %dma_wait3A_588 = tpu.memref_slice %arg11[%dma_wait3A_587] : memref<30720xf32, #tpu.memory_space<vmem>> -> memref<96xf32, #tpu.memory_space<vmem>>
      %dma_wait3A_589 = arith.constant 0 : i32
      %dma_wait3A_590 = tpu.memref_slice %arg6[%dma_wait3A_589] : memref<960000xf32, #tpu.memory_space<hbm>> -> memref<96xf32, #tpu.memory_space<hbm>>
      tpu.wait_dma2 semaphore(%arg12 : memref<!tpu.dma_semaphore, #tpu.memory_space<semaphore_mem>>) src(%dma_wait3A_590 : memref<96xf32, #tpu.memory_space<hbm>>) dst(%dma_wait3A_588 : memref<96xf32, #tpu.memory_space<vmem>>)
      %dma_wait3A_591 = arith.constant 24960 : i32
      %dma_wait3A_592 = tpu.memref_slice %arg11[%dma_wait3A_591] : memref<30720xf32, #tpu.memory_space<vmem>> -> memref<96xf32, #tpu.memory_space<vmem>>
      %dma_wait3A_593 = arith.constant 0 : i32
      %dma_wait3A_594 = tpu.memref_slice %arg6[%dma_wait3A_593] : memref<960000xf32, #tpu.memory_space<hbm>> -> memref<96xf32, #tpu.memory_space<hbm>>
      %dma_wait3A_595 = arith.constant 24960 : i32
      %dma_wait3A_596 = tpu.memref_slice %arg11[%dma_wait3A_595] : memref<30720xf32, #tpu.memory_space<vmem>> -> memref<96xf32, #tpu.memory_space<vmem>>
      %dma_wait3A_597 = arith.constant 0 : i32
      %dma_wait3A_598 = tpu.memref_slice %arg6[%dma_wait3A_597] : memref<960000xf32, #tpu.memory_space<hbm>> -> memref<96xf32, #tpu.memory_space<hbm>>
      tpu.wait_dma2 semaphore(%arg12 : memref<!tpu.dma_semaphore, #tpu.memory_space<semaphore_mem>>) src(%dma_wait3A_598 : memref<96xf32, #tpu.memory_space<hbm>>) dst(%dma_wait3A_596 : memref<96xf32, #tpu.memory_space<vmem>>)
      %dma_wait3A_599 = arith.constant 25344 : i32
      %dma_wait3A_600 = tpu.memref_slice %arg11[%dma_wait3A_599] : memref<30720xf32, #tpu.memory_space<vmem>> -> memref<96xf32, #tpu.memory_space<vmem>>
      %dma_wait3A_601 = arith.constant 0 : i32
      %dma_wait3A_602 = tpu.memref_slice %arg6[%dma_wait3A_601] : memref<960000xf32, #tpu.memory_space<hbm>> -> memref<96xf32, #tpu.memory_space<hbm>>
      %dma_wait3A_603 = arith.constant 25344 : i32
      %dma_wait3A_604 = tpu.memref_slice %arg11[%dma_wait3A_603] : memref<30720xf32, #tpu.memory_space<vmem>> -> memref<96xf32, #tpu.memory_space<vmem>>
      %dma_wait3A_605 = arith.constant 0 : i32
      %dma_wait3A_606 = tpu.memref_slice %arg6[%dma_wait3A_605] : memref<960000xf32, #tpu.memory_space<hbm>> -> memref<96xf32, #tpu.memory_space<hbm>>
      tpu.wait_dma2 semaphore(%arg12 : memref<!tpu.dma_semaphore, #tpu.memory_space<semaphore_mem>>) src(%dma_wait3A_606 : memref<96xf32, #tpu.memory_space<hbm>>) dst(%dma_wait3A_604 : memref<96xf32, #tpu.memory_space<vmem>>)
      %dma_wait3A_607 = arith.constant 25728 : i32
      %dma_wait3A_608 = tpu.memref_slice %arg11[%dma_wait3A_607] : memref<30720xf32, #tpu.memory_space<vmem>> -> memref<96xf32, #tpu.memory_space<vmem>>
      %dma_wait3A_609 = arith.constant 0 : i32
      %dma_wait3A_610 = tpu.memref_slice %arg6[%dma_wait3A_609] : memref<960000xf32, #tpu.memory_space<hbm>> -> memref<96xf32, #tpu.memory_space<hbm>>
      %dma_wait3A_611 = arith.constant 25728 : i32
      %dma_wait3A_612 = tpu.memref_slice %arg11[%dma_wait3A_611] : memref<30720xf32, #tpu.memory_space<vmem>> -> memref<96xf32, #tpu.memory_space<vmem>>
      %dma_wait3A_613 = arith.constant 0 : i32
      %dma_wait3A_614 = tpu.memref_slice %arg6[%dma_wait3A_613] : memref<960000xf32, #tpu.memory_space<hbm>> -> memref<96xf32, #tpu.memory_space<hbm>>
      tpu.wait_dma2 semaphore(%arg12 : memref<!tpu.dma_semaphore, #tpu.memory_space<semaphore_mem>>) src(%dma_wait3A_614 : memref<96xf32, #tpu.memory_space<hbm>>) dst(%dma_wait3A_612 : memref<96xf32, #tpu.memory_space<vmem>>)
      %dma_wait3A_615 = arith.constant 26112 : i32
      %dma_wait3A_616 = tpu.memref_slice %arg11[%dma_wait3A_615] : memref<30720xf32, #tpu.memory_space<vmem>> -> memref<96xf32, #tpu.memory_space<vmem>>
      %dma_wait3A_617 = arith.constant 0 : i32
      %dma_wait3A_618 = tpu.memref_slice %arg6[%dma_wait3A_617] : memref<960000xf32, #tpu.memory_space<hbm>> -> memref<96xf32, #tpu.memory_space<hbm>>
      %dma_wait3A_619 = arith.constant 26112 : i32
      %dma_wait3A_620 = tpu.memref_slice %arg11[%dma_wait3A_619] : memref<30720xf32, #tpu.memory_space<vmem>> -> memref<96xf32, #tpu.memory_space<vmem>>
      %dma_wait3A_621 = arith.constant 0 : i32
      %dma_wait3A_622 = tpu.memref_slice %arg6[%dma_wait3A_621] : memref<960000xf32, #tpu.memory_space<hbm>> -> memref<96xf32, #tpu.memory_space<hbm>>
      tpu.wait_dma2 semaphore(%arg12 : memref<!tpu.dma_semaphore, #tpu.memory_space<semaphore_mem>>) src(%dma_wait3A_622 : memref<96xf32, #tpu.memory_space<hbm>>) dst(%dma_wait3A_620 : memref<96xf32, #tpu.memory_space<vmem>>)
      %dma_wait3A_623 = arith.constant 26496 : i32
      %dma_wait3A_624 = tpu.memref_slice %arg11[%dma_wait3A_623] : memref<30720xf32, #tpu.memory_space<vmem>> -> memref<96xf32, #tpu.memory_space<vmem>>
      %dma_wait3A_625 = arith.constant 0 : i32
      %dma_wait3A_626 = tpu.memref_slice %arg6[%dma_wait3A_625] : memref<960000xf32, #tpu.memory_space<hbm>> -> memref<96xf32, #tpu.memory_space<hbm>>
      %dma_wait3A_627 = arith.constant 26496 : i32
      %dma_wait3A_628 = tpu.memref_slice %arg11[%dma_wait3A_627] : memref<30720xf32, #tpu.memory_space<vmem>> -> memref<96xf32, #tpu.memory_space<vmem>>
      %dma_wait3A_629 = arith.constant 0 : i32
      %dma_wait3A_630 = tpu.memref_slice %arg6[%dma_wait3A_629] : memref<960000xf32, #tpu.memory_space<hbm>> -> memref<96xf32, #tpu.memory_space<hbm>>
      tpu.wait_dma2 semaphore(%arg12 : memref<!tpu.dma_semaphore, #tpu.memory_space<semaphore_mem>>) src(%dma_wait3A_630 : memref<96xf32, #tpu.memory_space<hbm>>) dst(%dma_wait3A_628 : memref<96xf32, #tpu.memory_space<vmem>>)
      %dma_wait3A_631 = arith.constant 26880 : i32
      %dma_wait3A_632 = tpu.memref_slice %arg11[%dma_wait3A_631] : memref<30720xf32, #tpu.memory_space<vmem>> -> memref<96xf32, #tpu.memory_space<vmem>>
      %dma_wait3A_633 = arith.constant 0 : i32
      %dma_wait3A_634 = tpu.memref_slice %arg6[%dma_wait3A_633] : memref<960000xf32, #tpu.memory_space<hbm>> -> memref<96xf32, #tpu.memory_space<hbm>>
      %dma_wait3A_635 = arith.constant 26880 : i32
      %dma_wait3A_636 = tpu.memref_slice %arg11[%dma_wait3A_635] : memref<30720xf32, #tpu.memory_space<vmem>> -> memref<96xf32, #tpu.memory_space<vmem>>
      %dma_wait3A_637 = arith.constant 0 : i32
      %dma_wait3A_638 = tpu.memref_slice %arg6[%dma_wait3A_637] : memref<960000xf32, #tpu.memory_space<hbm>> -> memref<96xf32, #tpu.memory_space<hbm>>
      tpu.wait_dma2 semaphore(%arg12 : memref<!tpu.dma_semaphore, #tpu.memory_space<semaphore_mem>>) src(%dma_wait3A_638 : memref<96xf32, #tpu.memory_space<hbm>>) dst(%dma_wait3A_636 : memref<96xf32, #tpu.memory_space<vmem>>)
      %dma_wait3A_639 = arith.constant 27264 : i32
      %dma_wait3A_640 = tpu.memref_slice %arg11[%dma_wait3A_639] : memref<30720xf32, #tpu.memory_space<vmem>> -> memref<96xf32, #tpu.memory_space<vmem>>
      %dma_wait3A_641 = arith.constant 0 : i32
      %dma_wait3A_642 = tpu.memref_slice %arg6[%dma_wait3A_641] : memref<960000xf32, #tpu.memory_space<hbm>> -> memref<96xf32, #tpu.memory_space<hbm>>
      %dma_wait3A_643 = arith.constant 27264 : i32
      %dma_wait3A_644 = tpu.memref_slice %arg11[%dma_wait3A_643] : memref<30720xf32, #tpu.memory_space<vmem>> -> memref<96xf32, #tpu.memory_space<vmem>>
      %dma_wait3A_645 = arith.constant 0 : i32
      %dma_wait3A_646 = tpu.memref_slice %arg6[%dma_wait3A_645] : memref<960000xf32, #tpu.memory_space<hbm>> -> memref<96xf32, #tpu.memory_space<hbm>>
      tpu.wait_dma2 semaphore(%arg12 : memref<!tpu.dma_semaphore, #tpu.memory_space<semaphore_mem>>) src(%dma_wait3A_646 : memref<96xf32, #tpu.memory_space<hbm>>) dst(%dma_wait3A_644 : memref<96xf32, #tpu.memory_space<vmem>>)
      %dma_wait3A_647 = arith.constant 27648 : i32
      %dma_wait3A_648 = tpu.memref_slice %arg11[%dma_wait3A_647] : memref<30720xf32, #tpu.memory_space<vmem>> -> memref<96xf32, #tpu.memory_space<vmem>>
      %dma_wait3A_649 = arith.constant 0 : i32
      %dma_wait3A_650 = tpu.memref_slice %arg6[%dma_wait3A_649] : memref<960000xf32, #tpu.memory_space<hbm>> -> memref<96xf32, #tpu.memory_space<hbm>>
      %dma_wait3A_651 = arith.constant 27648 : i32
      %dma_wait3A_652 = tpu.memref_slice %arg11[%dma_wait3A_651] : memref<30720xf32, #tpu.memory_space<vmem>> -> memref<96xf32, #tpu.memory_space<vmem>>
      %dma_wait3A_653 = arith.constant 0 : i32
      %dma_wait3A_654 = tpu.memref_slice %arg6[%dma_wait3A_653] : memref<960000xf32, #tpu.memory_space<hbm>> -> memref<96xf32, #tpu.memory_space<hbm>>
      tpu.wait_dma2 semaphore(%arg12 : memref<!tpu.dma_semaphore, #tpu.memory_space<semaphore_mem>>) src(%dma_wait3A_654 : memref<96xf32, #tpu.memory_space<hbm>>) dst(%dma_wait3A_652 : memref<96xf32, #tpu.memory_space<vmem>>)
      %dma_wait3A_655 = arith.constant 28032 : i32
      %dma_wait3A_656 = tpu.memref_slice %arg11[%dma_wait3A_655] : memref<30720xf32, #tpu.memory_space<vmem>> -> memref<96xf32, #tpu.memory_space<vmem>>
      %dma_wait3A_657 = arith.constant 0 : i32
      %dma_wait3A_658 = tpu.memref_slice %arg6[%dma_wait3A_657] : memref<960000xf32, #tpu.memory_space<hbm>> -> memref<96xf32, #tpu.memory_space<hbm>>
      %dma_wait3A_659 = arith.constant 28032 : i32
      %dma_wait3A_660 = tpu.memref_slice %arg11[%dma_wait3A_659] : memref<30720xf32, #tpu.memory_space<vmem>> -> memref<96xf32, #tpu.memory_space<vmem>>
      %dma_wait3A_661 = arith.constant 0 : i32
      %dma_wait3A_662 = tpu.memref_slice %arg6[%dma_wait3A_661] : memref<960000xf32, #tpu.memory_space<hbm>> -> memref<96xf32, #tpu.memory_space<hbm>>
      tpu.wait_dma2 semaphore(%arg12 : memref<!tpu.dma_semaphore, #tpu.memory_space<semaphore_mem>>) src(%dma_wait3A_662 : memref<96xf32, #tpu.memory_space<hbm>>) dst(%dma_wait3A_660 : memref<96xf32, #tpu.memory_space<vmem>>)
      %dma_wait3A_663 = arith.constant 28416 : i32
      %dma_wait3A_664 = tpu.memref_slice %arg11[%dma_wait3A_663] : memref<30720xf32, #tpu.memory_space<vmem>> -> memref<96xf32, #tpu.memory_space<vmem>>
      %dma_wait3A_665 = arith.constant 0 : i32
      %dma_wait3A_666 = tpu.memref_slice %arg6[%dma_wait3A_665] : memref<960000xf32, #tpu.memory_space<hbm>> -> memref<96xf32, #tpu.memory_space<hbm>>
      %dma_wait3A_667 = arith.constant 28416 : i32
      %dma_wait3A_668 = tpu.memref_slice %arg11[%dma_wait3A_667] : memref<30720xf32, #tpu.memory_space<vmem>> -> memref<96xf32, #tpu.memory_space<vmem>>
      %dma_wait3A_669 = arith.constant 0 : i32
      %dma_wait3A_670 = tpu.memref_slice %arg6[%dma_wait3A_669] : memref<960000xf32, #tpu.memory_space<hbm>> -> memref<96xf32, #tpu.memory_space<hbm>>
      tpu.wait_dma2 semaphore(%arg12 : memref<!tpu.dma_semaphore, #tpu.memory_space<semaphore_mem>>) src(%dma_wait3A_670 : memref<96xf32, #tpu.memory_space<hbm>>) dst(%dma_wait3A_668 : memref<96xf32, #tpu.memory_space<vmem>>)
      %dma_wait3A_671 = arith.constant 28800 : i32
      %dma_wait3A_672 = tpu.memref_slice %arg11[%dma_wait3A_671] : memref<30720xf32, #tpu.memory_space<vmem>> -> memref<96xf32, #tpu.memory_space<vmem>>
      %dma_wait3A_673 = arith.constant 0 : i32
      %dma_wait3A_674 = tpu.memref_slice %arg6[%dma_wait3A_673] : memref<960000xf32, #tpu.memory_space<hbm>> -> memref<96xf32, #tpu.memory_space<hbm>>
      %dma_wait3A_675 = arith.constant 28800 : i32
      %dma_wait3A_676 = tpu.memref_slice %arg11[%dma_wait3A_675] : memref<30720xf32, #tpu.memory_space<vmem>> -> memref<96xf32, #tpu.memory_space<vmem>>
      %dma_wait3A_677 = arith.constant 0 : i32
      %dma_wait3A_678 = tpu.memref_slice %arg6[%dma_wait3A_677] : memref<960000xf32, #tpu.memory_space<hbm>> -> memref<96xf32, #tpu.memory_space<hbm>>
      tpu.wait_dma2 semaphore(%arg12 : memref<!tpu.dma_semaphore, #tpu.memory_space<semaphore_mem>>) src(%dma_wait3A_678 : memref<96xf32, #tpu.memory_space<hbm>>) dst(%dma_wait3A_676 : memref<96xf32, #tpu.memory_space<vmem>>)
      %dma_wait3A_679 = arith.constant 29184 : i32
      %dma_wait3A_680 = tpu.memref_slice %arg11[%dma_wait3A_679] : memref<30720xf32, #tpu.memory_space<vmem>> -> memref<96xf32, #tpu.memory_space<vmem>>
      %dma_wait3A_681 = arith.constant 0 : i32
      %dma_wait3A_682 = tpu.memref_slice %arg6[%dma_wait3A_681] : memref<960000xf32, #tpu.memory_space<hbm>> -> memref<96xf32, #tpu.memory_space<hbm>>
      %dma_wait3A_683 = arith.constant 29184 : i32
      %dma_wait3A_684 = tpu.memref_slice %arg11[%dma_wait3A_683] : memref<30720xf32, #tpu.memory_space<vmem>> -> memref<96xf32, #tpu.memory_space<vmem>>
      %dma_wait3A_685 = arith.constant 0 : i32
      %dma_wait3A_686 = tpu.memref_slice %arg6[%dma_wait3A_685] : memref<960000xf32, #tpu.memory_space<hbm>> -> memref<96xf32, #tpu.memory_space<hbm>>
      tpu.wait_dma2 semaphore(%arg12 : memref<!tpu.dma_semaphore, #tpu.memory_space<semaphore_mem>>) src(%dma_wait3A_686 : memref<96xf32, #tpu.memory_space<hbm>>) dst(%dma_wait3A_684 : memref<96xf32, #tpu.memory_space<vmem>>)
      %dma_wait3A_687 = arith.constant 29568 : i32
      %dma_wait3A_688 = tpu.memref_slice %arg11[%dma_wait3A_687] : memref<30720xf32, #tpu.memory_space<vmem>> -> memref<96xf32, #tpu.memory_space<vmem>>
      %dma_wait3A_689 = arith.constant 0 : i32
      %dma_wait3A_690 = tpu.memref_slice %arg6[%dma_wait3A_689] : memref<960000xf32, #tpu.memory_space<hbm>> -> memref<96xf32, #tpu.memory_space<hbm>>
      %dma_wait3A_691 = arith.constant 29568 : i32
      %dma_wait3A_692 = tpu.memref_slice %arg11[%dma_wait3A_691] : memref<30720xf32, #tpu.memory_space<vmem>> -> memref<96xf32, #tpu.memory_space<vmem>>
      %dma_wait3A_693 = arith.constant 0 : i32
      %dma_wait3A_694 = tpu.memref_slice %arg6[%dma_wait3A_693] : memref<960000xf32, #tpu.memory_space<hbm>> -> memref<96xf32, #tpu.memory_space<hbm>>
      tpu.wait_dma2 semaphore(%arg12 : memref<!tpu.dma_semaphore, #tpu.memory_space<semaphore_mem>>) src(%dma_wait3A_694 : memref<96xf32, #tpu.memory_space<hbm>>) dst(%dma_wait3A_692 : memref<96xf32, #tpu.memory_space<vmem>>)
      %dma_wait3A_695 = arith.constant 29952 : i32
      %dma_wait3A_696 = tpu.memref_slice %arg11[%dma_wait3A_695] : memref<30720xf32, #tpu.memory_space<vmem>> -> memref<96xf32, #tpu.memory_space<vmem>>
      %dma_wait3A_697 = arith.constant 0 : i32
      %dma_wait3A_698 = tpu.memref_slice %arg6[%dma_wait3A_697] : memref<960000xf32, #tpu.memory_space<hbm>> -> memref<96xf32, #tpu.memory_space<hbm>>
      %dma_wait3A_699 = arith.constant 29952 : i32
      %dma_wait3A_700 = tpu.memref_slice %arg11[%dma_wait3A_699] : memref<30720xf32, #tpu.memory_space<vmem>> -> memref<96xf32, #tpu.memory_space<vmem>>
      %dma_wait3A_701 = arith.constant 0 : i32
      %dma_wait3A_702 = tpu.memref_slice %arg6[%dma_wait3A_701] : memref<960000xf32, #tpu.memory_space<hbm>> -> memref<96xf32, #tpu.memory_space<hbm>>
      tpu.wait_dma2 semaphore(%arg12 : memref<!tpu.dma_semaphore, #tpu.memory_space<semaphore_mem>>) src(%dma_wait3A_702 : memref<96xf32, #tpu.memory_space<hbm>>) dst(%dma_wait3A_700 : memref<96xf32, #tpu.memory_space<vmem>>)
      %dma_wait3A_703 = arith.constant 30336 : i32
      %dma_wait3A_704 = tpu.memref_slice %arg11[%dma_wait3A_703] : memref<30720xf32, #tpu.memory_space<vmem>> -> memref<96xf32, #tpu.memory_space<vmem>>
      %dma_wait3A_705 = arith.constant 0 : i32
      %dma_wait3A_706 = tpu.memref_slice %arg6[%dma_wait3A_705] : memref<960000xf32, #tpu.memory_space<hbm>> -> memref<96xf32, #tpu.memory_space<hbm>>
      %dma_wait3A_707 = arith.constant 30336 : i32
      %dma_wait3A_708 = tpu.memref_slice %arg11[%dma_wait3A_707] : memref<30720xf32, #tpu.memory_space<vmem>> -> memref<96xf32, #tpu.memory_space<vmem>>
      %dma_wait3A_709 = arith.constant 0 : i32
      %dma_wait3A_710 = tpu.memref_slice %arg6[%dma_wait3A_709] : memref<960000xf32, #tpu.memory_space<hbm>> -> memref<96xf32, #tpu.memory_space<hbm>>
      tpu.wait_dma2 semaphore(%arg12 : memref<!tpu.dma_semaphore, #tpu.memory_space<semaphore_mem>>) src(%dma_wait3A_710 : memref<96xf32, #tpu.memory_space<hbm>>) dst(%dma_wait3A_708 : memref<96xf32, #tpu.memory_space<vmem>>)
    } else {
    }
    return
  }
}

</mosaic_0001>

<sc_bundles>
// kernel: _run.3.cloned.1.call-start
scs
__scs_entry_jumppad:
0x0: {  	(pc) =	sbr.rel $0x88, $3  }
0x1: {  	(tag) =	ssettag $0x0;
	lr =	simm.s32 $0x1  }
0x2: {  	[smem:$0x3F9D] =	sst lr;
	_ =	strace $0xD0000000  }
0x3: {  	_ = 	snop  }
0x4: {  	_ = 	snop  }
0x5: {  	_ = 	snop  }
0x6: {  	_ = 	snop  }
0x7: {  	_ = 	snop  }
__scs_overlays_trampoline_lowered:
0x8: {  	[smem:$0x3FAC] =	sst s0  }
0x9: {  	[smem:$0x3FAD] =	sst s1  }
0xa: {  	[smem:$0x3FAE] =	sst s2  }
0xb: {  	[smem:$0x3FAF] =	sst s3  }
0xc: {  	[smem:$0x3FB0] =	sst s4  }
0xd: {  	[smem:$0x3FB1] =	sst s5  }
0xe: {  	[smem:$0x3FB2] =	sst s6  }
0xf: {  	[smem:$0x3FB3] =	sst s7  }
0x10: {  	[smem:$0x3FB4] =	sst s8  }
0x11: {  	[smem:$0x3FB5] =	sst s9;
	s0 =	simm.s32 @!p0 $0x0  }
0x12: {  	s1 =	sld [smem:$0x3F9B];
	s0 =	simm.s32 @p0 $0x1  }
0x13: {  	[smem:$0x3FB6] =	sst s0;
	s0 =	simm.s32 @!p1 $0x0  }
0x14: {  	s2 =	sld [smem:$0x3F9A];
	s0 =	simm.s32 @p1 $0x1  }
0x15: {  	[smem:$0x3FB7] =	sst s0;
	s0 =	simm.s32 @!p2 $0x0  }
0x16: {  	s3 =	sld [smem:$0x3FDB];
	s0 =	simm.s32 @p2 $0x1  }
0x17: {  	s4 =	simm.s32 $0x1BF5;
	[smem:$0x3FB9] =	sst s0  }
0x18: {  	s0 =	sld [smem:$0x3F9C];
	_ =	swait.ge [sflag:s4], $0x0  }
0x19: {  	s7 =	sld [smem:$0x3F9D]  }
0x1a: {  	s8 =	sadd.s32 $0xFFFFE003, lr  }
0x1b: {  	s9 =	sadd.s32 $0xFFFFFEF7, lr;
	s5 =	simm.s32 $0xFFFFFFFF;
	p2 =	slt.u32 s8, $0xFFFFF086  }
0x1c: {  	p1 =	slt.u32 s9, $0xF7A;
	s5 =	simm.s32 @!p2 $0x0  }
0x1d: {  	s5 =	simm.s32 @p1 $0x1;
	p0 =	seq.s32 s7, s2  }
0x1e: {  	s7 =	smul.u32 @!p0 $0xF7A, s2;
	p2 =	seq.s32 @!p0 s5, $0x0  }
0x1f: {  	s9 =	smul.u32 $0xF7A, s1;
	s8 =	simm.s32 @!p0 $0x1BF5;
	p2 =	por !p2, p0  }
0x20: {  	[sflag:s8] =	ssyncset.s32 @!p0 $0xFFFFF086;
	s6 =	sadd.s32 @!p0 s3, s7;
	s7 =	simm.s32 @!p0 $0x108  }
0x21: {  	s3 =	sadd.s32 s3, s9;
	s6 =	sadd.s32 @!p0 $0x88, s6;
	s7 =	simm.s32 @p2 $0x1082  }
0x22: {  	[simem:s7], [sflag:s8] =	dma.local @!p0 [hbm:s6], $0xF7A  }
0x23: {  	s9 =	sor.u32 $0xD0000000, s2;
	s6 =	simm.s32 $0x108;
	_ =	swait.ge @!p0 [sflag:s8], $0x0  }
0x24: {  	s3 =	sadd.s32 $0x88, s3;
	s6 =	simm.s32 @!p1 $0x1082;
	[sflag:s4] =	ssyncset.s32 $0xFFFFF086  }
0x25: {  	[simem:s6], [sflag:s4] =	dma.local [hbm:s3], $0xF7A  }
0x26: {  	[smem:$0x3F9D] =	sst s1;
	(tag) =	ssettag s2;
	_ =	strace s9  }
0x27: {  	s1 =	sld [smem:$0x3FAD]  }
0x28: {  	s2 =	sld [smem:$0x3FAE]  }
0x29: {  	s4 =	sld [smem:$0x3FB0]  }
0x2a: {  	p0 =	seq.s32 s5, $0x0;
	s5 =	sld [smem:$0x3FB1]  }
0x2b: {  	s6 =	sld [smem:$0x3FB2]  }
0x2c: {  	s7 =	sld [smem:$0x3FB3]  }
0x2d: {  	s3 =	simm.s32 $0x108;
	s8 =	sld [smem:$0x3FB4]  }
0x2e: {  	s3 =	simm.s32 @!p0 $0x1082;
	s9 =	sld [smem:$0x3FB5]  }
0x2f: {  	lr =	sadd.s32 s0, s3;
	s0 =	sld [smem:$0x3FAC]  }
0x30: {  	s3 =	sld [smem:$0x3FAF]  }
0x31: {  	[smem:$0x3FB8] =	sst s10  }
0x32: {  	s10 =	sld [smem:$0x3FB6];
	_ =	sdelay $0x3  }
0x33: {  	p0 =	seq.s32 s10, $0x1;
	s10 =	sld [smem:$0x3FB8];
	_ =	sdelay $0x3  }
0x34: {  	[smem:$0x3FB8] =	sst s10  }
0x35: {  	s10 =	sld [smem:$0x3FB7];
	_ =	sdelay $0x3  }
0x36: {  	p1 =	seq.s32 s10, $0x1;
	s10 =	sld [smem:$0x3FB8];
	_ =	sdelay $0x3  }
0x37: {  	[smem:$0x3FB8] =	sst s10  }
0x38: {  	s10 =	sld [smem:$0x3FB9]  }
0x39: {  	_ = 	snop;
	(pc) =	sbr.ind lr, $3  }
0x3a: {  	_ = 	snop  }
0x3b: {  	_ = 	snop  }
0x3c: {  	p2 =	seq.s32 s10, $0x1;
	s10 =	sld [smem:$0x3FB8]  }
0x3d: {  	_ =	shalt  }
0x3e: {  	_ =	shalt  }
0x3f: {  	_ =	shalt  }
0x40: {  	_ =	shalt  }
0x41: {  	_ =	shalt  }
0x42: {  	_ =	shalt  }
0x43: {  	_ =	shalt  }
0x44: {  	_ =	shalt  }
0x45: {  	_ =	shalt  }
0x46: {  	_ =	shalt  }
0x47: {  	_ =	shalt  }
0x48: {  	_ =	shalt  }
0x49: {  	_ =	shalt  }
0x4a: {  	_ =	shalt  }
0x4b: {  	_ =	shalt  }
0x4c: {  	_ =	shalt  }
0x4d: {  	_ =	shalt  }
0x4e: {  	_ =	shalt  }
0x4f: {  	_ =	shalt  }
0x50: {  	_ =	shalt  }
0x51: {  	_ =	shalt  }
0x52: {  	_ =	shalt  }
0x53: {  	_ =	shalt  }
0x54: {  	_ =	shalt  }
0x55: {  	_ =	shalt  }
0x56: {  	_ =	shalt  }
0x57: {  	_ =	shalt  }
0x58: {  	_ =	shalt  }
0x59: {  	_ =	shalt  }
0x5a: {  	_ =	shalt  }
0x5b: {  	_ =	shalt  }
0x5c: {  	_ =	shalt  }
0x5d: {  	_ =	shalt  }
0x5e: {  	_ =	shalt  }
0x5f: {  	_ =	shalt  }
0x60: {  	_ =	shalt  }
0x61: {  	_ =	shalt  }
0x62: {  	_ =	shalt  }
0x63: {  	_ =	shalt  }
0x64: {  	_ =	shalt  }
0x65: {  	_ =	shalt  }
0x66: {  	_ =	shalt  }
0x67: {  	_ =	shalt  }
0x68: {  	_ =	shalt  }
0x69: {  	_ =	shalt  }
0x6a: {  	_ =	shalt  }
0x6b: {  	_ =	shalt  }
0x6c: {  	_ =	shalt  }
0x6d: {  	_ =	shalt  }
0x6e: {  	_ =	shalt  }
0x6f: {  	_ =	shalt  }
0x70: {  	_ =	shalt  }
0x71: {  	_ =	shalt  }
0x72: {  	_ =	shalt  }
0x73: {  	_ =	shalt  }
0x74: {  	_ =	shalt  }
0x75: {  	_ =	shalt  }
0x76: {  	_ =	shalt  }
0x77: {  	_ =	shalt  }
0x78: {  	_ =	shalt  }
0x79: {  	_ =	shalt  }
0x7a: {  	_ =	shalt  }
0x7b: {  	_ =	shalt  }
0x7c: {  	_ =	shalt  }
0x7d: {  	_ =	shalt  }
0x7e: {  	_ =	shalt  }
0x7f: {  	_ =	shalt  }
0x80: {  	_ =	shalt  }
0x81: {  	_ =	shalt  }
0x82: {  	_ =	shalt  }
0x83: {  	_ =	shalt  }
0x84: {  	_ =	shalt  }
0x85: {  	_ =	shalt  }
0x86: {  	_ =	shalt  }
0x87: {  	_ =	shalt  }
.Lfunc_end0:
.L_simem_size_0:
called_computation_lowered:
.L_overlay_start_0:
0x88: {  	s2 =	sld [smem:$0x3FD9]  }
0x89: {  	s3 =	sld [smem:$0x3FFE];
	_ =	sdelay $0x1  }
0x8a: {  	s1 =	srdreg.scid  }
0x8b: {  	s0 =	sand.u32 $0x1, s1  }
0x8c: {  	s18 =	sshll.u32 s0, $0xA;
	s2 =	sadd.s32 s3, s2  }
0x8d: {  	s2 =	sadd.s32 s2, s18  }
0x8e: {  	[smem:$0x3FC4] =	sst s2  }
0x8f: {  	_ = 	snop  }
0x90: {  	s2 =	sld [smem:$0x3FC9]  }
0x91: {  	s19 =	sld [smem:$0x3FC8]  }
0x92: {  	s4 =	sld [smem:$0x3FC7]  }
0x93: {  	s5 =	sld [smem:$0x3FC6]  }
0x94: {  	s6 =	sld [smem:$0x3FD0];
	(tm) =	ssettm $0x1  }
0x95: {  	s7 =	sld [smem:$0x3FFB];
	_ =	sdelay $0x3  }
0x96: {  	_ =	strace s7  }
0x97: {  	s7 =	sld [smem:$0x3FFC];
	_ =	sdelay $0x3  }
0x98: {  	_ =	strace s7  }
0x99: {  	s7 =	sld [smem:$0x3FFD];
	_ =	sdelay $0x3  }
0x9a: {  	_ =	strace s7  }
0x9b: {  	_ =	strace $0x8FFFFFFF  }
0x9c: {  	s20 =	sld [smem:$0x3FDB];
	_ =	sdelay $0x1  }
0x9d: {  	s8 =	simm.s32 $_scs_section_size  }
0x9e: {  	s9 =	simm.s32 $_size__tile_overlayer_lowered;
	s10 =	simm.s32 $_tile_overlayer_lowered  }
0x9f: {  	s23 =	simm.s32 $0x1BFF;
	s22 =	sshll.u32 s10, $0x1;
	s7 =	sadd.s32 s8, s20  }
0xa0: {  	s11 =	simm.s32 $0x0;
	s21 =	sshll.u32 s9, $0x1;
	s9 =	sadd.s32 s22, s7  }
0xa1: {  	[timem:s11], [sflag:s23] =	dma.local [hbm:s9], s21  }
0xa2: {  	_ =	swait.ge [sflag:s23], s21  }
0xa3: {  	s8 =	ssub.s32 $0x0, s21;
	[sflag:s23] =	ssyncset.done $0x0  }
0xa4: {  	[sflag:s23] =	ssyncadd.s32 s8;
	_ =	sdelay $0x1  }
0xa5: {  	s24 =	simm.s32 $0x1B8B  }
0xa6: {  	_ =	swait.ge [sflag:s24], $0x1  }
0xa7: {  	[sflag:s24] =	ssyncset.done $0x0  }
0xa8: {  	s25 =	simm.s32 $0x1B8E;
	[sflag:s24] =	ssyncadd.s32 $0xFFFFFFFF  }
0xa9: {  	s26 =	simm.s32 $execute0_lowered;
	[smem:$0x3FD2] =	sst s25  }
0xaa: {  	s8 =	sshll.u32 s26, $0x1;
	_ =	strace $0x80000046;
	[dreg:$0x1] =	wrdreg $0xFFFFFFFF  }
0xab: {  	s28 =	simm.s32 $_size_execute0_lowered;
	s7 =	sadd.s32 s7, s8;
	[dreg:$0x0] =	wrdreg $0x0  }
0xac: {  	s8 =	sshll.u32 s28, $0x1;
	[dreg:$0x2] =	wrdreg s7  }
0xad: {  	[dreg:$0x3] =	wrdreg s8  }
0xae: {  	[dreg:$0x4] =	wrdreg $0xC0  }
0xaf: {  	_ =	task [dreg:s11], $0x5FFFF  }
0xb0: {  	[dreg:$0x1] =	wrdreg $0xFFFFFFFF  }
0xb1: {  	[dreg:$0x0] =	wrdreg $0x60  }
0xb2: {  	[dreg:$0x2] =	wrdreg s2  }
0xb3: {  	[dreg:$0x3] =	wrdreg s19  }
0xb4: {  	[dreg:$0x4] =	wrdreg s4  }
0xb5: {  	[dreg:$0x5] =	wrdreg s5  }
0xb6: {  	[dreg:$0x6] =	wrdreg s6  }
0xb7: {  	[dreg:$0x7] =	wrdreg $0x9  }
0xb8: {  	_ =	task.clear_ibuf [dreg:s11], $0x8FFFF;
	_ =	strace $0x90000046  }
0xb9: {  	s29 =	simm.s32 $0x9;
	_ =	strace $0x80000048  }
0xba: {  	_ =	swait.ge [sflag:s29], $0x1  }
0xbb: {  	[sflag:s29] =	ssyncadd.s32 $0xFFFFFFFF  }
0xbc: {  	_ =	strace $0x90000048  }
0xbd: {  	_ =	sfence  }
0xbe: {  	s30 =	sld [smem:$0x0];
	_ =	sdelay $0x2  }
0xbf: {  	s31 =	sshll.u32 s1, $0xD;
	s1 =	sshrl.u32 s1, $0x2  }
0xc0: {  	s3 =	sand.u32 $0x4000, s31;
	s1 =	sadd.s32 s1, s30  }
0xc1: {  	s0 =	sor.u32 s3, s0;
	s1 =	sshll.u32 s1, $0x11  }
0xc2: {  	s0 =	sor.u32 s1, s0  }
0xc3: {  	s0 =	sadd.s32 $0x8F2B, s0  }
0xc4: {  	[sflag:s0] =	ssyncadd.remote.s32 $0x1  }
0xc5: {  	_ =	sfence.sel $0xFFFF  }
0xc6: {  	[dreg:$0x0] =	wrdreg $0xFFFFFFFF;
	(pc) =	sbr.abs _section_cstart, $3  }
0xc7: {  	[dreg:$0x1] =	wrdreg $0xFFFFFFFF  }
0xc8: {  	_ =	task.clear_ibuf [dreg:s11], $0x2FFFF;
	_ =	strace $0x9FFFFFFF  }
0xc9: {  	(tm) =	ssettm $0x7FFFFFFF  }
tec
execute0_lowered:
.L_overlay_start_1:
0x0: {  	(tag) =	ssettag $0x1  }
0x1: {  	s1 =	rddreg [dreg:$0x0]  }
0x2: {  	s2 =	rddreg [dreg:$0x1]  }
0x3: {  	s3 =	rddreg [dreg:$0x2]  }
0x4: {  	s4 =	srdreg.scid;
	s8 =	rddreg [dreg:$0x3]  }
0x5: {  	s0 =	stileid.u32;
	s5 =	rddreg [dreg:$0x4]  }
0x6: {  	s6 =	simm.s32 $0x0;
	s13 =	simm.s32 $0x80;
	s14 =	simm.s32 $0x100  }
0x7: {  	s15 =	simm.s32 $0x1;
	s17 =	simm.s32 $0x27400;
	s18 =	simm.s32 $0x10200  }
0x8: {  	s19 =	simm.s32 $0x14200;
	s20 =	simm.s32 $0x200;
	s21 =	simm.s32 $0x15200  }
0x9: {  	s7 =	sand.u32 $0x1, s4;
	s26 =	sshll.u32 s0, $0x1;
	s10 =	smul.u32 $0x300, s0  }
0xa: {  	s22 =	simm.s32 $0x0;
	s16 =	sor.u32 s7, s26;
	s11 =	smul.u32 $0x180, s7  }
0xb: {  	[smem:$0x7FF] =	sst s6;
	s12 =	ssub.s32 $0x2, s7;
	s9 =	smul.u32 $0x180, s16  }
.Ltmp0:
0xc: {  	_ =	strace $0x80000047;
	s29 =	sshrl.u32 s12, $0x1;
	(pc) =	sbr.rel .LBB2_1-.Ltmp0, $4  }
0xd: {  	p0 =	seq.s32 s16, $0x1F;
	s16 =	simm.s32 $0x2000;
	s10 =	sadd.s32 s11, s10  }
0xe: {  	v0 =	vlaneseq.u32;
	s30 =	ssub.s32 s12, s29;
	s12 =	simm.s32 $0x2;
	s28 =	sshrl.u32 s9, $0x3  }
0xf: {  	v1 =	vor.u32 $0x1800, v0;
	s31 =	sshrl.u32 s10, $0x3;
	s10 =	smax.u32 s30, $0x1;
	s7 =	sadd.s32 s8, s28  }
0x10: {  	v2 =	vor.u32 $0x3000, v0;
	v3 =	vor.u32 $0x4800, v0;
	v4 =	vor.u32 $0x6000, v0;
	s11 =	sadd.s32 s31, s5;
	s8 =	sadd.s32 $0x10, s7;
	s9 =	sadd.s32 $0x20, s7  }
.LBB2_13:
0x11: {  	s22 =	sadd.s32 $0x1, s22  }
0x12: {  	p1 =	sne.s32 s22, s10  }
.Ltmp1:
0x13: {  	_ = 	snop;
	(pc) =	sbr.rel @!p1 .LBB2_14-.Ltmp1, $1  }
0x14: {  	_ =	sdelay $0x3  }
.LBB2_1:
0x15: {  	[tilespmem:s6], [sflag:$0x2] =	stream.linear.gather [hbm4b:s7+s6], $0x80, $0x38;
	[tilespmem:$0x1CA00] =	vst v63  }
0x16: {  	_ =	swait.ge [sflag:s12], $0x80  }
0x17: {  	[sflag:s12] =	ssyncset.done $0x0  }
0x18: {  	[sflag:s12] =	ssyncadd.s32 $0xFFFFFF80  }
0x19: {  	[tilespmem:s13], [sflag:$0x2] =	stream.linear.gather [hbm4b:s8+s6], $0x80, $0x38;
	[tilespmem:$0x1CA00] =	vst v63  }
0x1a: {  	_ =	swait.ge [sflag:s12], $0x80  }
0x1b: {  	[sflag:s12] =	ssyncset.done $0x0  }
0x1c: {  	[sflag:s12] =	ssyncadd.s32 $0xFFFFFF80  }
0x1d: {  	[tilespmem:s14], [sflag:$0x2] =	stream.linear.gather [hbm4b:s9+s6], $0x80, $0x38;
	[tilespmem:$0x1CA00] =	vst v63  }
0x1e: {  	_ =	swait.ge [sflag:s12], $0x80  }
0x1f: {  	[sflag:s12] =	ssyncset.done $0x0  }
0x20: {  	[sflag:s12] =	ssyncadd.s32 $0xFFFFFF80  }
0x21: {  	v5 =	vld [tilespmem:$0x0]  }
0x22: {  	v6 =	vld [tilespmem:$0x170];
	_ =	sdelay $0x3  }
0x23: {  	v5 =	vxor.u32 $0x80000000, v5  }
0x24: {  	(xrf0) =	vmin.scan.msk.u32 $0xffff, v5;
	v5 =	vxor.u32 $0x80000000, v6  }
0x25: {  	(xrf0) =	vmax.scan.msk.u32 $0xffff, v5;
	_ =	sdelay $0x4  }
0x26: {  	v5, _, _ =	vpop (xrf0)  }
0x27: {  	(v2sf) =	vpush v5, $0xF;
	v5, _, _ =	vpop (xrf0)  }
0x28: {  	(v2sf) =	vpush v5, $0xF;
	_ =	sdelay $0xd  }
0x29: {  	s23 =	spop (v2sf)  }
0x2a: {  	s24 =	spop (v2sf);
	s25 =	sand.u32 $0xFFFFFF80, s23  }
0x2b: {  	s26 =	sxor.u32 $0x80000000, s24;
	s23 =	sxor.u32 $0x80000000, s25  }
0x2c: {  	p1 =	sne.s32 s24, s25;
	s24 =	simm.s32 $0x1;
	s26 =	ssub.s32 s26, s23  }
0x2d: {  	s24 =	simm.s32 @!p1 $0x0;
	s30 =	sshra.s32 s26, $0x1F  }
0x2e: {  	s28 =	sand.u32 $0x3FF, s26;
	s24 =	sor.u32 s24, s30  }
0x2f: {  	p2 =	sne.s32 s28, $0x0;
	p6 =	sne.s32 s24, $0x1  }
0x30: {  	s31 =	sshrl.u32 s30, $0x16;
	p1 =	por !p2, !p6  }
0x31: {  	s25 =	simm.s32 $0x1;
	s24 =	sadd.s32 s31, s26;
	p1 =	por !p1, !p1  }
0x32: {  	s24 =	sshra.s32 s24, $0xA;
	s25 =	simm.s32 @!p1 $0x0  }
0x33: {  	s25 =	ssub.s32 s24, s25  }
0x34: {  	p2 =	slt.s32 s25, $0x0  }
.Ltmp2:
0x35: {  	_ = 	snop;
	(pc) =	sbr.rel @p2 .LBB2_6-.Ltmp2, $1  }
0x36: {  	_ =	sdelay $0x3  }
0x37: {  	s25 =	simm.s32 $0xFFFFFFFF  }
0x38: {  	s25 =	simm.s32 @!p1 $0x0  }
0x39: {  	s24 =	sadd.s32 s25, s24  }
0x3a: {  	s26 =	simm.s32 $0x0;
	s25 =	simm.s32 $0x0;
	s24 =	sadd.s32 $0x1, s24  }
.LBB2_3:
0x3b: {  	s28 =	sshll.u32 s26, $0xA  }
0x3c: {  	s28 =	sadd.s32 s23, s28  }
0x3d: {  	p1 =	slt.s32 s28, $0x4A80  }
0x3e: {  	s28 =	simm.s32 @!p1 $0x4A80  }
0x3f: {  	s29 =	sadd.s32 s1, s28  }
0x40: {  	[tilespmem:s18], [sflag:$0x1] =	stream.strided.gather [hbm4b:s29+s16], $0x4000, s17, s16, $0x38;
	[tilespmem:$0x1CA00] =	vst v63  }
0x41: {  	s29 =	sshrl.u32 s28, $0x1  }
0x42: {  	s29 =	sadd.s32 s3, s29  }
0x43: {  	[tilespmem:s19], [sflag:$0x1] =	stream.linear.gather [hbm4b:s29+s25], $0x1000, $0x38;
	[tilespmem:$0x1CA00] =	vst v63  }
0x44: {  	s29 =	sadd.s32 s2, s28  }
0x45: {  	[tilespmem:s20], [sflag:$0x1] =	stream.strided.gather [hbm4b:s29+s16], $0x10000, s17, s16, $0x38;
	[tilespmem:$0x1CA00] =	vst v63  }
0x46: {  	_ =	swait.ge [sflag:s15], $0x4000  }
0x47: {  	[sflag:s15] =	ssyncset.done $0x0  }
0x48: {  	[sflag:s15] =	ssyncadd.s32 $0xFFFFC000  }
0x49: {  	_ =	swait.ge [sflag:s15], $0x1000  }
0x4a: {  	[sflag:s15] =	ssyncset.done $0x0  }
0x4b: {  	[sflag:s15] =	ssyncadd.s32 $0xFFFFF000  }
0x4c: {  	_ =	swait.ge [sflag:s15], $0x10000  }
0x4d: {  	[sflag:s15] =	ssyncset.done $0x0  }
0x4e: {  	v5 =	vmov s28;
	s28 =	simm.s32 $0x1680;
	s29 =	simm.s32 $0x0;
	[sflag:s15] =	ssyncadd.s32 $0xFFFF0000  }
.LBB2_4:
0x4f: {  	s30 =	sadd.s32 $0xFFFFE980, s28;
	s31 =	sand.u32 $0x600, s29  }
0x50: {  	s4 =	sand.u32 $0x70, s30;
	s31 =	sshrl.u32 s31, $0x2  }
0x51: {  	s4 =	sor.u32 s4, s31  }
0x52: {  	v6 =	vld [tilespmem:s4+$0x0];
	_ =	sdelay $0x4  }
0x53: {  	v6 =	vsub.s32 v6, v5  }
0x54: {  	v7 =	vshrl.u32 v6, $0x7  }
0x55: {  	v8 =	vand.u32 $0x7F, v6;
	v9 =	vshll.u32 v7, $0xA  }
0x56: {  	vm0 =	vlt.u32 v6, $0x400;
	v9 =	vor.u32 v8, v9  }
0x57: {  	v11 =	vor.u32 $0x100, v9  }
0x58: {  	v22 =	vor.u32 $0x180, v9;
	_ =	sdelay $0x2  }
0x59: {  	v6 =	vshll.u32 v7, $0x9  }
0x5a: {  	v6 =	vor.u32 v8, v6;
	v7 =	vld.idx.msk [tilespmem:v11+s20+$0x0], vm0  }
0x5b: {  	v12 =	vld.idx.msk [tilespmem:v22+s20+$0x0], vm0  }
0x5c: {  	v13 =	vor.u32 $0x180, v6  }
0x5d: {  	v10 =	vor.u32 $0x100, v6  }
0x5e: {  	v14 =	vor.u32 $0x80, v9  }
0x5f: {  	v8 =	vld.idx.msk [tilespmem:v6+s19+$0x0], vm0;
	v16 =	vmul.f32 $1.442695020e+00, v7  }
0x60: {  	v15 =	vor.u32 $0x80, v6;
	v30 =	vld.idx.msk [tilespmem:v9+s20+$0x0], vm0;
	v29 =	vmul.f32 $1.442695020e+00, v12  }
0x61: {  	v6 =	vld.idx.msk [tilespmem:v13+s19+$0x0], vm0;
	(erf) = vpow2.f32 v16  }
0x62: {  	v7 =	vld.idx.msk [tilespmem:v10+s19+$0x0], vm0;
	(erf) = vpow2.f32 v29  }
0x63: {  	v31 =	vld.idx.msk [tilespmem:v14+s20+$0x0], vm0  }
0x64: {  	v32 =	vld.idx.msk [tilespmem:v9+s18+$0x0], vm0  }
0x65: {  	v33 =	vor.u32 s30, v0;
	v10 =	vld.idx.msk [tilespmem:v15+s19+$0x0], vm0  }
0x66: {  	v17 =	vor.u32 s30, v1  }
0x67: {  	v19 =	vor.u32 s30, v2;
	v12 =	vmul.f32 v30, v7  }
0x68: {  	v21 =	vor.u32 s30, v3;
	v13 =	vmul.f32 v31, v6  }
0x69: {  	v23 =	vor.u32 s30, v4;
	v12 =	vadd.f32 v12, v8  }
0x6a: {  	v20 =	vor.u32 $0x300, v9;
	[tilespmem:v33+s21+$0x0] =	vst.idx.msk vm0, v32;
	v13 =	vadd.f32 v13, v10;
	v34 =	vpop (erf)  }
0x6b: {  	v18 =	vor.u32 $0x380, v9;
	[tilespmem:v17+s21+$0x0] =	vst.idx.msk vm0, v12;
	v35 =	vmul.f32 v34, v7;
	v36 =	vpop (erf)  }
0x6c: {  	[tilespmem:v19+s21+$0x0] =	vst.idx.msk vm0, v13;
	v37 =	vmul.f32 v36, v6  }
0x6d: {  	[tilespmem:v21+s21+$0x0] =	vst.idx.msk vm0, v35  }
0x6e: {  	[tilespmem:v23+s21+$0x0] =	vst.idx.msk vm0, v37  }
0x6f: {  	v12 =	vld.idx.msk [tilespmem:v20+s20+$0x0], vm0  }
0x70: {  	v13 =	vld.idx.msk [tilespmem:v18+s20+$0x0], vm0;
	_ =	sdelay $0x1  }
0x71: {  	v23 =	vor.u32 $0x200, v9  }
0x72: {  	v21 =	vor.u32 $0x280, v9  }
0x73: {  	v12 =	vmul.f32 $1.442695020e+00, v12  }
0x74: {  	v13 =	vmul.f32 $1.442695020e+00, v13  }
0x75: {  	(erf) = vpow2.f32 v12  }
0x76: {  	v38 =	vld.idx.msk [tilespmem:v23+s20+$0x0], vm0;
	(erf) = vpow2.f32 v13  }
0x77: {  	v39 =	vld.idx.msk [tilespmem:v21+s20+$0x0], vm0  }
0x78: {  	s30 =	sadd.s32 $0xFFFFEB00, s28  }
0x79: {  	v40 =	vor.u32 s30, v0;
	v14 =	vld.idx.msk [tilespmem:v14+s18+$0x0], vm0  }
0x7a: {  	v41 =	vor.u32 s30, v1  }
0x7b: {  	v42 =	vor.u32 s30, v2;
	v12 =	vmul.f32 v38, v7  }
0x7c: {  	v24 =	vor.u32 s30, v3;
	v13 =	vmul.f32 v39, v6  }
0x7d: {  	v25 =	vor.u32 s30, v4;
	v12 =	vadd.f32 v12, v8  }
0x7e: {  	v16 =	vadd.s32 $0x2100, v9;
	[tilespmem:v40+s21+$0x0] =	vst.idx.msk vm0, v14;
	v13 =	vadd.f32 v13, v10;
	v43 =	vpop (erf)  }
0x7f: {  	v14 =	vadd.s32 $0x2180, v9;
	[tilespmem:v41+s21+$0x0] =	vst.idx.msk vm0, v12;
	v44 =	vmul.f32 v43, v7;
	v45 =	vpop (erf)  }
0x80: {  	[tilespmem:v42+s21+$0x0] =	vst.idx.msk vm0, v13;
	v46 =	vmul.f32 v45, v6  }
0x81: {  	[tilespmem:v24+s21+$0x0] =	vst.idx.msk vm0, v44  }
0x82: {  	[tilespmem:v25+s21+$0x0] =	vst.idx.msk vm0, v46  }
0x83: {  	v12 =	vld.idx.msk [tilespmem:v16+s20+$0x0], vm0  }
0x84: {  	v13 =	vld.idx.msk [tilespmem:v14+s20+$0x0], vm0;
	_ =	sdelay $0x1  }
0x85: {  	v19 =	vadd.s32 $0x2000, v9  }
0x86: {  	v17 =	vadd.s32 $0x2080, v9  }
0x87: {  	v12 =	vmul.f32 $1.442695020e+00, v12  }
0x88: {  	v13 =	vmul.f32 $1.442695020e+00, v13  }
0x89: {  	(erf) = vpow2.f32 v12  }
0x8a: {  	v47 =	vld.idx.msk [tilespmem:v19+s20+$0x0], vm0;
	(erf) = vpow2.f32 v13  }
0x8b: {  	v48 =	vld.idx.msk [tilespmem:v17+s20+$0x0], vm0  }
0x8c: {  	s31 =	sadd.s32 $0xFFFFEC80, s28  }
0x8d: {  	v49 =	vor.u32 s31, v0;
	v11 =	vld.idx.msk [tilespmem:v11+s18+$0x0], vm0  }
0x8e: {  	v50 =	vor.u32 s31, v1  }
0x8f: {  	v51 =	vor.u32 s31, v2;
	v12 =	vmul.f32 v47, v7  }
0x90: {  	v26 =	vor.u32 s31, v3;
	v13 =	vmul.f32 v48, v6  }
0x91: {  	v28 =	vor.u32 s31, v4;
	v27 =	vadd.f32 v12, v8  }
0x92: {  	[tilespmem:v49+s21+$0x0] =	vst.idx.msk vm0, v11;
	v12 =	vadd.s32 $0x2300, v9;
	v13 =	vadd.f32 v13, v10;
	v52 =	vpop (erf)  }
0x93: {  	v11 =	vadd.s32 $0x2380, v9;
	[tilespmem:v50+s21+$0x0] =	vst.idx.msk vm0, v27;
	v53 =	vmul.f32 v52, v7;
	v54 =	vpop (erf)  }
0x94: {  	[tilespmem:v51+s21+$0x0] =	vst.idx.msk vm0, v13;
	v55 =	vmul.f32 v54, v6  }
0x95: {  	[tilespmem:v26+s21+$0x0] =	vst.idx.msk vm0, v53  }
0x96: {  	[tilespmem:v28+s21+$0x0] =	vst.idx.msk vm0, v55  }
0x97: {  	v56 =	vld.idx.msk [tilespmem:v12+s20+$0x0], vm0  }
0x98: {  	v25 =	vld.idx.msk [tilespmem:v11+s20+$0x0], vm0;
	_ =	sdelay $0x1  }
0x99: {  	v15 =	vadd.s32 $0x2200, v9  }
0x9a: {  	v13 =	vadd.s32 $0x2280, v9  }
0x9b: {  	v24 =	vmul.f32 $1.442695020e+00, v56  }
0x9c: {  	v25 =	vmul.f32 $1.442695020e+00, v25  }
0x9d: {  	(erf) = vpow2.f32 v24  }
0x9e: {  	v57 =	vld.idx.msk [tilespmem:v15+s20+$0x0], vm0;
	(erf) = vpow2.f32 v25  }
0x9f: {  	v58 =	vld.idx.msk [tilespmem:v13+s20+$0x0], vm0  }
0xa0: {  	s30 =	sadd.s32 $0xFFFFEE00, s28  }
0xa1: {  	v59 =	vor.u32 s30, v0;
	v22 =	vld.idx.msk [tilespmem:v22+s18+$0x0], vm0  }
0xa2: {  	v60 =	vor.u32 s30, v1  }
0xa3: {  	v61 =	vor.u32 s30, v2;
	v24 =	vmul.f32 v57, v7  }
0xa4: {  	v29 =	vor.u32 s30, v3;
	v25 =	vmul.f32 v58, v6  }
0xa5: {  	v30 =	vor.u32 s30, v4;
	v24 =	vadd.f32 v24, v8  }
0xa6: {  	v31 =	vadd.s32 $0x4100, v9;
	[tilespmem:v59+s21+$0x0] =	vst.idx.msk vm0, v22;
	v62 =	vadd.f32 v25, v10;
	v63 =	vpop (erf)  }
0xa7: {  	v34 =	vadd.s32 $0x4180, v9;
	[tilespmem:v60+s21+$0x0] =	vst.idx.msk vm0, v24;
	v32 =	vmul.f32 v63, v7;
	v33 =	vpop (erf)  }
0xa8: {  	[tilespmem:v61+s21+$0x0] =	vst.idx.msk vm0, v62;
	v35 =	vmul.f32 v33, v6  }
0xa9: {  	[tilespmem:v29+s21+$0x0] =	vst.idx.msk vm0, v32  }
0xaa: {  	[tilespmem:v30+s21+$0x0] =	vst.idx.msk vm0, v35  }
0xab: {  	v22 =	vld.idx.msk [tilespmem:v31+s20+$0x0], vm0  }
0xac: {  	v24 =	vld.idx.msk [tilespmem:v34+s20+$0x0], vm0;
	_ =	sdelay $0x1  }
0xad: {  	v36 =	vadd.s32 $0x4000, v9  }
0xae: {  	v37 =	vadd.s32 $0x4080, v9  }
0xaf: {  	v22 =	vmul.f32 $1.442695020e+00, v22  }
0xb0: {  	v24 =	vmul.f32 $1.442695020e+00, v24  }
0xb1: {  	(erf) = vpow2.f32 v22  }
0xb2: {  	v38 =	vld.idx.msk [tilespmem:v36+s20+$0x0], vm0;
	(erf) = vpow2.f32 v24  }
0xb3: {  	v39 =	vld.idx.msk [tilespmem:v37+s20+$0x0], vm0  }
0xb4: {  	s31 =	sadd.s32 $0xFFFFEF80, s28  }
0xb5: {  	v40 =	vor.u32 s31, v0;
	v23 =	vld.idx.msk [tilespmem:v23+s18+$0x0], vm0  }
0xb6: {  	v41 =	vor.u32 s31, v1  }
0xb7: {  	v42 =	vor.u32 s31, v2;
	v22 =	vmul.f32 v38, v7  }
0xb8: {  	v43 =	vor.u32 s31, v3;
	v24 =	vmul.f32 v39, v6  }
0xb9: {  	v44 =	vor.u32 s31, v4;
	v22 =	vadd.f32 v22, v8  }
0xba: {  	v47 =	vadd.s32 $0x4300, v9;
	[tilespmem:v40+s21+$0x0] =	vst.idx.msk vm0, v23;
	v45 =	vadd.f32 v24, v10;
	v46 =	vpop (erf)  }
0xbb: {  	v50 =	vadd.s32 $0x4380, v9;
	[tilespmem:v41+s21+$0x0] =	vst.idx.msk vm0, v22;
	v48 =	vmul.f32 v46, v7;
	v49 =	vpop (erf)  }
0xbc: {  	[tilespmem:v42+s21+$0x0] =	vst.idx.msk vm0, v45;
	v51 =	vmul.f32 v49, v6  }
0xbd: {  	[tilespmem:v43+s21+$0x0] =	vst.idx.msk vm0, v48  }
0xbe: {  	[tilespmem:v44+s21+$0x0] =	vst.idx.msk vm0, v51  }
0xbf: {  	v22 =	vld.idx.msk [tilespmem:v47+s20+$0x0], vm0  }
0xc0: {  	v23 =	vld.idx.msk [tilespmem:v50+s20+$0x0], vm0;
	_ =	sdelay $0x1  }
0xc1: {  	v52 =	vadd.s32 $0x4200, v9  }
0xc2: {  	v53 =	vadd.s32 $0x4280, v9  }
0xc3: {  	v22 =	vmul.f32 $1.442695020e+00, v22  }
0xc4: {  	v23 =	vmul.f32 $1.442695020e+00, v23  }
0xc5: {  	(erf) = vpow2.f32 v22  }
0xc6: {  	v54 =	vld.idx.msk [tilespmem:v52+s20+$0x0], vm0;
	(erf) = vpow2.f32 v23  }
0xc7: {  	v55 =	vld.idx.msk [tilespmem:v53+s20+$0x0], vm0  }
0xc8: {  	s30 =	sadd.s32 $0xFFFFF100, s28  }
0xc9: {  	v56 =	vor.u32 s30, v0;
	v21 =	vld.idx.msk [tilespmem:v21+s18+$0x0], vm0  }
0xca: {  	v57 =	vadd.s32 s30, v1  }
0xcb: {  	v58 =	vor.u32 s30, v2;
	v22 =	vmul.f32 v54, v7  }
0xcc: {  	v59 =	vadd.s32 s30, v3;
	v23 =	vmul.f32 v55, v6  }
0xcd: {  	v60 =	vor.u32 s30, v4;
	v22 =	vadd.f32 v22, v8  }
0xce: {  	v63 =	vadd.s32 $0x6100, v9;
	[tilespmem:v56+s21+$0x0] =	vst.idx.msk vm0, v21;
	v61 =	vadd.f32 v23, v10;
	v62 =	vpop (erf)  }
0xcf: {  	v31 =	vadd.s32 $0x6180, v9;
	[tilespmem:v57+s21+$0x0] =	vst.idx.msk vm0, v22;
	v29 =	vmul.f32 v62, v7;
	v30 =	vpop (erf)  }
0xd0: {  	[tilespmem:v58+s21+$0x0] =	vst.idx.msk vm0, v61;
	v32 =	vmul.f32 v30, v6  }
0xd1: {  	[tilespmem:v59+s21+$0x0] =	vst.idx.msk vm0, v29  }
0xd2: {  	[tilespmem:v60+s21+$0x0] =	vst.idx.msk vm0, v32  }
0xd3: {  	v21 =	vld.idx.msk [tilespmem:v63+s20+$0x0], vm0  }
0xd4: {  	v22 =	vld.idx.msk [tilespmem:v31+s20+$0x0], vm0;
	_ =	sdelay $0x1  }
0xd5: {  	v33 =	vadd.s32 $0x6000, v9  }
0xd6: {  	v34 =	vadd.s32 $0x6080, v9  }
0xd7: {  	v21 =	vmul.f32 $1.442695020e+00, v21  }
0xd8: {  	v22 =	vmul.f32 $1.442695020e+00, v22  }
0xd9: {  	(erf) = vpow2.f32 v21  }
0xda: {  	v35 =	vld.idx.msk [tilespmem:v33+s20+$0x0], vm0;
	(erf) = vpow2.f32 v22  }
0xdb: {  	v36 =	vld.idx.msk [tilespmem:v34+s20+$0x0], vm0  }
0xdc: {  	s31 =	sadd.s32 $0xFFFFF280, s28  }
0xdd: {  	v37 =	vor.u32 s31, v0;
	v20 =	vld.idx.msk [tilespmem:v20+s18+$0x0], vm0  }
0xde: {  	v38 =	vadd.s32 s31, v1  }
0xdf: {  	v39 =	vor.u32 s31, v2;
	v21 =	vmul.f32 v35, v7  }
0xe0: {  	v40 =	vadd.s32 s31, v3;
	v22 =	vmul.f32 v36, v6  }
0xe1: {  	v41 =	vor.u32 s31, v4;
	v21 =	vadd.f32 v21, v8  }
0xe2: {  	v44 =	vadd.s32 $0x6300, v9;
	[tilespmem:v37+s21+$0x0] =	vst.idx.msk vm0, v20;
	v42 =	vadd.f32 v22, v10;
	v43 =	vpop (erf)  }
0xe3: {  	v47 =	vadd.s32 $0x6380, v9;
	[tilespmem:v38+s21+$0x0] =	vst.idx.msk vm0, v21;
	v45 =	vmul.f32 v43, v7;
	v46 =	vpop (erf)  }
0xe4: {  	[tilespmem:v39+s21+$0x0] =	vst.idx.msk vm0, v42;
	v48 =	vmul.f32 v46, v6  }
0xe5: {  	[tilespmem:v40+s21+$0x0] =	vst.idx.msk vm0, v45  }
0xe6: {  	[tilespmem:v41+s21+$0x0] =	vst.idx.msk vm0, v48  }
0xe7: {  	v20 =	vld.idx.msk [tilespmem:v44+s20+$0x0], vm0  }
0xe8: {  	v21 =	vld.idx.msk [tilespmem:v47+s20+$0x0], vm0;
	_ =	sdelay $0x1  }
0xe9: {  	v49 =	vadd.s32 $0x6200, v9  }
0xea: {  	v50 =	vadd.s32 $0x6280, v9  }
0xeb: {  	v20 =	vmul.f32 $1.442695020e+00, v20  }
0xec: {  	v21 =	vmul.f32 $1.442695020e+00, v21  }
0xed: {  	(erf) = vpow2.f32 v20  }
0xee: {  	v51 =	vld.idx.msk [tilespmem:v49+s20+$0x0], vm0;
	(erf) = vpow2.f32 v21  }
0xef: {  	v52 =	vld.idx.msk [tilespmem:v50+s20+$0x0], vm0  }
0xf0: {  	s30 =	sadd.s32 $0xFFFFF400, s28  }
0xf1: {  	v53 =	vor.u32 s30, v0;
	v18 =	vld.idx.msk [tilespmem:v18+s18+$0x0], vm0  }
0xf2: {  	v54 =	vadd.s32 s30, v1  }
0xf3: {  	v55 =	vor.u32 s30, v2;
	v20 =	vmul.f32 v51, v7  }
0xf4: {  	v56 =	vadd.s32 s30, v3;
	v21 =	vmul.f32 v52, v6  }
0xf5: {  	v57 =	vor.u32 s30, v4;
	v20 =	vadd.f32 v20, v8  }
0xf6: {  	v60 =	vadd.s32 $0x8100, v9;
	[tilespmem:v53+s21+$0x0] =	vst.idx.msk vm0, v18;
	v58 =	vadd.f32 v21, v10;
	v59 =	vpop (erf)  }
0xf7: {  	v63 =	vadd.s32 $0x8180, v9;
	[tilespmem:v54+s21+$0x0] =	vst.idx.msk vm0, v20;
	v61 =	vmul.f32 v59, v7;
	v62 =	vpop (erf)  }
0xf8: {  	[tilespmem:v55+s21+$0x0] =	vst.idx.msk vm0, v58;
	v24 =	vmul.f32 v62, v6  }
0xf9: {  	[tilespmem:v56+s21+$0x0] =	vst.idx.msk vm0, v61  }
0xfa: {  	[tilespmem:v57+s21+$0x0] =	vst.idx.msk vm0, v24  }
0xfb: {  	v18 =	vld.idx.msk [tilespmem:v60+s20+$0x0], vm0  }
0xfc: {  	v20 =	vld.idx.msk [tilespmem:v63+s20+$0x0], vm0;
	_ =	sdelay $0x1  }
0xfd: {  	v25 =	vadd.s32 $0x8000, v9  }
0xfe: {  	v26 =	vadd.s32 $0x8080, v9  }
0xff: {  	v18 =	vmul.f32 $1.442695020e+00, v18  }
0x100: {  	v20 =	vmul.f32 $1.442695020e+00, v20  }
0x101: {  	(erf) = vpow2.f32 v18  }
0x102: {  	v27 =	vld.idx.msk [tilespmem:v25+s20+$0x0], vm0;
	(erf) = vpow2.f32 v20  }
0x103: {  	v28 =	vld.idx.msk [tilespmem:v26+s20+$0x0], vm0  }
0x104: {  	s31 =	sadd.s32 $0xFFFFF580, s28  }
0x105: {  	v29 =	vor.u32 s31, v0;
	v19 =	vld.idx.msk [tilespmem:v19+s18+$0x0], vm0  }
0x106: {  	v30 =	vadd.s32 s31, v1  }
0x107: {  	v31 =	vor.u32 s31, v2;
	v18 =	vmul.f32 v27, v7  }
0x108: {  	v32 =	vadd.s32 s31, v3;
	v20 =	vmul.f32 v28, v6  }
0x109: {  	v33 =	vor.u32 s31, v4;
	v18 =	vadd.f32 v18, v8  }
0x10a: {  	v36 =	vadd.s32 $0x8300, v9;
	[tilespmem:v29+s21+$0x0] =	vst.idx.msk vm0, v19;
	v34 =	vadd.f32 v20, v10;
	v35 =	vpop (erf)  }
0x10b: {  	v39 =	vadd.s32 $0x8380, v9;
	[tilespmem:v30+s21+$0x0] =	vst.idx.msk vm0, v18;
	v37 =	vmul.f32 v35, v7;
	v38 =	vpop (erf)  }
0x10c: {  	[tilespmem:v31+s21+$0x0] =	vst.idx.msk vm0, v34;
	v40 =	vmul.f32 v38, v6  }
0x10d: {  	[tilespmem:v32+s21+$0x0] =	vst.idx.msk vm0, v37  }
0x10e: {  	[tilespmem:v33+s21+$0x0] =	vst.idx.msk vm0, v40  }
0x10f: {  	v18 =	vld.idx.msk [tilespmem:v36+s20+$0x0], vm0  }
0x110: {  	v19 =	vld.idx.msk [tilespmem:v39+s20+$0x0], vm0;
	_ =	sdelay $0x1  }
0x111: {  	v41 =	vadd.s32 $0x8200, v9  }
0x112: {  	v42 =	vadd.s32 $0x8280, v9  }
0x113: {  	v18 =	vmul.f32 $1.442695020e+00, v18  }
0x114: {  	v19 =	vmul.f32 $1.442695020e+00, v19  }
0x115: {  	(erf) = vpow2.f32 v18  }
0x116: {  	v43 =	vld.idx.msk [tilespmem:v41+s20+$0x0], vm0;
	(erf) = vpow2.f32 v19  }
0x117: {  	v44 =	vld.idx.msk [tilespmem:v42+s20+$0x0], vm0  }
0x118: {  	s30 =	sadd.s32 $0xFFFFF700, s28  }
0x119: {  	v45 =	vor.u32 s30, v0;
	v17 =	vld.idx.msk [tilespmem:v17+s18+$0x0], vm0  }
0x11a: {  	v46 =	vadd.s32 s30, v1  }
0x11b: {  	v47 =	vor.u32 s30, v2;
	v18 =	vmul.f32 v43, v7  }
0x11c: {  	v48 =	vadd.s32 s30, v3;
	v19 =	vmul.f32 v44, v6  }
0x11d: {  	v49 =	vor.u32 s30, v4;
	v18 =	vadd.f32 v18, v8  }
0x11e: {  	v52 =	vadd.s32 $0xA100, v9;
	[tilespmem:v45+s21+$0x0] =	vst.idx.msk vm0, v17;
	v50 =	vadd.f32 v19, v10;
	v51 =	vpop (erf)  }
0x11f: {  	v55 =	vadd.s32 $0xA180, v9;
	[tilespmem:v46+s21+$0x0] =	vst.idx.msk vm0, v18;
	v53 =	vmul.f32 v51, v7;
	v54 =	vpop (erf)  }
0x120: {  	[tilespmem:v47+s21+$0x0] =	vst.idx.msk vm0, v50;
	v56 =	vmul.f32 v54, v6  }
0x121: {  	[tilespmem:v48+s21+$0x0] =	vst.idx.msk vm0, v53  }
0x122: {  	[tilespmem:v49+s21+$0x0] =	vst.idx.msk vm0, v56  }
0x123: {  	v17 =	vld.idx.msk [tilespmem:v52+s20+$0x0], vm0  }
0x124: {  	v18 =	vld.idx.msk [tilespmem:v55+s20+$0x0], vm0;
	_ =	sdelay $0x1  }
0x125: {  	v57 =	vadd.s32 $0xA000, v9  }
0x126: {  	v58 =	vadd.s32 $0xA080, v9  }
0x127: {  	v17 =	vmul.f32 $1.442695020e+00, v17  }
0x128: {  	v18 =	vmul.f32 $1.442695020e+00, v18  }
0x129: {  	(erf) = vpow2.f32 v17  }
0x12a: {  	v59 =	vld.idx.msk [tilespmem:v57+s20+$0x0], vm0;
	(erf) = vpow2.f32 v18  }
0x12b: {  	v60 =	vld.idx.msk [tilespmem:v58+s20+$0x0], vm0  }
0x12c: {  	s31 =	sadd.s32 $0xFFFFF880, s28  }
0x12d: {  	v61 =	vor.u32 s31, v0;
	v16 =	vld.idx.msk [tilespmem:v16+s18+$0x0], vm0  }
0x12e: {  	v62 =	vadd.s32 s31, v1  }
0x12f: {  	v63 =	vadd.s32 s31, v2;
	v17 =	vmul.f32 v59, v7  }
0x130: {  	v24 =	vadd.s32 s31, v3;
	v18 =	vmul.f32 v60, v6  }
0x131: {  	v25 =	vor.u32 s31, v4;
	v17 =	vadd.f32 v17, v8  }
0x132: {  	v28 =	vadd.s32 $0xA300, v9;
	[tilespmem:v61+s21+$0x0] =	vst.idx.msk vm0, v16;
	v26 =	vadd.f32 v18, v10;
	v27 =	vpop (erf)  }
0x133: {  	v31 =	vadd.s32 $0xA380, v9;
	[tilespmem:v62+s21+$0x0] =	vst.idx.msk vm0, v17;
	v29 =	vmul.f32 v27, v7;
	v30 =	vpop (erf)  }
0x134: {  	[tilespmem:v63+s21+$0x0] =	vst.idx.msk vm0, v26;
	v32 =	vmul.f32 v30, v6  }
0x135: {  	[tilespmem:v24+s21+$0x0] =	vst.idx.msk vm0, v29  }
0x136: {  	[tilespmem:v25+s21+$0x0] =	vst.idx.msk vm0, v32  }
0x137: {  	v16 =	vld.idx.msk [tilespmem:v28+s20+$0x0], vm0  }
0x138: {  	v17 =	vld.idx.msk [tilespmem:v31+s20+$0x0], vm0;
	_ =	sdelay $0x1  }
0x139: {  	v33 =	vadd.s32 $0xA200, v9  }
0x13a: {  	v34 =	vadd.s32 $0xA280, v9  }
0x13b: {  	v16 =	vmul.f32 $1.442695020e+00, v16  }
0x13c: {  	v17 =	vmul.f32 $1.442695020e+00, v17  }
0x13d: {  	(erf) = vpow2.f32 v16  }
0x13e: {  	v35 =	vld.idx.msk [tilespmem:v33+s20+$0x0], vm0;
	(erf) = vpow2.f32 v17  }
0x13f: {  	v36 =	vld.idx.msk [tilespmem:v34+s20+$0x0], vm0  }
0x140: {  	s30 =	sadd.s32 $0xFFFFFA00, s28  }
0x141: {  	v37 =	vor.u32 s30, v0;
	v14 =	vld.idx.msk [tilespmem:v14+s18+$0x0], vm0  }
0x142: {  	v38 =	vadd.s32 s30, v1  }
0x143: {  	v39 =	vadd.s32 s30, v2;
	v16 =	vmul.f32 v35, v7  }
0x144: {  	v40 =	vor.u32 s30, v3;
	v17 =	vmul.f32 v36, v6  }
0x145: {  	v41 =	vor.u32 s30, v4;
	v16 =	vadd.f32 v16, v8  }
0x146: {  	v44 =	vadd.s32 $0xC100, v9;
	[tilespmem:v37+s21+$0x0] =	vst.idx.msk vm0, v14;
	v42 =	vadd.f32 v17, v10;
	v43 =	vpop (erf)  }
0x147: {  	v47 =	vadd.s32 $0xC180, v9;
	[tilespmem:v38+s21+$0x0] =	vst.idx.msk vm0, v16;
	v45 =	vmul.f32 v43, v7;
	v46 =	vpop (erf)  }
0x148: {  	[tilespmem:v39+s21+$0x0] =	vst.idx.msk vm0, v42;
	v48 =	vmul.f32 v46, v6  }
0x149: {  	[tilespmem:v40+s21+$0x0] =	vst.idx.msk vm0, v45  }
0x14a: {  	[tilespmem:v41+s21+$0x0] =	vst.idx.msk vm0, v48  }
0x14b: {  	v14 =	vld.idx.msk [tilespmem:v44+s20+$0x0], vm0  }
0x14c: {  	v16 =	vld.idx.msk [tilespmem:v47+s20+$0x0], vm0;
	_ =	sdelay $0x1  }
0x14d: {  	v49 =	vadd.s32 $0xC000, v9  }
0x14e: {  	v50 =	vadd.s32 $0xC080, v9  }
0x14f: {  	v14 =	vmul.f32 $1.442695020e+00, v14  }
0x150: {  	v16 =	vmul.f32 $1.442695020e+00, v16  }
0x151: {  	(erf) = vpow2.f32 v14  }
0x152: {  	v51 =	vld.idx.msk [tilespmem:v49+s20+$0x0], vm0;
	(erf) = vpow2.f32 v16  }
0x153: {  	v52 =	vld.idx.msk [tilespmem:v50+s20+$0x0], vm0  }
0x154: {  	s31 =	sadd.s32 $0xFFFFFB80, s28  }
0x155: {  	v53 =	vor.u32 s31, v0;
	v15 =	vld.idx.msk [tilespmem:v15+s18+$0x0], vm0  }
0x156: {  	v54 =	vadd.s32 s31, v1  }
0x157: {  	v55 =	vadd.s32 s31, v2;
	v14 =	vmul.f32 v51, v7  }
0x158: {  	v56 =	vor.u32 s31, v3;
	v16 =	vmul.f32 v52, v6  }
0x159: {  	v57 =	vor.u32 s31, v4;
	v14 =	vadd.f32 v14, v8  }
0x15a: {  	v60 =	vadd.s32 $0xC300, v9;
	[tilespmem:v53+s21+$0x0] =	vst.idx.msk vm0, v15;
	v58 =	vadd.f32 v16, v10;
	v59 =	vpop (erf)  }
0x15b: {  	v63 =	vadd.s32 $0xC380, v9;
	[tilespmem:v54+s21+$0x0] =	vst.idx.msk vm0, v14;
	v61 =	vmul.f32 v59, v7;
	v62 =	vpop (erf)  }
0x15c: {  	[tilespmem:v55+s21+$0x0] =	vst.idx.msk vm0, v58;
	v22 =	vmul.f32 v62, v6  }
0x15d: {  	[tilespmem:v56+s21+$0x0] =	vst.idx.msk vm0, v61  }
0x15e: {  	[tilespmem:v57+s21+$0x0] =	vst.idx.msk vm0, v22  }
0x15f: {  	v14 =	vld.idx.msk [tilespmem:v60+s20+$0x0], vm0  }
0x160: {  	v15 =	vld.idx.msk [tilespmem:v63+s20+$0x0], vm0;
	_ =	sdelay $0x1  }
0x161: {  	v23 =	vadd.s32 $0xC200, v9  }
0x162: {  	v24 =	vadd.s32 $0xC280, v9  }
0x163: {  	v14 =	vmul.f32 $1.442695020e+00, v14  }
0x164: {  	v15 =	vmul.f32 $1.442695020e+00, v15  }
0x165: {  	(erf) = vpow2.f32 v14  }
0x166: {  	v25 =	vld.idx.msk [tilespmem:v23+s20+$0x0], vm0;
	(erf) = vpow2.f32 v15  }
0x167: {  	v26 =	vld.idx.msk [tilespmem:v24+s20+$0x0], vm0  }
0x168: {  	s30 =	sadd.s32 $0xFFFFFD00, s28  }
0x169: {  	v27 =	vor.u32 s30, v0;
	v13 =	vld.idx.msk [tilespmem:v13+s18+$0x0], vm0  }
0x16a: {  	v28 =	vadd.s32 s30, v1  }
0x16b: {  	v29 =	vadd.s32 s30, v2;
	v14 =	vmul.f32 v25, v7  }
0x16c: {  	v30 =	vor.u32 s30, v3;
	v15 =	vmul.f32 v26, v6  }
0x16d: {  	v31 =	vor.u32 s30, v4;
	v14 =	vadd.f32 v14, v8  }
0x16e: {  	v34 =	vadd.s32 $0xE100, v9;
	[tilespmem:v27+s21+$0x0] =	vst.idx.msk vm0, v13;
	v32 =	vadd.f32 v15, v10;
	v33 =	vpop (erf)  }
0x16f: {  	v37 =	vadd.s32 $0xE180, v9;
	[tilespmem:v28+s21+$0x0] =	vst.idx.msk vm0, v14;
	v35 =	vmul.f32 v33, v7;
	v36 =	vpop (erf)  }
0x170: {  	[tilespmem:v29+s21+$0x0] =	vst.idx.msk vm0, v32;
	v38 =	vmul.f32 v36, v6  }
0x171: {  	[tilespmem:v30+s21+$0x0] =	vst.idx.msk vm0, v35  }
0x172: {  	[tilespmem:v31+s21+$0x0] =	vst.idx.msk vm0, v38  }
0x173: {  	v13 =	vld.idx.msk [tilespmem:v34+s20+$0x0], vm0  }
0x174: {  	v14 =	vld.idx.msk [tilespmem:v37+s20+$0x0], vm0;
	_ =	sdelay $0x1  }
0x175: {  	v39 =	vadd.s32 $0xE000, v9  }
0x176: {  	v40 =	vadd.s32 $0xE080, v9  }
0x177: {  	v13 =	vmul.f32 $1.442695020e+00, v13  }
0x178: {  	v14 =	vmul.f32 $1.442695020e+00, v14  }
0x179: {  	(erf) = vpow2.f32 v13  }
0x17a: {  	v41 =	vld.idx.msk [tilespmem:v39+s20+$0x0], vm0;
	(erf) = vpow2.f32 v14  }
0x17b: {  	v42 =	vld.idx.msk [tilespmem:v40+s20+$0x0], vm0  }
0x17c: {  	s31 =	sadd.s32 $0xFFFFFE80, s28  }
0x17d: {  	v43 =	vor.u32 s31, v0;
	v12 =	vld.idx.msk [tilespmem:v12+s18+$0x0], vm0  }
0x17e: {  	v44 =	vadd.s32 s31, v1  }
0x17f: {  	v45 =	vadd.s32 s31, v2;
	v13 =	vmul.f32 v41, v7  }
0x180: {  	v46 =	vor.u32 s31, v3;
	v14 =	vmul.f32 v42, v6  }
0x181: {  	v47 =	vor.u32 s31, v4;
	v13 =	vadd.f32 v13, v8  }
0x182: {  	v50 =	vadd.s32 $0xE300, v9;
	[tilespmem:v43+s21+$0x0] =	vst.idx.msk vm0, v12;
	v48 =	vadd.f32 v14, v10;
	v49 =	vpop (erf)  }
0x183: {  	v53 =	vadd.s32 $0xE380, v9;
	[tilespmem:v44+s21+$0x0] =	vst.idx.msk vm0, v13;
	v51 =	vmul.f32 v49, v7;
	v52 =	vpop (erf)  }
0x184: {  	[tilespmem:v45+s21+$0x0] =	vst.idx.msk vm0, v48;
	v54 =	vmul.f32 v52, v6  }
0x185: {  	[tilespmem:v46+s21+$0x0] =	vst.idx.msk vm0, v51  }
0x186: {  	[tilespmem:v47+s21+$0x0] =	vst.idx.msk vm0, v54  }
0x187: {  	v12 =	vld.idx.msk [tilespmem:v50+s20+$0x0], vm0  }
0x188: {  	v13 =	vld.idx.msk [tilespmem:v53+s20+$0x0], vm0;
	_ =	sdelay $0x1  }
0x189: {  	v55 =	vadd.s32 $0xE200, v9  }
0x18a: {  	v9 =	vadd.s32 $0xE280, v9  }
0x18b: {  	v12 =	vmul.f32 $1.442695020e+00, v12  }
0x18c: {  	v13 =	vmul.f32 $1.442695020e+00, v13  }
0x18d: {  	(erf) = vpow2.f32 v12  }
0x18e: {  	v56 =	vld.idx.msk [tilespmem:v55+s20+$0x0], vm0;
	(erf) = vpow2.f32 v13  }
0x18f: {  	v9 =	vld.idx.msk [tilespmem:v9+s20+$0x0], vm0;
	_ =	sdelay $0x1  }
0x190: {  	v57 =	vor.u32 s28, v0;
	v11 =	vld.idx.msk [tilespmem:v11+s18+$0x0], vm0  }
0x191: {  	v58 =	vadd.s32 s28, v1  }
0x192: {  	v59 =	vadd.s32 s28, v2;
	v12 =	vmul.f32 v56, v7  }
0x193: {  	v60 =	vadd.s32 s28, v3;
	v9 =	vmul.f32 v9, v6  }
0x194: {  	p1 =	sne.s32 s28, $0x17F0;
	v61 =	vor.u32 s28, v4;
	v8 =	vadd.f32 v12, v8  }
.Ltmp3:
0x195: {  	[tilespmem:v57+s21+$0x0] =	vst.idx.msk vm0, v11;
	v9 =	vadd.f32 v9, v10;
	v62 =	vpop (erf);
	(pc) =	sbr.rel @p1 .LBB2_4-.Ltmp3, $4  }
0x196: {  	[tilespmem:v58+s21+$0x0] =	vst.idx.msk vm0, v8;
	v7 =	vmul.f32 v62, v7;
	v63 =	vpop (erf)  }
0x197: {  	[tilespmem:v59+s21+$0x0] =	vst.idx.msk vm0, v9;
	v6 =	vmul.f32 v63, v6  }
0x198: {  	[tilespmem:v60+s21+$0x0] =	vst.idx.msk vm0, v7  }
0x199: {  	s29 =	sadd.s32 $0x40, s29;
	s28 =	sadd.s32 $0x10, s28;
	[tilespmem:v61+s21+$0x0] =	vst.idx.msk vm0, v6  }
0x19a: {  	s26 =	sadd.s32 $0x1, s26  }
0x19b: {  	p1 =	sne.s32 s26, s24  }
.Ltmp4:
0x19c: {  	_ = 	snop;
	(pc) =	sbr.rel @p1 .LBB2_3-.Ltmp4, $1  }
0x19d: {  	_ =	sdelay $0x3  }
.LBB2_6:
.Ltmp5:
0x19e: {  	(pc) =	sbr.rel @!p0 .LBB2_7-.Ltmp5, $2  }
0x19f: {  	_ =	sdelay $0x2  }
0x1a0: {  	s23 =	simm.s32 $0x15200  }
0x1a1: {  	s24 =	simm.s32 $0xBAC;
	s26 =	sadd.s32 $0x5D0, s5;
	s25 =	simm.s32 $0x15380  }
.LBB2_11:
0x1a2: {  	[hbm4b:s26+s6] =	stream.linear.scatter [tilespmem:s23], [sflag:$0x1], $0x60, $0x38;
	[tilespmem:$0x1CA00] =	vst v63  }
0x1a3: {  	s4 =	smov.u32 s24;
	s23 =	smov.u32 s25;
	p1 =	sne.s32 s24, $0x1D4B4  }
.Ltmp6:
0x1a4: {  	s24 =	sadd.s32 $0x5DC, s24;
	(pc) =	sbr.rel @p1 .LBB2_11-.Ltmp6, $2  }
0x1a5: {  	_ =	sdelay $0x2  }
0x1a6: {  	s25 =	sadd.s32 $0x180, s25;
	s26 =	sadd.s32 s4, s5  }
0x1a7: {  	[hbm4b:s26+s6] =	stream.linear.scatter [tilespmem:s23], [sflag:$0x1], $0x60, $0x38;
	[tilespmem:$0x1CA00] =	vst v63  }
0x1a8: {  	_ =	swait.ge [sflag:s15], $0x60  }
0x1a9: {  	[sflag:s15] =	ssyncset.done $0x0  }
0x1aa: {  	[sflag:s15] =	ssyncadd.s32 $0xFFFFFFA0  }
0x1ab: {  	_ =	swait.ge [sflag:s15], $0x60  }
0x1ac: {  	[sflag:s15] =	ssyncset.done $0x0  }
0x1ad: {  	[sflag:s15] =	ssyncadd.s32 $0xFFFFFFA0  }
0x1ae: {  	_ =	swait.ge [sflag:s15], $0x60  }
0x1af: {  	[sflag:s15] =	ssyncset.done $0x0  }
0x1b0: {  	[sflag:s15] =	ssyncadd.s32 $0xFFFFFFA0  }
0x1b1: {  	_ =	swait.ge [sflag:s15], $0x60  }
0x1b2: {  	[sflag:s15] =	ssyncset.done $0x0  }
0x1b3: {  	[sflag:s15] =	ssyncadd.s32 $0xFFFFFFA0  }
0x1b4: {  	_ =	swait.ge [sflag:s15], $0x60  }
0x1b5: {  	[sflag:s15] =	ssyncset.done $0x0  }
0x1b6: {  	[sflag:s15] =	ssyncadd.s32 $0xFFFFFFA0  }
0x1b7: {  	_ =	swait.ge [sflag:s15], $0x60  }
0x1b8: {  	[sflag:s15] =	ssyncset.done $0x0  }
0x1b9: {  	[sflag:s15] =	ssyncadd.s32 $0xFFFFFFA0  }
0x1ba: {  	_ =	swait.ge [sflag:s15], $0x60  }
0x1bb: {  	[sflag:s15] =	ssyncset.done $0x0  }
0x1bc: {  	[sflag:s15] =	ssyncadd.s32 $0xFFFFFFA0  }
0x1bd: {  	_ =	swait.ge [sflag:s15], $0x60  }
0x1be: {  	[sflag:s15] =	ssyncset.done $0x0  }
0x1bf: {  	[sflag:s15] =	ssyncadd.s32 $0xFFFFFFA0  }
0x1c0: {  	_ =	swait.ge [sflag:s15], $0x60  }
0x1c1: {  	[sflag:s15] =	ssyncset.done $0x0  }
0x1c2: {  	[sflag:s15] =	ssyncadd.s32 $0xFFFFFFA0  }
0x1c3: {  	_ =	swait.ge [sflag:s15], $0x60  }
0x1c4: {  	[sflag:s15] =	ssyncset.done $0x0  }
0x1c5: {  	[sflag:s15] =	ssyncadd.s32 $0xFFFFFFA0  }
0x1c6: {  	_ =	swait.ge [sflag:s15], $0x60  }
0x1c7: {  	[sflag:s15] =	ssyncset.done $0x0  }
0x1c8: {  	[sflag:s15] =	ssyncadd.s32 $0xFFFFFFA0  }
0x1c9: {  	_ =	swait.ge [sflag:s15], $0x60  }
0x1ca: {  	[sflag:s15] =	ssyncset.done $0x0  }
0x1cb: {  	[sflag:s15] =	ssyncadd.s32 $0xFFFFFFA0  }
0x1cc: {  	_ =	swait.ge [sflag:s15], $0x60  }
0x1cd: {  	[sflag:s15] =	ssyncset.done $0x0  }
0x1ce: {  	[sflag:s15] =	ssyncadd.s32 $0xFFFFFFA0  }
0x1cf: {  	_ =	swait.ge [sflag:s15], $0x60  }
0x1d0: {  	[sflag:s15] =	ssyncset.done $0x0  }
0x1d1: {  	[sflag:s15] =	ssyncadd.s32 $0xFFFFFFA0  }
0x1d2: {  	_ =	swait.ge [sflag:s15], $0x60  }
0x1d3: {  	[sflag:s15] =	ssyncset.done $0x0  }
0x1d4: {  	[sflag:s15] =	ssyncadd.s32 $0xFFFFFFA0  }
0x1d5: {  	_ =	swait.ge [sflag:s15], $0x60  }
0x1d6: {  	[sflag:s15] =	ssyncset.done $0x0  }
0x1d7: {  	[sflag:s15] =	ssyncadd.s32 $0xFFFFFFA0  }
0x1d8: {  	_ =	swait.ge [sflag:s15], $0x60  }
0x1d9: {  	[sflag:s15] =	ssyncset.done $0x0  }
0x1da: {  	[sflag:s15] =	ssyncadd.s32 $0xFFFFFFA0  }
0x1db: {  	_ =	swait.ge [sflag:s15], $0x60  }
0x1dc: {  	[sflag:s15] =	ssyncset.done $0x0  }
0x1dd: {  	[sflag:s15] =	ssyncadd.s32 $0xFFFFFFA0  }
0x1de: {  	_ =	swait.ge [sflag:s15], $0x60  }
0x1df: {  	[sflag:s15] =	ssyncset.done $0x0  }
0x1e0: {  	[sflag:s15] =	ssyncadd.s32 $0xFFFFFFA0  }
0x1e1: {  	_ =	swait.ge [sflag:s15], $0x60  }
0x1e2: {  	[sflag:s15] =	ssyncset.done $0x0  }
0x1e3: {  	[sflag:s15] =	ssyncadd.s32 $0xFFFFFFA0  }
0x1e4: {  	_ =	swait.ge [sflag:s15], $0x60  }
0x1e5: {  	[sflag:s15] =	ssyncset.done $0x0  }
0x1e6: {  	[sflag:s15] =	ssyncadd.s32 $0xFFFFFFA0  }
0x1e7: {  	_ =	swait.ge [sflag:s15], $0x60  }
0x1e8: {  	[sflag:s15] =	ssyncset.done $0x0  }
0x1e9: {  	[sflag:s15] =	ssyncadd.s32 $0xFFFFFFA0  }
0x1ea: {  	_ =	swait.ge [sflag:s15], $0x60  }
0x1eb: {  	[sflag:s15] =	ssyncset.done $0x0  }
0x1ec: {  	[sflag:s15] =	ssyncadd.s32 $0xFFFFFFA0  }
0x1ed: {  	_ =	swait.ge [sflag:s15], $0x60  }
0x1ee: {  	[sflag:s15] =	ssyncset.done $0x0  }
0x1ef: {  	[sflag:s15] =	ssyncadd.s32 $0xFFFFFFA0  }
0x1f0: {  	_ =	swait.ge [sflag:s15], $0x60  }
0x1f1: {  	[sflag:s15] =	ssyncset.done $0x0  }
0x1f2: {  	[sflag:s15] =	ssyncadd.s32 $0xFFFFFFA0  }
0x1f3: {  	_ =	swait.ge [sflag:s15], $0x60  }
0x1f4: {  	[sflag:s15] =	ssyncset.done $0x0  }
0x1f5: {  	[sflag:s15] =	ssyncadd.s32 $0xFFFFFFA0  }
0x1f6: {  	_ =	swait.ge [sflag:s15], $0x60  }
0x1f7: {  	[sflag:s15] =	ssyncset.done $0x0  }
0x1f8: {  	[sflag:s15] =	ssyncadd.s32 $0xFFFFFFA0  }
0x1f9: {  	_ =	swait.ge [sflag:s15], $0x60  }
0x1fa: {  	[sflag:s15] =	ssyncset.done $0x0  }
0x1fb: {  	[sflag:s15] =	ssyncadd.s32 $0xFFFFFFA0  }
0x1fc: {  	_ =	swait.ge [sflag:s15], $0x60  }
0x1fd: {  	[sflag:s15] =	ssyncset.done $0x0  }
0x1fe: {  	[sflag:s15] =	ssyncadd.s32 $0xFFFFFFA0  }
0x1ff: {  	_ =	swait.ge [sflag:s15], $0x60  }
0x200: {  	[sflag:s15] =	ssyncset.done $0x0  }
0x201: {  	[sflag:s15] =	ssyncadd.s32 $0xFFFFFFA0  }
0x202: {  	_ =	swait.ge [sflag:s15], $0x60  }
0x203: {  	[sflag:s15] =	ssyncset.done $0x0  }
0x204: {  	[sflag:s15] =	ssyncadd.s32 $0xFFFFFFA0  }
0x205: {  	_ =	swait.ge [sflag:s15], $0x60  }
0x206: {  	[sflag:s15] =	ssyncset.done $0x0  }
0x207: {  	[sflag:s15] =	ssyncadd.s32 $0xFFFFFFA0  }
0x208: {  	_ =	swait.ge [sflag:s15], $0x60  }
0x209: {  	[sflag:s15] =	ssyncset.done $0x0  }
0x20a: {  	[sflag:s15] =	ssyncadd.s32 $0xFFFFFFA0  }
0x20b: {  	_ =	swait.ge [sflag:s15], $0x60  }
0x20c: {  	[sflag:s15] =	ssyncset.done $0x0  }
0x20d: {  	[sflag:s15] =	ssyncadd.s32 $0xFFFFFFA0  }
0x20e: {  	_ =	swait.ge [sflag:s15], $0x60  }
0x20f: {  	[sflag:s15] =	ssyncset.done $0x0  }
0x210: {  	[sflag:s15] =	ssyncadd.s32 $0xFFFFFFA0  }
0x211: {  	_ =	swait.ge [sflag:s15], $0x60  }
0x212: {  	[sflag:s15] =	ssyncset.done $0x0  }
0x213: {  	[sflag:s15] =	ssyncadd.s32 $0xFFFFFFA0  }
0x214: {  	_ =	swait.ge [sflag:s15], $0x60  }
0x215: {  	[sflag:s15] =	ssyncset.done $0x0  }
0x216: {  	[sflag:s15] =	ssyncadd.s32 $0xFFFFFFA0  }
0x217: {  	_ =	swait.ge [sflag:s15], $0x60  }
0x218: {  	[sflag:s15] =	ssyncset.done $0x0  }
0x219: {  	[sflag:s15] =	ssyncadd.s32 $0xFFFFFFA0  }
0x21a: {  	_ =	swait.ge [sflag:s15], $0x60  }
0x21b: {  	[sflag:s15] =	ssyncset.done $0x0  }
0x21c: {  	[sflag:s15] =	ssyncadd.s32 $0xFFFFFFA0  }
0x21d: {  	_ =	swait.ge [sflag:s15], $0x60  }
0x21e: {  	[sflag:s15] =	ssyncset.done $0x0  }
0x21f: {  	[sflag:s15] =	ssyncadd.s32 $0xFFFFFFA0  }
0x220: {  	_ =	swait.ge [sflag:s15], $0x60  }
0x221: {  	[sflag:s15] =	ssyncset.done $0x0  }
0x222: {  	[sflag:s15] =	ssyncadd.s32 $0xFFFFFFA0  }
0x223: {  	_ =	swait.ge [sflag:s15], $0x60  }
0x224: {  	[sflag:s15] =	ssyncset.done $0x0  }
0x225: {  	[sflag:s15] =	ssyncadd.s32 $0xFFFFFFA0  }
0x226: {  	_ =	swait.ge [sflag:s15], $0x60  }
0x227: {  	[sflag:s15] =	ssyncset.done $0x0  }
0x228: {  	[sflag:s15] =	ssyncadd.s32 $0xFFFFFFA0  }
0x229: {  	_ =	swait.ge [sflag:s15], $0x60  }
0x22a: {  	[sflag:s15] =	ssyncset.done $0x0  }
0x22b: {  	[sflag:s15] =	ssyncadd.s32 $0xFFFFFFA0  }
0x22c: {  	_ =	swait.ge [sflag:s15], $0x60  }
0x22d: {  	[sflag:s15] =	ssyncset.done $0x0  }
0x22e: {  	[sflag:s15] =	ssyncadd.s32 $0xFFFFFFA0  }
0x22f: {  	_ =	swait.ge [sflag:s15], $0x60  }
0x230: {  	[sflag:s15] =	ssyncset.done $0x0  }
0x231: {  	[sflag:s15] =	ssyncadd.s32 $0xFFFFFFA0  }
0x232: {  	_ =	swait.ge [sflag:s15], $0x60  }
0x233: {  	[sflag:s15] =	ssyncset.done $0x0  }
0x234: {  	[sflag:s15] =	ssyncadd.s32 $0xFFFFFFA0  }
0x235: {  	_ =	swait.ge [sflag:s15], $0x60  }
0x236: {  	[sflag:s15] =	ssyncset.done $0x0  }
0x237: {  	[sflag:s15] =	ssyncadd.s32 $0xFFFFFFA0  }
0x238: {  	_ =	swait.ge [sflag:s15], $0x60  }
0x239: {  	[sflag:s15] =	ssyncset.done $0x0  }
0x23a: {  	[sflag:s15] =	ssyncadd.s32 $0xFFFFFFA0  }
0x23b: {  	_ =	swait.ge [sflag:s15], $0x60  }
0x23c: {  	[sflag:s15] =	ssyncset.done $0x0  }
0x23d: {  	[sflag:s15] =	ssyncadd.s32 $0xFFFFFFA0  }
0x23e: {  	_ =	swait.ge [sflag:s15], $0x60  }
0x23f: {  	[sflag:s15] =	ssyncset.done $0x0  }
0x240: {  	[sflag:s15] =	ssyncadd.s32 $0xFFFFFFA0  }
0x241: {  	_ =	swait.ge [sflag:s15], $0x60  }
0x242: {  	[sflag:s15] =	ssyncset.done $0x0  }
0x243: {  	[sflag:s15] =	ssyncadd.s32 $0xFFFFFFA0  }
0x244: {  	_ =	swait.ge [sflag:s15], $0x60  }
0x245: {  	[sflag:s15] =	ssyncset.done $0x0  }
0x246: {  	[sflag:s15] =	ssyncadd.s32 $0xFFFFFFA0  }
0x247: {  	_ =	swait.ge [sflag:s15], $0x60  }
0x248: {  	[sflag:s15] =	ssyncset.done $0x0  }
0x249: {  	[sflag:s15] =	ssyncadd.s32 $0xFFFFFFA0  }
0x24a: {  	_ =	swait.ge [sflag:s15], $0x60  }
0x24b: {  	[sflag:s15] =	ssyncset.done $0x0  }
0x24c: {  	[sflag:s15] =	ssyncadd.s32 $0xFFFFFFA0  }
0x24d: {  	_ =	swait.ge [sflag:s15], $0x60  }
0x24e: {  	[sflag:s15] =	ssyncset.done $0x0  }
0x24f: {  	[sflag:s15] =	ssyncadd.s32 $0xFFFFFFA0  }
0x250: {  	_ =	swait.ge [sflag:s15], $0x60  }
0x251: {  	[sflag:s15] =	ssyncset.done $0x0  }
0x252: {  	[sflag:s15] =	ssyncadd.s32 $0xFFFFFFA0  }
0x253: {  	_ =	swait.ge [sflag:s15], $0x60  }
0x254: {  	[sflag:s15] =	ssyncset.done $0x0  }
0x255: {  	[sflag:s15] =	ssyncadd.s32 $0xFFFFFFA0  }
0x256: {  	_ =	swait.ge [sflag:s15], $0x60  }
0x257: {  	[sflag:s15] =	ssyncset.done $0x0  }
0x258: {  	[sflag:s15] =	ssyncadd.s32 $0xFFFFFFA0  }
0x259: {  	_ =	swait.ge [sflag:s15], $0x60  }
0x25a: {  	[sflag:s15] =	ssyncset.done $0x0  }
0x25b: {  	[sflag:s15] =	ssyncadd.s32 $0xFFFFFFA0  }
0x25c: {  	_ =	swait.ge [sflag:s15], $0x60  }
0x25d: {  	[sflag:s15] =	ssyncset.done $0x0  }
0x25e: {  	[sflag:s15] =	ssyncadd.s32 $0xFFFFFFA0  }
0x25f: {  	_ =	swait.ge [sflag:s15], $0x60  }
0x260: {  	[sflag:s15] =	ssyncset.done $0x0  }
0x261: {  	[sflag:s15] =	ssyncadd.s32 $0xFFFFFFA0  }
0x262: {  	_ =	swait.ge [sflag:s15], $0x60  }
0x263: {  	[sflag:s15] =	ssyncset.done $0x0  }
0x264: {  	[sflag:s15] =	ssyncadd.s32 $0xFFFFFFA0  }
0x265: {  	_ =	swait.ge [sflag:s15], $0x60  }
0x266: {  	[sflag:s15] =	ssyncset.done $0x0  }
0x267: {  	[sflag:s15] =	ssyncadd.s32 $0xFFFFFFA0  }
0x268: {  	_ =	swait.ge [sflag:s15], $0x60  }
0x269: {  	[sflag:s15] =	ssyncset.done $0x0  }
0x26a: {  	[sflag:s15] =	ssyncadd.s32 $0xFFFFFFA0  }
0x26b: {  	_ =	swait.ge [sflag:s15], $0x60  }
0x26c: {  	[sflag:s15] =	ssyncset.done $0x0  }
0x26d: {  	[sflag:s15] =	ssyncadd.s32 $0xFFFFFFA0  }
0x26e: {  	_ =	swait.ge [sflag:s15], $0x60  }
0x26f: {  	[sflag:s15] =	ssyncset.done $0x0  }
0x270: {  	[sflag:s15] =	ssyncadd.s32 $0xFFFFFFA0  }
0x271: {  	_ =	swait.ge [sflag:s15], $0x60  }
0x272: {  	[sflag:s15] =	ssyncset.done $0x0  }
0x273: {  	[sflag:s15] =	ssyncadd.s32 $0xFFFFFFA0  }
0x274: {  	_ =	swait.ge [sflag:s15], $0x60  }
0x275: {  	[sflag:s15] =	ssyncset.done $0x0  }
0x276: {  	[sflag:s15] =	ssyncadd.s32 $0xFFFFFFA0  }
0x277: {  	_ =	swait.ge [sflag:s15], $0x60  }
0x278: {  	[sflag:s15] =	ssyncset.done $0x0  }
0x279: {  	[sflag:s15] =	ssyncadd.s32 $0xFFFFFFA0  }
0x27a: {  	_ =	swait.ge [sflag:s15], $0x60  }
0x27b: {  	[sflag:s15] =	ssyncset.done $0x0  }
0x27c: {  	[sflag:s15] =	ssyncadd.s32 $0xFFFFFFA0  }
0x27d: {  	_ =	swait.ge [sflag:s15], $0x60  }
0x27e: {  	[sflag:s15] =	ssyncset.done $0x0  }
0x27f: {  	[sflag:s15] =	ssyncadd.s32 $0xFFFFFFA0  }
0x280: {  	_ =	swait.ge [sflag:s15], $0x60  }
0x281: {  	[sflag:s15] =	ssyncset.done $0x0  }
0x282: {  	[sflag:s15] =	ssyncadd.s32 $0xFFFFFFA0  }
0x283: {  	_ =	swait.ge [sflag:s15], $0x60  }
0x284: {  	[sflag:s15] =	ssyncset.done $0x0  }
0x285: {  	[sflag:s15] =	ssyncadd.s32 $0xFFFFFFA0  }
0x286: {  	_ =	swait.ge [sflag:s15], $0x60  }
0x287: {  	[sflag:s15] =	ssyncset.done $0x0  }
0x288: {  	[sflag:s15] =	ssyncadd.s32 $0xFFFFFFA0  }
0x289: {  	_ =	swait.ge [sflag:s15], $0x60  }
0x28a: {  	[sflag:s15] =	ssyncset.done $0x0  }
0x28b: {  	[sflag:s15] =	ssyncadd.s32 $0xFFFFFFA0  }
0x28c: {  	_ =	swait.ge [sflag:s15], $0x60  }
0x28d: {  	[sflag:s15] =	ssyncset.done $0x0  }
0x28e: {  	[sflag:s15] =	ssyncadd.s32 $0xFFFFFFA0  }
0x28f: {  	_ =	swait.ge [sflag:s15], $0x60  }
0x290: {  	[sflag:s15] =	ssyncset.done $0x0  }
0x291: {  	[sflag:s15] =	ssyncadd.s32 $0xFFFFFFA0  }
0x292: {  	_ =	swait.ge [sflag:s15], $0x60  }
.Ltmp7:
0x293: {  	[sflag:s15] =	ssyncset.done $0x0;
	(pc) =	sbr.rel .LBB2_13-.Ltmp7, $4  }
0x294: {  	[sflag:s15] =	ssyncadd.s32 $0xFFFFFFA0  }
0x295: {  	_ =	swait.ge [sflag:s15], $0x60  }
0x296: {  	[sflag:s15] =	ssyncset.done $0x0  }
0x297: {  	[sflag:s15] =	ssyncadd.s32 $0xFFFFFFA0  }
.LBB2_7:
0x298: {  	s24 =	simm.s32 $0x5DC;
	s26 =	sadd.s32 $0x0, s11;
	s25 =	simm.s32 $0x15380  }
.LBB2_8:
0x299: {  	[hbm4b:s26+s6] =	stream.linear.scatter [tilespmem:s23], [sflag:$0x1], $0x180, $0x38;
	[tilespmem:$0x1CA00] =	vst v63  }
0x29a: {  	s4 =	smov.u32 s24;
	s23 =	smov.u32 s25;
	p1 =	sne.s32 s24, $0x1CEE4  }
.Ltmp8:
0x29b: {  	s24 =	sadd.s32 $0x5DC, s24;
	(pc) =	sbr.rel @p1 .LBB2_8-.Ltmp8, $2  }
0x29c: {  	_ =	sdelay $0x2  }
0x29d: {  	s25 =	sadd.s32 $0x180, s25;
	s26 =	sadd.s32 s4, s11  }
.Ltmp9:
0x29e: {  	(pc) =	sbr.rel .LBB2_13-.Ltmp9, $4  }
0x29f: {  	[hbm4b:s26+s6] =	stream.linear.scatter [tilespmem:s23], [sflag:$0x1], $0x180, $0x38;
	[tilespmem:$0x1CA00] =	vst v63  }
0x2a0: {  	_ =	swait.ge [sflag:s15], $0x7800  }
0x2a1: {  	[sflag:s15] =	ssyncset.done $0x0  }
0x2a2: {  	[sflag:s15] =	ssyncadd.s32 $0xFFFF8800  }
.LBB2_14:
0x2a3: {  	_ =	sfence.sel $0x180000  }
0x2a4: {  	[bflag:$0x0] =	sbarrier.arrive $0xFFFF  }
0x2a5: {  	_ =	strace $0x90000047  }
0x2a6: {  	[bflag:$0x2] =	sbarrier.arrive $0xFFFF  }
0x2a7: {  	p0 =	sne.s32 s0, $0x0;
	s0 =	rddreg [dreg:$0x5]  }
0x2a8: {  	s0 =	sadd.s32 @!p0 $0x100000, s0  }
0x2a9: {  	[sflag:s0] =	ssyncadd.tile.s32 @!p0 $0x1;
	_ =	shalt  }
.Lfunc_end2:
_tile_overlayer_lowered:
.L_overlay_start_2:
0x2aa: {  	(tag) =	ssettag $0x2  }
0x2ab: {  	s0 =	rddreg [dreg:$0x0];
	s2 =	stileid.u32  }
0x2ac: {  	s1 =	rddreg [dreg:$0x1];
	p0 =	sne.s32 s2, $0x0  }
0x2ad: {  	s3 =	rddreg [dreg:$0x2];
	[bflag:$0x3] =	sbarrier.arrive $0xFFFF;
	s2 =	simm.s32 @!p0 $0x1C02  }
0x2ae: {  	[timem:s3], [sflag:s2] =	dma.local @!p0 [hbm:s0], s1  }
0x2af: {  	s0 =	simm.s32 @!p0 $0x2  }
0x2b0: {  	_ =	swait.ge @!p0 [sflag:s0], s1  }
0x2b1: {  	s1 =	ssub.s32 @!p0 $0x0, s1;
	[sflag:s0] =	ssyncset.done @!p0 $0x0  }
0x2b2: {  	[sflag:s0] =	ssyncadd.s32 @!p0 s1  }
0x2b3: {  	[bflag:$0x3] =	sbarrier.arrive $0xFFFF  }
0x2b4: {  	_ =	shalt  }

</sc_bundles>
